<compile_context>
chip_gen: v7x
topology: tpu7x:2x2x1
jax: 0.10.2.dev20260603
libtpu: 0.0.44.dev20260713+nightly
codegen_flags: <defaults>
</compile_context>

<pallas_src>
import functools

import numpy as np

import jax
import jax.numpy as jnp
from jax import lax
from jax.experimental import pallas as pl
from jax.experimental.pallas import tpu as pltpu
from jax.experimental.pallas import tpu_sc as plsc

_N = 10000
_E = 320000
_NP = 10240
_NW = 32
_BLK = 128
_S = 80
_EPAD = _NW * _S * _BLK
_RPT = _NP // 16
_RB = 1024
_GRID = 10

def _mesh():
    return plsc.VectorSubcoreMesh(core_axis_name="c", subcore_axis_name="s",
                                  num_cores=2, num_subcores=16)


def _leaky(v):
    return jnp.where(v > 0, v, 0.01 * v)



_W = 8


def _deg_body(ei_hbm, out_hbm, buf, cidx, acc, sems):
    c = lax.axis_index("c")
    t = lax.axis_index("s")
    w = c * 16 + t

    def fill(val):
        def body(r, _):
            buf[r, :] = jnp.full((16,), val, jnp.float32)
            return 0
        lax.fori_loop(0, _BLK, body, 0)

    fill(0.0)
    for k in range(_RPT // _BLK):
        pltpu.sync_copy(buf, acc.at[pl.ds(t * _RPT + k * _BLK, _BLK)])
    fill(1.0)
    pltpu.sync_copy(ei_hbm.at[1, pl.ds(w * _S, _S)], cidx)
    plsc.subcore_barrier()

    def scat(step, b):
        return pltpu.make_async_copy(buf, acc.at[cidx.at[step]], sems.at[b])

    for b in range(_W):
        scat(b, b).start(add=True)

    def group(i, _):
        for b in range(_W):
            scat(_W * i + b, b).wait()
            scat(_W * (i + 1) + b, b).start(add=True)
        return 0

    lax.fori_loop(0, _S // _W - 1, group, 0)
    for b in range(_W):
        scat(_S - _W + b, b).wait()
    plsc.subcore_barrier()
    pltpu.sync_copy(acc.at[pl.ds(t * _RPT, _RPT)],
                    out_hbm.at[c, pl.ds(t * _RPT, _RPT)])


def _deg_call(ei):
    fn = pl.kernel(
        _deg_body,
        out_type=jax.ShapeDtypeStruct((2, _NP, 16), jnp.float32),
        mesh=_mesh(),
        scratch_types=[
            pltpu.VMEM((_BLK, 16), jnp.float32),
            pltpu.VMEM((_S, _BLK), jnp.int32),
            pltpu.VMEM_SHARED((_NP, 16), jnp.float32),
            pltpu.SemaphoreType.DMA((_W,)),
        ],
        compiler_params=pltpu.CompilerParams(use_tc_tiling_on_sc=False),
    )
    return fn(ei)


def _agg_body(ei_hbm, y_hbm, out_hbm, ridx, cidx, *bufs_and_sems, d):
    gb = bufs_and_sems[:_W]
    acc = bufs_and_sems[_W]
    gsem = bufs_and_sems[_W + 1]
    ssem = bufs_and_sems[_W + 2]
    c = lax.axis_index("c")
    t = lax.axis_index("s")
    w = c * 16 + t

    def zrow(r, _):
        for j in range(d // 16):
            gb[0][r, pl.ds(j * 16, 16)] = jnp.zeros((16,), jnp.float32)
        return 0

    lax.fori_loop(0, _BLK, zrow, 0)
    for k in range(_RPT // _BLK):
        pltpu.sync_copy(gb[0], acc.at[pl.ds(t * _RPT + k * _BLK, _BLK)])
    pltpu.sync_copy(ei_hbm.at[0, pl.ds(w * _S, _S)], ridx)
    pltpu.sync_copy(ei_hbm.at[1, pl.ds(w * _S, _S)], cidx)
    plsc.subcore_barrier()

    def gath(step, b):
        return pltpu.make_async_copy(y_hbm.at[ridx.at[step]], gb[b],
                                     gsem.at[b])

    def scat(step, b):
        return pltpu.make_async_copy(gb[b], acc.at[cidx.at[step]],
                                     ssem.at[b])

    for b in range(_W):
        gath(b, b).start()

    def group(i, _):
        t0 = _W * i
        for b in range(_W):
            gath(t0 + b, b).wait()
            scat(t0 + b, b).start(add=True)
        for b in range(_W):
            scat(t0 + b, b).wait()
            gath(t0 + _W + b, b).start()
        return 0

    lax.fori_loop(0, _S // _W - 1, group, 0)
    t0 = _S - _W
    for b in range(_W):
        gath(t0 + b, b).wait()
        scat(t0 + b, b).start(add=True)
    for b in range(_W):
        scat(t0 + b, b).wait()
    plsc.subcore_barrier()
    pltpu.sync_copy(acc.at[pl.ds(t * _RPT, _RPT)],
                    out_hbm.at[c, pl.ds(t * _RPT, _RPT), pl.ds(0, d)])


def _agg_call(ei, y, d):
    fn = pl.kernel(
        functools.partial(_agg_body, d=d),
        out_type=jax.ShapeDtypeStruct((2, _NP, 128), jnp.float32),
        mesh=_mesh(),
        scratch_types=[
            pltpu.VMEM((_S, _BLK), jnp.int32),
            pltpu.VMEM((_S, _BLK), jnp.int32),
        ] + [pltpu.VMEM((_BLK, d), jnp.float32)] * _W + [
            pltpu.VMEM_SHARED((_NP, d), jnp.float32),
            pltpu.SemaphoreType.DMA((_W,)),
            pltpu.SemaphoreType.DMA((_W,)),
        ],
        compiler_params=pltpu.CompilerParams(use_tc_tiling_on_sc=False),
    )
    return fn(ei, y)



def _dis(dg0, dg1):
    return lax.rsqrt(dg0[0, :, 0:1] + dg1[0, :, 0:1] + 1.0)


def _pack(v, d):
    g = 128 // d
    r = v.reshape(v.shape[0] // g, g, d)
    return jnp.concatenate([r[:, k, :] for k in range(g)], axis=1)


def _unpack(p, d):
    g = 128 // d
    s = jnp.stack([p[:, k * d:(k + 1) * d] for k in range(g)], axis=1)
    return s.reshape(p.shape[0] * g, d)


def _tc1_body(x, w1, b1, w2, b2, wc1, dg0, dg1, y1):
    dis = _dis(dg0[:], dg1[:])
    h = _leaky(x[:] @ w1[:] + b1[:])
    h = _leaky(h @ w2[:] + b2[:])
    y1[:] = _pack((h @ wc1[:]) * dis, 64)


def _gru_block(g, p, wall, ball, h):
    m = jnp.concatenate([g, p], axis=1)
    gg = m @ wall + ball
    r = jax.nn.sigmoid(gg[:, :h])
    z = jax.nn.sigmoid(gg[:, h:2 * h])
    nn = jnp.tanh(gg[:, 2 * h:3 * h] + r * gg[:, 3 * h:])
    return (1.0 - z) * nn + z * p


def _tc2_body(a0, a1, y1, dg0, dg1, prev, bc, wall, ball, wc2, emb1, y2):
    dis = _dis(dg0[:], dg1[:])
    g = _leaky(dis * (a0[0][:, :64] + a1[0][:, :64] + _unpack(y1[:], 64))
               + bc[:])
    p = prev[:].T
    e = _gru_block(g, p, wall[:], ball[:], 64)
    emb1[:] = e.T
    y2[:] = _pack((e @ wc2[:]) * dis, 32)


def _tc3_body(a0, a1, y2, dg0, dg1, prev, bc, wall, ball, wp, bp, emb2, outv):
    dis = _dis(dg0[:], dg1[:])
    g = _leaky(dis * (a0[0][:, :32] + a1[0][:, :32] + _unpack(y2[:], 32))
               + bc[:])
    p = prev[:].T
    e = _gru_block(g, p, wall[:], ball[:], 32)
    emb2[:] = e.T
    outv[:] = jnp.sum(e @ wp[:] + bp[:], axis=1)


def _row_spec(d):
    return pl.BlockSpec((_RB, d), lambda i: (i, 0))


def _core_spec(d, core):
    return pl.BlockSpec((1, _RB, d), lambda i, c=core: (c, i, 0))


def _full_spec(shape):
    return pl.BlockSpec(shape, lambda i: tuple(0 for _ in shape))


def _gru_mats(w_ih, w_hh, b_ih, b_hh, h):
    z = jnp.zeros((h, h), jnp.float32)
    top = jnp.concatenate([w_ih.T, z], axis=1)
    wht = w_hh.T
    bot = jnp.concatenate([wht[:, :2 * h], z, wht[:, 2 * h:]], axis=1)
    wall = jnp.concatenate([top, bot], axis=0)
    ball = jnp.concatenate([b_ih[:2 * h] + b_hh[:2 * h], b_ih[2 * h:],
                            b_hh[2 * h:]]).reshape(1, 4 * h)
    return wall, ball


def kernel(x, edge_index, W1, b1, W2, b2, Wc1, bc1, gw_ih1, gw_hh1, gb_ih1,
           gb_hh1, Wc2, bc2, gw_ih2, gw_hh2, gb_ih2, gb_hh2, Wp, bp,
           prev1, prev2):
    pad = _EPAD - _E
    prow = (np.arange(pad, dtype=np.int32) * 2503) % _N
    pcol = _N + (np.arange(pad, dtype=np.int32) % (_NP - _N))
    epad = jnp.asarray(np.stack([prow, pcol]).reshape(2, -1, _BLK))
    ei = jnp.concatenate([edge_index.reshape(2, -1, _BLK), epad], axis=1)

    deg = _deg_call(ei)

    h1 = 64
    h2 = 32
    wall1, ball1 = _gru_mats(gw_ih1, gw_hh1, gb_ih1, gb_hh1, h1)
    wall2, ball2 = _gru_mats(gw_ih2, gw_hh2, gb_ih2, gb_hh2, h2)

    pk1 = pl.BlockSpec((_RB * h1 // 128, 128), lambda i: (i, 0))
    y1p = pl.pallas_call(
        _tc1_body,
        grid=(_GRID,),
        in_specs=[
            _row_spec(128), _full_spec((128, 256)), _full_spec((1, 256)),
            _full_spec((256, 128)), _full_spec((1, 128)),
            _full_spec((128, h1)), _core_spec(16, 0), _core_spec(16, 1),
        ],
        out_specs=pk1,
        out_shape=jax.ShapeDtypeStruct((_N * h1 // 128, 128), jnp.float32),
    )(x, W1, b1.reshape(1, 256), W2, b2.reshape(1, 128), Wc1, deg, deg)

    acc1 = _agg_call(ei, y1p.reshape(_N, h1), h1)

    pk2 = pl.BlockSpec((_RB * h2 // 128, 128), lambda i: (i, 0))
    emb1, y2p = pl.pallas_call(
        _tc2_body,
        grid=(_GRID,),
        in_specs=[
            _core_spec(128, 0), _core_spec(128, 1), pk1,
            _core_spec(16, 0), _core_spec(16, 1),
            pl.BlockSpec((h1, _RB), lambda i: (0, i)),
            _full_spec((1, h1)), _full_spec((2 * h1, 4 * h1)),
            _full_spec((1, 4 * h1)), _full_spec((h1, h2)),
        ],
        out_specs=[pl.BlockSpec((h1, _RB), lambda i: (0, i)), pk2],
        out_shape=[jax.ShapeDtypeStruct((h1, _N), jnp.float32),
                   jax.ShapeDtypeStruct((_N * h2 // 128, 128), jnp.float32)],
    )(acc1, acc1, y1p, deg, deg, prev1.T, bc1.reshape(1, h1),
      wall1, ball1, Wc2)

    acc2 = _agg_call(ei, y2p.reshape(_N, h2), h2)

    emb2, outv = pl.pallas_call(
        _tc3_body,
        grid=(_GRID,),
        in_specs=[
            _core_spec(128, 0), _core_spec(128, 1), pk2,
            _core_spec(16, 0), _core_spec(16, 1),
            pl.BlockSpec((h2, _RB), lambda i: (0, i)),
            _full_spec((1, h2)), _full_spec((2 * h2, 4 * h2)),
            _full_spec((1, 4 * h2)), _full_spec((h2, 2)), _full_spec((1, 2)),
        ],
        out_specs=[pl.BlockSpec((h2, _RB), lambda i: (0, i)),
                   pl.BlockSpec((_RB,), lambda i: (i,))],
        out_shape=[jax.ShapeDtypeStruct((h2, _N), jnp.float32),
                   jax.ShapeDtypeStruct((_N,), jnp.float32)],
    )(acc2, acc2, y2p, deg, deg, prev2.T, bc2.reshape(1, h2),
      wall2, ball2, Wp, bp.reshape(1, 2))

    return (outv, emb1.T, emb2.T)

# --- scband reference (transcript-rebuilt; emitter-appended) ---
"""Pipeline reference for scband-roland-gnn-44117904065162 (READ-ONLY COPY).

The authoritative reference and input builder live on the scoring server;
editing this copy changes nothing except your own understanding.
"""

import jax, jax.numpy as jnp
import numpy as np

N = 10000
E = 320000
D_IN = 128
H1 = 64
H2 = 32


def _leaky(x):
    return jax.nn.leaky_relu(x, negative_slope=0.01)


def _gcn(x, row, col, W, b, n):
    # PyG GCNConv: linear (no bias), add self loops, sym-normalized scatter-add, then bias
    x = x @ W
    loop = jnp.arange(n, dtype=row.dtype)
    r = jnp.concatenate([row, loop])
    c = jnp.concatenate([col, loop])
    deg = jnp.zeros((n,), jnp.float32).at[c].add(1.0)
    dis = jnp.where(deg > 0, 1.0 / jnp.sqrt(deg), 0.0)
    norm = dis[r] * dis[c]
    out = jnp.zeros((n, x.shape[1]), jnp.float32).at[c].add(x[r] * norm[:, None])
    return out + b


def _gru(x, h, w_ih, w_hh, b_ih, b_hh):
    gi = x @ w_ih.T + b_ih
    gh = h @ w_hh.T + b_hh
    i_r, i_z, i_n = jnp.split(gi, 3, axis=1)
    h_r, h_z, h_n = jnp.split(gh, 3, axis=1)
    r = jax.nn.sigmoid(i_r + h_r)
    z = jax.nn.sigmoid(i_z + h_z)
    nn_ = jnp.tanh(i_n + r * h_n)
    return (1.0 - z) * nn_ + z * h


def setup_inputs(seed: int = 0):
    key = jax.random.key(seed)
    ks = jax.random.split(key, 16)

    def lin(k, fan_in, shape):
        return (jax.random.normal(k, shape, jnp.float32) * (1.0 / np.sqrt(fan_in))).astype(jnp.float32)

    return {
        "x": jax.random.normal(ks[0], (N, D_IN), jnp.float32),
        "edge_index": jax.random.randint(ks[1], (2, E), 0, N, dtype=jnp.int32),
        "W1": lin(ks[2], D_IN, (D_IN, 256)), "b1": jnp.zeros((256,), jnp.float32),
        "W2": lin(ks[3], 256, (256, 128)), "b2": jnp.zeros((128,), jnp.float32),
        "Wc1": lin(ks[4], 128, (128, H1)), "bc1": jnp.zeros((H1,), jnp.float32),
        "gw_ih1": lin(ks[5], H1, (3 * H1, H1)), "gw_hh1": lin(ks[6], H1, (3 * H1, H1)),
        "gb_ih1": jnp.zeros((3 * H1,), jnp.float32), "gb_hh1": jnp.zeros((3 * H1,), jnp.float32),
        "Wc2": lin(ks[7], H1, (H1, H2)), "bc2": jnp.zeros((H2,), jnp.float32),
        "gw_ih2": lin(ks[8], H2, (3 * H2, H2)), "gw_hh2": lin(ks[9], H2, (3 * H2, H2)),
        "gb_ih2": jnp.zeros((3 * H2,), jnp.float32), "gb_hh2": jnp.zeros((3 * H2,), jnp.float32),
        "Wp": lin(ks[10], H2, (H2, 2)), "bp": jnp.zeros((2,), jnp.float32),
        "prev1": jnp.zeros((N, H1), jnp.float32),
        "prev2": jnp.zeros((N, H2), jnp.float32),
    }


def reference(x, edge_index, W1, b1, W2, b2, Wc1, bc1, gw_ih1, gw_hh1, gb_ih1, gb_hh1, Wc2, bc2, gw_ih2, gw_hh2, gb_ih2, gb_hh2, Wp, bp, prev1, prev2):
    row, col = edge_index[0], edge_index[1]
    h = _leaky(x @ W1 + b1)
    h = _leaky(h @ W2 + b2)
    h = _leaky(_gcn(h, row, col, Wc1, bc1, N))
    h = _gru(h, prev1, gw_ih1, gw_hh1, gb_ih1, gb_hh1)
    emb1 = h
    h = _leaky(_gcn(h, row, col, Wc2, bc2, N))
    h = _gru(h, prev2, gw_ih2, gw_hh2, gb_ih2, gb_hh2)
    emb2 = h
    out = jnp.sum(h @ Wp + bp, axis=-1)
    return (out, emb1, emb2)

if __name__ == "__main__":
    import jax
    _d = setup_inputs()
    print(jax.jit(kernel)(*tuple(_d.values())))

</pallas_src>

<mosaic_0001>
#map = affine_map<(d0, d1) -> (0, 0, 0)>
#map1 = affine_map<(d0, d1) -> (0, 0)>
module attributes {stable_mosaic.version = 14 : i64} {
  func.func @_agg_body(%arg0: i32, %arg1: i32, %arg2: memref<2x2560x128xi32, #tpu.memory_space<hbm>>, %arg3: memref<10000x64xf32, #tpu.memory_space<hbm>>, %arg4: memref<2x10240x128xf32, #tpu.memory_space<hbm>>, %arg5: memref<80x128xi32, #tpu.memory_space<vmem>>, %arg6: memref<80x128xi32, #tpu.memory_space<vmem>>, %arg7: memref<128x64xf32, #tpu.memory_space<vmem>>, %arg8: memref<128x64xf32, #tpu.memory_space<vmem>>, %arg9: memref<128x64xf32, #tpu.memory_space<vmem>>, %arg10: memref<128x64xf32, #tpu.memory_space<vmem>>, %arg11: memref<128x64xf32, #tpu.memory_space<vmem>>, %arg12: memref<128x64xf32, #tpu.memory_space<vmem>>, %arg13: memref<128x64xf32, #tpu.memory_space<vmem>>, %arg14: memref<128x64xf32, #tpu.memory_space<vmem>>, %arg15: memref<10240x64xf32, #tpu.memory_space<vmem_shared>>, %arg16: memref<8x!tpu.dma_semaphore, #tpu.memory_space<semaphore_mem>>, %arg17: memref<8x!tpu.dma_semaphore, #tpu.memory_space<semaphore_mem>>) attributes {dimension_semantics = [#tpu.dimension_semantics<core_parallel>, #tpu.dimension_semantics<subcore_parallel>], iteration_bounds = array<i64: 2, 16>, scalar_prefetch = 0 : i64, scratch_operands = 13 : i64, tpu.core_type = #tpu.core_type<sc_vector_subcore>, window_params = [{transform_indices = #map}, {transform_indices = #map1}, {transform_indices = #map}]} {
    %mul3A = arith.constant 16 : i32
    %mul3A_0 = arith.muli %arg0, %mul3A : i32
    %add3A = arith.addi %mul3A_0, %arg1 : i32
    %scan3A = arith.constant 0 : i32
    %scan3A_1 = arith.constant 0 : i32
    %scan3A_2 = arith.constant 128 : i32
    %scan3A_3 = arith.addi %scan3A_1, %scan3A_2 : i32
    %scan3A_4 = arith.constant 1 : i32
    %scan3A_5 = scf.for %scan3A_362 = %scan3A_1 to %scan3A_3 step %scan3A_4 iter_args(%scan3A_363 = %scan3A) -> (i32)  : i32 {
      %broadcast_in_dim3A = arith.constant 0.000000e+00 : f32
      %broadcast_in_dim3A_364 = vector.broadcast %broadcast_in_dim3A : f32 to vector<16xf32>
      %swap3A = arith.index_cast %scan3A_362 : i32 to index
      %swap3A_365 = arith.constant 0 : index
      %swap3A_366 = tpu.vector_load %arg7[%swap3A, %swap3A_365] {strides = array<i32>} : memref<128x64xf32, #tpu.memory_space<vmem>>, vector<1x16xf32>,
      %swap3A_367 = vector.shape_cast %swap3A_366 : vector<1x16xf32> to vector<16xf32>
      %swap3A_368 = vector.shape_cast %broadcast_in_dim3A_364 : vector<16xf32> to vector<1x16xf32>
      tpu.vector_store %arg7[%swap3A, %swap3A_365], %swap3A_368 {strides = array<i32>} : memref<128x64xf32, #tpu.memory_space<vmem>>, vector<1x16xf32>,
      %broadcast_in_dim3A_369 = arith.constant 0.000000e+00 : f32
      %broadcast_in_dim3A_370 = vector.broadcast %broadcast_in_dim3A_369 : f32 to vector<16xf32>
      %swap3A_371 = arith.index_cast %scan3A_362 : i32 to index
      %swap3A_372 = arith.constant 16 : index
      %swap3A_373 = tpu.vector_load %arg7[%swap3A_371, %swap3A_372] {strides = array<i32>} : memref<128x64xf32, #tpu.memory_space<vmem>>, vector<1x16xf32>,
      %swap3A_374 = vector.shape_cast %swap3A_373 : vector<1x16xf32> to vector<16xf32>
      %swap3A_375 = vector.shape_cast %broadcast_in_dim3A_370 : vector<16xf32> to vector<1x16xf32>
      tpu.vector_store %arg7[%swap3A_371, %swap3A_372], %swap3A_375 {strides = array<i32>} : memref<128x64xf32, #tpu.memory_space<vmem>>, vector<1x16xf32>,
      %broadcast_in_dim3A_376 = arith.constant 0.000000e+00 : f32
      %broadcast_in_dim3A_377 = vector.broadcast %broadcast_in_dim3A_376 : f32 to vector<16xf32>
      %swap3A_378 = arith.index_cast %scan3A_362 : i32 to index
      %swap3A_379 = arith.constant 32 : index
      %swap3A_380 = tpu.vector_load %arg7[%swap3A_378, %swap3A_379] {strides = array<i32>} : memref<128x64xf32, #tpu.memory_space<vmem>>, vector<1x16xf32>,
      %swap3A_381 = vector.shape_cast %swap3A_380 : vector<1x16xf32> to vector<16xf32>
      %swap3A_382 = vector.shape_cast %broadcast_in_dim3A_377 : vector<16xf32> to vector<1x16xf32>
      tpu.vector_store %arg7[%swap3A_378, %swap3A_379], %swap3A_382 {strides = array<i32>} : memref<128x64xf32, #tpu.memory_space<vmem>>, vector<1x16xf32>,
      %broadcast_in_dim3A_383 = arith.constant 0.000000e+00 : f32
      %broadcast_in_dim3A_384 = vector.broadcast %broadcast_in_dim3A_383 : f32 to vector<16xf32>
      %swap3A_385 = arith.index_cast %scan3A_362 : i32 to index
      %swap3A_386 = arith.constant 48 : index
      %swap3A_387 = tpu.vector_load %arg7[%swap3A_385, %swap3A_386] {strides = array<i32>} : memref<128x64xf32, #tpu.memory_space<vmem>>, vector<1x16xf32>,
      %swap3A_388 = vector.shape_cast %swap3A_387 : vector<1x16xf32> to vector<16xf32>
      %swap3A_389 = vector.shape_cast %broadcast_in_dim3A_384 : vector<16xf32> to vector<1x16xf32>
      tpu.vector_store %arg7[%swap3A_385, %swap3A_386], %swap3A_389 {strides = array<i32>} : memref<128x64xf32, #tpu.memory_space<vmem>>, vector<1x16xf32>,
      %scan3A_390 = arith.constant 0 : i32
      scf.yield %scan3A_390 : i32
    }
    %scan3A_6 = arith.constant 128 : i32
    %mul3A_7 = arith.constant 640 : i32
    %mul3A_8 = arith.muli %arg1, %mul3A_7 : i32
    %add3A_9 = arith.constant 0 : i32
    %add3A_10 = arith.addi %mul3A_8, %add3A_9 : i32
    "tpu.region"() ({
      %run_scoped3A_362 = tpu.sem_alloc : memref<!tpu.dma_semaphore, #tpu.memory_space<semaphore_mem>>
      %dma_start3A_363 = arith.constant 0 : i32
      %dma_start3A_364 = tpu.memref_slice %arg15[%add3A_10, %dma_start3A_363] : memref<10240x64xf32, #tpu.memory_space<vmem_shared>> -> memref<128x64xf32, #tpu.memory_space<vmem_shared>>
      %dma_start3A_365 = arith.constant 0 : i32
      %dma_start3A_366 = tpu.memref_slice %arg15[%add3A_10, %dma_start3A_365] : memref<10240x64xf32, #tpu.memory_space<vmem_shared>> -> memref<128x64xf32, #tpu.memory_space<vmem_shared>>
      tpu.enqueue_dma source(%arg7 : memref<128x64xf32, #tpu.memory_space<vmem>>) target(%dma_start3A_366 : memref<128x64xf32, #tpu.memory_space<vmem_shared>>) target_semaphore(%run_scoped3A_362 : memref<!tpu.dma_semaphore, #tpu.memory_space<semaphore_mem>>)
      %dma_wait3A_367 = arith.constant 0 : i32
      %dma_wait3A_368 = tpu.memref_slice %arg15[%add3A_10, %dma_wait3A_367] : memref<10240x64xf32, #tpu.memory_space<vmem_shared>> -> memref<128x64xf32, #tpu.memory_space<vmem_shared>>
      %dma_wait3A_369 = arith.constant 0 : i32
      %dma_wait3A_370 = tpu.memref_slice %arg15[%add3A_10, %dma_wait3A_369] : memref<10240x64xf32, #tpu.memory_space<vmem_shared>> -> memref<128x64xf32, #tpu.memory_space<vmem_shared>>
      tpu.wait_dma2 semaphore(%run_scoped3A_362 : memref<!tpu.dma_semaphore, #tpu.memory_space<semaphore_mem>>) src(%arg7 : memref<128x64xf32, #tpu.memory_space<vmem>>) dst(%dma_wait3A_370 : memref<128x64xf32, #tpu.memory_space<vmem_shared>>)
      tpu.yield
    }) : () -> ()
    %mul3A_11 = arith.constant 640 : i32
    %mul3A_12 = arith.muli %arg1, %mul3A_11 : i32
    %add3A_13 = arith.constant 128 : i32
    %add3A_14 = arith.addi %mul3A_12, %add3A_13 : i32
    "tpu.region"() ({
      %run_scoped3A_362 = tpu.sem_alloc : memref<!tpu.dma_semaphore, #tpu.memory_space<semaphore_mem>>
      %dma_start3A_363 = arith.constant 0 : i32
      %dma_start3A_364 = tpu.memref_slice %arg15[%add3A_14, %dma_start3A_363] : memref<10240x64xf32, #tpu.memory_space<vmem_shared>> -> memref<128x64xf32, #tpu.memory_space<vmem_shared>>
      %dma_start3A_365 = arith.constant 0 : i32
      %dma_start3A_366 = tpu.memref_slice %arg15[%add3A_14, %dma_start3A_365] : memref<10240x64xf32, #tpu.memory_space<vmem_shared>> -> memref<128x64xf32, #tpu.memory_space<vmem_shared>>
      tpu.enqueue_dma source(%arg7 : memref<128x64xf32, #tpu.memory_space<vmem>>) target(%dma_start3A_366 : memref<128x64xf32, #tpu.memory_space<vmem_shared>>) target_semaphore(%run_scoped3A_362 : memref<!tpu.dma_semaphore, #tpu.memory_space<semaphore_mem>>)
      %dma_wait3A_367 = arith.constant 0 : i32
      %dma_wait3A_368 = tpu.memref_slice %arg15[%add3A_14, %dma_wait3A_367] : memref<10240x64xf32, #tpu.memory_space<vmem_shared>> -> memref<128x64xf32, #tpu.memory_space<vmem_shared>>
      %dma_wait3A_369 = arith.constant 0 : i32
      %dma_wait3A_370 = tpu.memref_slice %arg15[%add3A_14, %dma_wait3A_369] : memref<10240x64xf32, #tpu.memory_space<vmem_shared>> -> memref<128x64xf32, #tpu.memory_space<vmem_shared>>
      tpu.wait_dma2 semaphore(%run_scoped3A_362 : memref<!tpu.dma_semaphore, #tpu.memory_space<semaphore_mem>>) src(%arg7 : memref<128x64xf32, #tpu.memory_space<vmem>>) dst(%dma_wait3A_370 : memref<128x64xf32, #tpu.memory_space<vmem_shared>>)
      tpu.yield
    }) : () -> ()
    %mul3A_15 = arith.constant 640 : i32
    %mul3A_16 = arith.muli %arg1, %mul3A_15 : i32
    %add3A_17 = arith.constant 256 : i32
    %add3A_18 = arith.addi %mul3A_16, %add3A_17 : i32
    "tpu.region"() ({
      %run_scoped3A_362 = tpu.sem_alloc : memref<!tpu.dma_semaphore, #tpu.memory_space<semaphore_mem>>
      %dma_start3A_363 = arith.constant 0 : i32
      %dma_start3A_364 = tpu.memref_slice %arg15[%add3A_18, %dma_start3A_363] : memref<10240x64xf32, #tpu.memory_space<vmem_shared>> -> memref<128x64xf32, #tpu.memory_space<vmem_shared>>
      %dma_start3A_365 = arith.constant 0 : i32
      %dma_start3A_366 = tpu.memref_slice %arg15[%add3A_18, %dma_start3A_365] : memref<10240x64xf32, #tpu.memory_space<vmem_shared>> -> memref<128x64xf32, #tpu.memory_space<vmem_shared>>
      tpu.enqueue_dma source(%arg7 : memref<128x64xf32, #tpu.memory_space<vmem>>) target(%dma_start3A_366 : memref<128x64xf32, #tpu.memory_space<vmem_shared>>) target_semaphore(%run_scoped3A_362 : memref<!tpu.dma_semaphore, #tpu.memory_space<semaphore_mem>>)
      %dma_wait3A_367 = arith.constant 0 : i32
      %dma_wait3A_368 = tpu.memref_slice %arg15[%add3A_18, %dma_wait3A_367] : memref<10240x64xf32, #tpu.memory_space<vmem_shared>> -> memref<128x64xf32, #tpu.memory_space<vmem_shared>>
      %dma_wait3A_369 = arith.constant 0 : i32
      %dma_wait3A_370 = tpu.memref_slice %arg15[%add3A_18, %dma_wait3A_369] : memref<10240x64xf32, #tpu.memory_space<vmem_shared>> -> memref<128x64xf32, #tpu.memory_space<vmem_shared>>
      tpu.wait_dma2 semaphore(%run_scoped3A_362 : memref<!tpu.dma_semaphore, #tpu.memory_space<semaphore_mem>>) src(%arg7 : memref<128x64xf32, #tpu.memory_space<vmem>>) dst(%dma_wait3A_370 : memref<128x64xf32, #tpu.memory_space<vmem_shared>>)
      tpu.yield
    }) : () -> ()
    %mul3A_19 = arith.constant 640 : i32
    %mul3A_20 = arith.muli %arg1, %mul3A_19 : i32
    %add3A_21 = arith.constant 384 : i32
    %add3A_22 = arith.addi %mul3A_20, %add3A_21 : i32
    "tpu.region"() ({
      %run_scoped3A_362 = tpu.sem_alloc : memref<!tpu.dma_semaphore, #tpu.memory_space<semaphore_mem>>
      %dma_start3A_363 = arith.constant 0 : i32
      %dma_start3A_364 = tpu.memref_slice %arg15[%add3A_22, %dma_start3A_363] : memref<10240x64xf32, #tpu.memory_space<vmem_shared>> -> memref<128x64xf32, #tpu.memory_space<vmem_shared>>
      %dma_start3A_365 = arith.constant 0 : i32
      %dma_start3A_366 = tpu.memref_slice %arg15[%add3A_22, %dma_start3A_365] : memref<10240x64xf32, #tpu.memory_space<vmem_shared>> -> memref<128x64xf32, #tpu.memory_space<vmem_shared>>
      tpu.enqueue_dma source(%arg7 : memref<128x64xf32, #tpu.memory_space<vmem>>) target(%dma_start3A_366 : memref<128x64xf32, #tpu.memory_space<vmem_shared>>) target_semaphore(%run_scoped3A_362 : memref<!tpu.dma_semaphore, #tpu.memory_space<semaphore_mem>>)
      %dma_wait3A_367 = arith.constant 0 : i32
      %dma_wait3A_368 = tpu.memref_slice %arg15[%add3A_22, %dma_wait3A_367] : memref<10240x64xf32, #tpu.memory_space<vmem_shared>> -> memref<128x64xf32, #tpu.memory_space<vmem_shared>>
      %dma_wait3A_369 = arith.constant 0 : i32
      %dma_wait3A_370 = tpu.memref_slice %arg15[%add3A_22, %dma_wait3A_369] : memref<10240x64xf32, #tpu.memory_space<vmem_shared>> -> memref<128x64xf32, #tpu.memory_space<vmem_shared>>
      tpu.wait_dma2 semaphore(%run_scoped3A_362 : memref<!tpu.dma_semaphore, #tpu.memory_space<semaphore_mem>>) src(%arg7 : memref<128x64xf32, #tpu.memory_space<vmem>>) dst(%dma_wait3A_370 : memref<128x64xf32, #tpu.memory_space<vmem_shared>>)
      tpu.yield
    }) : () -> ()
    %mul3A_23 = arith.constant 640 : i32
    %mul3A_24 = arith.muli %arg1, %mul3A_23 : i32
    %add3A_25 = arith.constant 512 : i32
    %add3A_26 = arith.addi %mul3A_24, %add3A_25 : i32
    "tpu.region"() ({
      %run_scoped3A_362 = tpu.sem_alloc : memref<!tpu.dma_semaphore, #tpu.memory_space<semaphore_mem>>
      %dma_start3A_363 = arith.constant 0 : i32
      %dma_start3A_364 = tpu.memref_slice %arg15[%add3A_26, %dma_start3A_363] : memref<10240x64xf32, #tpu.memory_space<vmem_shared>> -> memref<128x64xf32, #tpu.memory_space<vmem_shared>>
      %dma_start3A_365 = arith.constant 0 : i32
      %dma_start3A_366 = tpu.memref_slice %arg15[%add3A_26, %dma_start3A_365] : memref<10240x64xf32, #tpu.memory_space<vmem_shared>> -> memref<128x64xf32, #tpu.memory_space<vmem_shared>>
      tpu.enqueue_dma source(%arg7 : memref<128x64xf32, #tpu.memory_space<vmem>>) target(%dma_start3A_366 : memref<128x64xf32, #tpu.memory_space<vmem_shared>>) target_semaphore(%run_scoped3A_362 : memref<!tpu.dma_semaphore, #tpu.memory_space<semaphore_mem>>)
      %dma_wait3A_367 = arith.constant 0 : i32
      %dma_wait3A_368 = tpu.memref_slice %arg15[%add3A_26, %dma_wait3A_367] : memref<10240x64xf32, #tpu.memory_space<vmem_shared>> -> memref<128x64xf32, #tpu.memory_space<vmem_shared>>
      %dma_wait3A_369 = arith.constant 0 : i32
      %dma_wait3A_370 = tpu.memref_slice %arg15[%add3A_26, %dma_wait3A_369] : memref<10240x64xf32, #tpu.memory_space<vmem_shared>> -> memref<128x64xf32, #tpu.memory_space<vmem_shared>>
      tpu.wait_dma2 semaphore(%run_scoped3A_362 : memref<!tpu.dma_semaphore, #tpu.memory_space<semaphore_mem>>) src(%arg7 : memref<128x64xf32, #tpu.memory_space<vmem>>) dst(%dma_wait3A_370 : memref<128x64xf32, #tpu.memory_space<vmem_shared>>)
      tpu.yield
    }) : () -> ()
    %mul3A_27 = arith.constant 80 : i32
    %mul3A_28 = arith.muli %add3A, %mul3A_27 : i32
    %run_scoped3A = arith.constant 0 : i32
    "tpu.region"() ({
      %run_scoped3A_362 = tpu.sem_alloc : memref<!tpu.dma_semaphore, #tpu.memory_space<semaphore_mem>>
      %dma_start3A_363 = arith.constant 0 : i32
      %dma_start3A_364 = tpu.memref_slice %arg2[%run_scoped3A, %mul3A_28, %dma_start3A_363] : memref<2x2560x128xi32, #tpu.memory_space<hbm>> -> memref<1x80x128xi32, #tpu.memory_space<hbm>>
      %dma_start3A_365 = tpu.memref_squeeze %dma_start3A_364 : memref<1x80x128xi32, #tpu.memory_space<hbm>> -> memref<80x128xi32, #tpu.memory_space<hbm>>
      %dma_start3A_366 = arith.constant 0 : i32
      %dma_start3A_367 = tpu.memref_slice %arg2[%run_scoped3A, %mul3A_28, %dma_start3A_366] : memref<2x2560x128xi32, #tpu.memory_space<hbm>> -> memref<1x80x128xi32, #tpu.memory_space<hbm>>
      %dma_start3A_368 = tpu.memref_squeeze %dma_start3A_367 : memref<1x80x128xi32, #tpu.memory_space<hbm>> -> memref<80x128xi32, #tpu.memory_space<hbm>>
      tpu.enqueue_dma source(%dma_start3A_368 : memref<80x128xi32, #tpu.memory_space<hbm>>) target(%arg5 : memref<80x128xi32, #tpu.memory_space<vmem>>) target_semaphore(%run_scoped3A_362 : memref<!tpu.dma_semaphore, #tpu.memory_space<semaphore_mem>>)
      %dma_wait3A_369 = arith.constant 0 : i32
      %dma_wait3A_370 = tpu.memref_slice %arg2[%run_scoped3A, %mul3A_28, %dma_wait3A_369] : memref<2x2560x128xi32, #tpu.memory_space<hbm>> -> memref<1x80x128xi32, #tpu.memory_space<hbm>>
      %dma_wait3A_371 = tpu.memref_squeeze %dma_wait3A_370 : memref<1x80x128xi32, #tpu.memory_space<hbm>> -> memref<80x128xi32, #tpu.memory_space<hbm>>
      %dma_wait3A_372 = arith.constant 0 : i32
      %dma_wait3A_373 = tpu.memref_slice %arg2[%run_scoped3A, %mul3A_28, %dma_wait3A_372] : memref<2x2560x128xi32, #tpu.memory_space<hbm>> -> memref<1x80x128xi32, #tpu.memory_space<hbm>>
      %dma_wait3A_374 = tpu.memref_squeeze %dma_wait3A_373 : memref<1x80x128xi32, #tpu.memory_space<hbm>> -> memref<80x128xi32, #tpu.memory_space<hbm>>
      tpu.wait_dma2 semaphore(%run_scoped3A_362 : memref<!tpu.dma_semaphore, #tpu.memory_space<semaphore_mem>>) src(%dma_wait3A_374 : memref<80x128xi32, #tpu.memory_space<hbm>>) dst(%arg5 : memref<80x128xi32, #tpu.memory_space<vmem>>)
      tpu.yield
    }) : () -> ()
    %mul3A_29 = arith.constant 80 : i32
    %mul3A_30 = arith.muli %add3A, %mul3A_29 : i32
    %run_scoped3A_31 = arith.constant 1 : i32
    "tpu.region"() ({
      %run_scoped3A_362 = tpu.sem_alloc : memref<!tpu.dma_semaphore, #tpu.memory_space<semaphore_mem>>
      %dma_start3A_363 = arith.constant 0 : i32
      %dma_start3A_364 = tpu.memref_slice %arg2[%run_scoped3A_31, %mul3A_30, %dma_start3A_363] : memref<2x2560x128xi32, #tpu.memory_space<hbm>> -> memref<1x80x128xi32, #tpu.memory_space<hbm>>
      %dma_start3A_365 = tpu.memref_squeeze %dma_start3A_364 : memref<1x80x128xi32, #tpu.memory_space<hbm>> -> memref<80x128xi32, #tpu.memory_space<hbm>>
      %dma_start3A_366 = arith.constant 0 : i32
      %dma_start3A_367 = tpu.memref_slice %arg2[%run_scoped3A_31, %mul3A_30, %dma_start3A_366] : memref<2x2560x128xi32, #tpu.memory_space<hbm>> -> memref<1x80x128xi32, #tpu.memory_space<hbm>>
      %dma_start3A_368 = tpu.memref_squeeze %dma_start3A_367 : memref<1x80x128xi32, #tpu.memory_space<hbm>> -> memref<80x128xi32, #tpu.memory_space<hbm>>
      tpu.enqueue_dma source(%dma_start3A_368 : memref<80x128xi32, #tpu.memory_space<hbm>>) target(%arg6 : memref<80x128xi32, #tpu.memory_space<vmem>>) target_semaphore(%run_scoped3A_362 : memref<!tpu.dma_semaphore, #tpu.memory_space<semaphore_mem>>)
      %dma_wait3A_369 = arith.constant 0 : i32
      %dma_wait3A_370 = tpu.memref_slice %arg2[%run_scoped3A_31, %mul3A_30, %dma_wait3A_369] : memref<2x2560x128xi32, #tpu.memory_space<hbm>> -> memref<1x80x128xi32, #tpu.memory_space<hbm>>
      %dma_wait3A_371 = tpu.memref_squeeze %dma_wait3A_370 : memref<1x80x128xi32, #tpu.memory_space<hbm>> -> memref<80x128xi32, #tpu.memory_space<hbm>>
      %dma_wait3A_372 = arith.constant 0 : i32
      %dma_wait3A_373 = tpu.memref_slice %arg2[%run_scoped3A_31, %mul3A_30, %dma_wait3A_372] : memref<2x2560x128xi32, #tpu.memory_space<hbm>> -> memref<1x80x128xi32, #tpu.memory_space<hbm>>
      %dma_wait3A_374 = tpu.memref_squeeze %dma_wait3A_373 : memref<1x80x128xi32, #tpu.memory_space<hbm>> -> memref<80x128xi32, #tpu.memory_space<hbm>>
      tpu.wait_dma2 semaphore(%run_scoped3A_362 : memref<!tpu.dma_semaphore, #tpu.memory_space<semaphore_mem>>) src(%dma_wait3A_374 : memref<80x128xi32, #tpu.memory_space<hbm>>) dst(%arg6 : memref<80x128xi32, #tpu.memory_space<vmem>>)
      tpu.yield
    }) : () -> ()
    %barrier3A = arith.constant 0 : index
    tpu.barrier barrier_id(%barrier3A)
    %dma_start3A = arith.constant 0 : i32
    %dma_start3A_32 = arith.constant 0 : i32
    %dma_start3A_33 = arith.constant 0 : i32
    %dma_start3A_34 = tpu.memref_slice %arg5[%dma_start3A, %dma_start3A_33] : memref<80x128xi32, #tpu.memory_space<vmem>> -> memref<1x128xi32, #tpu.memory_space<vmem>>
    %dma_start3A_35 = tpu.memref_squeeze %dma_start3A_34 : memref<1x128xi32, #tpu.memory_space<vmem>> -> memref<128xi32, #tpu.memory_space<vmem>>
    %dma_start3A_36 = arith.constant 0 : i32
    %dma_start3A_37 = arith.constant 0 : i32
    %dma_start3A_38 = tpu.memref_slice %arg3[%dma_start3A_36, %dma_start3A_37] : memref<10000x64xf32, #tpu.memory_space<hbm>> -> memref<10000x64xf32, #tpu.memory_space<hbm>>
    %dma_start3A_39 = tpu.memref_slice %arg16[%dma_start3A_32] : memref<8x!tpu.dma_semaphore, #tpu.memory_space<semaphore_mem>> -> memref<1x!tpu.dma_semaphore, #tpu.memory_space<semaphore_mem>>
    %dma_start3A_40 = tpu.memref_squeeze %dma_start3A_39 : memref<1x!tpu.dma_semaphore, #tpu.memory_space<semaphore_mem>> -> memref<!tpu.dma_semaphore, #tpu.memory_space<semaphore_mem>>
    tpu.enqueue_indirect_dma source(%dma_start3A_38 : memref<10000x64xf32, #tpu.memory_space<hbm>>) target(%arg7 : memref<128x64xf32, #tpu.memory_space<vmem>>) offsets(%dma_start3A_35 : memref<128xi32, #tpu.memory_space<vmem>>) semaphore(%dma_start3A_40 : memref<!tpu.dma_semaphore, #tpu.memory_space<semaphore_mem>>)
    %dma_start3A_41 = arith.constant 1 : i32
    %dma_start3A_42 = arith.constant 1 : i32
    %dma_start3A_43 = arith.constant 0 : i32
    %dma_start3A_44 = tpu.memref_slice %arg5[%dma_start3A_41, %dma_start3A_43] : memref<80x128xi32, #tpu.memory_space<vmem>> -> memref<1x128xi32, #tpu.memory_space<vmem>>
    %dma_start3A_45 = tpu.memref_squeeze %dma_start3A_44 : memref<1x128xi32, #tpu.memory_space<vmem>> -> memref<128xi32, #tpu.memory_space<vmem>>
    %dma_start3A_46 = arith.constant 0 : i32
    %dma_start3A_47 = arith.constant 0 : i32
    %dma_start3A_48 = tpu.memref_slice %arg3[%dma_start3A_46, %dma_start3A_47] : memref<10000x64xf32, #tpu.memory_space<hbm>> -> memref<10000x64xf32, #tpu.memory_space<hbm>>
    %dma_start3A_49 = tpu.memref_slice %arg16[%dma_start3A_42] : memref<8x!tpu.dma_semaphore, #tpu.memory_space<semaphore_mem>> -> memref<1x!tpu.dma_semaphore, #tpu.memory_space<semaphore_mem>>
    %dma_start3A_50 = tpu.memref_squeeze %dma_start3A_49 : memref<1x!tpu.dma_semaphore, #tpu.memory_space<semaphore_mem>> -> memref<!tpu.dma_semaphore, #tpu.memory_space<semaphore_mem>>
    tpu.enqueue_indirect_dma source(%dma_start3A_48 : memref<10000x64xf32, #tpu.memory_space<hbm>>) target(%arg8 : memref<128x64xf32, #tpu.memory_space<vmem>>) offsets(%dma_start3A_45 : memref<128xi32, #tpu.memory_space<vmem>>) semaphore(%dma_start3A_50 : memref<!tpu.dma_semaphore, #tpu.memory_space<semaphore_mem>>)
    %dma_start3A_51 = arith.constant 2 : i32
    %dma_start3A_52 = arith.constant 2 : i32
    %dma_start3A_53 = arith.constant 0 : i32
    %dma_start3A_54 = tpu.memref_slice %arg5[%dma_start3A_51, %dma_start3A_53] : memref<80x128xi32, #tpu.memory_space<vmem>> -> memref<1x128xi32, #tpu.memory_space<vmem>>
    %dma_start3A_55 = tpu.memref_squeeze %dma_start3A_54 : memref<1x128xi32, #tpu.memory_space<vmem>> -> memref<128xi32, #tpu.memory_space<vmem>>
    %dma_start3A_56 = arith.constant 0 : i32
    %dma_start3A_57 = arith.constant 0 : i32
    %dma_start3A_58 = tpu.memref_slice %arg3[%dma_start3A_56, %dma_start3A_57] : memref<10000x64xf32, #tpu.memory_space<hbm>> -> memref<10000x64xf32, #tpu.memory_space<hbm>>
    %dma_start3A_59 = tpu.memref_slice %arg16[%dma_start3A_52] : memref<8x!tpu.dma_semaphore, #tpu.memory_space<semaphore_mem>> -> memref<1x!tpu.dma_semaphore, #tpu.memory_space<semaphore_mem>>
    %dma_start3A_60 = tpu.memref_squeeze %dma_start3A_59 : memref<1x!tpu.dma_semaphore, #tpu.memory_space<semaphore_mem>> -> memref<!tpu.dma_semaphore, #tpu.memory_space<semaphore_mem>>
    tpu.enqueue_indirect_dma source(%dma_start3A_58 : memref<10000x64xf32, #tpu.memory_space<hbm>>) target(%arg9 : memref<128x64xf32, #tpu.memory_space<vmem>>) offsets(%dma_start3A_55 : memref<128xi32, #tpu.memory_space<vmem>>) semaphore(%dma_start3A_60 : memref<!tpu.dma_semaphore, #tpu.memory_space<semaphore_mem>>)
    %dma_start3A_61 = arith.constant 3 : i32
    %dma_start3A_62 = arith.constant 3 : i32
    %dma_start3A_63 = arith.constant 0 : i32
    %dma_start3A_64 = tpu.memref_slice %arg5[%dma_start3A_61, %dma_start3A_63] : memref<80x128xi32, #tpu.memory_space<vmem>> -> memref<1x128xi32, #tpu.memory_space<vmem>>
    %dma_start3A_65 = tpu.memref_squeeze %dma_start3A_64 : memref<1x128xi32, #tpu.memory_space<vmem>> -> memref<128xi32, #tpu.memory_space<vmem>>
    %dma_start3A_66 = arith.constant 0 : i32
    %dma_start3A_67 = arith.constant 0 : i32
    %dma_start3A_68 = tpu.memref_slice %arg3[%dma_start3A_66, %dma_start3A_67] : memref<10000x64xf32, #tpu.memory_space<hbm>> -> memref<10000x64xf32, #tpu.memory_space<hbm>>
    %dma_start3A_69 = tpu.memref_slice %arg16[%dma_start3A_62] : memref<8x!tpu.dma_semaphore, #tpu.memory_space<semaphore_mem>> -> memref<1x!tpu.dma_semaphore, #tpu.memory_space<semaphore_mem>>
    %dma_start3A_70 = tpu.memref_squeeze %dma_start3A_69 : memref<1x!tpu.dma_semaphore, #tpu.memory_space<semaphore_mem>> -> memref<!tpu.dma_semaphore, #tpu.memory_space<semaphore_mem>>
    tpu.enqueue_indirect_dma source(%dma_start3A_68 : memref<10000x64xf32, #tpu.memory_space<hbm>>) target(%arg10 : memref<128x64xf32, #tpu.memory_space<vmem>>) offsets(%dma_start3A_65 : memref<128xi32, #tpu.memory_space<vmem>>) semaphore(%dma_start3A_70 : memref<!tpu.dma_semaphore, #tpu.memory_space<semaphore_mem>>)
    %dma_start3A_71 = arith.constant 4 : i32
    %dma_start3A_72 = arith.constant 4 : i32
    %dma_start3A_73 = arith.constant 0 : i32
    %dma_start3A_74 = tpu.memref_slice %arg5[%dma_start3A_71, %dma_start3A_73] : memref<80x128xi32, #tpu.memory_space<vmem>> -> memref<1x128xi32, #tpu.memory_space<vmem>>
    %dma_start3A_75 = tpu.memref_squeeze %dma_start3A_74 : memref<1x128xi32, #tpu.memory_space<vmem>> -> memref<128xi32, #tpu.memory_space<vmem>>
    %dma_start3A_76 = arith.constant 0 : i32
    %dma_start3A_77 = arith.constant 0 : i32
    %dma_start3A_78 = tpu.memref_slice %arg3[%dma_start3A_76, %dma_start3A_77] : memref<10000x64xf32, #tpu.memory_space<hbm>> -> memref<10000x64xf32, #tpu.memory_space<hbm>>
    %dma_start3A_79 = tpu.memref_slice %arg16[%dma_start3A_72] : memref<8x!tpu.dma_semaphore, #tpu.memory_space<semaphore_mem>> -> memref<1x!tpu.dma_semaphore, #tpu.memory_space<semaphore_mem>>
    %dma_start3A_80 = tpu.memref_squeeze %dma_start3A_79 : memref<1x!tpu.dma_semaphore, #tpu.memory_space<semaphore_mem>> -> memref<!tpu.dma_semaphore, #tpu.memory_space<semaphore_mem>>
    tpu.enqueue_indirect_dma source(%dma_start3A_78 : memref<10000x64xf32, #tpu.memory_space<hbm>>) target(%arg11 : memref<128x64xf32, #tpu.memory_space<vmem>>) offsets(%dma_start3A_75 : memref<128xi32, #tpu.memory_space<vmem>>) semaphore(%dma_start3A_80 : memref<!tpu.dma_semaphore, #tpu.memory_space<semaphore_mem>>)
    %dma_start3A_81 = arith.constant 5 : i32
    %dma_start3A_82 = arith.constant 5 : i32
    %dma_start3A_83 = arith.constant 0 : i32
    %dma_start3A_84 = tpu.memref_slice %arg5[%dma_start3A_81, %dma_start3A_83] : memref<80x128xi32, #tpu.memory_space<vmem>> -> memref<1x128xi32, #tpu.memory_space<vmem>>
    %dma_start3A_85 = tpu.memref_squeeze %dma_start3A_84 : memref<1x128xi32, #tpu.memory_space<vmem>> -> memref<128xi32, #tpu.memory_space<vmem>>
    %dma_start3A_86 = arith.constant 0 : i32
    %dma_start3A_87 = arith.constant 0 : i32
    %dma_start3A_88 = tpu.memref_slice %arg3[%dma_start3A_86, %dma_start3A_87] : memref<10000x64xf32, #tpu.memory_space<hbm>> -> memref<10000x64xf32, #tpu.memory_space<hbm>>
    %dma_start3A_89 = tpu.memref_slice %arg16[%dma_start3A_82] : memref<8x!tpu.dma_semaphore, #tpu.memory_space<semaphore_mem>> -> memref<1x!tpu.dma_semaphore, #tpu.memory_space<semaphore_mem>>
    %dma_start3A_90 = tpu.memref_squeeze %dma_start3A_89 : memref<1x!tpu.dma_semaphore, #tpu.memory_space<semaphore_mem>> -> memref<!tpu.dma_semaphore, #tpu.memory_space<semaphore_mem>>
    tpu.enqueue_indirect_dma source(%dma_start3A_88 : memref<10000x64xf32, #tpu.memory_space<hbm>>) target(%arg12 : memref<128x64xf32, #tpu.memory_space<vmem>>) offsets(%dma_start3A_85 : memref<128xi32, #tpu.memory_space<vmem>>) semaphore(%dma_start3A_90 : memref<!tpu.dma_semaphore, #tpu.memory_space<semaphore_mem>>)
    %dma_start3A_91 = arith.constant 6 : i32
    %dma_start3A_92 = arith.constant 6 : i32
    %dma_start3A_93 = arith.constant 0 : i32
    %dma_start3A_94 = tpu.memref_slice %arg5[%dma_start3A_91, %dma_start3A_93] : memref<80x128xi32, #tpu.memory_space<vmem>> -> memref<1x128xi32, #tpu.memory_space<vmem>>
    %dma_start3A_95 = tpu.memref_squeeze %dma_start3A_94 : memref<1x128xi32, #tpu.memory_space<vmem>> -> memref<128xi32, #tpu.memory_space<vmem>>
    %dma_start3A_96 = arith.constant 0 : i32
    %dma_start3A_97 = arith.constant 0 : i32
    %dma_start3A_98 = tpu.memref_slice %arg3[%dma_start3A_96, %dma_start3A_97] : memref<10000x64xf32, #tpu.memory_space<hbm>> -> memref<10000x64xf32, #tpu.memory_space<hbm>>
    %dma_start3A_99 = tpu.memref_slice %arg16[%dma_start3A_92] : memref<8x!tpu.dma_semaphore, #tpu.memory_space<semaphore_mem>> -> memref<1x!tpu.dma_semaphore, #tpu.memory_space<semaphore_mem>>
    %dma_start3A_100 = tpu.memref_squeeze %dma_start3A_99 : memref<1x!tpu.dma_semaphore, #tpu.memory_space<semaphore_mem>> -> memref<!tpu.dma_semaphore, #tpu.memory_space<semaphore_mem>>
    tpu.enqueue_indirect_dma source(%dma_start3A_98 : memref<10000x64xf32, #tpu.memory_space<hbm>>) target(%arg13 : memref<128x64xf32, #tpu.memory_space<vmem>>) offsets(%dma_start3A_95 : memref<128xi32, #tpu.memory_space<vmem>>) semaphore(%dma_start3A_100 : memref<!tpu.dma_semaphore, #tpu.memory_space<semaphore_mem>>)
    %dma_start3A_101 = arith.constant 7 : i32
    %dma_start3A_102 = arith.constant 7 : i32
    %dma_start3A_103 = arith.constant 0 : i32
    %dma_start3A_104 = tpu.memref_slice %arg5[%dma_start3A_101, %dma_start3A_103] : memref<80x128xi32, #tpu.memory_space<vmem>> -> memref<1x128xi32, #tpu.memory_space<vmem>>
    %dma_start3A_105 = tpu.memref_squeeze %dma_start3A_104 : memref<1x128xi32, #tpu.memory_space<vmem>> -> memref<128xi32, #tpu.memory_space<vmem>>
    %dma_start3A_106 = arith.constant 0 : i32
    %dma_start3A_107 = arith.constant 0 : i32
    %dma_start3A_108 = tpu.memref_slice %arg3[%dma_start3A_106, %dma_start3A_107] : memref<10000x64xf32, #tpu.memory_space<hbm>> -> memref<10000x64xf32, #tpu.memory_space<hbm>>
    %dma_start3A_109 = tpu.memref_slice %arg16[%dma_start3A_102] : memref<8x!tpu.dma_semaphore, #tpu.memory_space<semaphore_mem>> -> memref<1x!tpu.dma_semaphore, #tpu.memory_space<semaphore_mem>>
    %dma_start3A_110 = tpu.memref_squeeze %dma_start3A_109 : memref<1x!tpu.dma_semaphore, #tpu.memory_space<semaphore_mem>> -> memref<!tpu.dma_semaphore, #tpu.memory_space<semaphore_mem>>
    tpu.enqueue_indirect_dma source(%dma_start3A_108 : memref<10000x64xf32, #tpu.memory_space<hbm>>) target(%arg14 : memref<128x64xf32, #tpu.memory_space<vmem>>) offsets(%dma_start3A_105 : memref<128xi32, #tpu.memory_space<vmem>>) semaphore(%dma_start3A_110 : memref<!tpu.dma_semaphore, #tpu.memory_space<semaphore_mem>>)
    %scan3A_111 = arith.constant 0 : i32
    %scan3A_112 = arith.constant 0 : i32
    %scan3A_113 = arith.constant 9 : i32
    %scan3A_114 = arith.addi %scan3A_112, %scan3A_113 : i32
    %scan3A_115 = arith.constant 1 : i32
    %scan3A_116 = scf.for %scan3A_362 = %scan3A_112 to %scan3A_114 step %scan3A_115 iter_args(%scan3A_363 = %scan3A_111) -> (i32)  : i32 {
      %mul3A_364 = arith.constant 8 : i32
      %mul3A_365 = arith.muli %mul3A_364, %scan3A_362 : i32
      %add3A_366 = arith.constant 0 : i32
      %add3A_367 = arith.addi %mul3A_365, %add3A_366 : i32
      %dma_wait3A_368 = arith.constant 0 : i32
      %dma_wait3A_369 = arith.constant 0 : i32
      %dma_wait3A_370 = tpu.memref_slice %arg5[%add3A_367, %dma_wait3A_369] : memref<80x128xi32, #tpu.memory_space<vmem>> -> memref<1x128xi32, #tpu.memory_space<vmem>>
      %dma_wait3A_371 = tpu.memref_squeeze %dma_wait3A_370 : memref<1x128xi32, #tpu.memory_space<vmem>> -> memref<128xi32, #tpu.memory_space<vmem>>
      %dma_wait3A_372 = arith.constant 0 : i32
      %dma_wait3A_373 = arith.constant 0 : i32
      %dma_wait3A_374 = tpu.memref_slice %arg3[%dma_wait3A_372, %dma_wait3A_373] : memref<10000x64xf32, #tpu.memory_space<hbm>> -> memref<10000x64xf32, #tpu.memory_space<hbm>>
      %dma_wait3A_375 = tpu.memref_slice %arg16[%dma_wait3A_368] : memref<8x!tpu.dma_semaphore, #tpu.memory_space<semaphore_mem>> -> memref<1x!tpu.dma_semaphore, #tpu.memory_space<semaphore_mem>>
      %dma_wait3A_376 = tpu.memref_squeeze %dma_wait3A_375 : memref<1x!tpu.dma_semaphore, #tpu.memory_space<semaphore_mem>> -> memref<!tpu.dma_semaphore, #tpu.memory_space<semaphore_mem>>
      tpu.wait_indirect_dma semaphore(%dma_wait3A_376 : memref<!tpu.dma_semaphore, #tpu.memory_space<semaphore_mem>>) src(%dma_wait3A_374 : memref<10000x64xf32, #tpu.memory_space<hbm>>) dst(%arg7 : memref<128x64xf32, #tpu.memory_space<vmem>>)
      %add3A_377 = arith.constant 0 : i32
      %add3A_378 = arith.addi %mul3A_365, %add3A_377 : i32
      %dma_start3A_379 = arith.constant 0 : i32
      %dma_start3A_380 = arith.constant 0 : i32
      %dma_start3A_381 = tpu.memref_slice %arg6[%add3A_378, %dma_start3A_380] : memref<80x128xi32, #tpu.memory_space<vmem>> -> memref<1x128xi32, #tpu.memory_space<vmem>>
      %dma_start3A_382 = tpu.memref_squeeze %dma_start3A_381 : memref<1x128xi32, #tpu.memory_space<vmem>> -> memref<128xi32, #tpu.memory_space<vmem>>
      %dma_start3A_383 = arith.constant 0 : i32
      %dma_start3A_384 = arith.constant 0 : i32
      %dma_start3A_385 = tpu.memref_slice %arg15[%dma_start3A_383, %dma_start3A_384] : memref<10240x64xf32, #tpu.memory_space<vmem_shared>> -> memref<10240x64xf32, #tpu.memory_space<vmem_shared>>
      %dma_start3A_386 = tpu.memref_slice %arg17[%dma_start3A_379] : memref<8x!tpu.dma_semaphore, #tpu.memory_space<semaphore_mem>> -> memref<1x!tpu.dma_semaphore, #tpu.memory_space<semaphore_mem>>
      %dma_start3A_387 = tpu.memref_squeeze %dma_start3A_386 : memref<1x!tpu.dma_semaphore, #tpu.memory_space<semaphore_mem>> -> memref<!tpu.dma_semaphore, #tpu.memory_space<semaphore_mem>>
      tpu.enqueue_indirect_dma source(%arg7 : memref<128x64xf32, #tpu.memory_space<vmem>>) target(%dma_start3A_385 : memref<10240x64xf32, #tpu.memory_space<vmem_shared>>) offsets(%dma_start3A_382 : memref<128xi32, #tpu.memory_space<vmem>>) semaphore(%dma_start3A_387 : memref<!tpu.dma_semaphore, #tpu.memory_space<semaphore_mem>>) {add = true}
      %add3A_388 = arith.constant 1 : i32
      %add3A_389 = arith.addi %mul3A_365, %add3A_388 : i32
      %dma_wait3A_390 = arith.constant 1 : i32
      %dma_wait3A_391 = arith.constant 0 : i32
      %dma_wait3A_392 = tpu.memref_slice %arg5[%add3A_389, %dma_wait3A_391] : memref<80x128xi32, #tpu.memory_space<vmem>> -> memref<1x128xi32, #tpu.memory_space<vmem>>
      %dma_wait3A_393 = tpu.memref_squeeze %dma_wait3A_392 : memref<1x128xi32, #tpu.memory_space<vmem>> -> memref<128xi32, #tpu.memory_space<vmem>>
      %dma_wait3A_394 = arith.constant 0 : i32
      %dma_wait3A_395 = arith.constant 0 : i32
      %dma_wait3A_396 = tpu.memref_slice %arg3[%dma_wait3A_394, %dma_wait3A_395] : memref<10000x64xf32, #tpu.memory_space<hbm>> -> memref<10000x64xf32, #tpu.memory_space<hbm>>
      %dma_wait3A_397 = tpu.memref_slice %arg16[%dma_wait3A_390] : memref<8x!tpu.dma_semaphore, #tpu.memory_space<semaphore_mem>> -> memref<1x!tpu.dma_semaphore, #tpu.memory_space<semaphore_mem>>
      %dma_wait3A_398 = tpu.memref_squeeze %dma_wait3A_397 : memref<1x!tpu.dma_semaphore, #tpu.memory_space<semaphore_mem>> -> memref<!tpu.dma_semaphore, #tpu.memory_space<semaphore_mem>>
      tpu.wait_indirect_dma semaphore(%dma_wait3A_398 : memref<!tpu.dma_semaphore, #tpu.memory_space<semaphore_mem>>) src(%dma_wait3A_396 : memref<10000x64xf32, #tpu.memory_space<hbm>>) dst(%arg8 : memref<128x64xf32, #tpu.memory_space<vmem>>)
      %add3A_399 = arith.constant 1 : i32
      %add3A_400 = arith.addi %mul3A_365, %add3A_399 : i32
      %dma_start3A_401 = arith.constant 1 : i32
      %dma_start3A_402 = arith.constant 0 : i32
      %dma_start3A_403 = tpu.memref_slice %arg6[%add3A_400, %dma_start3A_402] : memref<80x128xi32, #tpu.memory_space<vmem>> -> memref<1x128xi32, #tpu.memory_space<vmem>>
      %dma_start3A_404 = tpu.memref_squeeze %dma_start3A_403 : memref<1x128xi32, #tpu.memory_space<vmem>> -> memref<128xi32, #tpu.memory_space<vmem>>
      %dma_start3A_405 = arith.constant 0 : i32
      %dma_start3A_406 = arith.constant 0 : i32
      %dma_start3A_407 = tpu.memref_slice %arg15[%dma_start3A_405, %dma_start3A_406] : memref<10240x64xf32, #tpu.memory_space<vmem_shared>> -> memref<10240x64xf32, #tpu.memory_space<vmem_shared>>
      %dma_start3A_408 = tpu.memref_slice %arg17[%dma_start3A_401] : memref<8x!tpu.dma_semaphore, #tpu.memory_space<semaphore_mem>> -> memref<1x!tpu.dma_semaphore, #tpu.memory_space<semaphore_mem>>
      %dma_start3A_409 = tpu.memref_squeeze %dma_start3A_408 : memref<1x!tpu.dma_semaphore, #tpu.memory_space<semaphore_mem>> -> memref<!tpu.dma_semaphore, #tpu.memory_space<semaphore_mem>>
      tpu.enqueue_indirect_dma source(%arg8 : memref<128x64xf32, #tpu.memory_space<vmem>>) target(%dma_start3A_407 : memref<10240x64xf32, #tpu.memory_space<vmem_shared>>) offsets(%dma_start3A_404 : memref<128xi32, #tpu.memory_space<vmem>>) semaphore(%dma_start3A_409 : memref<!tpu.dma_semaphore, #tpu.memory_space<semaphore_mem>>) {add = true}
      %add3A_410 = arith.constant 2 : i32
      %add3A_411 = arith.addi %mul3A_365, %add3A_410 : i32
      %dma_wait3A_412 = arith.constant 2 : i32
      %dma_wait3A_413 = arith.constant 0 : i32
      %dma_wait3A_414 = tpu.memref_slice %arg5[%add3A_411, %dma_wait3A_413] : memref<80x128xi32, #tpu.memory_space<vmem>> -> memref<1x128xi32, #tpu.memory_space<vmem>>
      %dma_wait3A_415 = tpu.memref_squeeze %dma_wait3A_414 : memref<1x128xi32, #tpu.memory_space<vmem>> -> memref<128xi32, #tpu.memory_space<vmem>>
      %dma_wait3A_416 = arith.constant 0 : i32
      %dma_wait3A_417 = arith.constant 0 : i32
      %dma_wait3A_418 = tpu.memref_slice %arg3[%dma_wait3A_416, %dma_wait3A_417] : memref<10000x64xf32, #tpu.memory_space<hbm>> -> memref<10000x64xf32, #tpu.memory_space<hbm>>
      %dma_wait3A_419 = tpu.memref_slice %arg16[%dma_wait3A_412] : memref<8x!tpu.dma_semaphore, #tpu.memory_space<semaphore_mem>> -> memref<1x!tpu.dma_semaphore, #tpu.memory_space<semaphore_mem>>
      %dma_wait3A_420 = tpu.memref_squeeze %dma_wait3A_419 : memref<1x!tpu.dma_semaphore, #tpu.memory_space<semaphore_mem>> -> memref<!tpu.dma_semaphore, #tpu.memory_space<semaphore_mem>>
      tpu.wait_indirect_dma semaphore(%dma_wait3A_420 : memref<!tpu.dma_semaphore, #tpu.memory_space<semaphore_mem>>) src(%dma_wait3A_418 : memref<10000x64xf32, #tpu.memory_space<hbm>>) dst(%arg9 : memref<128x64xf32, #tpu.memory_space<vmem>>)
      %add3A_421 = arith.constant 2 : i32
      %add3A_422 = arith.addi %mul3A_365, %add3A_421 : i32
      %dma_start3A_423 = arith.constant 2 : i32
      %dma_start3A_424 = arith.constant 0 : i32
      %dma_start3A_425 = tpu.memref_slice %arg6[%add3A_422, %dma_start3A_424] : memref<80x128xi32, #tpu.memory_space<vmem>> -> memref<1x128xi32, #tpu.memory_space<vmem>>
      %dma_start3A_426 = tpu.memref_squeeze %dma_start3A_425 : memref<1x128xi32, #tpu.memory_space<vmem>> -> memref<128xi32, #tpu.memory_space<vmem>>
      %dma_start3A_427 = arith.constant 0 : i32
      %dma_start3A_428 = arith.constant 0 : i32
      %dma_start3A_429 = tpu.memref_slice %arg15[%dma_start3A_427, %dma_start3A_428] : memref<10240x64xf32, #tpu.memory_space<vmem_shared>> -> memref<10240x64xf32, #tpu.memory_space<vmem_shared>>
      %dma_start3A_430 = tpu.memref_slice %arg17[%dma_start3A_423] : memref<8x!tpu.dma_semaphore, #tpu.memory_space<semaphore_mem>> -> memref<1x!tpu.dma_semaphore, #tpu.memory_space<semaphore_mem>>
      %dma_start3A_431 = tpu.memref_squeeze %dma_start3A_430 : memref<1x!tpu.dma_semaphore, #tpu.memory_space<semaphore_mem>> -> memref<!tpu.dma_semaphore, #tpu.memory_space<semaphore_mem>>
      tpu.enqueue_indirect_dma source(%arg9 : memref<128x64xf32, #tpu.memory_space<vmem>>) target(%dma_start3A_429 : memref<10240x64xf32, #tpu.memory_space<vmem_shared>>) offsets(%dma_start3A_426 : memref<128xi32, #tpu.memory_space<vmem>>) semaphore(%dma_start3A_431 : memref<!tpu.dma_semaphore, #tpu.memory_space<semaphore_mem>>) {add = true}
      %add3A_432 = arith.constant 3 : i32
      %add3A_433 = arith.addi %mul3A_365, %add3A_432 : i32
      %dma_wait3A_434 = arith.constant 3 : i32
      %dma_wait3A_435 = arith.constant 0 : i32
      %dma_wait3A_436 = tpu.memref_slice %arg5[%add3A_433, %dma_wait3A_435] : memref<80x128xi32, #tpu.memory_space<vmem>> -> memref<1x128xi32, #tpu.memory_space<vmem>>
      %dma_wait3A_437 = tpu.memref_squeeze %dma_wait3A_436 : memref<1x128xi32, #tpu.memory_space<vmem>> -> memref<128xi32, #tpu.memory_space<vmem>>
      %dma_wait3A_438 = arith.constant 0 : i32
      %dma_wait3A_439 = arith.constant 0 : i32
      %dma_wait3A_440 = tpu.memref_slice %arg3[%dma_wait3A_438, %dma_wait3A_439] : memref<10000x64xf32, #tpu.memory_space<hbm>> -> memref<10000x64xf32, #tpu.memory_space<hbm>>
      %dma_wait3A_441 = tpu.memref_slice %arg16[%dma_wait3A_434] : memref<8x!tpu.dma_semaphore, #tpu.memory_space<semaphore_mem>> -> memref<1x!tpu.dma_semaphore, #tpu.memory_space<semaphore_mem>>
      %dma_wait3A_442 = tpu.memref_squeeze %dma_wait3A_441 : memref<1x!tpu.dma_semaphore, #tpu.memory_space<semaphore_mem>> -> memref<!tpu.dma_semaphore, #tpu.memory_space<semaphore_mem>>
      tpu.wait_indirect_dma semaphore(%dma_wait3A_442 : memref<!tpu.dma_semaphore, #tpu.memory_space<semaphore_mem>>) src(%dma_wait3A_440 : memref<10000x64xf32, #tpu.memory_space<hbm>>) dst(%arg10 : memref<128x64xf32, #tpu.memory_space<vmem>>)
      %add3A_443 = arith.constant 3 : i32
      %add3A_444 = arith.addi %mul3A_365, %add3A_443 : i32
      %dma_start3A_445 = arith.constant 3 : i32
      %dma_start3A_446 = arith.constant 0 : i32
      %dma_start3A_447 = tpu.memref_slice %arg6[%add3A_444, %dma_start3A_446] : memref<80x128xi32, #tpu.memory_space<vmem>> -> memref<1x128xi32, #tpu.memory_space<vmem>>
      %dma_start3A_448 = tpu.memref_squeeze %dma_start3A_447 : memref<1x128xi32, #tpu.memory_space<vmem>> -> memref<128xi32, #tpu.memory_space<vmem>>
      %dma_start3A_449 = arith.constant 0 : i32
      %dma_start3A_450 = arith.constant 0 : i32
      %dma_start3A_451 = tpu.memref_slice %arg15[%dma_start3A_449, %dma_start3A_450] : memref<10240x64xf32, #tpu.memory_space<vmem_shared>> -> memref<10240x64xf32, #tpu.memory_space<vmem_shared>>
      %dma_start3A_452 = tpu.memref_slice %arg17[%dma_start3A_445] : memref<8x!tpu.dma_semaphore, #tpu.memory_space<semaphore_mem>> -> memref<1x!tpu.dma_semaphore, #tpu.memory_space<semaphore_mem>>
      %dma_start3A_453 = tpu.memref_squeeze %dma_start3A_452 : memref<1x!tpu.dma_semaphore, #tpu.memory_space<semaphore_mem>> -> memref<!tpu.dma_semaphore, #tpu.memory_space<semaphore_mem>>
      tpu.enqueue_indirect_dma source(%arg10 : memref<128x64xf32, #tpu.memory_space<vmem>>) target(%dma_start3A_451 : memref<10240x64xf32, #tpu.memory_space<vmem_shared>>) offsets(%dma_start3A_448 : memref<128xi32, #tpu.memory_space<vmem>>) semaphore(%dma_start3A_453 : memref<!tpu.dma_semaphore, #tpu.memory_space<semaphore_mem>>) {add = true}
      %add3A_454 = arith.constant 4 : i32
      %add3A_455 = arith.addi %mul3A_365, %add3A_454 : i32
      %dma_wait3A_456 = arith.constant 4 : i32
      %dma_wait3A_457 = arith.constant 0 : i32
      %dma_wait3A_458 = tpu.memref_slice %arg5[%add3A_455, %dma_wait3A_457] : memref<80x128xi32, #tpu.memory_space<vmem>> -> memref<1x128xi32, #tpu.memory_space<vmem>>
      %dma_wait3A_459 = tpu.memref_squeeze %dma_wait3A_458 : memref<1x128xi32, #tpu.memory_space<vmem>> -> memref<128xi32, #tpu.memory_space<vmem>>
      %dma_wait3A_460 = arith.constant 0 : i32
      %dma_wait3A_461 = arith.constant 0 : i32
      %dma_wait3A_462 = tpu.memref_slice %arg3[%dma_wait3A_460, %dma_wait3A_461] : memref<10000x64xf32, #tpu.memory_space<hbm>> -> memref<10000x64xf32, #tpu.memory_space<hbm>>
      %dma_wait3A_463 = tpu.memref_slice %arg16[%dma_wait3A_456] : memref<8x!tpu.dma_semaphore, #tpu.memory_space<semaphore_mem>> -> memref<1x!tpu.dma_semaphore, #tpu.memory_space<semaphore_mem>>
      %dma_wait3A_464 = tpu.memref_squeeze %dma_wait3A_463 : memref<1x!tpu.dma_semaphore, #tpu.memory_space<semaphore_mem>> -> memref<!tpu.dma_semaphore, #tpu.memory_space<semaphore_mem>>
      tpu.wait_indirect_dma semaphore(%dma_wait3A_464 : memref<!tpu.dma_semaphore, #tpu.memory_space<semaphore_mem>>) src(%dma_wait3A_462 : memref<10000x64xf32, #tpu.memory_space<hbm>>) dst(%arg11 : memref<128x64xf32, #tpu.memory_space<vmem>>)
      %add3A_465 = arith.constant 4 : i32
      %add3A_466 = arith.addi %mul3A_365, %add3A_465 : i32
      %dma_start3A_467 = arith.constant 4 : i32
      %dma_start3A_468 = arith.constant 0 : i32
      %dma_start3A_469 = tpu.memref_slice %arg6[%add3A_466, %dma_start3A_468] : memref<80x128xi32, #tpu.memory_space<vmem>> -> memref<1x128xi32, #tpu.memory_space<vmem>>
      %dma_start3A_470 = tpu.memref_squeeze %dma_start3A_469 : memref<1x128xi32, #tpu.memory_space<vmem>> -> memref<128xi32, #tpu.memory_space<vmem>>
      %dma_start3A_471 = arith.constant 0 : i32
      %dma_start3A_472 = arith.constant 0 : i32
      %dma_start3A_473 = tpu.memref_slice %arg15[%dma_start3A_471, %dma_start3A_472] : memref<10240x64xf32, #tpu.memory_space<vmem_shared>> -> memref<10240x64xf32, #tpu.memory_space<vmem_shared>>
      %dma_start3A_474 = tpu.memref_slice %arg17[%dma_start3A_467] : memref<8x!tpu.dma_semaphore, #tpu.memory_space<semaphore_mem>> -> memref<1x!tpu.dma_semaphore, #tpu.memory_space<semaphore_mem>>
      %dma_start3A_475 = tpu.memref_squeeze %dma_start3A_474 : memref<1x!tpu.dma_semaphore, #tpu.memory_space<semaphore_mem>> -> memref<!tpu.dma_semaphore, #tpu.memory_space<semaphore_mem>>
      tpu.enqueue_indirect_dma source(%arg11 : memref<128x64xf32, #tpu.memory_space<vmem>>) target(%dma_start3A_473 : memref<10240x64xf32, #tpu.memory_space<vmem_shared>>) offsets(%dma_start3A_470 : memref<128xi32, #tpu.memory_space<vmem>>) semaphore(%dma_start3A_475 : memref<!tpu.dma_semaphore, #tpu.memory_space<semaphore_mem>>) {add = true}
      %add3A_476 = arith.constant 5 : i32
      %add3A_477 = arith.addi %mul3A_365, %add3A_476 : i32
      %dma_wait3A_478 = arith.constant 5 : i32
      %dma_wait3A_479 = arith.constant 0 : i32
      %dma_wait3A_480 = tpu.memref_slice %arg5[%add3A_477, %dma_wait3A_479] : memref<80x128xi32, #tpu.memory_space<vmem>> -> memref<1x128xi32, #tpu.memory_space<vmem>>
      %dma_wait3A_481 = tpu.memref_squeeze %dma_wait3A_480 : memref<1x128xi32, #tpu.memory_space<vmem>> -> memref<128xi32, #tpu.memory_space<vmem>>
      %dma_wait3A_482 = arith.constant 0 : i32
      %dma_wait3A_483 = arith.constant 0 : i32
      %dma_wait3A_484 = tpu.memref_slice %arg3[%dma_wait3A_482, %dma_wait3A_483] : memref<10000x64xf32, #tpu.memory_space<hbm>> -> memref<10000x64xf32, #tpu.memory_space<hbm>>
      %dma_wait3A_485 = tpu.memref_slice %arg16[%dma_wait3A_478] : memref<8x!tpu.dma_semaphore, #tpu.memory_space<semaphore_mem>> -> memref<1x!tpu.dma_semaphore, #tpu.memory_space<semaphore_mem>>
      %dma_wait3A_486 = tpu.memref_squeeze %dma_wait3A_485 : memref<1x!tpu.dma_semaphore, #tpu.memory_space<semaphore_mem>> -> memref<!tpu.dma_semaphore, #tpu.memory_space<semaphore_mem>>
      tpu.wait_indirect_dma semaphore(%dma_wait3A_486 : memref<!tpu.dma_semaphore, #tpu.memory_space<semaphore_mem>>) src(%dma_wait3A_484 : memref<10000x64xf32, #tpu.memory_space<hbm>>) dst(%arg12 : memref<128x64xf32, #tpu.memory_space<vmem>>)
      %add3A_487 = arith.constant 5 : i32
      %add3A_488 = arith.addi %mul3A_365, %add3A_487 : i32
      %dma_start3A_489 = arith.constant 5 : i32
      %dma_start3A_490 = arith.constant 0 : i32
      %dma_start3A_491 = tpu.memref_slice %arg6[%add3A_488, %dma_start3A_490] : memref<80x128xi32, #tpu.memory_space<vmem>> -> memref<1x128xi32, #tpu.memory_space<vmem>>
      %dma_start3A_492 = tpu.memref_squeeze %dma_start3A_491 : memref<1x128xi32, #tpu.memory_space<vmem>> -> memref<128xi32, #tpu.memory_space<vmem>>
      %dma_start3A_493 = arith.constant 0 : i32
      %dma_start3A_494 = arith.constant 0 : i32
      %dma_start3A_495 = tpu.memref_slice %arg15[%dma_start3A_493, %dma_start3A_494] : memref<10240x64xf32, #tpu.memory_space<vmem_shared>> -> memref<10240x64xf32, #tpu.memory_space<vmem_shared>>
      %dma_start3A_496 = tpu.memref_slice %arg17[%dma_start3A_489] : memref<8x!tpu.dma_semaphore, #tpu.memory_space<semaphore_mem>> -> memref<1x!tpu.dma_semaphore, #tpu.memory_space<semaphore_mem>>
      %dma_start3A_497 = tpu.memref_squeeze %dma_start3A_496 : memref<1x!tpu.dma_semaphore, #tpu.memory_space<semaphore_mem>> -> memref<!tpu.dma_semaphore, #tpu.memory_space<semaphore_mem>>
      tpu.enqueue_indirect_dma source(%arg12 : memref<128x64xf32, #tpu.memory_space<vmem>>) target(%dma_start3A_495 : memref<10240x64xf32, #tpu.memory_space<vmem_shared>>) offsets(%dma_start3A_492 : memref<128xi32, #tpu.memory_space<vmem>>) semaphore(%dma_start3A_497 : memref<!tpu.dma_semaphore, #tpu.memory_space<semaphore_mem>>) {add = true}
      %add3A_498 = arith.constant 6 : i32
      %add3A_499 = arith.addi %mul3A_365, %add3A_498 : i32
      %dma_wait3A_500 = arith.constant 6 : i32
      %dma_wait3A_501 = arith.constant 0 : i32
      %dma_wait3A_502 = tpu.memref_slice %arg5[%add3A_499, %dma_wait3A_501] : memref<80x128xi32, #tpu.memory_space<vmem>> -> memref<1x128xi32, #tpu.memory_space<vmem>>
      %dma_wait3A_503 = tpu.memref_squeeze %dma_wait3A_502 : memref<1x128xi32, #tpu.memory_space<vmem>> -> memref<128xi32, #tpu.memory_space<vmem>>
      %dma_wait3A_504 = arith.constant 0 : i32
      %dma_wait3A_505 = arith.constant 0 : i32
      %dma_wait3A_506 = tpu.memref_slice %arg3[%dma_wait3A_504, %dma_wait3A_505] : memref<10000x64xf32, #tpu.memory_space<hbm>> -> memref<10000x64xf32, #tpu.memory_space<hbm>>
      %dma_wait3A_507 = tpu.memref_slice %arg16[%dma_wait3A_500] : memref<8x!tpu.dma_semaphore, #tpu.memory_space<semaphore_mem>> -> memref<1x!tpu.dma_semaphore, #tpu.memory_space<semaphore_mem>>
      %dma_wait3A_508 = tpu.memref_squeeze %dma_wait3A_507 : memref<1x!tpu.dma_semaphore, #tpu.memory_space<semaphore_mem>> -> memref<!tpu.dma_semaphore, #tpu.memory_space<semaphore_mem>>
      tpu.wait_indirect_dma semaphore(%dma_wait3A_508 : memref<!tpu.dma_semaphore, #tpu.memory_space<semaphore_mem>>) src(%dma_wait3A_506 : memref<10000x64xf32, #tpu.memory_space<hbm>>) dst(%arg13 : memref<128x64xf32, #tpu.memory_space<vmem>>)
      %add3A_509 = arith.constant 6 : i32
      %add3A_510 = arith.addi %mul3A_365, %add3A_509 : i32
      %dma_start3A_511 = arith.constant 6 : i32
      %dma_start3A_512 = arith.constant 0 : i32
      %dma_start3A_513 = tpu.memref_slice %arg6[%add3A_510, %dma_start3A_512] : memref<80x128xi32, #tpu.memory_space<vmem>> -> memref<1x128xi32, #tpu.memory_space<vmem>>
      %dma_start3A_514 = tpu.memref_squeeze %dma_start3A_513 : memref<1x128xi32, #tpu.memory_space<vmem>> -> memref<128xi32, #tpu.memory_space<vmem>>
      %dma_start3A_515 = arith.constant 0 : i32
      %dma_start3A_516 = arith.constant 0 : i32
      %dma_start3A_517 = tpu.memref_slice %arg15[%dma_start3A_515, %dma_start3A_516] : memref<10240x64xf32, #tpu.memory_space<vmem_shared>> -> memref<10240x64xf32, #tpu.memory_space<vmem_shared>>
      %dma_start3A_518 = tpu.memref_slice %arg17[%dma_start3A_511] : memref<8x!tpu.dma_semaphore, #tpu.memory_space<semaphore_mem>> -> memref<1x!tpu.dma_semaphore, #tpu.memory_space<semaphore_mem>>
      %dma_start3A_519 = tpu.memref_squeeze %dma_start3A_518 : memref<1x!tpu.dma_semaphore, #tpu.memory_space<semaphore_mem>> -> memref<!tpu.dma_semaphore, #tpu.memory_space<semaphore_mem>>
      tpu.enqueue_indirect_dma source(%arg13 : memref<128x64xf32, #tpu.memory_space<vmem>>) target(%dma_start3A_517 : memref<10240x64xf32, #tpu.memory_space<vmem_shared>>) offsets(%dma_start3A_514 : memref<128xi32, #tpu.memory_space<vmem>>) semaphore(%dma_start3A_519 : memref<!tpu.dma_semaphore, #tpu.memory_space<semaphore_mem>>) {add = true}
      %add3A_520 = arith.constant 7 : i32
      %add3A_521 = arith.addi %mul3A_365, %add3A_520 : i32
      %dma_wait3A_522 = arith.constant 7 : i32
      %dma_wait3A_523 = arith.constant 0 : i32
      %dma_wait3A_524 = tpu.memref_slice %arg5[%add3A_521, %dma_wait3A_523] : memref<80x128xi32, #tpu.memory_space<vmem>> -> memref<1x128xi32, #tpu.memory_space<vmem>>
      %dma_wait3A_525 = tpu.memref_squeeze %dma_wait3A_524 : memref<1x128xi32, #tpu.memory_space<vmem>> -> memref<128xi32, #tpu.memory_space<vmem>>
      %dma_wait3A_526 = arith.constant 0 : i32
      %dma_wait3A_527 = arith.constant 0 : i32
      %dma_wait3A_528 = tpu.memref_slice %arg3[%dma_wait3A_526, %dma_wait3A_527] : memref<10000x64xf32, #tpu.memory_space<hbm>> -> memref<10000x64xf32, #tpu.memory_space<hbm>>
      %dma_wait3A_529 = tpu.memref_slice %arg16[%dma_wait3A_522] : memref<8x!tpu.dma_semaphore, #tpu.memory_space<semaphore_mem>> -> memref<1x!tpu.dma_semaphore, #tpu.memory_space<semaphore_mem>>
      %dma_wait3A_530 = tpu.memref_squeeze %dma_wait3A_529 : memref<1x!tpu.dma_semaphore, #tpu.memory_space<semaphore_mem>> -> memref<!tpu.dma_semaphore, #tpu.memory_space<semaphore_mem>>
      tpu.wait_indirect_dma semaphore(%dma_wait3A_530 : memref<!tpu.dma_semaphore, #tpu.memory_space<semaphore_mem>>) src(%dma_wait3A_528 : memref<10000x64xf32, #tpu.memory_space<hbm>>) dst(%arg14 : memref<128x64xf32, #tpu.memory_space<vmem>>)
      %add3A_531 = arith.constant 7 : i32
      %add3A_532 = arith.addi %mul3A_365, %add3A_531 : i32
      %dma_start3A_533 = arith.constant 7 : i32
      %dma_start3A_534 = arith.constant 0 : i32
      %dma_start3A_535 = tpu.memref_slice %arg6[%add3A_532, %dma_start3A_534] : memref<80x128xi32, #tpu.memory_space<vmem>> -> memref<1x128xi32, #tpu.memory_space<vmem>>
      %dma_start3A_536 = tpu.memref_squeeze %dma_start3A_535 : memref<1x128xi32, #tpu.memory_space<vmem>> -> memref<128xi32, #tpu.memory_space<vmem>>
      %dma_start3A_537 = arith.constant 0 : i32
      %dma_start3A_538 = arith.constant 0 : i32
      %dma_start3A_539 = tpu.memref_slice %arg15[%dma_start3A_537, %dma_start3A_538] : memref<10240x64xf32, #tpu.memory_space<vmem_shared>> -> memref<10240x64xf32, #tpu.memory_space<vmem_shared>>
      %dma_start3A_540 = tpu.memref_slice %arg17[%dma_start3A_533] : memref<8x!tpu.dma_semaphore, #tpu.memory_space<semaphore_mem>> -> memref<1x!tpu.dma_semaphore, #tpu.memory_space<semaphore_mem>>
      %dma_start3A_541 = tpu.memref_squeeze %dma_start3A_540 : memref<1x!tpu.dma_semaphore, #tpu.memory_space<semaphore_mem>> -> memref<!tpu.dma_semaphore, #tpu.memory_space<semaphore_mem>>
      tpu.enqueue_indirect_dma source(%arg14 : memref<128x64xf32, #tpu.memory_space<vmem>>) target(%dma_start3A_539 : memref<10240x64xf32, #tpu.memory_space<vmem_shared>>) offsets(%dma_start3A_536 : memref<128xi32, #tpu.memory_space<vmem>>) semaphore(%dma_start3A_541 : memref<!tpu.dma_semaphore, #tpu.memory_space<semaphore_mem>>) {add = true}
      %add3A_542 = arith.constant 0 : i32
      %add3A_543 = arith.addi %mul3A_365, %add3A_542 : i32
      %dma_wait3A_544 = arith.constant 0 : i32
      %dma_wait3A_545 = arith.constant 0 : i32
      %dma_wait3A_546 = tpu.memref_slice %arg6[%add3A_543, %dma_wait3A_545] : memref<80x128xi32, #tpu.memory_space<vmem>> -> memref<1x128xi32, #tpu.memory_space<vmem>>
      %dma_wait3A_547 = tpu.memref_squeeze %dma_wait3A_546 : memref<1x128xi32, #tpu.memory_space<vmem>> -> memref<128xi32, #tpu.memory_space<vmem>>
      %dma_wait3A_548 = arith.constant 0 : i32
      %dma_wait3A_549 = arith.constant 0 : i32
      %dma_wait3A_550 = tpu.memref_slice %arg15[%dma_wait3A_548, %dma_wait3A_549] : memref<10240x64xf32, #tpu.memory_space<vmem_shared>> -> memref<10240x64xf32, #tpu.memory_space<vmem_shared>>
      %dma_wait3A_551 = tpu.memref_slice %arg17[%dma_wait3A_544] : memref<8x!tpu.dma_semaphore, #tpu.memory_space<semaphore_mem>> -> memref<1x!tpu.dma_semaphore, #tpu.memory_space<semaphore_mem>>
      %dma_wait3A_552 = tpu.memref_squeeze %dma_wait3A_551 : memref<1x!tpu.dma_semaphore, #tpu.memory_space<semaphore_mem>> -> memref<!tpu.dma_semaphore, #tpu.memory_space<semaphore_mem>>
      tpu.wait_indirect_dma semaphore(%dma_wait3A_552 : memref<!tpu.dma_semaphore, #tpu.memory_space<semaphore_mem>>) src(%arg7 : memref<128x64xf32, #tpu.memory_space<vmem>>) dst(%dma_wait3A_550 : memref<10240x64xf32, #tpu.memory_space<vmem_shared>>)
      %add3A_553 = arith.constant 8 : i32
      %add3A_554 = arith.addi %mul3A_365, %add3A_553 : i32
      %add3A_555 = arith.constant 0 : i32
      %add3A_556 = arith.addi %add3A_554, %add3A_555 : i32
      %dma_start3A_557 = arith.constant 0 : i32
      %dma_start3A_558 = arith.constant 0 : i32
      %dma_start3A_559 = tpu.memref_slice %arg5[%add3A_556, %dma_start3A_558] : memref<80x128xi32, #tpu.memory_space<vmem>> -> memref<1x128xi32, #tpu.memory_space<vmem>>
      %dma_start3A_560 = tpu.memref_squeeze %dma_start3A_559 : memref<1x128xi32, #tpu.memory_space<vmem>> -> memref<128xi32, #tpu.memory_space<vmem>>
      %dma_start3A_561 = arith.constant 0 : i32
      %dma_start3A_562 = arith.constant 0 : i32
      %dma_start3A_563 = tpu.memref_slice %arg3[%dma_start3A_561, %dma_start3A_562] : memref<10000x64xf32, #tpu.memory_space<hbm>> -> memref<10000x64xf32, #tpu.memory_space<hbm>>
      %dma_start3A_564 = tpu.memref_slice %arg16[%dma_start3A_557] : memref<8x!tpu.dma_semaphore, #tpu.memory_space<semaphore_mem>> -> memref<1x!tpu.dma_semaphore, #tpu.memory_space<semaphore_mem>>
      %dma_start3A_565 = tpu.memref_squeeze %dma_start3A_564 : memref<1x!tpu.dma_semaphore, #tpu.memory_space<semaphore_mem>> -> memref<!tpu.dma_semaphore, #tpu.memory_space<semaphore_mem>>
      tpu.enqueue_indirect_dma source(%dma_start3A_563 : memref<10000x64xf32, #tpu.memory_space<hbm>>) target(%arg7 : memref<128x64xf32, #tpu.memory_space<vmem>>) offsets(%dma_start3A_560 : memref<128xi32, #tpu.memory_space<vmem>>) semaphore(%dma_start3A_565 : memref<!tpu.dma_semaphore, #tpu.memory_space<semaphore_mem>>)
      %add3A_566 = arith.constant 1 : i32
      %add3A_567 = arith.addi %mul3A_365, %add3A_566 : i32
      %dma_wait3A_568 = arith.constant 1 : i32
      %dma_wait3A_569 = arith.constant 0 : i32
      %dma_wait3A_570 = tpu.memref_slice %arg6[%add3A_567, %dma_wait3A_569] : memref<80x128xi32, #tpu.memory_space<vmem>> -> memref<1x128xi32, #tpu.memory_space<vmem>>
      %dma_wait3A_571 = tpu.memref_squeeze %dma_wait3A_570 : memref<1x128xi32, #tpu.memory_space<vmem>> -> memref<128xi32, #tpu.memory_space<vmem>>
      %dma_wait3A_572 = arith.constant 0 : i32
      %dma_wait3A_573 = arith.constant 0 : i32
      %dma_wait3A_574 = tpu.memref_slice %arg15[%dma_wait3A_572, %dma_wait3A_573] : memref<10240x64xf32, #tpu.memory_space<vmem_shared>> -> memref<10240x64xf32, #tpu.memory_space<vmem_shared>>
      %dma_wait3A_575 = tpu.memref_slice %arg17[%dma_wait3A_568] : memref<8x!tpu.dma_semaphore, #tpu.memory_space<semaphore_mem>> -> memref<1x!tpu.dma_semaphore, #tpu.memory_space<semaphore_mem>>
      %dma_wait3A_576 = tpu.memref_squeeze %dma_wait3A_575 : memref<1x!tpu.dma_semaphore, #tpu.memory_space<semaphore_mem>> -> memref<!tpu.dma_semaphore, #tpu.memory_space<semaphore_mem>>
      tpu.wait_indirect_dma semaphore(%dma_wait3A_576 : memref<!tpu.dma_semaphore, #tpu.memory_space<semaphore_mem>>) src(%arg8 : memref<128x64xf32, #tpu.memory_space<vmem>>) dst(%dma_wait3A_574 : memref<10240x64xf32, #tpu.memory_space<vmem_shared>>)
      %add3A_577 = arith.constant 8 : i32
      %add3A_578 = arith.addi %mul3A_365, %add3A_577 : i32
      %add3A_579 = arith.constant 1 : i32
      %add3A_580 = arith.addi %add3A_578, %add3A_579 : i32
      %dma_start3A_581 = arith.constant 1 : i32
      %dma_start3A_582 = arith.constant 0 : i32
      %dma_start3A_583 = tpu.memref_slice %arg5[%add3A_580, %dma_start3A_582] : memref<80x128xi32, #tpu.memory_space<vmem>> -> memref<1x128xi32, #tpu.memory_space<vmem>>
      %dma_start3A_584 = tpu.memref_squeeze %dma_start3A_583 : memref<1x128xi32, #tpu.memory_space<vmem>> -> memref<128xi32, #tpu.memory_space<vmem>>
      %dma_start3A_585 = arith.constant 0 : i32
      %dma_start3A_586 = arith.constant 0 : i32
      %dma_start3A_587 = tpu.memref_slice %arg3[%dma_start3A_585, %dma_start3A_586] : memref<10000x64xf32, #tpu.memory_space<hbm>> -> memref<10000x64xf32, #tpu.memory_space<hbm>>
      %dma_start3A_588 = tpu.memref_slice %arg16[%dma_start3A_581] : memref<8x!tpu.dma_semaphore, #tpu.memory_space<semaphore_mem>> -> memref<1x!tpu.dma_semaphore, #tpu.memory_space<semaphore_mem>>
      %dma_start3A_589 = tpu.memref_squeeze %dma_start3A_588 : memref<1x!tpu.dma_semaphore, #tpu.memory_space<semaphore_mem>> -> memref<!tpu.dma_semaphore, #tpu.memory_space<semaphore_mem>>
      tpu.enqueue_indirect_dma source(%dma_start3A_587 : memref<10000x64xf32, #tpu.memory_space<hbm>>) target(%arg8 : memref<128x64xf32, #tpu.memory_space<vmem>>) offsets(%dma_start3A_584 : memref<128xi32, #tpu.memory_space<vmem>>) semaphore(%dma_start3A_589 : memref<!tpu.dma_semaphore, #tpu.memory_space<semaphore_mem>>)
      %add3A_590 = arith.constant 2 : i32
      %add3A_591 = arith.addi %mul3A_365, %add3A_590 : i32
      %dma_wait3A_592 = arith.constant 2 : i32
      %dma_wait3A_593 = arith.constant 0 : i32
      %dma_wait3A_594 = tpu.memref_slice %arg6[%add3A_591, %dma_wait3A_593] : memref<80x128xi32, #tpu.memory_space<vmem>> -> memref<1x128xi32, #tpu.memory_space<vmem>>
      %dma_wait3A_595 = tpu.memref_squeeze %dma_wait3A_594 : memref<1x128xi32, #tpu.memory_space<vmem>> -> memref<128xi32, #tpu.memory_space<vmem>>
      %dma_wait3A_596 = arith.constant 0 : i32
      %dma_wait3A_597 = arith.constant 0 : i32
      %dma_wait3A_598 = tpu.memref_slice %arg15[%dma_wait3A_596, %dma_wait3A_597] : memref<10240x64xf32, #tpu.memory_space<vmem_shared>> -> memref<10240x64xf32, #tpu.memory_space<vmem_shared>>
      %dma_wait3A_599 = tpu.memref_slice %arg17[%dma_wait3A_592] : memref<8x!tpu.dma_semaphore, #tpu.memory_space<semaphore_mem>> -> memref<1x!tpu.dma_semaphore, #tpu.memory_space<semaphore_mem>>
      %dma_wait3A_600 = tpu.memref_squeeze %dma_wait3A_599 : memref<1x!tpu.dma_semaphore, #tpu.memory_space<semaphore_mem>> -> memref<!tpu.dma_semaphore, #tpu.memory_space<semaphore_mem>>
      tpu.wait_indirect_dma semaphore(%dma_wait3A_600 : memref<!tpu.dma_semaphore, #tpu.memory_space<semaphore_mem>>) src(%arg9 : memref<128x64xf32, #tpu.memory_space<vmem>>) dst(%dma_wait3A_598 : memref<10240x64xf32, #tpu.memory_space<vmem_shared>>)
      %add3A_601 = arith.constant 8 : i32
      %add3A_602 = arith.addi %mul3A_365, %add3A_601 : i32
      %add3A_603 = arith.constant 2 : i32
      %add3A_604 = arith.addi %add3A_602, %add3A_603 : i32
      %dma_start3A_605 = arith.constant 2 : i32
      %dma_start3A_606 = arith.constant 0 : i32
      %dma_start3A_607 = tpu.memref_slice %arg5[%add3A_604, %dma_start3A_606] : memref<80x128xi32, #tpu.memory_space<vmem>> -> memref<1x128xi32, #tpu.memory_space<vmem>>
      %dma_start3A_608 = tpu.memref_squeeze %dma_start3A_607 : memref<1x128xi32, #tpu.memory_space<vmem>> -> memref<128xi32, #tpu.memory_space<vmem>>
      %dma_start3A_609 = arith.constant 0 : i32
      %dma_start3A_610 = arith.constant 0 : i32
      %dma_start3A_611 = tpu.memref_slice %arg3[%dma_start3A_609, %dma_start3A_610] : memref<10000x64xf32, #tpu.memory_space<hbm>> -> memref<10000x64xf32, #tpu.memory_space<hbm>>
      %dma_start3A_612 = tpu.memref_slice %arg16[%dma_start3A_605] : memref<8x!tpu.dma_semaphore, #tpu.memory_space<semaphore_mem>> -> memref<1x!tpu.dma_semaphore, #tpu.memory_space<semaphore_mem>>
      %dma_start3A_613 = tpu.memref_squeeze %dma_start3A_612 : memref<1x!tpu.dma_semaphore, #tpu.memory_space<semaphore_mem>> -> memref<!tpu.dma_semaphore, #tpu.memory_space<semaphore_mem>>
      tpu.enqueue_indirect_dma source(%dma_start3A_611 : memref<10000x64xf32, #tpu.memory_space<hbm>>) target(%arg9 : memref<128x64xf32, #tpu.memory_space<vmem>>) offsets(%dma_start3A_608 : memref<128xi32, #tpu.memory_space<vmem>>) semaphore(%dma_start3A_613 : memref<!tpu.dma_semaphore, #tpu.memory_space<semaphore_mem>>)
      %add3A_614 = arith.constant 3 : i32
      %add3A_615 = arith.addi %mul3A_365, %add3A_614 : i32
      %dma_wait3A_616 = arith.constant 3 : i32
      %dma_wait3A_617 = arith.constant 0 : i32
      %dma_wait3A_618 = tpu.memref_slice %arg6[%add3A_615, %dma_wait3A_617] : memref<80x128xi32, #tpu.memory_space<vmem>> -> memref<1x128xi32, #tpu.memory_space<vmem>>
      %dma_wait3A_619 = tpu.memref_squeeze %dma_wait3A_618 : memref<1x128xi32, #tpu.memory_space<vmem>> -> memref<128xi32, #tpu.memory_space<vmem>>
      %dma_wait3A_620 = arith.constant 0 : i32
      %dma_wait3A_621 = arith.constant 0 : i32
      %dma_wait3A_622 = tpu.memref_slice %arg15[%dma_wait3A_620, %dma_wait3A_621] : memref<10240x64xf32, #tpu.memory_space<vmem_shared>> -> memref<10240x64xf32, #tpu.memory_space<vmem_shared>>
      %dma_wait3A_623 = tpu.memref_slice %arg17[%dma_wait3A_616] : memref<8x!tpu.dma_semaphore, #tpu.memory_space<semaphore_mem>> -> memref<1x!tpu.dma_semaphore, #tpu.memory_space<semaphore_mem>>
      %dma_wait3A_624 = tpu.memref_squeeze %dma_wait3A_623 : memref<1x!tpu.dma_semaphore, #tpu.memory_space<semaphore_mem>> -> memref<!tpu.dma_semaphore, #tpu.memory_space<semaphore_mem>>
      tpu.wait_indirect_dma semaphore(%dma_wait3A_624 : memref<!tpu.dma_semaphore, #tpu.memory_space<semaphore_mem>>) src(%arg10 : memref<128x64xf32, #tpu.memory_space<vmem>>) dst(%dma_wait3A_622 : memref<10240x64xf32, #tpu.memory_space<vmem_shared>>)
      %add3A_625 = arith.constant 8 : i32
      %add3A_626 = arith.addi %mul3A_365, %add3A_625 : i32
      %add3A_627 = arith.constant 3 : i32
      %add3A_628 = arith.addi %add3A_626, %add3A_627 : i32
      %dma_start3A_629 = arith.constant 3 : i32
      %dma_start3A_630 = arith.constant 0 : i32
      %dma_start3A_631 = tpu.memref_slice %arg5[%add3A_628, %dma_start3A_630] : memref<80x128xi32, #tpu.memory_space<vmem>> -> memref<1x128xi32, #tpu.memory_space<vmem>>
      %dma_start3A_632 = tpu.memref_squeeze %dma_start3A_631 : memref<1x128xi32, #tpu.memory_space<vmem>> -> memref<128xi32, #tpu.memory_space<vmem>>
      %dma_start3A_633 = arith.constant 0 : i32
      %dma_start3A_634 = arith.constant 0 : i32
      %dma_start3A_635 = tpu.memref_slice %arg3[%dma_start3A_633, %dma_start3A_634] : memref<10000x64xf32, #tpu.memory_space<hbm>> -> memref<10000x64xf32, #tpu.memory_space<hbm>>
      %dma_start3A_636 = tpu.memref_slice %arg16[%dma_start3A_629] : memref<8x!tpu.dma_semaphore, #tpu.memory_space<semaphore_mem>> -> memref<1x!tpu.dma_semaphore, #tpu.memory_space<semaphore_mem>>
      %dma_start3A_637 = tpu.memref_squeeze %dma_start3A_636 : memref<1x!tpu.dma_semaphore, #tpu.memory_space<semaphore_mem>> -> memref<!tpu.dma_semaphore, #tpu.memory_space<semaphore_mem>>
      tpu.enqueue_indirect_dma source(%dma_start3A_635 : memref<10000x64xf32, #tpu.memory_space<hbm>>) target(%arg10 : memref<128x64xf32, #tpu.memory_space<vmem>>) offsets(%dma_start3A_632 : memref<128xi32, #tpu.memory_space<vmem>>) semaphore(%dma_start3A_637 : memref<!tpu.dma_semaphore, #tpu.memory_space<semaphore_mem>>)
      %add3A_638 = arith.constant 4 : i32
      %add3A_639 = arith.addi %mul3A_365, %add3A_638 : i32
      %dma_wait3A_640 = arith.constant 4 : i32
      %dma_wait3A_641 = arith.constant 0 : i32
      %dma_wait3A_642 = tpu.memref_slice %arg6[%add3A_639, %dma_wait3A_641] : memref<80x128xi32, #tpu.memory_space<vmem>> -> memref<1x128xi32, #tpu.memory_space<vmem>>
      %dma_wait3A_643 = tpu.memref_squeeze %dma_wait3A_642 : memref<1x128xi32, #tpu.memory_space<vmem>> -> memref<128xi32, #tpu.memory_space<vmem>>
      %dma_wait3A_644 = arith.constant 0 : i32
      %dma_wait3A_645 = arith.constant 0 : i32
      %dma_wait3A_646 = tpu.memref_slice %arg15[%dma_wait3A_644, %dma_wait3A_645] : memref<10240x64xf32, #tpu.memory_space<vmem_shared>> -> memref<10240x64xf32, #tpu.memory_space<vmem_shared>>
      %dma_wait3A_647 = tpu.memref_slice %arg17[%dma_wait3A_640] : memref<8x!tpu.dma_semaphore, #tpu.memory_space<semaphore_mem>> -> memref<1x!tpu.dma_semaphore, #tpu.memory_space<semaphore_mem>>
      %dma_wait3A_648 = tpu.memref_squeeze %dma_wait3A_647 : memref<1x!tpu.dma_semaphore, #tpu.memory_space<semaphore_mem>> -> memref<!tpu.dma_semaphore, #tpu.memory_space<semaphore_mem>>
      tpu.wait_indirect_dma semaphore(%dma_wait3A_648 : memref<!tpu.dma_semaphore, #tpu.memory_space<semaphore_mem>>) src(%arg11 : memref<128x64xf32, #tpu.memory_space<vmem>>) dst(%dma_wait3A_646 : memref<10240x64xf32, #tpu.memory_space<vmem_shared>>)
      %add3A_649 = arith.constant 8 : i32
      %add3A_650 = arith.addi %mul3A_365, %add3A_649 : i32
      %add3A_651 = arith.constant 4 : i32
      %add3A_652 = arith.addi %add3A_650, %add3A_651 : i32
      %dma_start3A_653 = arith.constant 4 : i32
      %dma_start3A_654 = arith.constant 0 : i32
      %dma_start3A_655 = tpu.memref_slice %arg5[%add3A_652, %dma_start3A_654] : memref<80x128xi32, #tpu.memory_space<vmem>> -> memref<1x128xi32, #tpu.memory_space<vmem>>
      %dma_start3A_656 = tpu.memref_squeeze %dma_start3A_655 : memref<1x128xi32, #tpu.memory_space<vmem>> -> memref<128xi32, #tpu.memory_space<vmem>>
      %dma_start3A_657 = arith.constant 0 : i32
      %dma_start3A_658 = arith.constant 0 : i32
      %dma_start3A_659 = tpu.memref_slice %arg3[%dma_start3A_657, %dma_start3A_658] : memref<10000x64xf32, #tpu.memory_space<hbm>> -> memref<10000x64xf32, #tpu.memory_space<hbm>>
      %dma_start3A_660 = tpu.memref_slice %arg16[%dma_start3A_653] : memref<8x!tpu.dma_semaphore, #tpu.memory_space<semaphore_mem>> -> memref<1x!tpu.dma_semaphore, #tpu.memory_space<semaphore_mem>>
      %dma_start3A_661 = tpu.memref_squeeze %dma_start3A_660 : memref<1x!tpu.dma_semaphore, #tpu.memory_space<semaphore_mem>> -> memref<!tpu.dma_semaphore, #tpu.memory_space<semaphore_mem>>
      tpu.enqueue_indirect_dma source(%dma_start3A_659 : memref<10000x64xf32, #tpu.memory_space<hbm>>) target(%arg11 : memref<128x64xf32, #tpu.memory_space<vmem>>) offsets(%dma_start3A_656 : memref<128xi32, #tpu.memory_space<vmem>>) semaphore(%dma_start3A_661 : memref<!tpu.dma_semaphore, #tpu.memory_space<semaphore_mem>>)
      %add3A_662 = arith.constant 5 : i32
      %add3A_663 = arith.addi %mul3A_365, %add3A_662 : i32
      %dma_wait3A_664 = arith.constant 5 : i32
      %dma_wait3A_665 = arith.constant 0 : i32
      %dma_wait3A_666 = tpu.memref_slice %arg6[%add3A_663, %dma_wait3A_665] : memref<80x128xi32, #tpu.memory_space<vmem>> -> memref<1x128xi32, #tpu.memory_space<vmem>>
      %dma_wait3A_667 = tpu.memref_squeeze %dma_wait3A_666 : memref<1x128xi32, #tpu.memory_space<vmem>> -> memref<128xi32, #tpu.memory_space<vmem>>
      %dma_wait3A_668 = arith.constant 0 : i32
      %dma_wait3A_669 = arith.constant 0 : i32
      %dma_wait3A_670 = tpu.memref_slice %arg15[%dma_wait3A_668, %dma_wait3A_669] : memref<10240x64xf32, #tpu.memory_space<vmem_shared>> -> memref<10240x64xf32, #tpu.memory_space<vmem_shared>>
      %dma_wait3A_671 = tpu.memref_slice %arg17[%dma_wait3A_664] : memref<8x!tpu.dma_semaphore, #tpu.memory_space<semaphore_mem>> -> memref<1x!tpu.dma_semaphore, #tpu.memory_space<semaphore_mem>>
      %dma_wait3A_672 = tpu.memref_squeeze %dma_wait3A_671 : memref<1x!tpu.dma_semaphore, #tpu.memory_space<semaphore_mem>> -> memref<!tpu.dma_semaphore, #tpu.memory_space<semaphore_mem>>
      tpu.wait_indirect_dma semaphore(%dma_wait3A_672 : memref<!tpu.dma_semaphore, #tpu.memory_space<semaphore_mem>>) src(%arg12 : memref<128x64xf32, #tpu.memory_space<vmem>>) dst(%dma_wait3A_670 : memref<10240x64xf32, #tpu.memory_space<vmem_shared>>)
      %add3A_673 = arith.constant 8 : i32
      %add3A_674 = arith.addi %mul3A_365, %add3A_673 : i32
      %add3A_675 = arith.constant 5 : i32
      %add3A_676 = arith.addi %add3A_674, %add3A_675 : i32
      %dma_start3A_677 = arith.constant 5 : i32
      %dma_start3A_678 = arith.constant 0 : i32
      %dma_start3A_679 = tpu.memref_slice %arg5[%add3A_676, %dma_start3A_678] : memref<80x128xi32, #tpu.memory_space<vmem>> -> memref<1x128xi32, #tpu.memory_space<vmem>>
      %dma_start3A_680 = tpu.memref_squeeze %dma_start3A_679 : memref<1x128xi32, #tpu.memory_space<vmem>> -> memref<128xi32, #tpu.memory_space<vmem>>
      %dma_start3A_681 = arith.constant 0 : i32
      %dma_start3A_682 = arith.constant 0 : i32
      %dma_start3A_683 = tpu.memref_slice %arg3[%dma_start3A_681, %dma_start3A_682] : memref<10000x64xf32, #tpu.memory_space<hbm>> -> memref<10000x64xf32, #tpu.memory_space<hbm>>
      %dma_start3A_684 = tpu.memref_slice %arg16[%dma_start3A_677] : memref<8x!tpu.dma_semaphore, #tpu.memory_space<semaphore_mem>> -> memref<1x!tpu.dma_semaphore, #tpu.memory_space<semaphore_mem>>
      %dma_start3A_685 = tpu.memref_squeeze %dma_start3A_684 : memref<1x!tpu.dma_semaphore, #tpu.memory_space<semaphore_mem>> -> memref<!tpu.dma_semaphore, #tpu.memory_space<semaphore_mem>>
      tpu.enqueue_indirect_dma source(%dma_start3A_683 : memref<10000x64xf32, #tpu.memory_space<hbm>>) target(%arg12 : memref<128x64xf32, #tpu.memory_space<vmem>>) offsets(%dma_start3A_680 : memref<128xi32, #tpu.memory_space<vmem>>) semaphore(%dma_start3A_685 : memref<!tpu.dma_semaphore, #tpu.memory_space<semaphore_mem>>)
      %add3A_686 = arith.constant 6 : i32
      %add3A_687 = arith.addi %mul3A_365, %add3A_686 : i32
      %dma_wait3A_688 = arith.constant 6 : i32
      %dma_wait3A_689 = arith.constant 0 : i32
      %dma_wait3A_690 = tpu.memref_slice %arg6[%add3A_687, %dma_wait3A_689] : memref<80x128xi32, #tpu.memory_space<vmem>> -> memref<1x128xi32, #tpu.memory_space<vmem>>
      %dma_wait3A_691 = tpu.memref_squeeze %dma_wait3A_690 : memref<1x128xi32, #tpu.memory_space<vmem>> -> memref<128xi32, #tpu.memory_space<vmem>>
      %dma_wait3A_692 = arith.constant 0 : i32
      %dma_wait3A_693 = arith.constant 0 : i32
      %dma_wait3A_694 = tpu.memref_slice %arg15[%dma_wait3A_692, %dma_wait3A_693] : memref<10240x64xf32, #tpu.memory_space<vmem_shared>> -> memref<10240x64xf32, #tpu.memory_space<vmem_shared>>
      %dma_wait3A_695 = tpu.memref_slice %arg17[%dma_wait3A_688] : memref<8x!tpu.dma_semaphore, #tpu.memory_space<semaphore_mem>> -> memref<1x!tpu.dma_semaphore, #tpu.memory_space<semaphore_mem>>
      %dma_wait3A_696 = tpu.memref_squeeze %dma_wait3A_695 : memref<1x!tpu.dma_semaphore, #tpu.memory_space<semaphore_mem>> -> memref<!tpu.dma_semaphore, #tpu.memory_space<semaphore_mem>>
      tpu.wait_indirect_dma semaphore(%dma_wait3A_696 : memref<!tpu.dma_semaphore, #tpu.memory_space<semaphore_mem>>) src(%arg13 : memref<128x64xf32, #tpu.memory_space<vmem>>) dst(%dma_wait3A_694 : memref<10240x64xf32, #tpu.memory_space<vmem_shared>>)
      %add3A_697 = arith.constant 8 : i32
      %add3A_698 = arith.addi %mul3A_365, %add3A_697 : i32
      %add3A_699 = arith.constant 6 : i32
      %add3A_700 = arith.addi %add3A_698, %add3A_699 : i32
      %dma_start3A_701 = arith.constant 6 : i32
      %dma_start3A_702 = arith.constant 0 : i32
      %dma_start3A_703 = tpu.memref_slice %arg5[%add3A_700, %dma_start3A_702] : memref<80x128xi32, #tpu.memory_space<vmem>> -> memref<1x128xi32, #tpu.memory_space<vmem>>
      %dma_start3A_704 = tpu.memref_squeeze %dma_start3A_703 : memref<1x128xi32, #tpu.memory_space<vmem>> -> memref<128xi32, #tpu.memory_space<vmem>>
      %dma_start3A_705 = arith.constant 0 : i32
      %dma_start3A_706 = arith.constant 0 : i32
      %dma_start3A_707 = tpu.memref_slice %arg3[%dma_start3A_705, %dma_start3A_706] : memref<10000x64xf32, #tpu.memory_space<hbm>> -> memref<10000x64xf32, #tpu.memory_space<hbm>>
      %dma_start3A_708 = tpu.memref_slice %arg16[%dma_start3A_701] : memref<8x!tpu.dma_semaphore, #tpu.memory_space<semaphore_mem>> -> memref<1x!tpu.dma_semaphore, #tpu.memory_space<semaphore_mem>>
      %dma_start3A_709 = tpu.memref_squeeze %dma_start3A_708 : memref<1x!tpu.dma_semaphore, #tpu.memory_space<semaphore_mem>> -> memref<!tpu.dma_semaphore, #tpu.memory_space<semaphore_mem>>
      tpu.enqueue_indirect_dma source(%dma_start3A_707 : memref<10000x64xf32, #tpu.memory_space<hbm>>) target(%arg13 : memref<128x64xf32, #tpu.memory_space<vmem>>) offsets(%dma_start3A_704 : memref<128xi32, #tpu.memory_space<vmem>>) semaphore(%dma_start3A_709 : memref<!tpu.dma_semaphore, #tpu.memory_space<semaphore_mem>>)
      %add3A_710 = arith.constant 7 : i32
      %add3A_711 = arith.addi %mul3A_365, %add3A_710 : i32
      %dma_wait3A_712 = arith.constant 7 : i32
      %dma_wait3A_713 = arith.constant 0 : i32
      %dma_wait3A_714 = tpu.memref_slice %arg6[%add3A_711, %dma_wait3A_713] : memref<80x128xi32, #tpu.memory_space<vmem>> -> memref<1x128xi32, #tpu.memory_space<vmem>>
      %dma_wait3A_715 = tpu.memref_squeeze %dma_wait3A_714 : memref<1x128xi32, #tpu.memory_space<vmem>> -> memref<128xi32, #tpu.memory_space<vmem>>
      %dma_wait3A_716 = arith.constant 0 : i32
      %dma_wait3A_717 = arith.constant 0 : i32
      %dma_wait3A_718 = tpu.memref_slice %arg15[%dma_wait3A_716, %dma_wait3A_717] : memref<10240x64xf32, #tpu.memory_space<vmem_shared>> -> memref<10240x64xf32, #tpu.memory_space<vmem_shared>>
      %dma_wait3A_719 = tpu.memref_slice %arg17[%dma_wait3A_712] : memref<8x!tpu.dma_semaphore, #tpu.memory_space<semaphore_mem>> -> memref<1x!tpu.dma_semaphore, #tpu.memory_space<semaphore_mem>>
      %dma_wait3A_720 = tpu.memref_squeeze %dma_wait3A_719 : memref<1x!tpu.dma_semaphore, #tpu.memory_space<semaphore_mem>> -> memref<!tpu.dma_semaphore, #tpu.memory_space<semaphore_mem>>
      tpu.wait_indirect_dma semaphore(%dma_wait3A_720 : memref<!tpu.dma_semaphore, #tpu.memory_space<semaphore_mem>>) src(%arg14 : memref<128x64xf32, #tpu.memory_space<vmem>>) dst(%dma_wait3A_718 : memref<10240x64xf32, #tpu.memory_space<vmem_shared>>)
      %add3A_721 = arith.constant 8 : i32
      %add3A_722 = arith.addi %mul3A_365, %add3A_721 : i32
      %add3A_723 = arith.constant 7 : i32
      %add3A_724 = arith.addi %add3A_722, %add3A_723 : i32
      %dma_start3A_725 = arith.constant 7 : i32
      %dma_start3A_726 = arith.constant 0 : i32
      %dma_start3A_727 = tpu.memref_slice %arg5[%add3A_724, %dma_start3A_726] : memref<80x128xi32, #tpu.memory_space<vmem>> -> memref<1x128xi32, #tpu.memory_space<vmem>>
      %dma_start3A_728 = tpu.memref_squeeze %dma_start3A_727 : memref<1x128xi32, #tpu.memory_space<vmem>> -> memref<128xi32, #tpu.memory_space<vmem>>
      %dma_start3A_729 = arith.constant 0 : i32
      %dma_start3A_730 = arith.constant 0 : i32
      %dma_start3A_731 = tpu.memref_slice %arg3[%dma_start3A_729, %dma_start3A_730] : memref<10000x64xf32, #tpu.memory_space<hbm>> -> memref<10000x64xf32, #tpu.memory_space<hbm>>
      %dma_start3A_732 = tpu.memref_slice %arg16[%dma_start3A_725] : memref<8x!tpu.dma_semaphore, #tpu.memory_space<semaphore_mem>> -> memref<1x!tpu.dma_semaphore, #tpu.memory_space<semaphore_mem>>
      %dma_start3A_733 = tpu.memref_squeeze %dma_start3A_732 : memref<1x!tpu.dma_semaphore, #tpu.memory_space<semaphore_mem>> -> memref<!tpu.dma_semaphore, #tpu.memory_space<semaphore_mem>>
      tpu.enqueue_indirect_dma source(%dma_start3A_731 : memref<10000x64xf32, #tpu.memory_space<hbm>>) target(%arg14 : memref<128x64xf32, #tpu.memory_space<vmem>>) offsets(%dma_start3A_728 : memref<128xi32, #tpu.memory_space<vmem>>) semaphore(%dma_start3A_733 : memref<!tpu.dma_semaphore, #tpu.memory_space<semaphore_mem>>)
      %scan3A_734 = arith.constant 0 : i32
      scf.yield %scan3A_734 : i32
    }
    %scan3A_117 = arith.constant 9 : i32
    %dma_wait3A = arith.constant 72 : i32
    %dma_wait3A_118 = arith.constant 0 : i32
    %dma_wait3A_119 = arith.constant 0 : i32
    %dma_wait3A_120 = tpu.memref_slice %arg5[%dma_wait3A, %dma_wait3A_119] : memref<80x128xi32, #tpu.memory_space<vmem>> -> memref<1x128xi32, #tpu.memory_space<vmem>>
    %dma_wait3A_121 = tpu.memref_squeeze %dma_wait3A_120 : memref<1x128xi32, #tpu.memory_space<vmem>> -> memref<128xi32, #tpu.memory_space<vmem>>
    %dma_wait3A_122 = arith.constant 0 : i32
    %dma_wait3A_123 = arith.constant 0 : i32
    %dma_wait3A_124 = tpu.memref_slice %arg3[%dma_wait3A_122, %dma_wait3A_123] : memref<10000x64xf32, #tpu.memory_space<hbm>> -> memref<10000x64xf32, #tpu.memory_space<hbm>>
    %dma_wait3A_125 = tpu.memref_slice %arg16[%dma_wait3A_118] : memref<8x!tpu.dma_semaphore, #tpu.memory_space<semaphore_mem>> -> memref<1x!tpu.dma_semaphore, #tpu.memory_space<semaphore_mem>>
    %dma_wait3A_126 = tpu.memref_squeeze %dma_wait3A_125 : memref<1x!tpu.dma_semaphore, #tpu.memory_space<semaphore_mem>> -> memref<!tpu.dma_semaphore, #tpu.memory_space<semaphore_mem>>
    tpu.wait_indirect_dma semaphore(%dma_wait3A_126 : memref<!tpu.dma_semaphore, #tpu.memory_space<semaphore_mem>>) src(%dma_wait3A_124 : memref<10000x64xf32, #tpu.memory_space<hbm>>) dst(%arg7 : memref<128x64xf32, #tpu.memory_space<vmem>>)
    %dma_start3A_127 = arith.constant 72 : i32
    %dma_start3A_128 = arith.constant 0 : i32
    %dma_start3A_129 = arith.constant 0 : i32
    %dma_start3A_130 = tpu.memref_slice %arg6[%dma_start3A_127, %dma_start3A_129] : memref<80x128xi32, #tpu.memory_space<vmem>> -> memref<1x128xi32, #tpu.memory_space<vmem>>
    %dma_start3A_131 = tpu.memref_squeeze %dma_start3A_130 : memref<1x128xi32, #tpu.memory_space<vmem>> -> memref<128xi32, #tpu.memory_space<vmem>>
    %dma_start3A_132 = arith.constant 0 : i32
    %dma_start3A_133 = arith.constant 0 : i32
    %dma_start3A_134 = tpu.memref_slice %arg15[%dma_start3A_132, %dma_start3A_133] : memref<10240x64xf32, #tpu.memory_space<vmem_shared>> -> memref<10240x64xf32, #tpu.memory_space<vmem_shared>>
    %dma_start3A_135 = tpu.memref_slice %arg17[%dma_start3A_128] : memref<8x!tpu.dma_semaphore, #tpu.memory_space<semaphore_mem>> -> memref<1x!tpu.dma_semaphore, #tpu.memory_space<semaphore_mem>>
    %dma_start3A_136 = tpu.memref_squeeze %dma_start3A_135 : memref<1x!tpu.dma_semaphore, #tpu.memory_space<semaphore_mem>> -> memref<!tpu.dma_semaphore, #tpu.memory_space<semaphore_mem>>
    tpu.enqueue_indirect_dma source(%arg7 : memref<128x64xf32, #tpu.memory_space<vmem>>) target(%dma_start3A_134 : memref<10240x64xf32, #tpu.memory_space<vmem_shared>>) offsets(%dma_start3A_131 : memref<128xi32, #tpu.memory_space<vmem>>) semaphore(%dma_start3A_136 : memref<!tpu.dma_semaphore, #tpu.memory_space<semaphore_mem>>) {add = true}
    %dma_wait3A_137 = arith.constant 73 : i32
    %dma_wait3A_138 = arith.constant 1 : i32
    %dma_wait3A_139 = arith.constant 0 : i32
    %dma_wait3A_140 = tpu.memref_slice %arg5[%dma_wait3A_137, %dma_wait3A_139] : memref<80x128xi32, #tpu.memory_space<vmem>> -> memref<1x128xi32, #tpu.memory_space<vmem>>
    %dma_wait3A_141 = tpu.memref_squeeze %dma_wait3A_140 : memref<1x128xi32, #tpu.memory_space<vmem>> -> memref<128xi32, #tpu.memory_space<vmem>>
    %dma_wait3A_142 = arith.constant 0 : i32
    %dma_wait3A_143 = arith.constant 0 : i32
    %dma_wait3A_144 = tpu.memref_slice %arg3[%dma_wait3A_142, %dma_wait3A_143] : memref<10000x64xf32, #tpu.memory_space<hbm>> -> memref<10000x64xf32, #tpu.memory_space<hbm>>
    %dma_wait3A_145 = tpu.memref_slice %arg16[%dma_wait3A_138] : memref<8x!tpu.dma_semaphore, #tpu.memory_space<semaphore_mem>> -> memref<1x!tpu.dma_semaphore, #tpu.memory_space<semaphore_mem>>
    %dma_wait3A_146 = tpu.memref_squeeze %dma_wait3A_145 : memref<1x!tpu.dma_semaphore, #tpu.memory_space<semaphore_mem>> -> memref<!tpu.dma_semaphore, #tpu.memory_space<semaphore_mem>>
    tpu.wait_indirect_dma semaphore(%dma_wait3A_146 : memref<!tpu.dma_semaphore, #tpu.memory_space<semaphore_mem>>) src(%dma_wait3A_144 : memref<10000x64xf32, #tpu.memory_space<hbm>>) dst(%arg8 : memref<128x64xf32, #tpu.memory_space<vmem>>)
    %dma_start3A_147 = arith.constant 73 : i32
    %dma_start3A_148 = arith.constant 1 : i32
    %dma_start3A_149 = arith.constant 0 : i32
    %dma_start3A_150 = tpu.memref_slice %arg6[%dma_start3A_147, %dma_start3A_149] : memref<80x128xi32, #tpu.memory_space<vmem>> -> memref<1x128xi32, #tpu.memory_space<vmem>>
    %dma_start3A_151 = tpu.memref_squeeze %dma_start3A_150 : memref<1x128xi32, #tpu.memory_space<vmem>> -> memref<128xi32, #tpu.memory_space<vmem>>
    %dma_start3A_152 = arith.constant 0 : i32
    %dma_start3A_153 = arith.constant 0 : i32
    %dma_start3A_154 = tpu.memref_slice %arg15[%dma_start3A_152, %dma_start3A_153] : memref<10240x64xf32, #tpu.memory_space<vmem_shared>> -> memref<10240x64xf32, #tpu.memory_space<vmem_shared>>
    %dma_start3A_155 = tpu.memref_slice %arg17[%dma_start3A_148] : memref<8x!tpu.dma_semaphore, #tpu.memory_space<semaphore_mem>> -> memref<1x!tpu.dma_semaphore, #tpu.memory_space<semaphore_mem>>
    %dma_start3A_156 = tpu.memref_squeeze %dma_start3A_155 : memref<1x!tpu.dma_semaphore, #tpu.memory_space<semaphore_mem>> -> memref<!tpu.dma_semaphore, #tpu.memory_space<semaphore_mem>>
    tpu.enqueue_indirect_dma source(%arg8 : memref<128x64xf32, #tpu.memory_space<vmem>>) target(%dma_start3A_154 : memref<10240x64xf32, #tpu.memory_space<vmem_shared>>) offsets(%dma_start3A_151 : memref<128xi32, #tpu.memory_space<vmem>>) semaphore(%dma_start3A_156 : memref<!tpu.dma_semaphore, #tpu.memory_space<semaphore_mem>>) {add = true}
    %dma_wait3A_157 = arith.constant 74 : i32
    %dma_wait3A_158 = arith.constant 2 : i32
    %dma_wait3A_159 = arith.constant 0 : i32
    %dma_wait3A_160 = tpu.memref_slice %arg5[%dma_wait3A_157, %dma_wait3A_159] : memref<80x128xi32, #tpu.memory_space<vmem>> -> memref<1x128xi32, #tpu.memory_space<vmem>>
    %dma_wait3A_161 = tpu.memref_squeeze %dma_wait3A_160 : memref<1x128xi32, #tpu.memory_space<vmem>> -> memref<128xi32, #tpu.memory_space<vmem>>
    %dma_wait3A_162 = arith.constant 0 : i32
    %dma_wait3A_163 = arith.constant 0 : i32
    %dma_wait3A_164 = tpu.memref_slice %arg3[%dma_wait3A_162, %dma_wait3A_163] : memref<10000x64xf32, #tpu.memory_space<hbm>> -> memref<10000x64xf32, #tpu.memory_space<hbm>>
    %dma_wait3A_165 = tpu.memref_slice %arg16[%dma_wait3A_158] : memref<8x!tpu.dma_semaphore, #tpu.memory_space<semaphore_mem>> -> memref<1x!tpu.dma_semaphore, #tpu.memory_space<semaphore_mem>>
    %dma_wait3A_166 = tpu.memref_squeeze %dma_wait3A_165 : memref<1x!tpu.dma_semaphore, #tpu.memory_space<semaphore_mem>> -> memref<!tpu.dma_semaphore, #tpu.memory_space<semaphore_mem>>
    tpu.wait_indirect_dma semaphore(%dma_wait3A_166 : memref<!tpu.dma_semaphore, #tpu.memory_space<semaphore_mem>>) src(%dma_wait3A_164 : memref<10000x64xf32, #tpu.memory_space<hbm>>) dst(%arg9 : memref<128x64xf32, #tpu.memory_space<vmem>>)
    %dma_start3A_167 = arith.constant 74 : i32
    %dma_start3A_168 = arith.constant 2 : i32
    %dma_start3A_169 = arith.constant 0 : i32
    %dma_start3A_170 = tpu.memref_slice %arg6[%dma_start3A_167, %dma_start3A_169] : memref<80x128xi32, #tpu.memory_space<vmem>> -> memref<1x128xi32, #tpu.memory_space<vmem>>
    %dma_start3A_171 = tpu.memref_squeeze %dma_start3A_170 : memref<1x128xi32, #tpu.memory_space<vmem>> -> memref<128xi32, #tpu.memory_space<vmem>>
    %dma_start3A_172 = arith.constant 0 : i32
    %dma_start3A_173 = arith.constant 0 : i32
    %dma_start3A_174 = tpu.memref_slice %arg15[%dma_start3A_172, %dma_start3A_173] : memref<10240x64xf32, #tpu.memory_space<vmem_shared>> -> memref<10240x64xf32, #tpu.memory_space<vmem_shared>>
    %dma_start3A_175 = tpu.memref_slice %arg17[%dma_start3A_168] : memref<8x!tpu.dma_semaphore, #tpu.memory_space<semaphore_mem>> -> memref<1x!tpu.dma_semaphore, #tpu.memory_space<semaphore_mem>>
    %dma_start3A_176 = tpu.memref_squeeze %dma_start3A_175 : memref<1x!tpu.dma_semaphore, #tpu.memory_space<semaphore_mem>> -> memref<!tpu.dma_semaphore, #tpu.memory_space<semaphore_mem>>
    tpu.enqueue_indirect_dma source(%arg9 : memref<128x64xf32, #tpu.memory_space<vmem>>) target(%dma_start3A_174 : memref<10240x64xf32, #tpu.memory_space<vmem_shared>>) offsets(%dma_start3A_171 : memref<128xi32, #tpu.memory_space<vmem>>) semaphore(%dma_start3A_176 : memref<!tpu.dma_semaphore, #tpu.memory_space<semaphore_mem>>) {add = true}
    %dma_wait3A_177 = arith.constant 75 : i32
    %dma_wait3A_178 = arith.constant 3 : i32
    %dma_wait3A_179 = arith.constant 0 : i32
    %dma_wait3A_180 = tpu.memref_slice %arg5[%dma_wait3A_177, %dma_wait3A_179] : memref<80x128xi32, #tpu.memory_space<vmem>> -> memref<1x128xi32, #tpu.memory_space<vmem>>
    %dma_wait3A_181 = tpu.memref_squeeze %dma_wait3A_180 : memref<1x128xi32, #tpu.memory_space<vmem>> -> memref<128xi32, #tpu.memory_space<vmem>>
    %dma_wait3A_182 = arith.constant 0 : i32
    %dma_wait3A_183 = arith.constant 0 : i32
    %dma_wait3A_184 = tpu.memref_slice %arg3[%dma_wait3A_182, %dma_wait3A_183] : memref<10000x64xf32, #tpu.memory_space<hbm>> -> memref<10000x64xf32, #tpu.memory_space<hbm>>
    %dma_wait3A_185 = tpu.memref_slice %arg16[%dma_wait3A_178] : memref<8x!tpu.dma_semaphore, #tpu.memory_space<semaphore_mem>> -> memref<1x!tpu.dma_semaphore, #tpu.memory_space<semaphore_mem>>
    %dma_wait3A_186 = tpu.memref_squeeze %dma_wait3A_185 : memref<1x!tpu.dma_semaphore, #tpu.memory_space<semaphore_mem>> -> memref<!tpu.dma_semaphore, #tpu.memory_space<semaphore_mem>>
    tpu.wait_indirect_dma semaphore(%dma_wait3A_186 : memref<!tpu.dma_semaphore, #tpu.memory_space<semaphore_mem>>) src(%dma_wait3A_184 : memref<10000x64xf32, #tpu.memory_space<hbm>>) dst(%arg10 : memref<128x64xf32, #tpu.memory_space<vmem>>)
    %dma_start3A_187 = arith.constant 75 : i32
    %dma_start3A_188 = arith.constant 3 : i32
    %dma_start3A_189 = arith.constant 0 : i32
    %dma_start3A_190 = tpu.memref_slice %arg6[%dma_start3A_187, %dma_start3A_189] : memref<80x128xi32, #tpu.memory_space<vmem>> -> memref<1x128xi32, #tpu.memory_space<vmem>>
    %dma_start3A_191 = tpu.memref_squeeze %dma_start3A_190 : memref<1x128xi32, #tpu.memory_space<vmem>> -> memref<128xi32, #tpu.memory_space<vmem>>
    %dma_start3A_192 = arith.constant 0 : i32
    %dma_start3A_193 = arith.constant 0 : i32
    %dma_start3A_194 = tpu.memref_slice %arg15[%dma_start3A_192, %dma_start3A_193] : memref<10240x64xf32, #tpu.memory_space<vmem_shared>> -> memref<10240x64xf32, #tpu.memory_space<vmem_shared>>
    %dma_start3A_195 = tpu.memref_slice %arg17[%dma_start3A_188] : memref<8x!tpu.dma_semaphore, #tpu.memory_space<semaphore_mem>> -> memref<1x!tpu.dma_semaphore, #tpu.memory_space<semaphore_mem>>
    %dma_start3A_196 = tpu.memref_squeeze %dma_start3A_195 : memref<1x!tpu.dma_semaphore, #tpu.memory_space<semaphore_mem>> -> memref<!tpu.dma_semaphore, #tpu.memory_space<semaphore_mem>>
    tpu.enqueue_indirect_dma source(%arg10 : memref<128x64xf32, #tpu.memory_space<vmem>>) target(%dma_start3A_194 : memref<10240x64xf32, #tpu.memory_space<vmem_shared>>) offsets(%dma_start3A_191 : memref<128xi32, #tpu.memory_space<vmem>>) semaphore(%dma_start3A_196 : memref<!tpu.dma_semaphore, #tpu.memory_space<semaphore_mem>>) {add = true}
    %dma_wait3A_197 = arith.constant 76 : i32
    %dma_wait3A_198 = arith.constant 4 : i32
    %dma_wait3A_199 = arith.constant 0 : i32
    %dma_wait3A_200 = tpu.memref_slice %arg5[%dma_wait3A_197, %dma_wait3A_199] : memref<80x128xi32, #tpu.memory_space<vmem>> -> memref<1x128xi32, #tpu.memory_space<vmem>>
    %dma_wait3A_201 = tpu.memref_squeeze %dma_wait3A_200 : memref<1x128xi32, #tpu.memory_space<vmem>> -> memref<128xi32, #tpu.memory_space<vmem>>
    %dma_wait3A_202 = arith.constant 0 : i32
    %dma_wait3A_203 = arith.constant 0 : i32
    %dma_wait3A_204 = tpu.memref_slice %arg3[%dma_wait3A_202, %dma_wait3A_203] : memref<10000x64xf32, #tpu.memory_space<hbm>> -> memref<10000x64xf32, #tpu.memory_space<hbm>>
    %dma_wait3A_205 = tpu.memref_slice %arg16[%dma_wait3A_198] : memref<8x!tpu.dma_semaphore, #tpu.memory_space<semaphore_mem>> -> memref<1x!tpu.dma_semaphore, #tpu.memory_space<semaphore_mem>>
    %dma_wait3A_206 = tpu.memref_squeeze %dma_wait3A_205 : memref<1x!tpu.dma_semaphore, #tpu.memory_space<semaphore_mem>> -> memref<!tpu.dma_semaphore, #tpu.memory_space<semaphore_mem>>
    tpu.wait_indirect_dma semaphore(%dma_wait3A_206 : memref<!tpu.dma_semaphore, #tpu.memory_space<semaphore_mem>>) src(%dma_wait3A_204 : memref<10000x64xf32, #tpu.memory_space<hbm>>) dst(%arg11 : memref<128x64xf32, #tpu.memory_space<vmem>>)
    %dma_start3A_207 = arith.constant 76 : i32
    %dma_start3A_208 = arith.constant 4 : i32
    %dma_start3A_209 = arith.constant 0 : i32
    %dma_start3A_210 = tpu.memref_slice %arg6[%dma_start3A_207, %dma_start3A_209] : memref<80x128xi32, #tpu.memory_space<vmem>> -> memref<1x128xi32, #tpu.memory_space<vmem>>
    %dma_start3A_211 = tpu.memref_squeeze %dma_start3A_210 : memref<1x128xi32, #tpu.memory_space<vmem>> -> memref<128xi32, #tpu.memory_space<vmem>>
    %dma_start3A_212 = arith.constant 0 : i32
    %dma_start3A_213 = arith.constant 0 : i32
    %dma_start3A_214 = tpu.memref_slice %arg15[%dma_start3A_212, %dma_start3A_213] : memref<10240x64xf32, #tpu.memory_space<vmem_shared>> -> memref<10240x64xf32, #tpu.memory_space<vmem_shared>>
    %dma_start3A_215 = tpu.memref_slice %arg17[%dma_start3A_208] : memref<8x!tpu.dma_semaphore, #tpu.memory_space<semaphore_mem>> -> memref<1x!tpu.dma_semaphore, #tpu.memory_space<semaphore_mem>>
    %dma_start3A_216 = tpu.memref_squeeze %dma_start3A_215 : memref<1x!tpu.dma_semaphore, #tpu.memory_space<semaphore_mem>> -> memref<!tpu.dma_semaphore, #tpu.memory_space<semaphore_mem>>
    tpu.enqueue_indirect_dma source(%arg11 : memref<128x64xf32, #tpu.memory_space<vmem>>) target(%dma_start3A_214 : memref<10240x64xf32, #tpu.memory_space<vmem_shared>>) offsets(%dma_start3A_211 : memref<128xi32, #tpu.memory_space<vmem>>) semaphore(%dma_start3A_216 : memref<!tpu.dma_semaphore, #tpu.memory_space<semaphore_mem>>) {add = true}
    %dma_wait3A_217 = arith.constant 77 : i32
    %dma_wait3A_218 = arith.constant 5 : i32
    %dma_wait3A_219 = arith.constant 0 : i32
    %dma_wait3A_220 = tpu.memref_slice %arg5[%dma_wait3A_217, %dma_wait3A_219] : memref<80x128xi32, #tpu.memory_space<vmem>> -> memref<1x128xi32, #tpu.memory_space<vmem>>
    %dma_wait3A_221 = tpu.memref_squeeze %dma_wait3A_220 : memref<1x128xi32, #tpu.memory_space<vmem>> -> memref<128xi32, #tpu.memory_space<vmem>>
    %dma_wait3A_222 = arith.constant 0 : i32
    %dma_wait3A_223 = arith.constant 0 : i32
    %dma_wait3A_224 = tpu.memref_slice %arg3[%dma_wait3A_222, %dma_wait3A_223] : memref<10000x64xf32, #tpu.memory_space<hbm>> -> memref<10000x64xf32, #tpu.memory_space<hbm>>
    %dma_wait3A_225 = tpu.memref_slice %arg16[%dma_wait3A_218] : memref<8x!tpu.dma_semaphore, #tpu.memory_space<semaphore_mem>> -> memref<1x!tpu.dma_semaphore, #tpu.memory_space<semaphore_mem>>
    %dma_wait3A_226 = tpu.memref_squeeze %dma_wait3A_225 : memref<1x!tpu.dma_semaphore, #tpu.memory_space<semaphore_mem>> -> memref<!tpu.dma_semaphore, #tpu.memory_space<semaphore_mem>>
    tpu.wait_indirect_dma semaphore(%dma_wait3A_226 : memref<!tpu.dma_semaphore, #tpu.memory_space<semaphore_mem>>) src(%dma_wait3A_224 : memref<10000x64xf32, #tpu.memory_space<hbm>>) dst(%arg12 : memref<128x64xf32, #tpu.memory_space<vmem>>)
    %dma_start3A_227 = arith.constant 77 : i32
    %dma_start3A_228 = arith.constant 5 : i32
    %dma_start3A_229 = arith.constant 0 : i32
    %dma_start3A_230 = tpu.memref_slice %arg6[%dma_start3A_227, %dma_start3A_229] : memref<80x128xi32, #tpu.memory_space<vmem>> -> memref<1x128xi32, #tpu.memory_space<vmem>>
    %dma_start3A_231 = tpu.memref_squeeze %dma_start3A_230 : memref<1x128xi32, #tpu.memory_space<vmem>> -> memref<128xi32, #tpu.memory_space<vmem>>
    %dma_start3A_232 = arith.constant 0 : i32
    %dma_start3A_233 = arith.constant 0 : i32
    %dma_start3A_234 = tpu.memref_slice %arg15[%dma_start3A_232, %dma_start3A_233] : memref<10240x64xf32, #tpu.memory_space<vmem_shared>> -> memref<10240x64xf32, #tpu.memory_space<vmem_shared>>
    %dma_start3A_235 = tpu.memref_slice %arg17[%dma_start3A_228] : memref<8x!tpu.dma_semaphore, #tpu.memory_space<semaphore_mem>> -> memref<1x!tpu.dma_semaphore, #tpu.memory_space<semaphore_mem>>
    %dma_start3A_236 = tpu.memref_squeeze %dma_start3A_235 : memref<1x!tpu.dma_semaphore, #tpu.memory_space<semaphore_mem>> -> memref<!tpu.dma_semaphore, #tpu.memory_space<semaphore_mem>>
    tpu.enqueue_indirect_dma source(%arg12 : memref<128x64xf32, #tpu.memory_space<vmem>>) target(%dma_start3A_234 : memref<10240x64xf32, #tpu.memory_space<vmem_shared>>) offsets(%dma_start3A_231 : memref<128xi32, #tpu.memory_space<vmem>>) semaphore(%dma_start3A_236 : memref<!tpu.dma_semaphore, #tpu.memory_space<semaphore_mem>>) {add = true}
    %dma_wait3A_237 = arith.constant 78 : i32
    %dma_wait3A_238 = arith.constant 6 : i32
    %dma_wait3A_239 = arith.constant 0 : i32
    %dma_wait3A_240 = tpu.memref_slice %arg5[%dma_wait3A_237, %dma_wait3A_239] : memref<80x128xi32, #tpu.memory_space<vmem>> -> memref<1x128xi32, #tpu.memory_space<vmem>>
    %dma_wait3A_241 = tpu.memref_squeeze %dma_wait3A_240 : memref<1x128xi32, #tpu.memory_space<vmem>> -> memref<128xi32, #tpu.memory_space<vmem>>
    %dma_wait3A_242 = arith.constant 0 : i32
    %dma_wait3A_243 = arith.constant 0 : i32
    %dma_wait3A_244 = tpu.memref_slice %arg3[%dma_wait3A_242, %dma_wait3A_243] : memref<10000x64xf32, #tpu.memory_space<hbm>> -> memref<10000x64xf32, #tpu.memory_space<hbm>>
    %dma_wait3A_245 = tpu.memref_slice %arg16[%dma_wait3A_238] : memref<8x!tpu.dma_semaphore, #tpu.memory_space<semaphore_mem>> -> memref<1x!tpu.dma_semaphore, #tpu.memory_space<semaphore_mem>>
    %dma_wait3A_246 = tpu.memref_squeeze %dma_wait3A_245 : memref<1x!tpu.dma_semaphore, #tpu.memory_space<semaphore_mem>> -> memref<!tpu.dma_semaphore, #tpu.memory_space<semaphore_mem>>
    tpu.wait_indirect_dma semaphore(%dma_wait3A_246 : memref<!tpu.dma_semaphore, #tpu.memory_space<semaphore_mem>>) src(%dma_wait3A_244 : memref<10000x64xf32, #tpu.memory_space<hbm>>) dst(%arg13 : memref<128x64xf32, #tpu.memory_space<vmem>>)
    %dma_start3A_247 = arith.constant 78 : i32
    %dma_start3A_248 = arith.constant 6 : i32
    %dma_start3A_249 = arith.constant 0 : i32
    %dma_start3A_250 = tpu.memref_slice %arg6[%dma_start3A_247, %dma_start3A_249] : memref<80x128xi32, #tpu.memory_space<vmem>> -> memref<1x128xi32, #tpu.memory_space<vmem>>
    %dma_start3A_251 = tpu.memref_squeeze %dma_start3A_250 : memref<1x128xi32, #tpu.memory_space<vmem>> -> memref<128xi32, #tpu.memory_space<vmem>>
    %dma_start3A_252 = arith.constant 0 : i32
    %dma_start3A_253 = arith.constant 0 : i32
    %dma_start3A_254 = tpu.memref_slice %arg15[%dma_start3A_252, %dma_start3A_253] : memref<10240x64xf32, #tpu.memory_space<vmem_shared>> -> memref<10240x64xf32, #tpu.memory_space<vmem_shared>>
    %dma_start3A_255 = tpu.memref_slice %arg17[%dma_start3A_248] : memref<8x!tpu.dma_semaphore, #tpu.memory_space<semaphore_mem>> -> memref<1x!tpu.dma_semaphore, #tpu.memory_space<semaphore_mem>>
    %dma_start3A_256 = tpu.memref_squeeze %dma_start3A_255 : memref<1x!tpu.dma_semaphore, #tpu.memory_space<semaphore_mem>> -> memref<!tpu.dma_semaphore, #tpu.memory_space<semaphore_mem>>
    tpu.enqueue_indirect_dma source(%arg13 : memref<128x64xf32, #tpu.memory_space<vmem>>) target(%dma_start3A_254 : memref<10240x64xf32, #tpu.memory_space<vmem_shared>>) offsets(%dma_start3A_251 : memref<128xi32, #tpu.memory_space<vmem>>) semaphore(%dma_start3A_256 : memref<!tpu.dma_semaphore, #tpu.memory_space<semaphore_mem>>) {add = true}
    %dma_wait3A_257 = arith.constant 79 : i32
    %dma_wait3A_258 = arith.constant 7 : i32
    %dma_wait3A_259 = arith.constant 0 : i32
    %dma_wait3A_260 = tpu.memref_slice %arg5[%dma_wait3A_257, %dma_wait3A_259] : memref<80x128xi32, #tpu.memory_space<vmem>> -> memref<1x128xi32, #tpu.memory_space<vmem>>
    %dma_wait3A_261 = tpu.memref_squeeze %dma_wait3A_260 : memref<1x128xi32, #tpu.memory_space<vmem>> -> memref<128xi32, #tpu.memory_space<vmem>>
    %dma_wait3A_262 = arith.constant 0 : i32
    %dma_wait3A_263 = arith.constant 0 : i32
    %dma_wait3A_264 = tpu.memref_slice %arg3[%dma_wait3A_262, %dma_wait3A_263] : memref<10000x64xf32, #tpu.memory_space<hbm>> -> memref<10000x64xf32, #tpu.memory_space<hbm>>
    %dma_wait3A_265 = tpu.memref_slice %arg16[%dma_wait3A_258] : memref<8x!tpu.dma_semaphore, #tpu.memory_space<semaphore_mem>> -> memref<1x!tpu.dma_semaphore, #tpu.memory_space<semaphore_mem>>
    %dma_wait3A_266 = tpu.memref_squeeze %dma_wait3A_265 : memref<1x!tpu.dma_semaphore, #tpu.memory_space<semaphore_mem>> -> memref<!tpu.dma_semaphore, #tpu.memory_space<semaphore_mem>>
    tpu.wait_indirect_dma semaphore(%dma_wait3A_266 : memref<!tpu.dma_semaphore, #tpu.memory_space<semaphore_mem>>) src(%dma_wait3A_264 : memref<10000x64xf32, #tpu.memory_space<hbm>>) dst(%arg14 : memref<128x64xf32, #tpu.memory_space<vmem>>)
    %dma_start3A_267 = arith.constant 79 : i32
    %dma_start3A_268 = arith.constant 7 : i32
    %dma_start3A_269 = arith.constant 0 : i32
    %dma_start3A_270 = tpu.memref_slice %arg6[%dma_start3A_267, %dma_start3A_269] : memref<80x128xi32, #tpu.memory_space<vmem>> -> memref<1x128xi32, #tpu.memory_space<vmem>>
    %dma_start3A_271 = tpu.memref_squeeze %dma_start3A_270 : memref<1x128xi32, #tpu.memory_space<vmem>> -> memref<128xi32, #tpu.memory_space<vmem>>
    %dma_start3A_272 = arith.constant 0 : i32
    %dma_start3A_273 = arith.constant 0 : i32
    %dma_start3A_274 = tpu.memref_slice %arg15[%dma_start3A_272, %dma_start3A_273] : memref<10240x64xf32, #tpu.memory_space<vmem_shared>> -> memref<10240x64xf32, #tpu.memory_space<vmem_shared>>
    %dma_start3A_275 = tpu.memref_slice %arg17[%dma_start3A_268] : memref<8x!tpu.dma_semaphore, #tpu.memory_space<semaphore_mem>> -> memref<1x!tpu.dma_semaphore, #tpu.memory_space<semaphore_mem>>
    %dma_start3A_276 = tpu.memref_squeeze %dma_start3A_275 : memref<1x!tpu.dma_semaphore, #tpu.memory_space<semaphore_mem>> -> memref<!tpu.dma_semaphore, #tpu.memory_space<semaphore_mem>>
    tpu.enqueue_indirect_dma source(%arg14 : memref<128x64xf32, #tpu.memory_space<vmem>>) target(%dma_start3A_274 : memref<10240x64xf32, #tpu.memory_space<vmem_shared>>) offsets(%dma_start3A_271 : memref<128xi32, #tpu.memory_space<vmem>>) semaphore(%dma_start3A_276 : memref<!tpu.dma_semaphore, #tpu.memory_space<semaphore_mem>>) {add = true}
    %dma_wait3A_277 = arith.constant 72 : i32
    %dma_wait3A_278 = arith.constant 0 : i32
    %dma_wait3A_279 = arith.constant 0 : i32
    %dma_wait3A_280 = tpu.memref_slice %arg6[%dma_wait3A_277, %dma_wait3A_279] : memref<80x128xi32, #tpu.memory_space<vmem>> -> memref<1x128xi32, #tpu.memory_space<vmem>>
    %dma_wait3A_281 = tpu.memref_squeeze %dma_wait3A_280 : memref<1x128xi32, #tpu.memory_space<vmem>> -> memref<128xi32, #tpu.memory_space<vmem>>
    %dma_wait3A_282 = arith.constant 0 : i32
    %dma_wait3A_283 = arith.constant 0 : i32
    %dma_wait3A_284 = tpu.memref_slice %arg15[%dma_wait3A_282, %dma_wait3A_283] : memref<10240x64xf32, #tpu.memory_space<vmem_shared>> -> memref<10240x64xf32, #tpu.memory_space<vmem_shared>>
    %dma_wait3A_285 = tpu.memref_slice %arg17[%dma_wait3A_278] : memref<8x!tpu.dma_semaphore, #tpu.memory_space<semaphore_mem>> -> memref<1x!tpu.dma_semaphore, #tpu.memory_space<semaphore_mem>>
    %dma_wait3A_286 = tpu.memref_squeeze %dma_wait3A_285 : memref<1x!tpu.dma_semaphore, #tpu.memory_space<semaphore_mem>> -> memref<!tpu.dma_semaphore, #tpu.memory_space<semaphore_mem>>
    tpu.wait_indirect_dma semaphore(%dma_wait3A_286 : memref<!tpu.dma_semaphore, #tpu.memory_space<semaphore_mem>>) src(%arg7 : memref<128x64xf32, #tpu.memory_space<vmem>>) dst(%dma_wait3A_284 : memref<10240x64xf32, #tpu.memory_space<vmem_shared>>)
    %dma_wait3A_287 = arith.constant 73 : i32
    %dma_wait3A_288 = arith.constant 1 : i32
    %dma_wait3A_289 = arith.constant 0 : i32
    %dma_wait3A_290 = tpu.memref_slice %arg6[%dma_wait3A_287, %dma_wait3A_289] : memref<80x128xi32, #tpu.memory_space<vmem>> -> memref<1x128xi32, #tpu.memory_space<vmem>>
    %dma_wait3A_291 = tpu.memref_squeeze %dma_wait3A_290 : memref<1x128xi32, #tpu.memory_space<vmem>> -> memref<128xi32, #tpu.memory_space<vmem>>
    %dma_wait3A_292 = arith.constant 0 : i32
    %dma_wait3A_293 = arith.constant 0 : i32
    %dma_wait3A_294 = tpu.memref_slice %arg15[%dma_wait3A_292, %dma_wait3A_293] : memref<10240x64xf32, #tpu.memory_space<vmem_shared>> -> memref<10240x64xf32, #tpu.memory_space<vmem_shared>>
    %dma_wait3A_295 = tpu.memref_slice %arg17[%dma_wait3A_288] : memref<8x!tpu.dma_semaphore, #tpu.memory_space<semaphore_mem>> -> memref<1x!tpu.dma_semaphore, #tpu.memory_space<semaphore_mem>>
    %dma_wait3A_296 = tpu.memref_squeeze %dma_wait3A_295 : memref<1x!tpu.dma_semaphore, #tpu.memory_space<semaphore_mem>> -> memref<!tpu.dma_semaphore, #tpu.memory_space<semaphore_mem>>
    tpu.wait_indirect_dma semaphore(%dma_wait3A_296 : memref<!tpu.dma_semaphore, #tpu.memory_space<semaphore_mem>>) src(%arg8 : memref<128x64xf32, #tpu.memory_space<vmem>>) dst(%dma_wait3A_294 : memref<10240x64xf32, #tpu.memory_space<vmem_shared>>)
    %dma_wait3A_297 = arith.constant 74 : i32
    %dma_wait3A_298 = arith.constant 2 : i32
    %dma_wait3A_299 = arith.constant 0 : i32
    %dma_wait3A_300 = tpu.memref_slice %arg6[%dma_wait3A_297, %dma_wait3A_299] : memref<80x128xi32, #tpu.memory_space<vmem>> -> memref<1x128xi32, #tpu.memory_space<vmem>>
    %dma_wait3A_301 = tpu.memref_squeeze %dma_wait3A_300 : memref<1x128xi32, #tpu.memory_space<vmem>> -> memref<128xi32, #tpu.memory_space<vmem>>
    %dma_wait3A_302 = arith.constant 0 : i32
    %dma_wait3A_303 = arith.constant 0 : i32
    %dma_wait3A_304 = tpu.memref_slice %arg15[%dma_wait3A_302, %dma_wait3A_303] : memref<10240x64xf32, #tpu.memory_space<vmem_shared>> -> memref<10240x64xf32, #tpu.memory_space<vmem_shared>>
    %dma_wait3A_305 = tpu.memref_slice %arg17[%dma_wait3A_298] : memref<8x!tpu.dma_semaphore, #tpu.memory_space<semaphore_mem>> -> memref<1x!tpu.dma_semaphore, #tpu.memory_space<semaphore_mem>>
    %dma_wait3A_306 = tpu.memref_squeeze %dma_wait3A_305 : memref<1x!tpu.dma_semaphore, #tpu.memory_space<semaphore_mem>> -> memref<!tpu.dma_semaphore, #tpu.memory_space<semaphore_mem>>
    tpu.wait_indirect_dma semaphore(%dma_wait3A_306 : memref<!tpu.dma_semaphore, #tpu.memory_space<semaphore_mem>>) src(%arg9 : memref<128x64xf32, #tpu.memory_space<vmem>>) dst(%dma_wait3A_304 : memref<10240x64xf32, #tpu.memory_space<vmem_shared>>)
    %dma_wait3A_307 = arith.constant 75 : i32
    %dma_wait3A_308 = arith.constant 3 : i32
    %dma_wait3A_309 = arith.constant 0 : i32
    %dma_wait3A_310 = tpu.memref_slice %arg6[%dma_wait3A_307, %dma_wait3A_309] : memref<80x128xi32, #tpu.memory_space<vmem>> -> memref<1x128xi32, #tpu.memory_space<vmem>>
    %dma_wait3A_311 = tpu.memref_squeeze %dma_wait3A_310 : memref<1x128xi32, #tpu.memory_space<vmem>> -> memref<128xi32, #tpu.memory_space<vmem>>
    %dma_wait3A_312 = arith.constant 0 : i32
    %dma_wait3A_313 = arith.constant 0 : i32
    %dma_wait3A_314 = tpu.memref_slice %arg15[%dma_wait3A_312, %dma_wait3A_313] : memref<10240x64xf32, #tpu.memory_space<vmem_shared>> -> memref<10240x64xf32, #tpu.memory_space<vmem_shared>>
    %dma_wait3A_315 = tpu.memref_slice %arg17[%dma_wait3A_308] : memref<8x!tpu.dma_semaphore, #tpu.memory_space<semaphore_mem>> -> memref<1x!tpu.dma_semaphore, #tpu.memory_space<semaphore_mem>>
    %dma_wait3A_316 = tpu.memref_squeeze %dma_wait3A_315 : memref<1x!tpu.dma_semaphore, #tpu.memory_space<semaphore_mem>> -> memref<!tpu.dma_semaphore, #tpu.memory_space<semaphore_mem>>
    tpu.wait_indirect_dma semaphore(%dma_wait3A_316 : memref<!tpu.dma_semaphore, #tpu.memory_space<semaphore_mem>>) src(%arg10 : memref<128x64xf32, #tpu.memory_space<vmem>>) dst(%dma_wait3A_314 : memref<10240x64xf32, #tpu.memory_space<vmem_shared>>)
    %dma_wait3A_317 = arith.constant 76 : i32
    %dma_wait3A_318 = arith.constant 4 : i32
    %dma_wait3A_319 = arith.constant 0 : i32
    %dma_wait3A_320 = tpu.memref_slice %arg6[%dma_wait3A_317, %dma_wait3A_319] : memref<80x128xi32, #tpu.memory_space<vmem>> -> memref<1x128xi32, #tpu.memory_space<vmem>>
    %dma_wait3A_321 = tpu.memref_squeeze %dma_wait3A_320 : memref<1x128xi32, #tpu.memory_space<vmem>> -> memref<128xi32, #tpu.memory_space<vmem>>
    %dma_wait3A_322 = arith.constant 0 : i32
    %dma_wait3A_323 = arith.constant 0 : i32
    %dma_wait3A_324 = tpu.memref_slice %arg15[%dma_wait3A_322, %dma_wait3A_323] : memref<10240x64xf32, #tpu.memory_space<vmem_shared>> -> memref<10240x64xf32, #tpu.memory_space<vmem_shared>>
    %dma_wait3A_325 = tpu.memref_slice %arg17[%dma_wait3A_318] : memref<8x!tpu.dma_semaphore, #tpu.memory_space<semaphore_mem>> -> memref<1x!tpu.dma_semaphore, #tpu.memory_space<semaphore_mem>>
    %dma_wait3A_326 = tpu.memref_squeeze %dma_wait3A_325 : memref<1x!tpu.dma_semaphore, #tpu.memory_space<semaphore_mem>> -> memref<!tpu.dma_semaphore, #tpu.memory_space<semaphore_mem>>
    tpu.wait_indirect_dma semaphore(%dma_wait3A_326 : memref<!tpu.dma_semaphore, #tpu.memory_space<semaphore_mem>>) src(%arg11 : memref<128x64xf32, #tpu.memory_space<vmem>>) dst(%dma_wait3A_324 : memref<10240x64xf32, #tpu.memory_space<vmem_shared>>)
    %dma_wait3A_327 = arith.constant 77 : i32
    %dma_wait3A_328 = arith.constant 5 : i32
    %dma_wait3A_329 = arith.constant 0 : i32
    %dma_wait3A_330 = tpu.memref_slice %arg6[%dma_wait3A_327, %dma_wait3A_329] : memref<80x128xi32, #tpu.memory_space<vmem>> -> memref<1x128xi32, #tpu.memory_space<vmem>>
    %dma_wait3A_331 = tpu.memref_squeeze %dma_wait3A_330 : memref<1x128xi32, #tpu.memory_space<vmem>> -> memref<128xi32, #tpu.memory_space<vmem>>
    %dma_wait3A_332 = arith.constant 0 : i32
    %dma_wait3A_333 = arith.constant 0 : i32
    %dma_wait3A_334 = tpu.memref_slice %arg15[%dma_wait3A_332, %dma_wait3A_333] : memref<10240x64xf32, #tpu.memory_space<vmem_shared>> -> memref<10240x64xf32, #tpu.memory_space<vmem_shared>>
    %dma_wait3A_335 = tpu.memref_slice %arg17[%dma_wait3A_328] : memref<8x!tpu.dma_semaphore, #tpu.memory_space<semaphore_mem>> -> memref<1x!tpu.dma_semaphore, #tpu.memory_space<semaphore_mem>>
    %dma_wait3A_336 = tpu.memref_squeeze %dma_wait3A_335 : memref<1x!tpu.dma_semaphore, #tpu.memory_space<semaphore_mem>> -> memref<!tpu.dma_semaphore, #tpu.memory_space<semaphore_mem>>
    tpu.wait_indirect_dma semaphore(%dma_wait3A_336 : memref<!tpu.dma_semaphore, #tpu.memory_space<semaphore_mem>>) src(%arg12 : memref<128x64xf32, #tpu.memory_space<vmem>>) dst(%dma_wait3A_334 : memref<10240x64xf32, #tpu.memory_space<vmem_shared>>)
    %dma_wait3A_337 = arith.constant 78 : i32
    %dma_wait3A_338 = arith.constant 6 : i32
    %dma_wait3A_339 = arith.constant 0 : i32
    %dma_wait3A_340 = tpu.memref_slice %arg6[%dma_wait3A_337, %dma_wait3A_339] : memref<80x128xi32, #tpu.memory_space<vmem>> -> memref<1x128xi32, #tpu.memory_space<vmem>>
    %dma_wait3A_341 = tpu.memref_squeeze %dma_wait3A_340 : memref<1x128xi32, #tpu.memory_space<vmem>> -> memref<128xi32, #tpu.memory_space<vmem>>
    %dma_wait3A_342 = arith.constant 0 : i32
    %dma_wait3A_343 = arith.constant 0 : i32
    %dma_wait3A_344 = tpu.memref_slice %arg15[%dma_wait3A_342, %dma_wait3A_343] : memref<10240x64xf32, #tpu.memory_space<vmem_shared>> -> memref<10240x64xf32, #tpu.memory_space<vmem_shared>>
    %dma_wait3A_345 = tpu.memref_slice %arg17[%dma_wait3A_338] : memref<8x!tpu.dma_semaphore, #tpu.memory_space<semaphore_mem>> -> memref<1x!tpu.dma_semaphore, #tpu.memory_space<semaphore_mem>>
    %dma_wait3A_346 = tpu.memref_squeeze %dma_wait3A_345 : memref<1x!tpu.dma_semaphore, #tpu.memory_space<semaphore_mem>> -> memref<!tpu.dma_semaphore, #tpu.memory_space<semaphore_mem>>
    tpu.wait_indirect_dma semaphore(%dma_wait3A_346 : memref<!tpu.dma_semaphore, #tpu.memory_space<semaphore_mem>>) src(%arg13 : memref<128x64xf32, #tpu.memory_space<vmem>>) dst(%dma_wait3A_344 : memref<10240x64xf32, #tpu.memory_space<vmem_shared>>)
    %dma_wait3A_347 = arith.constant 79 : i32
    %dma_wait3A_348 = arith.constant 7 : i32
    %dma_wait3A_349 = arith.constant 0 : i32
    %dma_wait3A_350 = tpu.memref_slice %arg6[%dma_wait3A_347, %dma_wait3A_349] : memref<80x128xi32, #tpu.memory_space<vmem>> -> memref<1x128xi32, #tpu.memory_space<vmem>>
    %dma_wait3A_351 = tpu.memref_squeeze %dma_wait3A_350 : memref<1x128xi32, #tpu.memory_space<vmem>> -> memref<128xi32, #tpu.memory_space<vmem>>
    %dma_wait3A_352 = arith.constant 0 : i32
    %dma_wait3A_353 = arith.constant 0 : i32
    %dma_wait3A_354 = tpu.memref_slice %arg15[%dma_wait3A_352, %dma_wait3A_353] : memref<10240x64xf32, #tpu.memory_space<vmem_shared>> -> memref<10240x64xf32, #tpu.memory_space<vmem_shared>>
    %dma_wait3A_355 = tpu.memref_slice %arg17[%dma_wait3A_348] : memref<8x!tpu.dma_semaphore, #tpu.memory_space<semaphore_mem>> -> memref<1x!tpu.dma_semaphore, #tpu.memory_space<semaphore_mem>>
    %dma_wait3A_356 = tpu.memref_squeeze %dma_wait3A_355 : memref<1x!tpu.dma_semaphore, #tpu.memory_space<semaphore_mem>> -> memref<!tpu.dma_semaphore, #tpu.memory_space<semaphore_mem>>
    tpu.wait_indirect_dma semaphore(%dma_wait3A_356 : memref<!tpu.dma_semaphore, #tpu.memory_space<semaphore_mem>>) src(%arg14 : memref<128x64xf32, #tpu.memory_space<vmem>>) dst(%dma_wait3A_354 : memref<10240x64xf32, #tpu.memory_space<vmem_shared>>)
    %barrier3A_357 = arith.constant 0 : index
    tpu.barrier barrier_id(%barrier3A_357)
    %mul3A_358 = arith.constant 640 : i32
    %mul3A_359 = arith.muli %arg1, %mul3A_358 : i32
    %mul3A_360 = arith.constant 640 : i32
    %mul3A_361 = arith.muli %arg1, %mul3A_360 : i32
    "tpu.region"() ({
      %run_scoped3A_362 = tpu.sem_alloc : memref<!tpu.dma_semaphore, #tpu.memory_space<semaphore_mem>>
      %dma_start3A_363 = arith.constant 0 : i32
      %dma_start3A_364 = tpu.memref_slice %arg4[%arg0, %mul3A_361, %dma_start3A_363] : memref<2x10240x128xf32, #tpu.memory_space<hbm>> -> memref<1x640x64xf32, #tpu.memory_space<hbm>>
      %dma_start3A_365 = tpu.memref_squeeze %dma_start3A_364 : memref<1x640x64xf32, #tpu.memory_space<hbm>> -> memref<640x64xf32, #tpu.memory_space<hbm>>
      %dma_start3A_366 = arith.constant 0 : i32
      %dma_start3A_367 = tpu.memref_slice %arg15[%mul3A_359, %dma_start3A_366] : memref<10240x64xf32, #tpu.memory_space<vmem_shared>> -> memref<640x64xf32, #tpu.memory_space<vmem_shared>>
      tpu.enqueue_dma source(%dma_start3A_367 : memref<640x64xf32, #tpu.memory_space<vmem_shared>>) target(%dma_start3A_365 : memref<640x64xf32, #tpu.memory_space<hbm>>) target_semaphore(%run_scoped3A_362 : memref<!tpu.dma_semaphore, #tpu.memory_space<semaphore_mem>>)
      %dma_wait3A_368 = arith.constant 0 : i32
      %dma_wait3A_369 = tpu.memref_slice %arg4[%arg0, %mul3A_361, %dma_wait3A_368] : memref<2x10240x128xf32, #tpu.memory_space<hbm>> -> memref<1x640x64xf32, #tpu.memory_space<hbm>>
      %dma_wait3A_370 = tpu.memref_squeeze %dma_wait3A_369 : memref<1x640x64xf32, #tpu.memory_space<hbm>> -> memref<640x64xf32, #tpu.memory_space<hbm>>
      %dma_wait3A_371 = arith.constant 0 : i32
      %dma_wait3A_372 = tpu.memref_slice %arg15[%mul3A_359, %dma_wait3A_371] : memref<10240x64xf32, #tpu.memory_space<vmem_shared>> -> memref<640x64xf32, #tpu.memory_space<vmem_shared>>
      tpu.wait_dma2 semaphore(%run_scoped3A_362 : memref<!tpu.dma_semaphore, #tpu.memory_space<semaphore_mem>>) src(%dma_wait3A_372 : memref<640x64xf32, #tpu.memory_space<vmem_shared>>) dst(%dma_wait3A_370 : memref<640x64xf32, #tpu.memory_space<hbm>>)
      tpu.yield
    }) : () -> ()
    return
  }
}

#map = affine_map<(d0, d1) -> (0, 0, 0)>
module attributes {stable_mosaic.version = 14 : i64} {
  func.func @_deg_body(%arg0: i32, %arg1: i32, %arg2: memref<2x2560x128xi32, #tpu.memory_space<hbm>>, %arg3: memref<2x10240x16xf32, #tpu.memory_space<hbm>>, %arg4: memref<128x16xf32, #tpu.memory_space<vmem>>, %arg5: memref<80x128xi32, #tpu.memory_space<vmem>>, %arg6: memref<10240x16xf32, #tpu.memory_space<vmem_shared>>, %arg7: memref<8x!tpu.dma_semaphore, #tpu.memory_space<semaphore_mem>>) attributes {dimension_semantics = [#tpu.dimension_semantics<core_parallel>, #tpu.dimension_semantics<subcore_parallel>], iteration_bounds = array<i64: 2, 16>, scalar_prefetch = 0 : i64, scratch_operands = 4 : i64, tpu.core_type = #tpu.core_type<sc_vector_subcore>, window_params = [{transform_indices = #map}, {transform_indices = #map}]} {
    %mul3A = arith.constant 16 : i32
    %mul3A_0 = arith.muli %arg0, %mul3A : i32
    %add3A = arith.addi %mul3A_0, %arg1 : i32
    %scan3A = arith.constant 0 : i32
    %scan3A_1 = arith.constant 0 : i32
    %scan3A_2 = arith.constant 128 : i32
    %scan3A_3 = arith.addi %scan3A_1, %scan3A_2 : i32
    %scan3A_4 = arith.constant 1 : i32
    %scan3A_5 = scf.for %scan3A_206 = %scan3A_1 to %scan3A_3 step %scan3A_4 iter_args(%scan3A_207 = %scan3A) -> (i32)  : i32 {
      %broadcast_in_dim3A = arith.constant 0.000000e+00 : f32
      %broadcast_in_dim3A_208 = vector.broadcast %broadcast_in_dim3A : f32 to vector<16xf32>
      %swap3A = arith.index_cast %scan3A_206 : i32 to index
      %swap3A_209 = arith.constant 0 : index
      %swap3A_210 = tpu.vector_load %arg4[%swap3A, %swap3A_209] {strides = array<i32>} : memref<128x16xf32, #tpu.memory_space<vmem>>, vector<1x16xf32>,
      %swap3A_211 = vector.shape_cast %swap3A_210 : vector<1x16xf32> to vector<16xf32>
      %swap3A_212 = vector.shape_cast %broadcast_in_dim3A_208 : vector<16xf32> to vector<1x16xf32>
      tpu.vector_store %arg4[%swap3A, %swap3A_209], %swap3A_212 {strides = array<i32>} : memref<128x16xf32, #tpu.memory_space<vmem>>, vector<1x16xf32>,
      %scan3A_213 = arith.constant 0 : i32
      scf.yield %scan3A_213 : i32
    }
    %scan3A_6 = arith.constant 128 : i32
    %mul3A_7 = arith.constant 640 : i32
    %mul3A_8 = arith.muli %arg1, %mul3A_7 : i32
    %add3A_9 = arith.constant 0 : i32
    %add3A_10 = arith.addi %mul3A_8, %add3A_9 : i32
    "tpu.region"() ({
      %run_scoped3A_206 = tpu.sem_alloc : memref<!tpu.dma_semaphore, #tpu.memory_space<semaphore_mem>>
      %dma_start3A_207 = arith.constant 0 : i32
      %dma_start3A_208 = tpu.memref_slice %arg6[%add3A_10, %dma_start3A_207] : memref<10240x16xf32, #tpu.memory_space<vmem_shared>> -> memref<128x16xf32, #tpu.memory_space<vmem_shared>>
      %dma_start3A_209 = arith.constant 0 : i32
      %dma_start3A_210 = tpu.memref_slice %arg6[%add3A_10, %dma_start3A_209] : memref<10240x16xf32, #tpu.memory_space<vmem_shared>> -> memref<128x16xf32, #tpu.memory_space<vmem_shared>>
      tpu.enqueue_dma source(%arg4 : memref<128x16xf32, #tpu.memory_space<vmem>>) target(%dma_start3A_210 : memref<128x16xf32, #tpu.memory_space<vmem_shared>>) target_semaphore(%run_scoped3A_206 : memref<!tpu.dma_semaphore, #tpu.memory_space<semaphore_mem>>)
      %dma_wait3A_211 = arith.constant 0 : i32
      %dma_wait3A_212 = tpu.memref_slice %arg6[%add3A_10, %dma_wait3A_211] : memref<10240x16xf32, #tpu.memory_space<vmem_shared>> -> memref<128x16xf32, #tpu.memory_space<vmem_shared>>
      %dma_wait3A_213 = arith.constant 0 : i32
      %dma_wait3A_214 = tpu.memref_slice %arg6[%add3A_10, %dma_wait3A_213] : memref<10240x16xf32, #tpu.memory_space<vmem_shared>> -> memref<128x16xf32, #tpu.memory_space<vmem_shared>>
      tpu.wait_dma2 semaphore(%run_scoped3A_206 : memref<!tpu.dma_semaphore, #tpu.memory_space<semaphore_mem>>) src(%arg4 : memref<128x16xf32, #tpu.memory_space<vmem>>) dst(%dma_wait3A_214 : memref<128x16xf32, #tpu.memory_space<vmem_shared>>)
      tpu.yield
    }) : () -> ()
    %mul3A_11 = arith.constant 640 : i32
    %mul3A_12 = arith.muli %arg1, %mul3A_11 : i32
    %add3A_13 = arith.constant 128 : i32
    %add3A_14 = arith.addi %mul3A_12, %add3A_13 : i32
    "tpu.region"() ({
      %run_scoped3A_206 = tpu.sem_alloc : memref<!tpu.dma_semaphore, #tpu.memory_space<semaphore_mem>>
      %dma_start3A_207 = arith.constant 0 : i32
      %dma_start3A_208 = tpu.memref_slice %arg6[%add3A_14, %dma_start3A_207] : memref<10240x16xf32, #tpu.memory_space<vmem_shared>> -> memref<128x16xf32, #tpu.memory_space<vmem_shared>>
      %dma_start3A_209 = arith.constant 0 : i32
      %dma_start3A_210 = tpu.memref_slice %arg6[%add3A_14, %dma_start3A_209] : memref<10240x16xf32, #tpu.memory_space<vmem_shared>> -> memref<128x16xf32, #tpu.memory_space<vmem_shared>>
      tpu.enqueue_dma source(%arg4 : memref<128x16xf32, #tpu.memory_space<vmem>>) target(%dma_start3A_210 : memref<128x16xf32, #tpu.memory_space<vmem_shared>>) target_semaphore(%run_scoped3A_206 : memref<!tpu.dma_semaphore, #tpu.memory_space<semaphore_mem>>)
      %dma_wait3A_211 = arith.constant 0 : i32
      %dma_wait3A_212 = tpu.memref_slice %arg6[%add3A_14, %dma_wait3A_211] : memref<10240x16xf32, #tpu.memory_space<vmem_shared>> -> memref<128x16xf32, #tpu.memory_space<vmem_shared>>
      %dma_wait3A_213 = arith.constant 0 : i32
      %dma_wait3A_214 = tpu.memref_slice %arg6[%add3A_14, %dma_wait3A_213] : memref<10240x16xf32, #tpu.memory_space<vmem_shared>> -> memref<128x16xf32, #tpu.memory_space<vmem_shared>>
      tpu.wait_dma2 semaphore(%run_scoped3A_206 : memref<!tpu.dma_semaphore, #tpu.memory_space<semaphore_mem>>) src(%arg4 : memref<128x16xf32, #tpu.memory_space<vmem>>) dst(%dma_wait3A_214 : memref<128x16xf32, #tpu.memory_space<vmem_shared>>)
      tpu.yield
    }) : () -> ()
    %mul3A_15 = arith.constant 640 : i32
    %mul3A_16 = arith.muli %arg1, %mul3A_15 : i32
    %add3A_17 = arith.constant 256 : i32
    %add3A_18 = arith.addi %mul3A_16, %add3A_17 : i32
    "tpu.region"() ({
      %run_scoped3A_206 = tpu.sem_alloc : memref<!tpu.dma_semaphore, #tpu.memory_space<semaphore_mem>>
      %dma_start3A_207 = arith.constant 0 : i32
      %dma_start3A_208 = tpu.memref_slice %arg6[%add3A_18, %dma_start3A_207] : memref<10240x16xf32, #tpu.memory_space<vmem_shared>> -> memref<128x16xf32, #tpu.memory_space<vmem_shared>>
      %dma_start3A_209 = arith.constant 0 : i32
      %dma_start3A_210 = tpu.memref_slice %arg6[%add3A_18, %dma_start3A_209] : memref<10240x16xf32, #tpu.memory_space<vmem_shared>> -> memref<128x16xf32, #tpu.memory_space<vmem_shared>>
      tpu.enqueue_dma source(%arg4 : memref<128x16xf32, #tpu.memory_space<vmem>>) target(%dma_start3A_210 : memref<128x16xf32, #tpu.memory_space<vmem_shared>>) target_semaphore(%run_scoped3A_206 : memref<!tpu.dma_semaphore, #tpu.memory_space<semaphore_mem>>)
      %dma_wait3A_211 = arith.constant 0 : i32
      %dma_wait3A_212 = tpu.memref_slice %arg6[%add3A_18, %dma_wait3A_211] : memref<10240x16xf32, #tpu.memory_space<vmem_shared>> -> memref<128x16xf32, #tpu.memory_space<vmem_shared>>
      %dma_wait3A_213 = arith.constant 0 : i32
      %dma_wait3A_214 = tpu.memref_slice %arg6[%add3A_18, %dma_wait3A_213] : memref<10240x16xf32, #tpu.memory_space<vmem_shared>> -> memref<128x16xf32, #tpu.memory_space<vmem_shared>>
      tpu.wait_dma2 semaphore(%run_scoped3A_206 : memref<!tpu.dma_semaphore, #tpu.memory_space<semaphore_mem>>) src(%arg4 : memref<128x16xf32, #tpu.memory_space<vmem>>) dst(%dma_wait3A_214 : memref<128x16xf32, #tpu.memory_space<vmem_shared>>)
      tpu.yield
    }) : () -> ()
    %mul3A_19 = arith.constant 640 : i32
    %mul3A_20 = arith.muli %arg1, %mul3A_19 : i32
    %add3A_21 = arith.constant 384 : i32
    %add3A_22 = arith.addi %mul3A_20, %add3A_21 : i32
    "tpu.region"() ({
      %run_scoped3A_206 = tpu.sem_alloc : memref<!tpu.dma_semaphore, #tpu.memory_space<semaphore_mem>>
      %dma_start3A_207 = arith.constant 0 : i32
      %dma_start3A_208 = tpu.memref_slice %arg6[%add3A_22, %dma_start3A_207] : memref<10240x16xf32, #tpu.memory_space<vmem_shared>> -> memref<128x16xf32, #tpu.memory_space<vmem_shared>>
      %dma_start3A_209 = arith.constant 0 : i32
      %dma_start3A_210 = tpu.memref_slice %arg6[%add3A_22, %dma_start3A_209] : memref<10240x16xf32, #tpu.memory_space<vmem_shared>> -> memref<128x16xf32, #tpu.memory_space<vmem_shared>>
      tpu.enqueue_dma source(%arg4 : memref<128x16xf32, #tpu.memory_space<vmem>>) target(%dma_start3A_210 : memref<128x16xf32, #tpu.memory_space<vmem_shared>>) target_semaphore(%run_scoped3A_206 : memref<!tpu.dma_semaphore, #tpu.memory_space<semaphore_mem>>)
      %dma_wait3A_211 = arith.constant 0 : i32
      %dma_wait3A_212 = tpu.memref_slice %arg6[%add3A_22, %dma_wait3A_211] : memref<10240x16xf32, #tpu.memory_space<vmem_shared>> -> memref<128x16xf32, #tpu.memory_space<vmem_shared>>
      %dma_wait3A_213 = arith.constant 0 : i32
      %dma_wait3A_214 = tpu.memref_slice %arg6[%add3A_22, %dma_wait3A_213] : memref<10240x16xf32, #tpu.memory_space<vmem_shared>> -> memref<128x16xf32, #tpu.memory_space<vmem_shared>>
      tpu.wait_dma2 semaphore(%run_scoped3A_206 : memref<!tpu.dma_semaphore, #tpu.memory_space<semaphore_mem>>) src(%arg4 : memref<128x16xf32, #tpu.memory_space<vmem>>) dst(%dma_wait3A_214 : memref<128x16xf32, #tpu.memory_space<vmem_shared>>)
      tpu.yield
    }) : () -> ()
    %mul3A_23 = arith.constant 640 : i32
    %mul3A_24 = arith.muli %arg1, %mul3A_23 : i32
    %add3A_25 = arith.constant 512 : i32
    %add3A_26 = arith.addi %mul3A_24, %add3A_25 : i32
    "tpu.region"() ({
      %run_scoped3A_206 = tpu.sem_alloc : memref<!tpu.dma_semaphore, #tpu.memory_space<semaphore_mem>>
      %dma_start3A_207 = arith.constant 0 : i32
      %dma_start3A_208 = tpu.memref_slice %arg6[%add3A_26, %dma_start3A_207] : memref<10240x16xf32, #tpu.memory_space<vmem_shared>> -> memref<128x16xf32, #tpu.memory_space<vmem_shared>>
      %dma_start3A_209 = arith.constant 0 : i32
      %dma_start3A_210 = tpu.memref_slice %arg6[%add3A_26, %dma_start3A_209] : memref<10240x16xf32, #tpu.memory_space<vmem_shared>> -> memref<128x16xf32, #tpu.memory_space<vmem_shared>>
      tpu.enqueue_dma source(%arg4 : memref<128x16xf32, #tpu.memory_space<vmem>>) target(%dma_start3A_210 : memref<128x16xf32, #tpu.memory_space<vmem_shared>>) target_semaphore(%run_scoped3A_206 : memref<!tpu.dma_semaphore, #tpu.memory_space<semaphore_mem>>)
      %dma_wait3A_211 = arith.constant 0 : i32
      %dma_wait3A_212 = tpu.memref_slice %arg6[%add3A_26, %dma_wait3A_211] : memref<10240x16xf32, #tpu.memory_space<vmem_shared>> -> memref<128x16xf32, #tpu.memory_space<vmem_shared>>
      %dma_wait3A_213 = arith.constant 0 : i32
      %dma_wait3A_214 = tpu.memref_slice %arg6[%add3A_26, %dma_wait3A_213] : memref<10240x16xf32, #tpu.memory_space<vmem_shared>> -> memref<128x16xf32, #tpu.memory_space<vmem_shared>>
      tpu.wait_dma2 semaphore(%run_scoped3A_206 : memref<!tpu.dma_semaphore, #tpu.memory_space<semaphore_mem>>) src(%arg4 : memref<128x16xf32, #tpu.memory_space<vmem>>) dst(%dma_wait3A_214 : memref<128x16xf32, #tpu.memory_space<vmem_shared>>)
      tpu.yield
    }) : () -> ()
    %scan3A_27 = arith.constant 0 : i32
    %scan3A_28 = arith.constant 0 : i32
    %scan3A_29 = arith.constant 128 : i32
    %scan3A_30 = arith.addi %scan3A_28, %scan3A_29 : i32
    %scan3A_31 = arith.constant 1 : i32
    %scan3A_32 = scf.for %scan3A_206 = %scan3A_28 to %scan3A_30 step %scan3A_31 iter_args(%scan3A_207 = %scan3A_27) -> (i32)  : i32 {
      %broadcast_in_dim3A = arith.constant 1.000000e+00 : f32
      %broadcast_in_dim3A_208 = vector.broadcast %broadcast_in_dim3A : f32 to vector<16xf32>
      %swap3A = arith.index_cast %scan3A_206 : i32 to index
      %swap3A_209 = arith.constant 0 : index
      %swap3A_210 = tpu.vector_load %arg4[%swap3A, %swap3A_209] {strides = array<i32>} : memref<128x16xf32, #tpu.memory_space<vmem>>, vector<1x16xf32>,
      %swap3A_211 = vector.shape_cast %swap3A_210 : vector<1x16xf32> to vector<16xf32>
      %swap3A_212 = vector.shape_cast %broadcast_in_dim3A_208 : vector<16xf32> to vector<1x16xf32>
      tpu.vector_store %arg4[%swap3A, %swap3A_209], %swap3A_212 {strides = array<i32>} : memref<128x16xf32, #tpu.memory_space<vmem>>, vector<1x16xf32>,
      %scan3A_213 = arith.constant 0 : i32
      scf.yield %scan3A_213 : i32
    }
    %scan3A_33 = arith.constant 128 : i32
    %mul3A_34 = arith.constant 80 : i32
    %mul3A_35 = arith.muli %add3A, %mul3A_34 : i32
    %run_scoped3A = arith.constant 1 : i32
    "tpu.region"() ({
      %run_scoped3A_206 = tpu.sem_alloc : memref<!tpu.dma_semaphore, #tpu.memory_space<semaphore_mem>>
      %dma_start3A_207 = arith.constant 0 : i32
      %dma_start3A_208 = tpu.memref_slice %arg2[%run_scoped3A, %mul3A_35, %dma_start3A_207] : memref<2x2560x128xi32, #tpu.memory_space<hbm>> -> memref<1x80x128xi32, #tpu.memory_space<hbm>>
      %dma_start3A_209 = tpu.memref_squeeze %dma_start3A_208 : memref<1x80x128xi32, #tpu.memory_space<hbm>> -> memref<80x128xi32, #tpu.memory_space<hbm>>
      %dma_start3A_210 = arith.constant 0 : i32
      %dma_start3A_211 = tpu.memref_slice %arg2[%run_scoped3A, %mul3A_35, %dma_start3A_210] : memref<2x2560x128xi32, #tpu.memory_space<hbm>> -> memref<1x80x128xi32, #tpu.memory_space<hbm>>
      %dma_start3A_212 = tpu.memref_squeeze %dma_start3A_211 : memref<1x80x128xi32, #tpu.memory_space<hbm>> -> memref<80x128xi32, #tpu.memory_space<hbm>>
      tpu.enqueue_dma source(%dma_start3A_212 : memref<80x128xi32, #tpu.memory_space<hbm>>) target(%arg5 : memref<80x128xi32, #tpu.memory_space<vmem>>) target_semaphore(%run_scoped3A_206 : memref<!tpu.dma_semaphore, #tpu.memory_space<semaphore_mem>>)
      %dma_wait3A_213 = arith.constant 0 : i32
      %dma_wait3A_214 = tpu.memref_slice %arg2[%run_scoped3A, %mul3A_35, %dma_wait3A_213] : memref<2x2560x128xi32, #tpu.memory_space<hbm>> -> memref<1x80x128xi32, #tpu.memory_space<hbm>>
      %dma_wait3A_215 = tpu.memref_squeeze %dma_wait3A_214 : memref<1x80x128xi32, #tpu.memory_space<hbm>> -> memref<80x128xi32, #tpu.memory_space<hbm>>
      %dma_wait3A_216 = arith.constant 0 : i32
      %dma_wait3A_217 = tpu.memref_slice %arg2[%run_scoped3A, %mul3A_35, %dma_wait3A_216] : memref<2x2560x128xi32, #tpu.memory_space<hbm>> -> memref<1x80x128xi32, #tpu.memory_space<hbm>>
      %dma_wait3A_218 = tpu.memref_squeeze %dma_wait3A_217 : memref<1x80x128xi32, #tpu.memory_space<hbm>> -> memref<80x128xi32, #tpu.memory_space<hbm>>
      tpu.wait_dma2 semaphore(%run_scoped3A_206 : memref<!tpu.dma_semaphore, #tpu.memory_space<semaphore_mem>>) src(%dma_wait3A_218 : memref<80x128xi32, #tpu.memory_space<hbm>>) dst(%arg5 : memref<80x128xi32, #tpu.memory_space<vmem>>)
      tpu.yield
    }) : () -> ()
    %barrier3A = arith.constant 0 : index
    tpu.barrier barrier_id(%barrier3A)
    %dma_start3A = arith.constant 0 : i32
    %dma_start3A_36 = arith.constant 0 : i32
    %dma_start3A_37 = arith.constant 0 : i32
    %dma_start3A_38 = tpu.memref_slice %arg5[%dma_start3A, %dma_start3A_37] : memref<80x128xi32, #tpu.memory_space<vmem>> -> memref<1x128xi32, #tpu.memory_space<vmem>>
    %dma_start3A_39 = tpu.memref_squeeze %dma_start3A_38 : memref<1x128xi32, #tpu.memory_space<vmem>> -> memref<128xi32, #tpu.memory_space<vmem>>
    %dma_start3A_40 = arith.constant 0 : i32
    %dma_start3A_41 = arith.constant 0 : i32
    %dma_start3A_42 = tpu.memref_slice %arg6[%dma_start3A_40, %dma_start3A_41] : memref<10240x16xf32, #tpu.memory_space<vmem_shared>> -> memref<10240x16xf32, #tpu.memory_space<vmem_shared>>
    %dma_start3A_43 = tpu.memref_slice %arg7[%dma_start3A_36] : memref<8x!tpu.dma_semaphore, #tpu.memory_space<semaphore_mem>> -> memref<1x!tpu.dma_semaphore, #tpu.memory_space<semaphore_mem>>
    %dma_start3A_44 = tpu.memref_squeeze %dma_start3A_43 : memref<1x!tpu.dma_semaphore, #tpu.memory_space<semaphore_mem>> -> memref<!tpu.dma_semaphore, #tpu.memory_space<semaphore_mem>>
    tpu.enqueue_indirect_dma source(%arg4 : memref<128x16xf32, #tpu.memory_space<vmem>>) target(%dma_start3A_42 : memref<10240x16xf32, #tpu.memory_space<vmem_shared>>) offsets(%dma_start3A_39 : memref<128xi32, #tpu.memory_space<vmem>>) semaphore(%dma_start3A_44 : memref<!tpu.dma_semaphore, #tpu.memory_space<semaphore_mem>>) {add = true}
    %dma_start3A_45 = arith.constant 1 : i32
    %dma_start3A_46 = arith.constant 1 : i32
    %dma_start3A_47 = arith.constant 0 : i32
    %dma_start3A_48 = tpu.memref_slice %arg5[%dma_start3A_45, %dma_start3A_47] : memref<80x128xi32, #tpu.memory_space<vmem>> -> memref<1x128xi32, #tpu.memory_space<vmem>>
    %dma_start3A_49 = tpu.memref_squeeze %dma_start3A_48 : memref<1x128xi32, #tpu.memory_space<vmem>> -> memref<128xi32, #tpu.memory_space<vmem>>
    %dma_start3A_50 = arith.constant 0 : i32
    %dma_start3A_51 = arith.constant 0 : i32
    %dma_start3A_52 = tpu.memref_slice %arg6[%dma_start3A_50, %dma_start3A_51] : memref<10240x16xf32, #tpu.memory_space<vmem_shared>> -> memref<10240x16xf32, #tpu.memory_space<vmem_shared>>
    %dma_start3A_53 = tpu.memref_slice %arg7[%dma_start3A_46] : memref<8x!tpu.dma_semaphore, #tpu.memory_space<semaphore_mem>> -> memref<1x!tpu.dma_semaphore, #tpu.memory_space<semaphore_mem>>
    %dma_start3A_54 = tpu.memref_squeeze %dma_start3A_53 : memref<1x!tpu.dma_semaphore, #tpu.memory_space<semaphore_mem>> -> memref<!tpu.dma_semaphore, #tpu.memory_space<semaphore_mem>>
    tpu.enqueue_indirect_dma source(%arg4 : memref<128x16xf32, #tpu.memory_space<vmem>>) target(%dma_start3A_52 : memref<10240x16xf32, #tpu.memory_space<vmem_shared>>) offsets(%dma_start3A_49 : memref<128xi32, #tpu.memory_space<vmem>>) semaphore(%dma_start3A_54 : memref<!tpu.dma_semaphore, #tpu.memory_space<semaphore_mem>>) {add = true}
    %dma_start3A_55 = arith.constant 2 : i32
    %dma_start3A_56 = arith.constant 2 : i32
    %dma_start3A_57 = arith.constant 0 : i32
    %dma_start3A_58 = tpu.memref_slice %arg5[%dma_start3A_55, %dma_start3A_57] : memref<80x128xi32, #tpu.memory_space<vmem>> -> memref<1x128xi32, #tpu.memory_space<vmem>>
    %dma_start3A_59 = tpu.memref_squeeze %dma_start3A_58 : memref<1x128xi32, #tpu.memory_space<vmem>> -> memref<128xi32, #tpu.memory_space<vmem>>
    %dma_start3A_60 = arith.constant 0 : i32
    %dma_start3A_61 = arith.constant 0 : i32
    %dma_start3A_62 = tpu.memref_slice %arg6[%dma_start3A_60, %dma_start3A_61] : memref<10240x16xf32, #tpu.memory_space<vmem_shared>> -> memref<10240x16xf32, #tpu.memory_space<vmem_shared>>
    %dma_start3A_63 = tpu.memref_slice %arg7[%dma_start3A_56] : memref<8x!tpu.dma_semaphore, #tpu.memory_space<semaphore_mem>> -> memref<1x!tpu.dma_semaphore, #tpu.memory_space<semaphore_mem>>
    %dma_start3A_64 = tpu.memref_squeeze %dma_start3A_63 : memref<1x!tpu.dma_semaphore, #tpu.memory_space<semaphore_mem>> -> memref<!tpu.dma_semaphore, #tpu.memory_space<semaphore_mem>>
    tpu.enqueue_indirect_dma source(%arg4 : memref<128x16xf32, #tpu.memory_space<vmem>>) target(%dma_start3A_62 : memref<10240x16xf32, #tpu.memory_space<vmem_shared>>) offsets(%dma_start3A_59 : memref<128xi32, #tpu.memory_space<vmem>>) semaphore(%dma_start3A_64 : memref<!tpu.dma_semaphore, #tpu.memory_space<semaphore_mem>>) {add = true}
    %dma_start3A_65 = arith.constant 3 : i32
    %dma_start3A_66 = arith.constant 3 : i32
    %dma_start3A_67 = arith.constant 0 : i32
    %dma_start3A_68 = tpu.memref_slice %arg5[%dma_start3A_65, %dma_start3A_67] : memref<80x128xi32, #tpu.memory_space<vmem>> -> memref<1x128xi32, #tpu.memory_space<vmem>>
    %dma_start3A_69 = tpu.memref_squeeze %dma_start3A_68 : memref<1x128xi32, #tpu.memory_space<vmem>> -> memref<128xi32, #tpu.memory_space<vmem>>
    %dma_start3A_70 = arith.constant 0 : i32
    %dma_start3A_71 = arith.constant 0 : i32
    %dma_start3A_72 = tpu.memref_slice %arg6[%dma_start3A_70, %dma_start3A_71] : memref<10240x16xf32, #tpu.memory_space<vmem_shared>> -> memref<10240x16xf32, #tpu.memory_space<vmem_shared>>
    %dma_start3A_73 = tpu.memref_slice %arg7[%dma_start3A_66] : memref<8x!tpu.dma_semaphore, #tpu.memory_space<semaphore_mem>> -> memref<1x!tpu.dma_semaphore, #tpu.memory_space<semaphore_mem>>
    %dma_start3A_74 = tpu.memref_squeeze %dma_start3A_73 : memref<1x!tpu.dma_semaphore, #tpu.memory_space<semaphore_mem>> -> memref<!tpu.dma_semaphore, #tpu.memory_space<semaphore_mem>>
    tpu.enqueue_indirect_dma source(%arg4 : memref<128x16xf32, #tpu.memory_space<vmem>>) target(%dma_start3A_72 : memref<10240x16xf32, #tpu.memory_space<vmem_shared>>) offsets(%dma_start3A_69 : memref<128xi32, #tpu.memory_space<vmem>>) semaphore(%dma_start3A_74 : memref<!tpu.dma_semaphore, #tpu.memory_space<semaphore_mem>>) {add = true}
    %dma_start3A_75 = arith.constant 4 : i32
    %dma_start3A_76 = arith.constant 4 : i32
    %dma_start3A_77 = arith.constant 0 : i32
    %dma_start3A_78 = tpu.memref_slice %arg5[%dma_start3A_75, %dma_start3A_77] : memref<80x128xi32, #tpu.memory_space<vmem>> -> memref<1x128xi32, #tpu.memory_space<vmem>>
    %dma_start3A_79 = tpu.memref_squeeze %dma_start3A_78 : memref<1x128xi32, #tpu.memory_space<vmem>> -> memref<128xi32, #tpu.memory_space<vmem>>
    %dma_start3A_80 = arith.constant 0 : i32
    %dma_start3A_81 = arith.constant 0 : i32
    %dma_start3A_82 = tpu.memref_slice %arg6[%dma_start3A_80, %dma_start3A_81] : memref<10240x16xf32, #tpu.memory_space<vmem_shared>> -> memref<10240x16xf32, #tpu.memory_space<vmem_shared>>
    %dma_start3A_83 = tpu.memref_slice %arg7[%dma_start3A_76] : memref<8x!tpu.dma_semaphore, #tpu.memory_space<semaphore_mem>> -> memref<1x!tpu.dma_semaphore, #tpu.memory_space<semaphore_mem>>
    %dma_start3A_84 = tpu.memref_squeeze %dma_start3A_83 : memref<1x!tpu.dma_semaphore, #tpu.memory_space<semaphore_mem>> -> memref<!tpu.dma_semaphore, #tpu.memory_space<semaphore_mem>>
    tpu.enqueue_indirect_dma source(%arg4 : memref<128x16xf32, #tpu.memory_space<vmem>>) target(%dma_start3A_82 : memref<10240x16xf32, #tpu.memory_space<vmem_shared>>) offsets(%dma_start3A_79 : memref<128xi32, #tpu.memory_space<vmem>>) semaphore(%dma_start3A_84 : memref<!tpu.dma_semaphore, #tpu.memory_space<semaphore_mem>>) {add = true}
    %dma_start3A_85 = arith.constant 5 : i32
    %dma_start3A_86 = arith.constant 5 : i32
    %dma_start3A_87 = arith.constant 0 : i32
    %dma_start3A_88 = tpu.memref_slice %arg5[%dma_start3A_85, %dma_start3A_87] : memref<80x128xi32, #tpu.memory_space<vmem>> -> memref<1x128xi32, #tpu.memory_space<vmem>>
    %dma_start3A_89 = tpu.memref_squeeze %dma_start3A_88 : memref<1x128xi32, #tpu.memory_space<vmem>> -> memref<128xi32, #tpu.memory_space<vmem>>
    %dma_start3A_90 = arith.constant 0 : i32
    %dma_start3A_91 = arith.constant 0 : i32
    %dma_start3A_92 = tpu.memref_slice %arg6[%dma_start3A_90, %dma_start3A_91] : memref<10240x16xf32, #tpu.memory_space<vmem_shared>> -> memref<10240x16xf32, #tpu.memory_space<vmem_shared>>
    %dma_start3A_93 = tpu.memref_slice %arg7[%dma_start3A_86] : memref<8x!tpu.dma_semaphore, #tpu.memory_space<semaphore_mem>> -> memref<1x!tpu.dma_semaphore, #tpu.memory_space<semaphore_mem>>
    %dma_start3A_94 = tpu.memref_squeeze %dma_start3A_93 : memref<1x!tpu.dma_semaphore, #tpu.memory_space<semaphore_mem>> -> memref<!tpu.dma_semaphore, #tpu.memory_space<semaphore_mem>>
    tpu.enqueue_indirect_dma source(%arg4 : memref<128x16xf32, #tpu.memory_space<vmem>>) target(%dma_start3A_92 : memref<10240x16xf32, #tpu.memory_space<vmem_shared>>) offsets(%dma_start3A_89 : memref<128xi32, #tpu.memory_space<vmem>>) semaphore(%dma_start3A_94 : memref<!tpu.dma_semaphore, #tpu.memory_space<semaphore_mem>>) {add = true}
    %dma_start3A_95 = arith.constant 6 : i32
    %dma_start3A_96 = arith.constant 6 : i32
    %dma_start3A_97 = arith.constant 0 : i32
    %dma_start3A_98 = tpu.memref_slice %arg5[%dma_start3A_95, %dma_start3A_97] : memref<80x128xi32, #tpu.memory_space<vmem>> -> memref<1x128xi32, #tpu.memory_space<vmem>>
    %dma_start3A_99 = tpu.memref_squeeze %dma_start3A_98 : memref<1x128xi32, #tpu.memory_space<vmem>> -> memref<128xi32, #tpu.memory_space<vmem>>
    %dma_start3A_100 = arith.constant 0 : i32
    %dma_start3A_101 = arith.constant 0 : i32
    %dma_start3A_102 = tpu.memref_slice %arg6[%dma_start3A_100, %dma_start3A_101] : memref<10240x16xf32, #tpu.memory_space<vmem_shared>> -> memref<10240x16xf32, #tpu.memory_space<vmem_shared>>
    %dma_start3A_103 = tpu.memref_slice %arg7[%dma_start3A_96] : memref<8x!tpu.dma_semaphore, #tpu.memory_space<semaphore_mem>> -> memref<1x!tpu.dma_semaphore, #tpu.memory_space<semaphore_mem>>
    %dma_start3A_104 = tpu.memref_squeeze %dma_start3A_103 : memref<1x!tpu.dma_semaphore, #tpu.memory_space<semaphore_mem>> -> memref<!tpu.dma_semaphore, #tpu.memory_space<semaphore_mem>>
    tpu.enqueue_indirect_dma source(%arg4 : memref<128x16xf32, #tpu.memory_space<vmem>>) target(%dma_start3A_102 : memref<10240x16xf32, #tpu.memory_space<vmem_shared>>) offsets(%dma_start3A_99 : memref<128xi32, #tpu.memory_space<vmem>>) semaphore(%dma_start3A_104 : memref<!tpu.dma_semaphore, #tpu.memory_space<semaphore_mem>>) {add = true}
    %dma_start3A_105 = arith.constant 7 : i32
    %dma_start3A_106 = arith.constant 7 : i32
    %dma_start3A_107 = arith.constant 0 : i32
    %dma_start3A_108 = tpu.memref_slice %arg5[%dma_start3A_105, %dma_start3A_107] : memref<80x128xi32, #tpu.memory_space<vmem>> -> memref<1x128xi32, #tpu.memory_space<vmem>>
    %dma_start3A_109 = tpu.memref_squeeze %dma_start3A_108 : memref<1x128xi32, #tpu.memory_space<vmem>> -> memref<128xi32, #tpu.memory_space<vmem>>
    %dma_start3A_110 = arith.constant 0 : i32
    %dma_start3A_111 = arith.constant 0 : i32
    %dma_start3A_112 = tpu.memref_slice %arg6[%dma_start3A_110, %dma_start3A_111] : memref<10240x16xf32, #tpu.memory_space<vmem_shared>> -> memref<10240x16xf32, #tpu.memory_space<vmem_shared>>
    %dma_start3A_113 = tpu.memref_slice %arg7[%dma_start3A_106] : memref<8x!tpu.dma_semaphore, #tpu.memory_space<semaphore_mem>> -> memref<1x!tpu.dma_semaphore, #tpu.memory_space<semaphore_mem>>
    %dma_start3A_114 = tpu.memref_squeeze %dma_start3A_113 : memref<1x!tpu.dma_semaphore, #tpu.memory_space<semaphore_mem>> -> memref<!tpu.dma_semaphore, #tpu.memory_space<semaphore_mem>>
    tpu.enqueue_indirect_dma source(%arg4 : memref<128x16xf32, #tpu.memory_space<vmem>>) target(%dma_start3A_112 : memref<10240x16xf32, #tpu.memory_space<vmem_shared>>) offsets(%dma_start3A_109 : memref<128xi32, #tpu.memory_space<vmem>>) semaphore(%dma_start3A_114 : memref<!tpu.dma_semaphore, #tpu.memory_space<semaphore_mem>>) {add = true}
    %scan3A_115 = arith.constant 0 : i32
    %scan3A_116 = arith.constant 0 : i32
    %scan3A_117 = arith.constant 9 : i32
    %scan3A_118 = arith.addi %scan3A_116, %scan3A_117 : i32
    %scan3A_119 = arith.constant 1 : i32
    %scan3A_120 = scf.for %scan3A_206 = %scan3A_116 to %scan3A_118 step %scan3A_119 iter_args(%scan3A_207 = %scan3A_115) -> (i32)  : i32 {
      %mul3A_208 = arith.constant 8 : i32
      %mul3A_209 = arith.muli %mul3A_208, %scan3A_206 : i32
      %add3A_210 = arith.constant 0 : i32
      %add3A_211 = arith.addi %mul3A_209, %add3A_210 : i32
      %dma_wait3A_212 = arith.constant 0 : i32
      %dma_wait3A_213 = arith.constant 0 : i32
      %dma_wait3A_214 = tpu.memref_slice %arg5[%add3A_211, %dma_wait3A_213] : memref<80x128xi32, #tpu.memory_space<vmem>> -> memref<1x128xi32, #tpu.memory_space<vmem>>
      %dma_wait3A_215 = tpu.memref_squeeze %dma_wait3A_214 : memref<1x128xi32, #tpu.memory_space<vmem>> -> memref<128xi32, #tpu.memory_space<vmem>>
      %dma_wait3A_216 = arith.constant 0 : i32
      %dma_wait3A_217 = arith.constant 0 : i32
      %dma_wait3A_218 = tpu.memref_slice %arg6[%dma_wait3A_216, %dma_wait3A_217] : memref<10240x16xf32, #tpu.memory_space<vmem_shared>> -> memref<10240x16xf32, #tpu.memory_space<vmem_shared>>
      %dma_wait3A_219 = tpu.memref_slice %arg7[%dma_wait3A_212] : memref<8x!tpu.dma_semaphore, #tpu.memory_space<semaphore_mem>> -> memref<1x!tpu.dma_semaphore, #tpu.memory_space<semaphore_mem>>
      %dma_wait3A_220 = tpu.memref_squeeze %dma_wait3A_219 : memref<1x!tpu.dma_semaphore, #tpu.memory_space<semaphore_mem>> -> memref<!tpu.dma_semaphore, #tpu.memory_space<semaphore_mem>>
      tpu.wait_indirect_dma semaphore(%dma_wait3A_220 : memref<!tpu.dma_semaphore, #tpu.memory_space<semaphore_mem>>) src(%arg4 : memref<128x16xf32, #tpu.memory_space<vmem>>) dst(%dma_wait3A_218 : memref<10240x16xf32, #tpu.memory_space<vmem_shared>>)
      %add3A_221 = arith.constant 1 : i32
      %add3A_222 = arith.addi %scan3A_206, %add3A_221 : i32
      %mul3A_223 = arith.constant 8 : i32
      %mul3A_224 = arith.muli %mul3A_223, %add3A_222 : i32
      %add3A_225 = arith.constant 0 : i32
      %add3A_226 = arith.addi %mul3A_224, %add3A_225 : i32
      %dma_start3A_227 = arith.constant 0 : i32
      %dma_start3A_228 = arith.constant 0 : i32
      %dma_start3A_229 = tpu.memref_slice %arg5[%add3A_226, %dma_start3A_228] : memref<80x128xi32, #tpu.memory_space<vmem>> -> memref<1x128xi32, #tpu.memory_space<vmem>>
      %dma_start3A_230 = tpu.memref_squeeze %dma_start3A_229 : memref<1x128xi32, #tpu.memory_space<vmem>> -> memref<128xi32, #tpu.memory_space<vmem>>
      %dma_start3A_231 = arith.constant 0 : i32
      %dma_start3A_232 = arith.constant 0 : i32
      %dma_start3A_233 = tpu.memref_slice %arg6[%dma_start3A_231, %dma_start3A_232] : memref<10240x16xf32, #tpu.memory_space<vmem_shared>> -> memref<10240x16xf32, #tpu.memory_space<vmem_shared>>
      %dma_start3A_234 = tpu.memref_slice %arg7[%dma_start3A_227] : memref<8x!tpu.dma_semaphore, #tpu.memory_space<semaphore_mem>> -> memref<1x!tpu.dma_semaphore, #tpu.memory_space<semaphore_mem>>
      %dma_start3A_235 = tpu.memref_squeeze %dma_start3A_234 : memref<1x!tpu.dma_semaphore, #tpu.memory_space<semaphore_mem>> -> memref<!tpu.dma_semaphore, #tpu.memory_space<semaphore_mem>>
      tpu.enqueue_indirect_dma source(%arg4 : memref<128x16xf32, #tpu.memory_space<vmem>>) target(%dma_start3A_233 : memref<10240x16xf32, #tpu.memory_space<vmem_shared>>) offsets(%dma_start3A_230 : memref<128xi32, #tpu.memory_space<vmem>>) semaphore(%dma_start3A_235 : memref<!tpu.dma_semaphore, #tpu.memory_space<semaphore_mem>>) {add = true}
      %mul3A_236 = arith.constant 8 : i32
      %mul3A_237 = arith.muli %mul3A_236, %scan3A_206 : i32
      %add3A_238 = arith.constant 1 : i32
      %add3A_239 = arith.addi %mul3A_237, %add3A_238 : i32
      %dma_wait3A_240 = arith.constant 1 : i32
      %dma_wait3A_241 = arith.constant 0 : i32
      %dma_wait3A_242 = tpu.memref_slice %arg5[%add3A_239, %dma_wait3A_241] : memref<80x128xi32, #tpu.memory_space<vmem>> -> memref<1x128xi32, #tpu.memory_space<vmem>>
      %dma_wait3A_243 = tpu.memref_squeeze %dma_wait3A_242 : memref<1x128xi32, #tpu.memory_space<vmem>> -> memref<128xi32, #tpu.memory_space<vmem>>
      %dma_wait3A_244 = arith.constant 0 : i32
      %dma_wait3A_245 = arith.constant 0 : i32
      %dma_wait3A_246 = tpu.memref_slice %arg6[%dma_wait3A_244, %dma_wait3A_245] : memref<10240x16xf32, #tpu.memory_space<vmem_shared>> -> memref<10240x16xf32, #tpu.memory_space<vmem_shared>>
      %dma_wait3A_247 = tpu.memref_slice %arg7[%dma_wait3A_240] : memref<8x!tpu.dma_semaphore, #tpu.memory_space<semaphore_mem>> -> memref<1x!tpu.dma_semaphore, #tpu.memory_space<semaphore_mem>>
      %dma_wait3A_248 = tpu.memref_squeeze %dma_wait3A_247 : memref<1x!tpu.dma_semaphore, #tpu.memory_space<semaphore_mem>> -> memref<!tpu.dma_semaphore, #tpu.memory_space<semaphore_mem>>
      tpu.wait_indirect_dma semaphore(%dma_wait3A_248 : memref<!tpu.dma_semaphore, #tpu.memory_space<semaphore_mem>>) src(%arg4 : memref<128x16xf32, #tpu.memory_space<vmem>>) dst(%dma_wait3A_246 : memref<10240x16xf32, #tpu.memory_space<vmem_shared>>)
      %add3A_249 = arith.constant 1 : i32
      %add3A_250 = arith.addi %scan3A_206, %add3A_249 : i32
      %mul3A_251 = arith.constant 8 : i32
      %mul3A_252 = arith.muli %mul3A_251, %add3A_250 : i32
      %add3A_253 = arith.constant 1 : i32
      %add3A_254 = arith.addi %mul3A_252, %add3A_253 : i32
      %dma_start3A_255 = arith.constant 1 : i32
      %dma_start3A_256 = arith.constant 0 : i32
      %dma_start3A_257 = tpu.memref_slice %arg5[%add3A_254, %dma_start3A_256] : memref<80x128xi32, #tpu.memory_space<vmem>> -> memref<1x128xi32, #tpu.memory_space<vmem>>
      %dma_start3A_258 = tpu.memref_squeeze %dma_start3A_257 : memref<1x128xi32, #tpu.memory_space<vmem>> -> memref<128xi32, #tpu.memory_space<vmem>>
      %dma_start3A_259 = arith.constant 0 : i32
      %dma_start3A_260 = arith.constant 0 : i32
      %dma_start3A_261 = tpu.memref_slice %arg6[%dma_start3A_259, %dma_start3A_260] : memref<10240x16xf32, #tpu.memory_space<vmem_shared>> -> memref<10240x16xf32, #tpu.memory_space<vmem_shared>>
      %dma_start3A_262 = tpu.memref_slice %arg7[%dma_start3A_255] : memref<8x!tpu.dma_semaphore, #tpu.memory_space<semaphore_mem>> -> memref<1x!tpu.dma_semaphore, #tpu.memory_space<semaphore_mem>>
      %dma_start3A_263 = tpu.memref_squeeze %dma_start3A_262 : memref<1x!tpu.dma_semaphore, #tpu.memory_space<semaphore_mem>> -> memref<!tpu.dma_semaphore, #tpu.memory_space<semaphore_mem>>
      tpu.enqueue_indirect_dma source(%arg4 : memref<128x16xf32, #tpu.memory_space<vmem>>) target(%dma_start3A_261 : memref<10240x16xf32, #tpu.memory_space<vmem_shared>>) offsets(%dma_start3A_258 : memref<128xi32, #tpu.memory_space<vmem>>) semaphore(%dma_start3A_263 : memref<!tpu.dma_semaphore, #tpu.memory_space<semaphore_mem>>) {add = true}
      %mul3A_264 = arith.constant 8 : i32
      %mul3A_265 = arith.muli %mul3A_264, %scan3A_206 : i32
      %add3A_266 = arith.constant 2 : i32
      %add3A_267 = arith.addi %mul3A_265, %add3A_266 : i32
      %dma_wait3A_268 = arith.constant 2 : i32
      %dma_wait3A_269 = arith.constant 0 : i32
      %dma_wait3A_270 = tpu.memref_slice %arg5[%add3A_267, %dma_wait3A_269] : memref<80x128xi32, #tpu.memory_space<vmem>> -> memref<1x128xi32, #tpu.memory_space<vmem>>
      %dma_wait3A_271 = tpu.memref_squeeze %dma_wait3A_270 : memref<1x128xi32, #tpu.memory_space<vmem>> -> memref<128xi32, #tpu.memory_space<vmem>>
      %dma_wait3A_272 = arith.constant 0 : i32
      %dma_wait3A_273 = arith.constant 0 : i32
      %dma_wait3A_274 = tpu.memref_slice %arg6[%dma_wait3A_272, %dma_wait3A_273] : memref<10240x16xf32, #tpu.memory_space<vmem_shared>> -> memref<10240x16xf32, #tpu.memory_space<vmem_shared>>
      %dma_wait3A_275 = tpu.memref_slice %arg7[%dma_wait3A_268] : memref<8x!tpu.dma_semaphore, #tpu.memory_space<semaphore_mem>> -> memref<1x!tpu.dma_semaphore, #tpu.memory_space<semaphore_mem>>
      %dma_wait3A_276 = tpu.memref_squeeze %dma_wait3A_275 : memref<1x!tpu.dma_semaphore, #tpu.memory_space<semaphore_mem>> -> memref<!tpu.dma_semaphore, #tpu.memory_space<semaphore_mem>>
      tpu.wait_indirect_dma semaphore(%dma_wait3A_276 : memref<!tpu.dma_semaphore, #tpu.memory_space<semaphore_mem>>) src(%arg4 : memref<128x16xf32, #tpu.memory_space<vmem>>) dst(%dma_wait3A_274 : memref<10240x16xf32, #tpu.memory_space<vmem_shared>>)
      %add3A_277 = arith.constant 1 : i32
      %add3A_278 = arith.addi %scan3A_206, %add3A_277 : i32
      %mul3A_279 = arith.constant 8 : i32
      %mul3A_280 = arith.muli %mul3A_279, %add3A_278 : i32
      %add3A_281 = arith.constant 2 : i32
      %add3A_282 = arith.addi %mul3A_280, %add3A_281 : i32
      %dma_start3A_283 = arith.constant 2 : i32
      %dma_start3A_284 = arith.constant 0 : i32
      %dma_start3A_285 = tpu.memref_slice %arg5[%add3A_282, %dma_start3A_284] : memref<80x128xi32, #tpu.memory_space<vmem>> -> memref<1x128xi32, #tpu.memory_space<vmem>>
      %dma_start3A_286 = tpu.memref_squeeze %dma_start3A_285 : memref<1x128xi32, #tpu.memory_space<vmem>> -> memref<128xi32, #tpu.memory_space<vmem>>
      %dma_start3A_287 = arith.constant 0 : i32
      %dma_start3A_288 = arith.constant 0 : i32
      %dma_start3A_289 = tpu.memref_slice %arg6[%dma_start3A_287, %dma_start3A_288] : memref<10240x16xf32, #tpu.memory_space<vmem_shared>> -> memref<10240x16xf32, #tpu.memory_space<vmem_shared>>
      %dma_start3A_290 = tpu.memref_slice %arg7[%dma_start3A_283] : memref<8x!tpu.dma_semaphore, #tpu.memory_space<semaphore_mem>> -> memref<1x!tpu.dma_semaphore, #tpu.memory_space<semaphore_mem>>
      %dma_start3A_291 = tpu.memref_squeeze %dma_start3A_290 : memref<1x!tpu.dma_semaphore, #tpu.memory_space<semaphore_mem>> -> memref<!tpu.dma_semaphore, #tpu.memory_space<semaphore_mem>>
      tpu.enqueue_indirect_dma source(%arg4 : memref<128x16xf32, #tpu.memory_space<vmem>>) target(%dma_start3A_289 : memref<10240x16xf32, #tpu.memory_space<vmem_shared>>) offsets(%dma_start3A_286 : memref<128xi32, #tpu.memory_space<vmem>>) semaphore(%dma_start3A_291 : memref<!tpu.dma_semaphore, #tpu.memory_space<semaphore_mem>>) {add = true}
      %mul3A_292 = arith.constant 8 : i32
      %mul3A_293 = arith.muli %mul3A_292, %scan3A_206 : i32
      %add3A_294 = arith.constant 3 : i32
      %add3A_295 = arith.addi %mul3A_293, %add3A_294 : i32
      %dma_wait3A_296 = arith.constant 3 : i32
      %dma_wait3A_297 = arith.constant 0 : i32
      %dma_wait3A_298 = tpu.memref_slice %arg5[%add3A_295, %dma_wait3A_297] : memref<80x128xi32, #tpu.memory_space<vmem>> -> memref<1x128xi32, #tpu.memory_space<vmem>>
      %dma_wait3A_299 = tpu.memref_squeeze %dma_wait3A_298 : memref<1x128xi32, #tpu.memory_space<vmem>> -> memref<128xi32, #tpu.memory_space<vmem>>
      %dma_wait3A_300 = arith.constant 0 : i32
      %dma_wait3A_301 = arith.constant 0 : i32
      %dma_wait3A_302 = tpu.memref_slice %arg6[%dma_wait3A_300, %dma_wait3A_301] : memref<10240x16xf32, #tpu.memory_space<vmem_shared>> -> memref<10240x16xf32, #tpu.memory_space<vmem_shared>>
      %dma_wait3A_303 = tpu.memref_slice %arg7[%dma_wait3A_296] : memref<8x!tpu.dma_semaphore, #tpu.memory_space<semaphore_mem>> -> memref<1x!tpu.dma_semaphore, #tpu.memory_space<semaphore_mem>>
      %dma_wait3A_304 = tpu.memref_squeeze %dma_wait3A_303 : memref<1x!tpu.dma_semaphore, #tpu.memory_space<semaphore_mem>> -> memref<!tpu.dma_semaphore, #tpu.memory_space<semaphore_mem>>
      tpu.wait_indirect_dma semaphore(%dma_wait3A_304 : memref<!tpu.dma_semaphore, #tpu.memory_space<semaphore_mem>>) src(%arg4 : memref<128x16xf32, #tpu.memory_space<vmem>>) dst(%dma_wait3A_302 : memref<10240x16xf32, #tpu.memory_space<vmem_shared>>)
      %add3A_305 = arith.constant 1 : i32
      %add3A_306 = arith.addi %scan3A_206, %add3A_305 : i32
      %mul3A_307 = arith.constant 8 : i32
      %mul3A_308 = arith.muli %mul3A_307, %add3A_306 : i32
      %add3A_309 = arith.constant 3 : i32
      %add3A_310 = arith.addi %mul3A_308, %add3A_309 : i32
      %dma_start3A_311 = arith.constant 3 : i32
      %dma_start3A_312 = arith.constant 0 : i32
      %dma_start3A_313 = tpu.memref_slice %arg5[%add3A_310, %dma_start3A_312] : memref<80x128xi32, #tpu.memory_space<vmem>> -> memref<1x128xi32, #tpu.memory_space<vmem>>
      %dma_start3A_314 = tpu.memref_squeeze %dma_start3A_313 : memref<1x128xi32, #tpu.memory_space<vmem>> -> memref<128xi32, #tpu.memory_space<vmem>>
      %dma_start3A_315 = arith.constant 0 : i32
      %dma_start3A_316 = arith.constant 0 : i32
      %dma_start3A_317 = tpu.memref_slice %arg6[%dma_start3A_315, %dma_start3A_316] : memref<10240x16xf32, #tpu.memory_space<vmem_shared>> -> memref<10240x16xf32, #tpu.memory_space<vmem_shared>>
      %dma_start3A_318 = tpu.memref_slice %arg7[%dma_start3A_311] : memref<8x!tpu.dma_semaphore, #tpu.memory_space<semaphore_mem>> -> memref<1x!tpu.dma_semaphore, #tpu.memory_space<semaphore_mem>>
      %dma_start3A_319 = tpu.memref_squeeze %dma_start3A_318 : memref<1x!tpu.dma_semaphore, #tpu.memory_space<semaphore_mem>> -> memref<!tpu.dma_semaphore, #tpu.memory_space<semaphore_mem>>
      tpu.enqueue_indirect_dma source(%arg4 : memref<128x16xf32, #tpu.memory_space<vmem>>) target(%dma_start3A_317 : memref<10240x16xf32, #tpu.memory_space<vmem_shared>>) offsets(%dma_start3A_314 : memref<128xi32, #tpu.memory_space<vmem>>) semaphore(%dma_start3A_319 : memref<!tpu.dma_semaphore, #tpu.memory_space<semaphore_mem>>) {add = true}
      %mul3A_320 = arith.constant 8 : i32
      %mul3A_321 = arith.muli %mul3A_320, %scan3A_206 : i32
      %add3A_322 = arith.constant 4 : i32
      %add3A_323 = arith.addi %mul3A_321, %add3A_322 : i32
      %dma_wait3A_324 = arith.constant 4 : i32
      %dma_wait3A_325 = arith.constant 0 : i32
      %dma_wait3A_326 = tpu.memref_slice %arg5[%add3A_323, %dma_wait3A_325] : memref<80x128xi32, #tpu.memory_space<vmem>> -> memref<1x128xi32, #tpu.memory_space<vmem>>
      %dma_wait3A_327 = tpu.memref_squeeze %dma_wait3A_326 : memref<1x128xi32, #tpu.memory_space<vmem>> -> memref<128xi32, #tpu.memory_space<vmem>>
      %dma_wait3A_328 = arith.constant 0 : i32
      %dma_wait3A_329 = arith.constant 0 : i32
      %dma_wait3A_330 = tpu.memref_slice %arg6[%dma_wait3A_328, %dma_wait3A_329] : memref<10240x16xf32, #tpu.memory_space<vmem_shared>> -> memref<10240x16xf32, #tpu.memory_space<vmem_shared>>
      %dma_wait3A_331 = tpu.memref_slice %arg7[%dma_wait3A_324] : memref<8x!tpu.dma_semaphore, #tpu.memory_space<semaphore_mem>> -> memref<1x!tpu.dma_semaphore, #tpu.memory_space<semaphore_mem>>
      %dma_wait3A_332 = tpu.memref_squeeze %dma_wait3A_331 : memref<1x!tpu.dma_semaphore, #tpu.memory_space<semaphore_mem>> -> memref<!tpu.dma_semaphore, #tpu.memory_space<semaphore_mem>>
      tpu.wait_indirect_dma semaphore(%dma_wait3A_332 : memref<!tpu.dma_semaphore, #tpu.memory_space<semaphore_mem>>) src(%arg4 : memref<128x16xf32, #tpu.memory_space<vmem>>) dst(%dma_wait3A_330 : memref<10240x16xf32, #tpu.memory_space<vmem_shared>>)
      %add3A_333 = arith.constant 1 : i32
      %add3A_334 = arith.addi %scan3A_206, %add3A_333 : i32
      %mul3A_335 = arith.constant 8 : i32
      %mul3A_336 = arith.muli %mul3A_335, %add3A_334 : i32
      %add3A_337 = arith.constant 4 : i32
      %add3A_338 = arith.addi %mul3A_336, %add3A_337 : i32
      %dma_start3A_339 = arith.constant 4 : i32
      %dma_start3A_340 = arith.constant 0 : i32
      %dma_start3A_341 = tpu.memref_slice %arg5[%add3A_338, %dma_start3A_340] : memref<80x128xi32, #tpu.memory_space<vmem>> -> memref<1x128xi32, #tpu.memory_space<vmem>>
      %dma_start3A_342 = tpu.memref_squeeze %dma_start3A_341 : memref<1x128xi32, #tpu.memory_space<vmem>> -> memref<128xi32, #tpu.memory_space<vmem>>
      %dma_start3A_343 = arith.constant 0 : i32
      %dma_start3A_344 = arith.constant 0 : i32
      %dma_start3A_345 = tpu.memref_slice %arg6[%dma_start3A_343, %dma_start3A_344] : memref<10240x16xf32, #tpu.memory_space<vmem_shared>> -> memref<10240x16xf32, #tpu.memory_space<vmem_shared>>
      %dma_start3A_346 = tpu.memref_slice %arg7[%dma_start3A_339] : memref<8x!tpu.dma_semaphore, #tpu.memory_space<semaphore_mem>> -> memref<1x!tpu.dma_semaphore, #tpu.memory_space<semaphore_mem>>
      %dma_start3A_347 = tpu.memref_squeeze %dma_start3A_346 : memref<1x!tpu.dma_semaphore, #tpu.memory_space<semaphore_mem>> -> memref<!tpu.dma_semaphore, #tpu.memory_space<semaphore_mem>>
      tpu.enqueue_indirect_dma source(%arg4 : memref<128x16xf32, #tpu.memory_space<vmem>>) target(%dma_start3A_345 : memref<10240x16xf32, #tpu.memory_space<vmem_shared>>) offsets(%dma_start3A_342 : memref<128xi32, #tpu.memory_space<vmem>>) semaphore(%dma_start3A_347 : memref<!tpu.dma_semaphore, #tpu.memory_space<semaphore_mem>>) {add = true}
      %mul3A_348 = arith.constant 8 : i32
      %mul3A_349 = arith.muli %mul3A_348, %scan3A_206 : i32
      %add3A_350 = arith.constant 5 : i32
      %add3A_351 = arith.addi %mul3A_349, %add3A_350 : i32
      %dma_wait3A_352 = arith.constant 5 : i32
      %dma_wait3A_353 = arith.constant 0 : i32
      %dma_wait3A_354 = tpu.memref_slice %arg5[%add3A_351, %dma_wait3A_353] : memref<80x128xi32, #tpu.memory_space<vmem>> -> memref<1x128xi32, #tpu.memory_space<vmem>>
      %dma_wait3A_355 = tpu.memref_squeeze %dma_wait3A_354 : memref<1x128xi32, #tpu.memory_space<vmem>> -> memref<128xi32, #tpu.memory_space<vmem>>
      %dma_wait3A_356 = arith.constant 0 : i32
      %dma_wait3A_357 = arith.constant 0 : i32
      %dma_wait3A_358 = tpu.memref_slice %arg6[%dma_wait3A_356, %dma_wait3A_357] : memref<10240x16xf32, #tpu.memory_space<vmem_shared>> -> memref<10240x16xf32, #tpu.memory_space<vmem_shared>>
      %dma_wait3A_359 = tpu.memref_slice %arg7[%dma_wait3A_352] : memref<8x!tpu.dma_semaphore, #tpu.memory_space<semaphore_mem>> -> memref<1x!tpu.dma_semaphore, #tpu.memory_space<semaphore_mem>>
      %dma_wait3A_360 = tpu.memref_squeeze %dma_wait3A_359 : memref<1x!tpu.dma_semaphore, #tpu.memory_space<semaphore_mem>> -> memref<!tpu.dma_semaphore, #tpu.memory_space<semaphore_mem>>
      tpu.wait_indirect_dma semaphore(%dma_wait3A_360 : memref<!tpu.dma_semaphore, #tpu.memory_space<semaphore_mem>>) src(%arg4 : memref<128x16xf32, #tpu.memory_space<vmem>>) dst(%dma_wait3A_358 : memref<10240x16xf32, #tpu.memory_space<vmem_shared>>)
      %add3A_361 = arith.constant 1 : i32
      %add3A_362 = arith.addi %scan3A_206, %add3A_361 : i32
      %mul3A_363 = arith.constant 8 : i32
      %mul3A_364 = arith.muli %mul3A_363, %add3A_362 : i32
      %add3A_365 = arith.constant 5 : i32
      %add3A_366 = arith.addi %mul3A_364, %add3A_365 : i32
      %dma_start3A_367 = arith.constant 5 : i32
      %dma_start3A_368 = arith.constant 0 : i32
      %dma_start3A_369 = tpu.memref_slice %arg5[%add3A_366, %dma_start3A_368] : memref<80x128xi32, #tpu.memory_space<vmem>> -> memref<1x128xi32, #tpu.memory_space<vmem>>
      %dma_start3A_370 = tpu.memref_squeeze %dma_start3A_369 : memref<1x128xi32, #tpu.memory_space<vmem>> -> memref<128xi32, #tpu.memory_space<vmem>>
      %dma_start3A_371 = arith.constant 0 : i32
      %dma_start3A_372 = arith.constant 0 : i32
      %dma_start3A_373 = tpu.memref_slice %arg6[%dma_start3A_371, %dma_start3A_372] : memref<10240x16xf32, #tpu.memory_space<vmem_shared>> -> memref<10240x16xf32, #tpu.memory_space<vmem_shared>>
      %dma_start3A_374 = tpu.memref_slice %arg7[%dma_start3A_367] : memref<8x!tpu.dma_semaphore, #tpu.memory_space<semaphore_mem>> -> memref<1x!tpu.dma_semaphore, #tpu.memory_space<semaphore_mem>>
      %dma_start3A_375 = tpu.memref_squeeze %dma_start3A_374 : memref<1x!tpu.dma_semaphore, #tpu.memory_space<semaphore_mem>> -> memref<!tpu.dma_semaphore, #tpu.memory_space<semaphore_mem>>
      tpu.enqueue_indirect_dma source(%arg4 : memref<128x16xf32, #tpu.memory_space<vmem>>) target(%dma_start3A_373 : memref<10240x16xf32, #tpu.memory_space<vmem_shared>>) offsets(%dma_start3A_370 : memref<128xi32, #tpu.memory_space<vmem>>) semaphore(%dma_start3A_375 : memref<!tpu.dma_semaphore, #tpu.memory_space<semaphore_mem>>) {add = true}
      %mul3A_376 = arith.constant 8 : i32
      %mul3A_377 = arith.muli %mul3A_376, %scan3A_206 : i32
      %add3A_378 = arith.constant 6 : i32
      %add3A_379 = arith.addi %mul3A_377, %add3A_378 : i32
      %dma_wait3A_380 = arith.constant 6 : i32
      %dma_wait3A_381 = arith.constant 0 : i32
      %dma_wait3A_382 = tpu.memref_slice %arg5[%add3A_379, %dma_wait3A_381] : memref<80x128xi32, #tpu.memory_space<vmem>> -> memref<1x128xi32, #tpu.memory_space<vmem>>
      %dma_wait3A_383 = tpu.memref_squeeze %dma_wait3A_382 : memref<1x128xi32, #tpu.memory_space<vmem>> -> memref<128xi32, #tpu.memory_space<vmem>>
      %dma_wait3A_384 = arith.constant 0 : i32
      %dma_wait3A_385 = arith.constant 0 : i32
      %dma_wait3A_386 = tpu.memref_slice %arg6[%dma_wait3A_384, %dma_wait3A_385] : memref<10240x16xf32, #tpu.memory_space<vmem_shared>> -> memref<10240x16xf32, #tpu.memory_space<vmem_shared>>
      %dma_wait3A_387 = tpu.memref_slice %arg7[%dma_wait3A_380] : memref<8x!tpu.dma_semaphore, #tpu.memory_space<semaphore_mem>> -> memref<1x!tpu.dma_semaphore, #tpu.memory_space<semaphore_mem>>
      %dma_wait3A_388 = tpu.memref_squeeze %dma_wait3A_387 : memref<1x!tpu.dma_semaphore, #tpu.memory_space<semaphore_mem>> -> memref<!tpu.dma_semaphore, #tpu.memory_space<semaphore_mem>>
      tpu.wait_indirect_dma semaphore(%dma_wait3A_388 : memref<!tpu.dma_semaphore, #tpu.memory_space<semaphore_mem>>) src(%arg4 : memref<128x16xf32, #tpu.memory_space<vmem>>) dst(%dma_wait3A_386 : memref<10240x16xf32, #tpu.memory_space<vmem_shared>>)
      %add3A_389 = arith.constant 1 : i32
      %add3A_390 = arith.addi %scan3A_206, %add3A_389 : i32
      %mul3A_391 = arith.constant 8 : i32
      %mul3A_392 = arith.muli %mul3A_391, %add3A_390 : i32
      %add3A_393 = arith.constant 6 : i32
      %add3A_394 = arith.addi %mul3A_392, %add3A_393 : i32
      %dma_start3A_395 = arith.constant 6 : i32
      %dma_start3A_396 = arith.constant 0 : i32
      %dma_start3A_397 = tpu.memref_slice %arg5[%add3A_394, %dma_start3A_396] : memref<80x128xi32, #tpu.memory_space<vmem>> -> memref<1x128xi32, #tpu.memory_space<vmem>>
      %dma_start3A_398 = tpu.memref_squeeze %dma_start3A_397 : memref<1x128xi32, #tpu.memory_space<vmem>> -> memref<128xi32, #tpu.memory_space<vmem>>
      %dma_start3A_399 = arith.constant 0 : i32
      %dma_start3A_400 = arith.constant 0 : i32
      %dma_start3A_401 = tpu.memref_slice %arg6[%dma_start3A_399, %dma_start3A_400] : memref<10240x16xf32, #tpu.memory_space<vmem_shared>> -> memref<10240x16xf32, #tpu.memory_space<vmem_shared>>
      %dma_start3A_402 = tpu.memref_slice %arg7[%dma_start3A_395] : memref<8x!tpu.dma_semaphore, #tpu.memory_space<semaphore_mem>> -> memref<1x!tpu.dma_semaphore, #tpu.memory_space<semaphore_mem>>
      %dma_start3A_403 = tpu.memref_squeeze %dma_start3A_402 : memref<1x!tpu.dma_semaphore, #tpu.memory_space<semaphore_mem>> -> memref<!tpu.dma_semaphore, #tpu.memory_space<semaphore_mem>>
      tpu.enqueue_indirect_dma source(%arg4 : memref<128x16xf32, #tpu.memory_space<vmem>>) target(%dma_start3A_401 : memref<10240x16xf32, #tpu.memory_space<vmem_shared>>) offsets(%dma_start3A_398 : memref<128xi32, #tpu.memory_space<vmem>>) semaphore(%dma_start3A_403 : memref<!tpu.dma_semaphore, #tpu.memory_space<semaphore_mem>>) {add = true}
      %mul3A_404 = arith.constant 8 : i32
      %mul3A_405 = arith.muli %mul3A_404, %scan3A_206 : i32
      %add3A_406 = arith.constant 7 : i32
      %add3A_407 = arith.addi %mul3A_405, %add3A_406 : i32
      %dma_wait3A_408 = arith.constant 7 : i32
      %dma_wait3A_409 = arith.constant 0 : i32
      %dma_wait3A_410 = tpu.memref_slice %arg5[%add3A_407, %dma_wait3A_409] : memref<80x128xi32, #tpu.memory_space<vmem>> -> memref<1x128xi32, #tpu.memory_space<vmem>>
      %dma_wait3A_411 = tpu.memref_squeeze %dma_wait3A_410 : memref<1x128xi32, #tpu.memory_space<vmem>> -> memref<128xi32, #tpu.memory_space<vmem>>
      %dma_wait3A_412 = arith.constant 0 : i32
      %dma_wait3A_413 = arith.constant 0 : i32
      %dma_wait3A_414 = tpu.memref_slice %arg6[%dma_wait3A_412, %dma_wait3A_413] : memref<10240x16xf32, #tpu.memory_space<vmem_shared>> -> memref<10240x16xf32, #tpu.memory_space<vmem_shared>>
      %dma_wait3A_415 = tpu.memref_slice %arg7[%dma_wait3A_408] : memref<8x!tpu.dma_semaphore, #tpu.memory_space<semaphore_mem>> -> memref<1x!tpu.dma_semaphore, #tpu.memory_space<semaphore_mem>>
      %dma_wait3A_416 = tpu.memref_squeeze %dma_wait3A_415 : memref<1x!tpu.dma_semaphore, #tpu.memory_space<semaphore_mem>> -> memref<!tpu.dma_semaphore, #tpu.memory_space<semaphore_mem>>
      tpu.wait_indirect_dma semaphore(%dma_wait3A_416 : memref<!tpu.dma_semaphore, #tpu.memory_space<semaphore_mem>>) src(%arg4 : memref<128x16xf32, #tpu.memory_space<vmem>>) dst(%dma_wait3A_414 : memref<10240x16xf32, #tpu.memory_space<vmem_shared>>)
      %add3A_417 = arith.constant 1 : i32
      %add3A_418 = arith.addi %scan3A_206, %add3A_417 : i32
      %mul3A_419 = arith.constant 8 : i32
      %mul3A_420 = arith.muli %mul3A_419, %add3A_418 : i32
      %add3A_421 = arith.constant 7 : i32
      %add3A_422 = arith.addi %mul3A_420, %add3A_421 : i32
      %dma_start3A_423 = arith.constant 7 : i32
      %dma_start3A_424 = arith.constant 0 : i32
      %dma_start3A_425 = tpu.memref_slice %arg5[%add3A_422, %dma_start3A_424] : memref<80x128xi32, #tpu.memory_space<vmem>> -> memref<1x128xi32, #tpu.memory_space<vmem>>
      %dma_start3A_426 = tpu.memref_squeeze %dma_start3A_425 : memref<1x128xi32, #tpu.memory_space<vmem>> -> memref<128xi32, #tpu.memory_space<vmem>>
      %dma_start3A_427 = arith.constant 0 : i32
      %dma_start3A_428 = arith.constant 0 : i32
      %dma_start3A_429 = tpu.memref_slice %arg6[%dma_start3A_427, %dma_start3A_428] : memref<10240x16xf32, #tpu.memory_space<vmem_shared>> -> memref<10240x16xf32, #tpu.memory_space<vmem_shared>>
      %dma_start3A_430 = tpu.memref_slice %arg7[%dma_start3A_423] : memref<8x!tpu.dma_semaphore, #tpu.memory_space<semaphore_mem>> -> memref<1x!tpu.dma_semaphore, #tpu.memory_space<semaphore_mem>>
      %dma_start3A_431 = tpu.memref_squeeze %dma_start3A_430 : memref<1x!tpu.dma_semaphore, #tpu.memory_space<semaphore_mem>> -> memref<!tpu.dma_semaphore, #tpu.memory_space<semaphore_mem>>
      tpu.enqueue_indirect_dma source(%arg4 : memref<128x16xf32, #tpu.memory_space<vmem>>) target(%dma_start3A_429 : memref<10240x16xf32, #tpu.memory_space<vmem_shared>>) offsets(%dma_start3A_426 : memref<128xi32, #tpu.memory_space<vmem>>) semaphore(%dma_start3A_431 : memref<!tpu.dma_semaphore, #tpu.memory_space<semaphore_mem>>) {add = true}
      %scan3A_432 = arith.constant 0 : i32
      scf.yield %scan3A_432 : i32
    }
    %scan3A_121 = arith.constant 9 : i32
    %dma_wait3A = arith.constant 72 : i32
    %dma_wait3A_122 = arith.constant 0 : i32
    %dma_wait3A_123 = arith.constant 0 : i32
    %dma_wait3A_124 = tpu.memref_slice %arg5[%dma_wait3A, %dma_wait3A_123] : memref<80x128xi32, #tpu.memory_space<vmem>> -> memref<1x128xi32, #tpu.memory_space<vmem>>
    %dma_wait3A_125 = tpu.memref_squeeze %dma_wait3A_124 : memref<1x128xi32, #tpu.memory_space<vmem>> -> memref<128xi32, #tpu.memory_space<vmem>>
    %dma_wait3A_126 = arith.constant 0 : i32
    %dma_wait3A_127 = arith.constant 0 : i32
    %dma_wait3A_128 = tpu.memref_slice %arg6[%dma_wait3A_126, %dma_wait3A_127] : memref<10240x16xf32, #tpu.memory_space<vmem_shared>> -> memref<10240x16xf32, #tpu.memory_space<vmem_shared>>
    %dma_wait3A_129 = tpu.memref_slice %arg7[%dma_wait3A_122] : memref<8x!tpu.dma_semaphore, #tpu.memory_space<semaphore_mem>> -> memref<1x!tpu.dma_semaphore, #tpu.memory_space<semaphore_mem>>
    %dma_wait3A_130 = tpu.memref_squeeze %dma_wait3A_129 : memref<1x!tpu.dma_semaphore, #tpu.memory_space<semaphore_mem>> -> memref<!tpu.dma_semaphore, #tpu.memory_space<semaphore_mem>>
    tpu.wait_indirect_dma semaphore(%dma_wait3A_130 : memref<!tpu.dma_semaphore, #tpu.memory_space<semaphore_mem>>) src(%arg4 : memref<128x16xf32, #tpu.memory_space<vmem>>) dst(%dma_wait3A_128 : memref<10240x16xf32, #tpu.memory_space<vmem_shared>>)
    %dma_wait3A_131 = arith.constant 73 : i32
    %dma_wait3A_132 = arith.constant 1 : i32
    %dma_wait3A_133 = arith.constant 0 : i32
    %dma_wait3A_134 = tpu.memref_slice %arg5[%dma_wait3A_131, %dma_wait3A_133] : memref<80x128xi32, #tpu.memory_space<vmem>> -> memref<1x128xi32, #tpu.memory_space<vmem>>
    %dma_wait3A_135 = tpu.memref_squeeze %dma_wait3A_134 : memref<1x128xi32, #tpu.memory_space<vmem>> -> memref<128xi32, #tpu.memory_space<vmem>>
    %dma_wait3A_136 = arith.constant 0 : i32
    %dma_wait3A_137 = arith.constant 0 : i32
    %dma_wait3A_138 = tpu.memref_slice %arg6[%dma_wait3A_136, %dma_wait3A_137] : memref<10240x16xf32, #tpu.memory_space<vmem_shared>> -> memref<10240x16xf32, #tpu.memory_space<vmem_shared>>
    %dma_wait3A_139 = tpu.memref_slice %arg7[%dma_wait3A_132] : memref<8x!tpu.dma_semaphore, #tpu.memory_space<semaphore_mem>> -> memref<1x!tpu.dma_semaphore, #tpu.memory_space<semaphore_mem>>
    %dma_wait3A_140 = tpu.memref_squeeze %dma_wait3A_139 : memref<1x!tpu.dma_semaphore, #tpu.memory_space<semaphore_mem>> -> memref<!tpu.dma_semaphore, #tpu.memory_space<semaphore_mem>>
    tpu.wait_indirect_dma semaphore(%dma_wait3A_140 : memref<!tpu.dma_semaphore, #tpu.memory_space<semaphore_mem>>) src(%arg4 : memref<128x16xf32, #tpu.memory_space<vmem>>) dst(%dma_wait3A_138 : memref<10240x16xf32, #tpu.memory_space<vmem_shared>>)
    %dma_wait3A_141 = arith.constant 74 : i32
    %dma_wait3A_142 = arith.constant 2 : i32
    %dma_wait3A_143 = arith.constant 0 : i32
    %dma_wait3A_144 = tpu.memref_slice %arg5[%dma_wait3A_141, %dma_wait3A_143] : memref<80x128xi32, #tpu.memory_space<vmem>> -> memref<1x128xi32, #tpu.memory_space<vmem>>
    %dma_wait3A_145 = tpu.memref_squeeze %dma_wait3A_144 : memref<1x128xi32, #tpu.memory_space<vmem>> -> memref<128xi32, #tpu.memory_space<vmem>>
    %dma_wait3A_146 = arith.constant 0 : i32
    %dma_wait3A_147 = arith.constant 0 : i32
    %dma_wait3A_148 = tpu.memref_slice %arg6[%dma_wait3A_146, %dma_wait3A_147] : memref<10240x16xf32, #tpu.memory_space<vmem_shared>> -> memref<10240x16xf32, #tpu.memory_space<vmem_shared>>
    %dma_wait3A_149 = tpu.memref_slice %arg7[%dma_wait3A_142] : memref<8x!tpu.dma_semaphore, #tpu.memory_space<semaphore_mem>> -> memref<1x!tpu.dma_semaphore, #tpu.memory_space<semaphore_mem>>
    %dma_wait3A_150 = tpu.memref_squeeze %dma_wait3A_149 : memref<1x!tpu.dma_semaphore, #tpu.memory_space<semaphore_mem>> -> memref<!tpu.dma_semaphore, #tpu.memory_space<semaphore_mem>>
    tpu.wait_indirect_dma semaphore(%dma_wait3A_150 : memref<!tpu.dma_semaphore, #tpu.memory_space<semaphore_mem>>) src(%arg4 : memref<128x16xf32, #tpu.memory_space<vmem>>) dst(%dma_wait3A_148 : memref<10240x16xf32, #tpu.memory_space<vmem_shared>>)
    %dma_wait3A_151 = arith.constant 75 : i32
    %dma_wait3A_152 = arith.constant 3 : i32
    %dma_wait3A_153 = arith.constant 0 : i32
    %dma_wait3A_154 = tpu.memref_slice %arg5[%dma_wait3A_151, %dma_wait3A_153] : memref<80x128xi32, #tpu.memory_space<vmem>> -> memref<1x128xi32, #tpu.memory_space<vmem>>
    %dma_wait3A_155 = tpu.memref_squeeze %dma_wait3A_154 : memref<1x128xi32, #tpu.memory_space<vmem>> -> memref<128xi32, #tpu.memory_space<vmem>>
    %dma_wait3A_156 = arith.constant 0 : i32
    %dma_wait3A_157 = arith.constant 0 : i32
    %dma_wait3A_158 = tpu.memref_slice %arg6[%dma_wait3A_156, %dma_wait3A_157] : memref<10240x16xf32, #tpu.memory_space<vmem_shared>> -> memref<10240x16xf32, #tpu.memory_space<vmem_shared>>
    %dma_wait3A_159 = tpu.memref_slice %arg7[%dma_wait3A_152] : memref<8x!tpu.dma_semaphore, #tpu.memory_space<semaphore_mem>> -> memref<1x!tpu.dma_semaphore, #tpu.memory_space<semaphore_mem>>
    %dma_wait3A_160 = tpu.memref_squeeze %dma_wait3A_159 : memref<1x!tpu.dma_semaphore, #tpu.memory_space<semaphore_mem>> -> memref<!tpu.dma_semaphore, #tpu.memory_space<semaphore_mem>>
    tpu.wait_indirect_dma semaphore(%dma_wait3A_160 : memref<!tpu.dma_semaphore, #tpu.memory_space<semaphore_mem>>) src(%arg4 : memref<128x16xf32, #tpu.memory_space<vmem>>) dst(%dma_wait3A_158 : memref<10240x16xf32, #tpu.memory_space<vmem_shared>>)
    %dma_wait3A_161 = arith.constant 76 : i32
    %dma_wait3A_162 = arith.constant 4 : i32
    %dma_wait3A_163 = arith.constant 0 : i32
    %dma_wait3A_164 = tpu.memref_slice %arg5[%dma_wait3A_161, %dma_wait3A_163] : memref<80x128xi32, #tpu.memory_space<vmem>> -> memref<1x128xi32, #tpu.memory_space<vmem>>
    %dma_wait3A_165 = tpu.memref_squeeze %dma_wait3A_164 : memref<1x128xi32, #tpu.memory_space<vmem>> -> memref<128xi32, #tpu.memory_space<vmem>>
    %dma_wait3A_166 = arith.constant 0 : i32
    %dma_wait3A_167 = arith.constant 0 : i32
    %dma_wait3A_168 = tpu.memref_slice %arg6[%dma_wait3A_166, %dma_wait3A_167] : memref<10240x16xf32, #tpu.memory_space<vmem_shared>> -> memref<10240x16xf32, #tpu.memory_space<vmem_shared>>
    %dma_wait3A_169 = tpu.memref_slice %arg7[%dma_wait3A_162] : memref<8x!tpu.dma_semaphore, #tpu.memory_space<semaphore_mem>> -> memref<1x!tpu.dma_semaphore, #tpu.memory_space<semaphore_mem>>
    %dma_wait3A_170 = tpu.memref_squeeze %dma_wait3A_169 : memref<1x!tpu.dma_semaphore, #tpu.memory_space<semaphore_mem>> -> memref<!tpu.dma_semaphore, #tpu.memory_space<semaphore_mem>>
    tpu.wait_indirect_dma semaphore(%dma_wait3A_170 : memref<!tpu.dma_semaphore, #tpu.memory_space<semaphore_mem>>) src(%arg4 : memref<128x16xf32, #tpu.memory_space<vmem>>) dst(%dma_wait3A_168 : memref<10240x16xf32, #tpu.memory_space<vmem_shared>>)
    %dma_wait3A_171 = arith.constant 77 : i32
    %dma_wait3A_172 = arith.constant 5 : i32
    %dma_wait3A_173 = arith.constant 0 : i32
    %dma_wait3A_174 = tpu.memref_slice %arg5[%dma_wait3A_171, %dma_wait3A_173] : memref<80x128xi32, #tpu.memory_space<vmem>> -> memref<1x128xi32, #tpu.memory_space<vmem>>
    %dma_wait3A_175 = tpu.memref_squeeze %dma_wait3A_174 : memref<1x128xi32, #tpu.memory_space<vmem>> -> memref<128xi32, #tpu.memory_space<vmem>>
    %dma_wait3A_176 = arith.constant 0 : i32
    %dma_wait3A_177 = arith.constant 0 : i32
    %dma_wait3A_178 = tpu.memref_slice %arg6[%dma_wait3A_176, %dma_wait3A_177] : memref<10240x16xf32, #tpu.memory_space<vmem_shared>> -> memref<10240x16xf32, #tpu.memory_space<vmem_shared>>
    %dma_wait3A_179 = tpu.memref_slice %arg7[%dma_wait3A_172] : memref<8x!tpu.dma_semaphore, #tpu.memory_space<semaphore_mem>> -> memref<1x!tpu.dma_semaphore, #tpu.memory_space<semaphore_mem>>
    %dma_wait3A_180 = tpu.memref_squeeze %dma_wait3A_179 : memref<1x!tpu.dma_semaphore, #tpu.memory_space<semaphore_mem>> -> memref<!tpu.dma_semaphore, #tpu.memory_space<semaphore_mem>>
    tpu.wait_indirect_dma semaphore(%dma_wait3A_180 : memref<!tpu.dma_semaphore, #tpu.memory_space<semaphore_mem>>) src(%arg4 : memref<128x16xf32, #tpu.memory_space<vmem>>) dst(%dma_wait3A_178 : memref<10240x16xf32, #tpu.memory_space<vmem_shared>>)
    %dma_wait3A_181 = arith.constant 78 : i32
    %dma_wait3A_182 = arith.constant 6 : i32
    %dma_wait3A_183 = arith.constant 0 : i32
    %dma_wait3A_184 = tpu.memref_slice %arg5[%dma_wait3A_181, %dma_wait3A_183] : memref<80x128xi32, #tpu.memory_space<vmem>> -> memref<1x128xi32, #tpu.memory_space<vmem>>
    %dma_wait3A_185 = tpu.memref_squeeze %dma_wait3A_184 : memref<1x128xi32, #tpu.memory_space<vmem>> -> memref<128xi32, #tpu.memory_space<vmem>>
    %dma_wait3A_186 = arith.constant 0 : i32
    %dma_wait3A_187 = arith.constant 0 : i32
    %dma_wait3A_188 = tpu.memref_slice %arg6[%dma_wait3A_186, %dma_wait3A_187] : memref<10240x16xf32, #tpu.memory_space<vmem_shared>> -> memref<10240x16xf32, #tpu.memory_space<vmem_shared>>
    %dma_wait3A_189 = tpu.memref_slice %arg7[%dma_wait3A_182] : memref<8x!tpu.dma_semaphore, #tpu.memory_space<semaphore_mem>> -> memref<1x!tpu.dma_semaphore, #tpu.memory_space<semaphore_mem>>
    %dma_wait3A_190 = tpu.memref_squeeze %dma_wait3A_189 : memref<1x!tpu.dma_semaphore, #tpu.memory_space<semaphore_mem>> -> memref<!tpu.dma_semaphore, #tpu.memory_space<semaphore_mem>>
    tpu.wait_indirect_dma semaphore(%dma_wait3A_190 : memref<!tpu.dma_semaphore, #tpu.memory_space<semaphore_mem>>) src(%arg4 : memref<128x16xf32, #tpu.memory_space<vmem>>) dst(%dma_wait3A_188 : memref<10240x16xf32, #tpu.memory_space<vmem_shared>>)
    %dma_wait3A_191 = arith.constant 79 : i32
    %dma_wait3A_192 = arith.constant 7 : i32
    %dma_wait3A_193 = arith.constant 0 : i32
    %dma_wait3A_194 = tpu.memref_slice %arg5[%dma_wait3A_191, %dma_wait3A_193] : memref<80x128xi32, #tpu.memory_space<vmem>> -> memref<1x128xi32, #tpu.memory_space<vmem>>
    %dma_wait3A_195 = tpu.memref_squeeze %dma_wait3A_194 : memref<1x128xi32, #tpu.memory_space<vmem>> -> memref<128xi32, #tpu.memory_space<vmem>>
    %dma_wait3A_196 = arith.constant 0 : i32
    %dma_wait3A_197 = arith.constant 0 : i32
    %dma_wait3A_198 = tpu.memref_slice %arg6[%dma_wait3A_196, %dma_wait3A_197] : memref<10240x16xf32, #tpu.memory_space<vmem_shared>> -> memref<10240x16xf32, #tpu.memory_space<vmem_shared>>
    %dma_wait3A_199 = tpu.memref_slice %arg7[%dma_wait3A_192] : memref<8x!tpu.dma_semaphore, #tpu.memory_space<semaphore_mem>> -> memref<1x!tpu.dma_semaphore, #tpu.memory_space<semaphore_mem>>
    %dma_wait3A_200 = tpu.memref_squeeze %dma_wait3A_199 : memref<1x!tpu.dma_semaphore, #tpu.memory_space<semaphore_mem>> -> memref<!tpu.dma_semaphore, #tpu.memory_space<semaphore_mem>>
    tpu.wait_indirect_dma semaphore(%dma_wait3A_200 : memref<!tpu.dma_semaphore, #tpu.memory_space<semaphore_mem>>) src(%arg4 : memref<128x16xf32, #tpu.memory_space<vmem>>) dst(%dma_wait3A_198 : memref<10240x16xf32, #tpu.memory_space<vmem_shared>>)
    %barrier3A_201 = arith.constant 0 : index
    tpu.barrier barrier_id(%barrier3A_201)
    %mul3A_202 = arith.constant 640 : i32
    %mul3A_203 = arith.muli %arg1, %mul3A_202 : i32
    %mul3A_204 = arith.constant 640 : i32
    %mul3A_205 = arith.muli %arg1, %mul3A_204 : i32
    "tpu.region"() ({
      %run_scoped3A_206 = tpu.sem_alloc : memref<!tpu.dma_semaphore, #tpu.memory_space<semaphore_mem>>
      %dma_start3A_207 = arith.constant 0 : i32
      %dma_start3A_208 = tpu.memref_slice %arg3[%arg0, %mul3A_205, %dma_start3A_207] : memref<2x10240x16xf32, #tpu.memory_space<hbm>> -> memref<1x640x16xf32, #tpu.memory_space<hbm>>
      %dma_start3A_209 = tpu.memref_squeeze %dma_start3A_208 : memref<1x640x16xf32, #tpu.memory_space<hbm>> -> memref<640x16xf32, #tpu.memory_space<hbm>>
      %dma_start3A_210 = arith.constant 0 : i32
      %dma_start3A_211 = tpu.memref_slice %arg6[%mul3A_203, %dma_start3A_210] : memref<10240x16xf32, #tpu.memory_space<vmem_shared>> -> memref<640x16xf32, #tpu.memory_space<vmem_shared>>
      tpu.enqueue_dma source(%dma_start3A_211 : memref<640x16xf32, #tpu.memory_space<vmem_shared>>) target(%dma_start3A_209 : memref<640x16xf32, #tpu.memory_space<hbm>>) target_semaphore(%run_scoped3A_206 : memref<!tpu.dma_semaphore, #tpu.memory_space<semaphore_mem>>)
      %dma_wait3A_212 = arith.constant 0 : i32
      %dma_wait3A_213 = tpu.memref_slice %arg3[%arg0, %mul3A_205, %dma_wait3A_212] : memref<2x10240x16xf32, #tpu.memory_space<hbm>> -> memref<1x640x16xf32, #tpu.memory_space<hbm>>
      %dma_wait3A_214 = tpu.memref_squeeze %dma_wait3A_213 : memref<1x640x16xf32, #tpu.memory_space<hbm>> -> memref<640x16xf32, #tpu.memory_space<hbm>>
      %dma_wait3A_215 = arith.constant 0 : i32
      %dma_wait3A_216 = tpu.memref_slice %arg6[%mul3A_203, %dma_wait3A_215] : memref<10240x16xf32, #tpu.memory_space<vmem_shared>> -> memref<640x16xf32, #tpu.memory_space<vmem_shared>>
      tpu.wait_dma2 semaphore(%run_scoped3A_206 : memref<!tpu.dma_semaphore, #tpu.memory_space<semaphore_mem>>) src(%dma_wait3A_216 : memref<640x16xf32, #tpu.memory_space<vmem_shared>>) dst(%dma_wait3A_214 : memref<640x16xf32, #tpu.memory_space<hbm>>)
      tpu.yield
    }) : () -> ()
    return
  }
}

#map = affine_map<(d0, d1) -> (0, 0, 0)>
#map1 = affine_map<(d0, d1) -> (0, 0)>
module attributes {stable_mosaic.version = 14 : i64} {
  func.func @_agg_body(%arg0: i32, %arg1: i32, %arg2: memref<2x2560x128xi32, #tpu.memory_space<hbm>>, %arg3: memref<10000x32xf32, #tpu.memory_space<hbm>>, %arg4: memref<2x10240x128xf32, #tpu.memory_space<hbm>>, %arg5: memref<80x128xi32, #tpu.memory_space<vmem>>, %arg6: memref<80x128xi32, #tpu.memory_space<vmem>>, %arg7: memref<128x32xf32, #tpu.memory_space<vmem>>, %arg8: memref<128x32xf32, #tpu.memory_space<vmem>>, %arg9: memref<128x32xf32, #tpu.memory_space<vmem>>, %arg10: memref<128x32xf32, #tpu.memory_space<vmem>>, %arg11: memref<128x32xf32, #tpu.memory_space<vmem>>, %arg12: memref<128x32xf32, #tpu.memory_space<vmem>>, %arg13: memref<128x32xf32, #tpu.memory_space<vmem>>, %arg14: memref<128x32xf32, #tpu.memory_space<vmem>>, %arg15: memref<10240x32xf32, #tpu.memory_space<vmem_shared>>, %arg16: memref<8x!tpu.dma_semaphore, #tpu.memory_space<semaphore_mem>>, %arg17: memref<8x!tpu.dma_semaphore, #tpu.memory_space<semaphore_mem>>) attributes {dimension_semantics = [#tpu.dimension_semantics<core_parallel>, #tpu.dimension_semantics<subcore_parallel>], iteration_bounds = array<i64: 2, 16>, scalar_prefetch = 0 : i64, scratch_operands = 13 : i64, tpu.core_type = #tpu.core_type<sc_vector_subcore>, window_params = [{transform_indices = #map}, {transform_indices = #map1}, {transform_indices = #map}]} {
    %mul3A = arith.constant 16 : i32
    %mul3A_0 = arith.muli %arg0, %mul3A : i32
    %add3A = arith.addi %mul3A_0, %arg1 : i32
    %scan3A = arith.constant 0 : i32
    %scan3A_1 = arith.constant 0 : i32
    %scan3A_2 = arith.constant 128 : i32
    %scan3A_3 = arith.addi %scan3A_1, %scan3A_2 : i32
    %scan3A_4 = arith.constant 1 : i32
    %scan3A_5 = scf.for %scan3A_362 = %scan3A_1 to %scan3A_3 step %scan3A_4 iter_args(%scan3A_363 = %scan3A) -> (i32)  : i32 {
      %broadcast_in_dim3A = arith.constant 0.000000e+00 : f32
      %broadcast_in_dim3A_364 = vector.broadcast %broadcast_in_dim3A : f32 to vector<16xf32>
      %swap3A = arith.index_cast %scan3A_362 : i32 to index
      %swap3A_365 = arith.constant 0 : index
      %swap3A_366 = tpu.vector_load %arg7[%swap3A, %swap3A_365] {strides = array<i32>} : memref<128x32xf32, #tpu.memory_space<vmem>>, vector<1x16xf32>,
      %swap3A_367 = vector.shape_cast %swap3A_366 : vector<1x16xf32> to vector<16xf32>
      %swap3A_368 = vector.shape_cast %broadcast_in_dim3A_364 : vector<16xf32> to vector<1x16xf32>
      tpu.vector_store %arg7[%swap3A, %swap3A_365], %swap3A_368 {strides = array<i32>} : memref<128x32xf32, #tpu.memory_space<vmem>>, vector<1x16xf32>,
      %broadcast_in_dim3A_369 = arith.constant 0.000000e+00 : f32
      %broadcast_in_dim3A_370 = vector.broadcast %broadcast_in_dim3A_369 : f32 to vector<16xf32>
      %swap3A_371 = arith.index_cast %scan3A_362 : i32 to index
      %swap3A_372 = arith.constant 16 : index
      %swap3A_373 = tpu.vector_load %arg7[%swap3A_371, %swap3A_372] {strides = array<i32>} : memref<128x32xf32, #tpu.memory_space<vmem>>, vector<1x16xf32>,
      %swap3A_374 = vector.shape_cast %swap3A_373 : vector<1x16xf32> to vector<16xf32>
      %swap3A_375 = vector.shape_cast %broadcast_in_dim3A_370 : vector<16xf32> to vector<1x16xf32>
      tpu.vector_store %arg7[%swap3A_371, %swap3A_372], %swap3A_375 {strides = array<i32>} : memref<128x32xf32, #tpu.memory_space<vmem>>, vector<1x16xf32>,
      %scan3A_376 = arith.constant 0 : i32
      scf.yield %scan3A_376 : i32
    }
    %scan3A_6 = arith.constant 128 : i32
    %mul3A_7 = arith.constant 640 : i32
    %mul3A_8 = arith.muli %arg1, %mul3A_7 : i32
    %add3A_9 = arith.constant 0 : i32
    %add3A_10 = arith.addi %mul3A_8, %add3A_9 : i32
    "tpu.region"() ({
      %run_scoped3A_362 = tpu.sem_alloc : memref<!tpu.dma_semaphore, #tpu.memory_space<semaphore_mem>>
      %dma_start3A_363 = arith.constant 0 : i32
      %dma_start3A_364 = tpu.memref_slice %arg15[%add3A_10, %dma_start3A_363] : memref<10240x32xf32, #tpu.memory_space<vmem_shared>> -> memref<128x32xf32, #tpu.memory_space<vmem_shared>>
      %dma_start3A_365 = arith.constant 0 : i32
      %dma_start3A_366 = tpu.memref_slice %arg15[%add3A_10, %dma_start3A_365] : memref<10240x32xf32, #tpu.memory_space<vmem_shared>> -> memref<128x32xf32, #tpu.memory_space<vmem_shared>>
      tpu.enqueue_dma source(%arg7 : memref<128x32xf32, #tpu.memory_space<vmem>>) target(%dma_start3A_366 : memref<128x32xf32, #tpu.memory_space<vmem_shared>>) target_semaphore(%run_scoped3A_362 : memref<!tpu.dma_semaphore, #tpu.memory_space<semaphore_mem>>)
      %dma_wait3A_367 = arith.constant 0 : i32
      %dma_wait3A_368 = tpu.memref_slice %arg15[%add3A_10, %dma_wait3A_367] : memref<10240x32xf32, #tpu.memory_space<vmem_shared>> -> memref<128x32xf32, #tpu.memory_space<vmem_shared>>
      %dma_wait3A_369 = arith.constant 0 : i32
      %dma_wait3A_370 = tpu.memref_slice %arg15[%add3A_10, %dma_wait3A_369] : memref<10240x32xf32, #tpu.memory_space<vmem_shared>> -> memref<128x32xf32, #tpu.memory_space<vmem_shared>>
      tpu.wait_dma2 semaphore(%run_scoped3A_362 : memref<!tpu.dma_semaphore, #tpu.memory_space<semaphore_mem>>) src(%arg7 : memref<128x32xf32, #tpu.memory_space<vmem>>) dst(%dma_wait3A_370 : memref<128x32xf32, #tpu.memory_space<vmem_shared>>)
      tpu.yield
    }) : () -> ()
    %mul3A_11 = arith.constant 640 : i32
    %mul3A_12 = arith.muli %arg1, %mul3A_11 : i32
    %add3A_13 = arith.constant 128 : i32
    %add3A_14 = arith.addi %mul3A_12, %add3A_13 : i32
    "tpu.region"() ({
      %run_scoped3A_362 = tpu.sem_alloc : memref<!tpu.dma_semaphore, #tpu.memory_space<semaphore_mem>>
      %dma_start3A_363 = arith.constant 0 : i32
      %dma_start3A_364 = tpu.memref_slice %arg15[%add3A_14, %dma_start3A_363] : memref<10240x32xf32, #tpu.memory_space<vmem_shared>> -> memref<128x32xf32, #tpu.memory_space<vmem_shared>>
      %dma_start3A_365 = arith.constant 0 : i32
      %dma_start3A_366 = tpu.memref_slice %arg15[%add3A_14, %dma_start3A_365] : memref<10240x32xf32, #tpu.memory_space<vmem_shared>> -> memref<128x32xf32, #tpu.memory_space<vmem_shared>>
      tpu.enqueue_dma source(%arg7 : memref<128x32xf32, #tpu.memory_space<vmem>>) target(%dma_start3A_366 : memref<128x32xf32, #tpu.memory_space<vmem_shared>>) target_semaphore(%run_scoped3A_362 : memref<!tpu.dma_semaphore, #tpu.memory_space<semaphore_mem>>)
      %dma_wait3A_367 = arith.constant 0 : i32
      %dma_wait3A_368 = tpu.memref_slice %arg15[%add3A_14, %dma_wait3A_367] : memref<10240x32xf32, #tpu.memory_space<vmem_shared>> -> memref<128x32xf32, #tpu.memory_space<vmem_shared>>
      %dma_wait3A_369 = arith.constant 0 : i32
      %dma_wait3A_370 = tpu.memref_slice %arg15[%add3A_14, %dma_wait3A_369] : memref<10240x32xf32, #tpu.memory_space<vmem_shared>> -> memref<128x32xf32, #tpu.memory_space<vmem_shared>>
      tpu.wait_dma2 semaphore(%run_scoped3A_362 : memref<!tpu.dma_semaphore, #tpu.memory_space<semaphore_mem>>) src(%arg7 : memref<128x32xf32, #tpu.memory_space<vmem>>) dst(%dma_wait3A_370 : memref<128x32xf32, #tpu.memory_space<vmem_shared>>)
      tpu.yield
    }) : () -> ()
    %mul3A_15 = arith.constant 640 : i32
    %mul3A_16 = arith.muli %arg1, %mul3A_15 : i32
    %add3A_17 = arith.constant 256 : i32
    %add3A_18 = arith.addi %mul3A_16, %add3A_17 : i32
    "tpu.region"() ({
      %run_scoped3A_362 = tpu.sem_alloc : memref<!tpu.dma_semaphore, #tpu.memory_space<semaphore_mem>>
      %dma_start3A_363 = arith.constant 0 : i32
      %dma_start3A_364 = tpu.memref_slice %arg15[%add3A_18, %dma_start3A_363] : memref<10240x32xf32, #tpu.memory_space<vmem_shared>> -> memref<128x32xf32, #tpu.memory_space<vmem_shared>>
      %dma_start3A_365 = arith.constant 0 : i32
      %dma_start3A_366 = tpu.memref_slice %arg15[%add3A_18, %dma_start3A_365] : memref<10240x32xf32, #tpu.memory_space<vmem_shared>> -> memref<128x32xf32, #tpu.memory_space<vmem_shared>>
      tpu.enqueue_dma source(%arg7 : memref<128x32xf32, #tpu.memory_space<vmem>>) target(%dma_start3A_366 : memref<128x32xf32, #tpu.memory_space<vmem_shared>>) target_semaphore(%run_scoped3A_362 : memref<!tpu.dma_semaphore, #tpu.memory_space<semaphore_mem>>)
      %dma_wait3A_367 = arith.constant 0 : i32
      %dma_wait3A_368 = tpu.memref_slice %arg15[%add3A_18, %dma_wait3A_367] : memref<10240x32xf32, #tpu.memory_space<vmem_shared>> -> memref<128x32xf32, #tpu.memory_space<vmem_shared>>
      %dma_wait3A_369 = arith.constant 0 : i32
      %dma_wait3A_370 = tpu.memref_slice %arg15[%add3A_18, %dma_wait3A_369] : memref<10240x32xf32, #tpu.memory_space<vmem_shared>> -> memref<128x32xf32, #tpu.memory_space<vmem_shared>>
      tpu.wait_dma2 semaphore(%run_scoped3A_362 : memref<!tpu.dma_semaphore, #tpu.memory_space<semaphore_mem>>) src(%arg7 : memref<128x32xf32, #tpu.memory_space<vmem>>) dst(%dma_wait3A_370 : memref<128x32xf32, #tpu.memory_space<vmem_shared>>)
      tpu.yield
    }) : () -> ()
    %mul3A_19 = arith.constant 640 : i32
    %mul3A_20 = arith.muli %arg1, %mul3A_19 : i32
    %add3A_21 = arith.constant 384 : i32
    %add3A_22 = arith.addi %mul3A_20, %add3A_21 : i32
    "tpu.region"() ({
      %run_scoped3A_362 = tpu.sem_alloc : memref<!tpu.dma_semaphore, #tpu.memory_space<semaphore_mem>>
      %dma_start3A_363 = arith.constant 0 : i32
      %dma_start3A_364 = tpu.memref_slice %arg15[%add3A_22, %dma_start3A_363] : memref<10240x32xf32, #tpu.memory_space<vmem_shared>> -> memref<128x32xf32, #tpu.memory_space<vmem_shared>>
      %dma_start3A_365 = arith.constant 0 : i32
      %dma_start3A_366 = tpu.memref_slice %arg15[%add3A_22, %dma_start3A_365] : memref<10240x32xf32, #tpu.memory_space<vmem_shared>> -> memref<128x32xf32, #tpu.memory_space<vmem_shared>>
      tpu.enqueue_dma source(%arg7 : memref<128x32xf32, #tpu.memory_space<vmem>>) target(%dma_start3A_366 : memref<128x32xf32, #tpu.memory_space<vmem_shared>>) target_semaphore(%run_scoped3A_362 : memref<!tpu.dma_semaphore, #tpu.memory_space<semaphore_mem>>)
      %dma_wait3A_367 = arith.constant 0 : i32
      %dma_wait3A_368 = tpu.memref_slice %arg15[%add3A_22, %dma_wait3A_367] : memref<10240x32xf32, #tpu.memory_space<vmem_shared>> -> memref<128x32xf32, #tpu.memory_space<vmem_shared>>
      %dma_wait3A_369 = arith.constant 0 : i32
      %dma_wait3A_370 = tpu.memref_slice %arg15[%add3A_22, %dma_wait3A_369] : memref<10240x32xf32, #tpu.memory_space<vmem_shared>> -> memref<128x32xf32, #tpu.memory_space<vmem_shared>>
      tpu.wait_dma2 semaphore(%run_scoped3A_362 : memref<!tpu.dma_semaphore, #tpu.memory_space<semaphore_mem>>) src(%arg7 : memref<128x32xf32, #tpu.memory_space<vmem>>) dst(%dma_wait3A_370 : memref<128x32xf32, #tpu.memory_space<vmem_shared>>)
      tpu.yield
    }) : () -> ()
    %mul3A_23 = arith.constant 640 : i32
    %mul3A_24 = arith.muli %arg1, %mul3A_23 : i32
    %add3A_25 = arith.constant 512 : i32
    %add3A_26 = arith.addi %mul3A_24, %add3A_25 : i32
    "tpu.region"() ({
      %run_scoped3A_362 = tpu.sem_alloc : memref<!tpu.dma_semaphore, #tpu.memory_space<semaphore_mem>>
      %dma_start3A_363 = arith.constant 0 : i32
      %dma_start3A_364 = tpu.memref_slice %arg15[%add3A_26, %dma_start3A_363] : memref<10240x32xf32, #tpu.memory_space<vmem_shared>> -> memref<128x32xf32, #tpu.memory_space<vmem_shared>>
      %dma_start3A_365 = arith.constant 0 : i32
      %dma_start3A_366 = tpu.memref_slice %arg15[%add3A_26, %dma_start3A_365] : memref<10240x32xf32, #tpu.memory_space<vmem_shared>> -> memref<128x32xf32, #tpu.memory_space<vmem_shared>>
      tpu.enqueue_dma source(%arg7 : memref<128x32xf32, #tpu.memory_space<vmem>>) target(%dma_start3A_366 : memref<128x32xf32, #tpu.memory_space<vmem_shared>>) target_semaphore(%run_scoped3A_362 : memref<!tpu.dma_semaphore, #tpu.memory_space<semaphore_mem>>)
      %dma_wait3A_367 = arith.constant 0 : i32
      %dma_wait3A_368 = tpu.memref_slice %arg15[%add3A_26, %dma_wait3A_367] : memref<10240x32xf32, #tpu.memory_space<vmem_shared>> -> memref<128x32xf32, #tpu.memory_space<vmem_shared>>
      %dma_wait3A_369 = arith.constant 0 : i32
      %dma_wait3A_370 = tpu.memref_slice %arg15[%add3A_26, %dma_wait3A_369] : memref<10240x32xf32, #tpu.memory_space<vmem_shared>> -> memref<128x32xf32, #tpu.memory_space<vmem_shared>>
      tpu.wait_dma2 semaphore(%run_scoped3A_362 : memref<!tpu.dma_semaphore, #tpu.memory_space<semaphore_mem>>) src(%arg7 : memref<128x32xf32, #tpu.memory_space<vmem>>) dst(%dma_wait3A_370 : memref<128x32xf32, #tpu.memory_space<vmem_shared>>)
      tpu.yield
    }) : () -> ()
    %mul3A_27 = arith.constant 80 : i32
    %mul3A_28 = arith.muli %add3A, %mul3A_27 : i32
    %run_scoped3A = arith.constant 0 : i32
    "tpu.region"() ({
      %run_scoped3A_362 = tpu.sem_alloc : memref<!tpu.dma_semaphore, #tpu.memory_space<semaphore_mem>>
      %dma_start3A_363 = arith.constant 0 : i32
      %dma_start3A_364 = tpu.memref_slice %arg2[%run_scoped3A, %mul3A_28, %dma_start3A_363] : memref<2x2560x128xi32, #tpu.memory_space<hbm>> -> memref<1x80x128xi32, #tpu.memory_space<hbm>>
      %dma_start3A_365 = tpu.memref_squeeze %dma_start3A_364 : memref<1x80x128xi32, #tpu.memory_space<hbm>> -> memref<80x128xi32, #tpu.memory_space<hbm>>
      %dma_start3A_366 = arith.constant 0 : i32
      %dma_start3A_367 = tpu.memref_slice %arg2[%run_scoped3A, %mul3A_28, %dma_start3A_366] : memref<2x2560x128xi32, #tpu.memory_space<hbm>> -> memref<1x80x128xi32, #tpu.memory_space<hbm>>
      %dma_start3A_368 = tpu.memref_squeeze %dma_start3A_367 : memref<1x80x128xi32, #tpu.memory_space<hbm>> -> memref<80x128xi32, #tpu.memory_space<hbm>>
      tpu.enqueue_dma source(%dma_start3A_368 : memref<80x128xi32, #tpu.memory_space<hbm>>) target(%arg5 : memref<80x128xi32, #tpu.memory_space<vmem>>) target_semaphore(%run_scoped3A_362 : memref<!tpu.dma_semaphore, #tpu.memory_space<semaphore_mem>>)
      %dma_wait3A_369 = arith.constant 0 : i32
      %dma_wait3A_370 = tpu.memref_slice %arg2[%run_scoped3A, %mul3A_28, %dma_wait3A_369] : memref<2x2560x128xi32, #tpu.memory_space<hbm>> -> memref<1x80x128xi32, #tpu.memory_space<hbm>>
      %dma_wait3A_371 = tpu.memref_squeeze %dma_wait3A_370 : memref<1x80x128xi32, #tpu.memory_space<hbm>> -> memref<80x128xi32, #tpu.memory_space<hbm>>
      %dma_wait3A_372 = arith.constant 0 : i32
      %dma_wait3A_373 = tpu.memref_slice %arg2[%run_scoped3A, %mul3A_28, %dma_wait3A_372] : memref<2x2560x128xi32, #tpu.memory_space<hbm>> -> memref<1x80x128xi32, #tpu.memory_space<hbm>>
      %dma_wait3A_374 = tpu.memref_squeeze %dma_wait3A_373 : memref<1x80x128xi32, #tpu.memory_space<hbm>> -> memref<80x128xi32, #tpu.memory_space<hbm>>
      tpu.wait_dma2 semaphore(%run_scoped3A_362 : memref<!tpu.dma_semaphore, #tpu.memory_space<semaphore_mem>>) src(%dma_wait3A_374 : memref<80x128xi32, #tpu.memory_space<hbm>>) dst(%arg5 : memref<80x128xi32, #tpu.memory_space<vmem>>)
      tpu.yield
    }) : () -> ()
    %mul3A_29 = arith.constant 80 : i32
    %mul3A_30 = arith.muli %add3A, %mul3A_29 : i32
    %run_scoped3A_31 = arith.constant 1 : i32
    "tpu.region"() ({
      %run_scoped3A_362 = tpu.sem_alloc : memref<!tpu.dma_semaphore, #tpu.memory_space<semaphore_mem>>
      %dma_start3A_363 = arith.constant 0 : i32
      %dma_start3A_364 = tpu.memref_slice %arg2[%run_scoped3A_31, %mul3A_30, %dma_start3A_363] : memref<2x2560x128xi32, #tpu.memory_space<hbm>> -> memref<1x80x128xi32, #tpu.memory_space<hbm>>
      %dma_start3A_365 = tpu.memref_squeeze %dma_start3A_364 : memref<1x80x128xi32, #tpu.memory_space<hbm>> -> memref<80x128xi32, #tpu.memory_space<hbm>>
      %dma_start3A_366 = arith.constant 0 : i32
      %dma_start3A_367 = tpu.memref_slice %arg2[%run_scoped3A_31, %mul3A_30, %dma_start3A_366] : memref<2x2560x128xi32, #tpu.memory_space<hbm>> -> memref<1x80x128xi32, #tpu.memory_space<hbm>>
      %dma_start3A_368 = tpu.memref_squeeze %dma_start3A_367 : memref<1x80x128xi32, #tpu.memory_space<hbm>> -> memref<80x128xi32, #tpu.memory_space<hbm>>
      tpu.enqueue_dma source(%dma_start3A_368 : memref<80x128xi32, #tpu.memory_space<hbm>>) target(%arg6 : memref<80x128xi32, #tpu.memory_space<vmem>>) target_semaphore(%run_scoped3A_362 : memref<!tpu.dma_semaphore, #tpu.memory_space<semaphore_mem>>)
      %dma_wait3A_369 = arith.constant 0 : i32
      %dma_wait3A_370 = tpu.memref_slice %arg2[%run_scoped3A_31, %mul3A_30, %dma_wait3A_369] : memref<2x2560x128xi32, #tpu.memory_space<hbm>> -> memref<1x80x128xi32, #tpu.memory_space<hbm>>
      %dma_wait3A_371 = tpu.memref_squeeze %dma_wait3A_370 : memref<1x80x128xi32, #tpu.memory_space<hbm>> -> memref<80x128xi32, #tpu.memory_space<hbm>>
      %dma_wait3A_372 = arith.constant 0 : i32
      %dma_wait3A_373 = tpu.memref_slice %arg2[%run_scoped3A_31, %mul3A_30, %dma_wait3A_372] : memref<2x2560x128xi32, #tpu.memory_space<hbm>> -> memref<1x80x128xi32, #tpu.memory_space<hbm>>
      %dma_wait3A_374 = tpu.memref_squeeze %dma_wait3A_373 : memref<1x80x128xi32, #tpu.memory_space<hbm>> -> memref<80x128xi32, #tpu.memory_space<hbm>>
      tpu.wait_dma2 semaphore(%run_scoped3A_362 : memref<!tpu.dma_semaphore, #tpu.memory_space<semaphore_mem>>) src(%dma_wait3A_374 : memref<80x128xi32, #tpu.memory_space<hbm>>) dst(%arg6 : memref<80x128xi32, #tpu.memory_space<vmem>>)
      tpu.yield
    }) : () -> ()
    %barrier3A = arith.constant 0 : index
    tpu.barrier barrier_id(%barrier3A)
    %dma_start3A = arith.constant 0 : i32
    %dma_start3A_32 = arith.constant 0 : i32
    %dma_start3A_33 = arith.constant 0 : i32
    %dma_start3A_34 = tpu.memref_slice %arg5[%dma_start3A, %dma_start3A_33] : memref<80x128xi32, #tpu.memory_space<vmem>> -> memref<1x128xi32, #tpu.memory_space<vmem>>
    %dma_start3A_35 = tpu.memref_squeeze %dma_start3A_34 : memref<1x128xi32, #tpu.memory_space<vmem>> -> memref<128xi32, #tpu.memory_space<vmem>>
    %dma_start3A_36 = arith.constant 0 : i32
    %dma_start3A_37 = arith.constant 0 : i32
    %dma_start3A_38 = tpu.memref_slice %arg3[%dma_start3A_36, %dma_start3A_37] : memref<10000x32xf32, #tpu.memory_space<hbm>> -> memref<10000x32xf32, #tpu.memory_space<hbm>>
    %dma_start3A_39 = tpu.memref_slice %arg16[%dma_start3A_32] : memref<8x!tpu.dma_semaphore, #tpu.memory_space<semaphore_mem>> -> memref<1x!tpu.dma_semaphore, #tpu.memory_space<semaphore_mem>>
    %dma_start3A_40 = tpu.memref_squeeze %dma_start3A_39 : memref<1x!tpu.dma_semaphore, #tpu.memory_space<semaphore_mem>> -> memref<!tpu.dma_semaphore, #tpu.memory_space<semaphore_mem>>
    tpu.enqueue_indirect_dma source(%dma_start3A_38 : memref<10000x32xf32, #tpu.memory_space<hbm>>) target(%arg7 : memref<128x32xf32, #tpu.memory_space<vmem>>) offsets(%dma_start3A_35 : memref<128xi32, #tpu.memory_space<vmem>>) semaphore(%dma_start3A_40 : memref<!tpu.dma_semaphore, #tpu.memory_space<semaphore_mem>>)
    %dma_start3A_41 = arith.constant 1 : i32
    %dma_start3A_42 = arith.constant 1 : i32
    %dma_start3A_43 = arith.constant 0 : i32
    %dma_start3A_44 = tpu.memref_slice %arg5[%dma_start3A_41, %dma_start3A_43] : memref<80x128xi32, #tpu.memory_space<vmem>> -> memref<1x128xi32, #tpu.memory_space<vmem>>
    %dma_start3A_45 = tpu.memref_squeeze %dma_start3A_44 : memref<1x128xi32, #tpu.memory_space<vmem>> -> memref<128xi32, #tpu.memory_space<vmem>>
    %dma_start3A_46 = arith.constant 0 : i32
    %dma_start3A_47 = arith.constant 0 : i32
    %dma_start3A_48 = tpu.memref_slice %arg3[%dma_start3A_46, %dma_start3A_47] : memref<10000x32xf32, #tpu.memory_space<hbm>> -> memref<10000x32xf32, #tpu.memory_space<hbm>>
    %dma_start3A_49 = tpu.memref_slice %arg16[%dma_start3A_42] : memref<8x!tpu.dma_semaphore, #tpu.memory_space<semaphore_mem>> -> memref<1x!tpu.dma_semaphore, #tpu.memory_space<semaphore_mem>>
    %dma_start3A_50 = tpu.memref_squeeze %dma_start3A_49 : memref<1x!tpu.dma_semaphore, #tpu.memory_space<semaphore_mem>> -> memref<!tpu.dma_semaphore, #tpu.memory_space<semaphore_mem>>
    tpu.enqueue_indirect_dma source(%dma_start3A_48 : memref<10000x32xf32, #tpu.memory_space<hbm>>) target(%arg8 : memref<128x32xf32, #tpu.memory_space<vmem>>) offsets(%dma_start3A_45 : memref<128xi32, #tpu.memory_space<vmem>>) semaphore(%dma_start3A_50 : memref<!tpu.dma_semaphore, #tpu.memory_space<semaphore_mem>>)
    %dma_start3A_51 = arith.constant 2 : i32
    %dma_start3A_52 = arith.constant 2 : i32
    %dma_start3A_53 = arith.constant 0 : i32
    %dma_start3A_54 = tpu.memref_slice %arg5[%dma_start3A_51, %dma_start3A_53] : memref<80x128xi32, #tpu.memory_space<vmem>> -> memref<1x128xi32, #tpu.memory_space<vmem>>
    %dma_start3A_55 = tpu.memref_squeeze %dma_start3A_54 : memref<1x128xi32, #tpu.memory_space<vmem>> -> memref<128xi32, #tpu.memory_space<vmem>>
    %dma_start3A_56 = arith.constant 0 : i32
    %dma_start3A_57 = arith.constant 0 : i32
    %dma_start3A_58 = tpu.memref_slice %arg3[%dma_start3A_56, %dma_start3A_57] : memref<10000x32xf32, #tpu.memory_space<hbm>> -> memref<10000x32xf32, #tpu.memory_space<hbm>>
    %dma_start3A_59 = tpu.memref_slice %arg16[%dma_start3A_52] : memref<8x!tpu.dma_semaphore, #tpu.memory_space<semaphore_mem>> -> memref<1x!tpu.dma_semaphore, #tpu.memory_space<semaphore_mem>>
    %dma_start3A_60 = tpu.memref_squeeze %dma_start3A_59 : memref<1x!tpu.dma_semaphore, #tpu.memory_space<semaphore_mem>> -> memref<!tpu.dma_semaphore, #tpu.memory_space<semaphore_mem>>
    tpu.enqueue_indirect_dma source(%dma_start3A_58 : memref<10000x32xf32, #tpu.memory_space<hbm>>) target(%arg9 : memref<128x32xf32, #tpu.memory_space<vmem>>) offsets(%dma_start3A_55 : memref<128xi32, #tpu.memory_space<vmem>>) semaphore(%dma_start3A_60 : memref<!tpu.dma_semaphore, #tpu.memory_space<semaphore_mem>>)
    %dma_start3A_61 = arith.constant 3 : i32
    %dma_start3A_62 = arith.constant 3 : i32
    %dma_start3A_63 = arith.constant 0 : i32
    %dma_start3A_64 = tpu.memref_slice %arg5[%dma_start3A_61, %dma_start3A_63] : memref<80x128xi32, #tpu.memory_space<vmem>> -> memref<1x128xi32, #tpu.memory_space<vmem>>
    %dma_start3A_65 = tpu.memref_squeeze %dma_start3A_64 : memref<1x128xi32, #tpu.memory_space<vmem>> -> memref<128xi32, #tpu.memory_space<vmem>>
    %dma_start3A_66 = arith.constant 0 : i32
    %dma_start3A_67 = arith.constant 0 : i32
    %dma_start3A_68 = tpu.memref_slice %arg3[%dma_start3A_66, %dma_start3A_67] : memref<10000x32xf32, #tpu.memory_space<hbm>> -> memref<10000x32xf32, #tpu.memory_space<hbm>>
    %dma_start3A_69 = tpu.memref_slice %arg16[%dma_start3A_62] : memref<8x!tpu.dma_semaphore, #tpu.memory_space<semaphore_mem>> -> memref<1x!tpu.dma_semaphore, #tpu.memory_space<semaphore_mem>>
    %dma_start3A_70 = tpu.memref_squeeze %dma_start3A_69 : memref<1x!tpu.dma_semaphore, #tpu.memory_space<semaphore_mem>> -> memref<!tpu.dma_semaphore, #tpu.memory_space<semaphore_mem>>
    tpu.enqueue_indirect_dma source(%dma_start3A_68 : memref<10000x32xf32, #tpu.memory_space<hbm>>) target(%arg10 : memref<128x32xf32, #tpu.memory_space<vmem>>) offsets(%dma_start3A_65 : memref<128xi32, #tpu.memory_space<vmem>>) semaphore(%dma_start3A_70 : memref<!tpu.dma_semaphore, #tpu.memory_space<semaphore_mem>>)
    %dma_start3A_71 = arith.constant 4 : i32
    %dma_start3A_72 = arith.constant 4 : i32
    %dma_start3A_73 = arith.constant 0 : i32
    %dma_start3A_74 = tpu.memref_slice %arg5[%dma_start3A_71, %dma_start3A_73] : memref<80x128xi32, #tpu.memory_space<vmem>> -> memref<1x128xi32, #tpu.memory_space<vmem>>
    %dma_start3A_75 = tpu.memref_squeeze %dma_start3A_74 : memref<1x128xi32, #tpu.memory_space<vmem>> -> memref<128xi32, #tpu.memory_space<vmem>>
    %dma_start3A_76 = arith.constant 0 : i32
    %dma_start3A_77 = arith.constant 0 : i32
    %dma_start3A_78 = tpu.memref_slice %arg3[%dma_start3A_76, %dma_start3A_77] : memref<10000x32xf32, #tpu.memory_space<hbm>> -> memref<10000x32xf32, #tpu.memory_space<hbm>>
    %dma_start3A_79 = tpu.memref_slice %arg16[%dma_start3A_72] : memref<8x!tpu.dma_semaphore, #tpu.memory_space<semaphore_mem>> -> memref<1x!tpu.dma_semaphore, #tpu.memory_space<semaphore_mem>>
    %dma_start3A_80 = tpu.memref_squeeze %dma_start3A_79 : memref<1x!tpu.dma_semaphore, #tpu.memory_space<semaphore_mem>> -> memref<!tpu.dma_semaphore, #tpu.memory_space<semaphore_mem>>
    tpu.enqueue_indirect_dma source(%dma_start3A_78 : memref<10000x32xf32, #tpu.memory_space<hbm>>) target(%arg11 : memref<128x32xf32, #tpu.memory_space<vmem>>) offsets(%dma_start3A_75 : memref<128xi32, #tpu.memory_space<vmem>>) semaphore(%dma_start3A_80 : memref<!tpu.dma_semaphore, #tpu.memory_space<semaphore_mem>>)
    %dma_start3A_81 = arith.constant 5 : i32
    %dma_start3A_82 = arith.constant 5 : i32
    %dma_start3A_83 = arith.constant 0 : i32
    %dma_start3A_84 = tpu.memref_slice %arg5[%dma_start3A_81, %dma_start3A_83] : memref<80x128xi32, #tpu.memory_space<vmem>> -> memref<1x128xi32, #tpu.memory_space<vmem>>
    %dma_start3A_85 = tpu.memref_squeeze %dma_start3A_84 : memref<1x128xi32, #tpu.memory_space<vmem>> -> memref<128xi32, #tpu.memory_space<vmem>>
    %dma_start3A_86 = arith.constant 0 : i32
    %dma_start3A_87 = arith.constant 0 : i32
    %dma_start3A_88 = tpu.memref_slice %arg3[%dma_start3A_86, %dma_start3A_87] : memref<10000x32xf32, #tpu.memory_space<hbm>> -> memref<10000x32xf32, #tpu.memory_space<hbm>>
    %dma_start3A_89 = tpu.memref_slice %arg16[%dma_start3A_82] : memref<8x!tpu.dma_semaphore, #tpu.memory_space<semaphore_mem>> -> memref<1x!tpu.dma_semaphore, #tpu.memory_space<semaphore_mem>>
    %dma_start3A_90 = tpu.memref_squeeze %dma_start3A_89 : memref<1x!tpu.dma_semaphore, #tpu.memory_space<semaphore_mem>> -> memref<!tpu.dma_semaphore, #tpu.memory_space<semaphore_mem>>
    tpu.enqueue_indirect_dma source(%dma_start3A_88 : memref<10000x32xf32, #tpu.memory_space<hbm>>) target(%arg12 : memref<128x32xf32, #tpu.memory_space<vmem>>) offsets(%dma_start3A_85 : memref<128xi32, #tpu.memory_space<vmem>>) semaphore(%dma_start3A_90 : memref<!tpu.dma_semaphore, #tpu.memory_space<semaphore_mem>>)
    %dma_start3A_91 = arith.constant 6 : i32
    %dma_start3A_92 = arith.constant 6 : i32
    %dma_start3A_93 = arith.constant 0 : i32
    %dma_start3A_94 = tpu.memref_slice %arg5[%dma_start3A_91, %dma_start3A_93] : memref<80x128xi32, #tpu.memory_space<vmem>> -> memref<1x128xi32, #tpu.memory_space<vmem>>
    %dma_start3A_95 = tpu.memref_squeeze %dma_start3A_94 : memref<1x128xi32, #tpu.memory_space<vmem>> -> memref<128xi32, #tpu.memory_space<vmem>>
    %dma_start3A_96 = arith.constant 0 : i32
    %dma_start3A_97 = arith.constant 0 : i32
    %dma_start3A_98 = tpu.memref_slice %arg3[%dma_start3A_96, %dma_start3A_97] : memref<10000x32xf32, #tpu.memory_space<hbm>> -> memref<10000x32xf32, #tpu.memory_space<hbm>>
    %dma_start3A_99 = tpu.memref_slice %arg16[%dma_start3A_92] : memref<8x!tpu.dma_semaphore, #tpu.memory_space<semaphore_mem>> -> memref<1x!tpu.dma_semaphore, #tpu.memory_space<semaphore_mem>>
    %dma_start3A_100 = tpu.memref_squeeze %dma_start3A_99 : memref<1x!tpu.dma_semaphore, #tpu.memory_space<semaphore_mem>> -> memref<!tpu.dma_semaphore, #tpu.memory_space<semaphore_mem>>
    tpu.enqueue_indirect_dma source(%dma_start3A_98 : memref<10000x32xf32, #tpu.memory_space<hbm>>) target(%arg13 : memref<128x32xf32, #tpu.memory_space<vmem>>) offsets(%dma_start3A_95 : memref<128xi32, #tpu.memory_space<vmem>>) semaphore(%dma_start3A_100 : memref<!tpu.dma_semaphore, #tpu.memory_space<semaphore_mem>>)
    %dma_start3A_101 = arith.constant 7 : i32
    %dma_start3A_102 = arith.constant 7 : i32
    %dma_start3A_103 = arith.constant 0 : i32
    %dma_start3A_104 = tpu.memref_slice %arg5[%dma_start3A_101, %dma_start3A_103] : memref<80x128xi32, #tpu.memory_space<vmem>> -> memref<1x128xi32, #tpu.memory_space<vmem>>
    %dma_start3A_105 = tpu.memref_squeeze %dma_start3A_104 : memref<1x128xi32, #tpu.memory_space<vmem>> -> memref<128xi32, #tpu.memory_space<vmem>>
    %dma_start3A_106 = arith.constant 0 : i32
    %dma_start3A_107 = arith.constant 0 : i32
    %dma_start3A_108 = tpu.memref_slice %arg3[%dma_start3A_106, %dma_start3A_107] : memref<10000x32xf32, #tpu.memory_space<hbm>> -> memref<10000x32xf32, #tpu.memory_space<hbm>>
    %dma_start3A_109 = tpu.memref_slice %arg16[%dma_start3A_102] : memref<8x!tpu.dma_semaphore, #tpu.memory_space<semaphore_mem>> -> memref<1x!tpu.dma_semaphore, #tpu.memory_space<semaphore_mem>>
    %dma_start3A_110 = tpu.memref_squeeze %dma_start3A_109 : memref<1x!tpu.dma_semaphore, #tpu.memory_space<semaphore_mem>> -> memref<!tpu.dma_semaphore, #tpu.memory_space<semaphore_mem>>
    tpu.enqueue_indirect_dma source(%dma_start3A_108 : memref<10000x32xf32, #tpu.memory_space<hbm>>) target(%arg14 : memref<128x32xf32, #tpu.memory_space<vmem>>) offsets(%dma_start3A_105 : memref<128xi32, #tpu.memory_space<vmem>>) semaphore(%dma_start3A_110 : memref<!tpu.dma_semaphore, #tpu.memory_space<semaphore_mem>>)
    %scan3A_111 = arith.constant 0 : i32
    %scan3A_112 = arith.constant 0 : i32
    %scan3A_113 = arith.constant 9 : i32
    %scan3A_114 = arith.addi %scan3A_112, %scan3A_113 : i32
    %scan3A_115 = arith.constant 1 : i32
    %scan3A_116 = scf.for %scan3A_362 = %scan3A_112 to %scan3A_114 step %scan3A_115 iter_args(%scan3A_363 = %scan3A_111) -> (i32)  : i32 {
      %mul3A_364 = arith.constant 8 : i32
      %mul3A_365 = arith.muli %mul3A_364, %scan3A_362 : i32
      %add3A_366 = arith.constant 0 : i32
      %add3A_367 = arith.addi %mul3A_365, %add3A_366 : i32
      %dma_wait3A_368 = arith.constant 0 : i32
      %dma_wait3A_369 = arith.constant 0 : i32
      %dma_wait3A_370 = tpu.memref_slice %arg5[%add3A_367, %dma_wait3A_369] : memref<80x128xi32, #tpu.memory_space<vmem>> -> memref<1x128xi32, #tpu.memory_space<vmem>>
      %dma_wait3A_371 = tpu.memref_squeeze %dma_wait3A_370 : memref<1x128xi32, #tpu.memory_space<vmem>> -> memref<128xi32, #tpu.memory_space<vmem>>
      %dma_wait3A_372 = arith.constant 0 : i32
      %dma_wait3A_373 = arith.constant 0 : i32
      %dma_wait3A_374 = tpu.memref_slice %arg3[%dma_wait3A_372, %dma_wait3A_373] : memref<10000x32xf32, #tpu.memory_space<hbm>> -> memref<10000x32xf32, #tpu.memory_space<hbm>>
      %dma_wait3A_375 = tpu.memref_slice %arg16[%dma_wait3A_368] : memref<8x!tpu.dma_semaphore, #tpu.memory_space<semaphore_mem>> -> memref<1x!tpu.dma_semaphore, #tpu.memory_space<semaphore_mem>>
      %dma_wait3A_376 = tpu.memref_squeeze %dma_wait3A_375 : memref<1x!tpu.dma_semaphore, #tpu.memory_space<semaphore_mem>> -> memref<!tpu.dma_semaphore, #tpu.memory_space<semaphore_mem>>
      tpu.wait_indirect_dma semaphore(%dma_wait3A_376 : memref<!tpu.dma_semaphore, #tpu.memory_space<semaphore_mem>>) src(%dma_wait3A_374 : memref<10000x32xf32, #tpu.memory_space<hbm>>) dst(%arg7 : memref<128x32xf32, #tpu.memory_space<vmem>>)
      %add3A_377 = arith.constant 0 : i32
      %add3A_378 = arith.addi %mul3A_365, %add3A_377 : i32
      %dma_start3A_379 = arith.constant 0 : i32
      %dma_start3A_380 = arith.constant 0 : i32
      %dma_start3A_381 = tpu.memref_slice %arg6[%add3A_378, %dma_start3A_380] : memref<80x128xi32, #tpu.memory_space<vmem>> -> memref<1x128xi32, #tpu.memory_space<vmem>>
      %dma_start3A_382 = tpu.memref_squeeze %dma_start3A_381 : memref<1x128xi32, #tpu.memory_space<vmem>> -> memref<128xi32, #tpu.memory_space<vmem>>
      %dma_start3A_383 = arith.constant 0 : i32
      %dma_start3A_384 = arith.constant 0 : i32
      %dma_start3A_385 = tpu.memref_slice %arg15[%dma_start3A_383, %dma_start3A_384] : memref<10240x32xf32, #tpu.memory_space<vmem_shared>> -> memref<10240x32xf32, #tpu.memory_space<vmem_shared>>
      %dma_start3A_386 = tpu.memref_slice %arg17[%dma_start3A_379] : memref<8x!tpu.dma_semaphore, #tpu.memory_space<semaphore_mem>> -> memref<1x!tpu.dma_semaphore, #tpu.memory_space<semaphore_mem>>
      %dma_start3A_387 = tpu.memref_squeeze %dma_start3A_386 : memref<1x!tpu.dma_semaphore, #tpu.memory_space<semaphore_mem>> -> memref<!tpu.dma_semaphore, #tpu.memory_space<semaphore_mem>>
      tpu.enqueue_indirect_dma source(%arg7 : memref<128x32xf32, #tpu.memory_space<vmem>>) target(%dma_start3A_385 : memref<10240x32xf32, #tpu.memory_space<vmem_shared>>) offsets(%dma_start3A_382 : memref<128xi32, #tpu.memory_space<vmem>>) semaphore(%dma_start3A_387 : memref<!tpu.dma_semaphore, #tpu.memory_space<semaphore_mem>>) {add = true}
      %add3A_388 = arith.constant 1 : i32
      %add3A_389 = arith.addi %mul3A_365, %add3A_388 : i32
      %dma_wait3A_390 = arith.constant 1 : i32
      %dma_wait3A_391 = arith.constant 0 : i32
      %dma_wait3A_392 = tpu.memref_slice %arg5[%add3A_389, %dma_wait3A_391] : memref<80x128xi32, #tpu.memory_space<vmem>> -> memref<1x128xi32, #tpu.memory_space<vmem>>
      %dma_wait3A_393 = tpu.memref_squeeze %dma_wait3A_392 : memref<1x128xi32, #tpu.memory_space<vmem>> -> memref<128xi32, #tpu.memory_space<vmem>>
      %dma_wait3A_394 = arith.constant 0 : i32
      %dma_wait3A_395 = arith.constant 0 : i32
      %dma_wait3A_396 = tpu.memref_slice %arg3[%dma_wait3A_394, %dma_wait3A_395] : memref<10000x32xf32, #tpu.memory_space<hbm>> -> memref<10000x32xf32, #tpu.memory_space<hbm>>
      %dma_wait3A_397 = tpu.memref_slice %arg16[%dma_wait3A_390] : memref<8x!tpu.dma_semaphore, #tpu.memory_space<semaphore_mem>> -> memref<1x!tpu.dma_semaphore, #tpu.memory_space<semaphore_mem>>
      %dma_wait3A_398 = tpu.memref_squeeze %dma_wait3A_397 : memref<1x!tpu.dma_semaphore, #tpu.memory_space<semaphore_mem>> -> memref<!tpu.dma_semaphore, #tpu.memory_space<semaphore_mem>>
      tpu.wait_indirect_dma semaphore(%dma_wait3A_398 : memref<!tpu.dma_semaphore, #tpu.memory_space<semaphore_mem>>) src(%dma_wait3A_396 : memref<10000x32xf32, #tpu.memory_space<hbm>>) dst(%arg8 : memref<128x32xf32, #tpu.memory_space<vmem>>)
      %add3A_399 = arith.constant 1 : i32
      %add3A_400 = arith.addi %mul3A_365, %add3A_399 : i32
      %dma_start3A_401 = arith.constant 1 : i32
      %dma_start3A_402 = arith.constant 0 : i32
      %dma_start3A_403 = tpu.memref_slice %arg6[%add3A_400, %dma_start3A_402] : memref<80x128xi32, #tpu.memory_space<vmem>> -> memref<1x128xi32, #tpu.memory_space<vmem>>
      %dma_start3A_404 = tpu.memref_squeeze %dma_start3A_403 : memref<1x128xi32, #tpu.memory_space<vmem>> -> memref<128xi32, #tpu.memory_space<vmem>>
      %dma_start3A_405 = arith.constant 0 : i32
      %dma_start3A_406 = arith.constant 0 : i32
      %dma_start3A_407 = tpu.memref_slice %arg15[%dma_start3A_405, %dma_start3A_406] : memref<10240x32xf32, #tpu.memory_space<vmem_shared>> -> memref<10240x32xf32, #tpu.memory_space<vmem_shared>>
      %dma_start3A_408 = tpu.memref_slice %arg17[%dma_start3A_401] : memref<8x!tpu.dma_semaphore, #tpu.memory_space<semaphore_mem>> -> memref<1x!tpu.dma_semaphore, #tpu.memory_space<semaphore_mem>>
      %dma_start3A_409 = tpu.memref_squeeze %dma_start3A_408 : memref<1x!tpu.dma_semaphore, #tpu.memory_space<semaphore_mem>> -> memref<!tpu.dma_semaphore, #tpu.memory_space<semaphore_mem>>
      tpu.enqueue_indirect_dma source(%arg8 : memref<128x32xf32, #tpu.memory_space<vmem>>) target(%dma_start3A_407 : memref<10240x32xf32, #tpu.memory_space<vmem_shared>>) offsets(%dma_start3A_404 : memref<128xi32, #tpu.memory_space<vmem>>) semaphore(%dma_start3A_409 : memref<!tpu.dma_semaphore, #tpu.memory_space<semaphore_mem>>) {add = true}
      %add3A_410 = arith.constant 2 : i32
      %add3A_411 = arith.addi %mul3A_365, %add3A_410 : i32
      %dma_wait3A_412 = arith.constant 2 : i32
      %dma_wait3A_413 = arith.constant 0 : i32
      %dma_wait3A_414 = tpu.memref_slice %arg5[%add3A_411, %dma_wait3A_413] : memref<80x128xi32, #tpu.memory_space<vmem>> -> memref<1x128xi32, #tpu.memory_space<vmem>>
      %dma_wait3A_415 = tpu.memref_squeeze %dma_wait3A_414 : memref<1x128xi32, #tpu.memory_space<vmem>> -> memref<128xi32, #tpu.memory_space<vmem>>
      %dma_wait3A_416 = arith.constant 0 : i32
      %dma_wait3A_417 = arith.constant 0 : i32
      %dma_wait3A_418 = tpu.memref_slice %arg3[%dma_wait3A_416, %dma_wait3A_417] : memref<10000x32xf32, #tpu.memory_space<hbm>> -> memref<10000x32xf32, #tpu.memory_space<hbm>>
      %dma_wait3A_419 = tpu.memref_slice %arg16[%dma_wait3A_412] : memref<8x!tpu.dma_semaphore, #tpu.memory_space<semaphore_mem>> -> memref<1x!tpu.dma_semaphore, #tpu.memory_space<semaphore_mem>>
      %dma_wait3A_420 = tpu.memref_squeeze %dma_wait3A_419 : memref<1x!tpu.dma_semaphore, #tpu.memory_space<semaphore_mem>> -> memref<!tpu.dma_semaphore, #tpu.memory_space<semaphore_mem>>
      tpu.wait_indirect_dma semaphore(%dma_wait3A_420 : memref<!tpu.dma_semaphore, #tpu.memory_space<semaphore_mem>>) src(%dma_wait3A_418 : memref<10000x32xf32, #tpu.memory_space<hbm>>) dst(%arg9 : memref<128x32xf32, #tpu.memory_space<vmem>>)
      %add3A_421 = arith.constant 2 : i32
      %add3A_422 = arith.addi %mul3A_365, %add3A_421 : i32
      %dma_start3A_423 = arith.constant 2 : i32
      %dma_start3A_424 = arith.constant 0 : i32
      %dma_start3A_425 = tpu.memref_slice %arg6[%add3A_422, %dma_start3A_424] : memref<80x128xi32, #tpu.memory_space<vmem>> -> memref<1x128xi32, #tpu.memory_space<vmem>>
      %dma_start3A_426 = tpu.memref_squeeze %dma_start3A_425 : memref<1x128xi32, #tpu.memory_space<vmem>> -> memref<128xi32, #tpu.memory_space<vmem>>
      %dma_start3A_427 = arith.constant 0 : i32
      %dma_start3A_428 = arith.constant 0 : i32
      %dma_start3A_429 = tpu.memref_slice %arg15[%dma_start3A_427, %dma_start3A_428] : memref<10240x32xf32, #tpu.memory_space<vmem_shared>> -> memref<10240x32xf32, #tpu.memory_space<vmem_shared>>
      %dma_start3A_430 = tpu.memref_slice %arg17[%dma_start3A_423] : memref<8x!tpu.dma_semaphore, #tpu.memory_space<semaphore_mem>> -> memref<1x!tpu.dma_semaphore, #tpu.memory_space<semaphore_mem>>
      %dma_start3A_431 = tpu.memref_squeeze %dma_start3A_430 : memref<1x!tpu.dma_semaphore, #tpu.memory_space<semaphore_mem>> -> memref<!tpu.dma_semaphore, #tpu.memory_space<semaphore_mem>>
      tpu.enqueue_indirect_dma source(%arg9 : memref<128x32xf32, #tpu.memory_space<vmem>>) target(%dma_start3A_429 : memref<10240x32xf32, #tpu.memory_space<vmem_shared>>) offsets(%dma_start3A_426 : memref<128xi32, #tpu.memory_space<vmem>>) semaphore(%dma_start3A_431 : memref<!tpu.dma_semaphore, #tpu.memory_space<semaphore_mem>>) {add = true}
      %add3A_432 = arith.constant 3 : i32
      %add3A_433 = arith.addi %mul3A_365, %add3A_432 : i32
      %dma_wait3A_434 = arith.constant 3 : i32
      %dma_wait3A_435 = arith.constant 0 : i32
      %dma_wait3A_436 = tpu.memref_slice %arg5[%add3A_433, %dma_wait3A_435] : memref<80x128xi32, #tpu.memory_space<vmem>> -> memref<1x128xi32, #tpu.memory_space<vmem>>
      %dma_wait3A_437 = tpu.memref_squeeze %dma_wait3A_436 : memref<1x128xi32, #tpu.memory_space<vmem>> -> memref<128xi32, #tpu.memory_space<vmem>>
      %dma_wait3A_438 = arith.constant 0 : i32
      %dma_wait3A_439 = arith.constant 0 : i32
      %dma_wait3A_440 = tpu.memref_slice %arg3[%dma_wait3A_438, %dma_wait3A_439] : memref<10000x32xf32, #tpu.memory_space<hbm>> -> memref<10000x32xf32, #tpu.memory_space<hbm>>
      %dma_wait3A_441 = tpu.memref_slice %arg16[%dma_wait3A_434] : memref<8x!tpu.dma_semaphore, #tpu.memory_space<semaphore_mem>> -> memref<1x!tpu.dma_semaphore, #tpu.memory_space<semaphore_mem>>
      %dma_wait3A_442 = tpu.memref_squeeze %dma_wait3A_441 : memref<1x!tpu.dma_semaphore, #tpu.memory_space<semaphore_mem>> -> memref<!tpu.dma_semaphore, #tpu.memory_space<semaphore_mem>>
      tpu.wait_indirect_dma semaphore(%dma_wait3A_442 : memref<!tpu.dma_semaphore, #tpu.memory_space<semaphore_mem>>) src(%dma_wait3A_440 : memref<10000x32xf32, #tpu.memory_space<hbm>>) dst(%arg10 : memref<128x32xf32, #tpu.memory_space<vmem>>)
      %add3A_443 = arith.constant 3 : i32
      %add3A_444 = arith.addi %mul3A_365, %add3A_443 : i32
      %dma_start3A_445 = arith.constant 3 : i32
      %dma_start3A_446 = arith.constant 0 : i32
      %dma_start3A_447 = tpu.memref_slice %arg6[%add3A_444, %dma_start3A_446] : memref<80x128xi32, #tpu.memory_space<vmem>> -> memref<1x128xi32, #tpu.memory_space<vmem>>
      %dma_start3A_448 = tpu.memref_squeeze %dma_start3A_447 : memref<1x128xi32, #tpu.memory_space<vmem>> -> memref<128xi32, #tpu.memory_space<vmem>>
      %dma_start3A_449 = arith.constant 0 : i32
      %dma_start3A_450 = arith.constant 0 : i32
      %dma_start3A_451 = tpu.memref_slice %arg15[%dma_start3A_449, %dma_start3A_450] : memref<10240x32xf32, #tpu.memory_space<vmem_shared>> -> memref<10240x32xf32, #tpu.memory_space<vmem_shared>>
      %dma_start3A_452 = tpu.memref_slice %arg17[%dma_start3A_445] : memref<8x!tpu.dma_semaphore, #tpu.memory_space<semaphore_mem>> -> memref<1x!tpu.dma_semaphore, #tpu.memory_space<semaphore_mem>>
      %dma_start3A_453 = tpu.memref_squeeze %dma_start3A_452 : memref<1x!tpu.dma_semaphore, #tpu.memory_space<semaphore_mem>> -> memref<!tpu.dma_semaphore, #tpu.memory_space<semaphore_mem>>
      tpu.enqueue_indirect_dma source(%arg10 : memref<128x32xf32, #tpu.memory_space<vmem>>) target(%dma_start3A_451 : memref<10240x32xf32, #tpu.memory_space<vmem_shared>>) offsets(%dma_start3A_448 : memref<128xi32, #tpu.memory_space<vmem>>) semaphore(%dma_start3A_453 : memref<!tpu.dma_semaphore, #tpu.memory_space<semaphore_mem>>) {add = true}
      %add3A_454 = arith.constant 4 : i32
      %add3A_455 = arith.addi %mul3A_365, %add3A_454 : i32
      %dma_wait3A_456 = arith.constant 4 : i32
      %dma_wait3A_457 = arith.constant 0 : i32
      %dma_wait3A_458 = tpu.memref_slice %arg5[%add3A_455, %dma_wait3A_457] : memref<80x128xi32, #tpu.memory_space<vmem>> -> memref<1x128xi32, #tpu.memory_space<vmem>>
      %dma_wait3A_459 = tpu.memref_squeeze %dma_wait3A_458 : memref<1x128xi32, #tpu.memory_space<vmem>> -> memref<128xi32, #tpu.memory_space<vmem>>
      %dma_wait3A_460 = arith.constant 0 : i32
      %dma_wait3A_461 = arith.constant 0 : i32
      %dma_wait3A_462 = tpu.memref_slice %arg3[%dma_wait3A_460, %dma_wait3A_461] : memref<10000x32xf32, #tpu.memory_space<hbm>> -> memref<10000x32xf32, #tpu.memory_space<hbm>>
      %dma_wait3A_463 = tpu.memref_slice %arg16[%dma_wait3A_456] : memref<8x!tpu.dma_semaphore, #tpu.memory_space<semaphore_mem>> -> memref<1x!tpu.dma_semaphore, #tpu.memory_space<semaphore_mem>>
      %dma_wait3A_464 = tpu.memref_squeeze %dma_wait3A_463 : memref<1x!tpu.dma_semaphore, #tpu.memory_space<semaphore_mem>> -> memref<!tpu.dma_semaphore, #tpu.memory_space<semaphore_mem>>
      tpu.wait_indirect_dma semaphore(%dma_wait3A_464 : memref<!tpu.dma_semaphore, #tpu.memory_space<semaphore_mem>>) src(%dma_wait3A_462 : memref<10000x32xf32, #tpu.memory_space<hbm>>) dst(%arg11 : memref<128x32xf32, #tpu.memory_space<vmem>>)
      %add3A_465 = arith.constant 4 : i32
      %add3A_466 = arith.addi %mul3A_365, %add3A_465 : i32
      %dma_start3A_467 = arith.constant 4 : i32
      %dma_start3A_468 = arith.constant 0 : i32
      %dma_start3A_469 = tpu.memref_slice %arg6[%add3A_466, %dma_start3A_468] : memref<80x128xi32, #tpu.memory_space<vmem>> -> memref<1x128xi32, #tpu.memory_space<vmem>>
      %dma_start3A_470 = tpu.memref_squeeze %dma_start3A_469 : memref<1x128xi32, #tpu.memory_space<vmem>> -> memref<128xi32, #tpu.memory_space<vmem>>
      %dma_start3A_471 = arith.constant 0 : i32
      %dma_start3A_472 = arith.constant 0 : i32
      %dma_start3A_473 = tpu.memref_slice %arg15[%dma_start3A_471, %dma_start3A_472] : memref<10240x32xf32, #tpu.memory_space<vmem_shared>> -> memref<10240x32xf32, #tpu.memory_space<vmem_shared>>
      %dma_start3A_474 = tpu.memref_slice %arg17[%dma_start3A_467] : memref<8x!tpu.dma_semaphore, #tpu.memory_space<semaphore_mem>> -> memref<1x!tpu.dma_semaphore, #tpu.memory_space<semaphore_mem>>
      %dma_start3A_475 = tpu.memref_squeeze %dma_start3A_474 : memref<1x!tpu.dma_semaphore, #tpu.memory_space<semaphore_mem>> -> memref<!tpu.dma_semaphore, #tpu.memory_space<semaphore_mem>>
      tpu.enqueue_indirect_dma source(%arg11 : memref<128x32xf32, #tpu.memory_space<vmem>>) target(%dma_start3A_473 : memref<10240x32xf32, #tpu.memory_space<vmem_shared>>) offsets(%dma_start3A_470 : memref<128xi32, #tpu.memory_space<vmem>>) semaphore(%dma_start3A_475 : memref<!tpu.dma_semaphore, #tpu.memory_space<semaphore_mem>>) {add = true}
      %add3A_476 = arith.constant 5 : i32
      %add3A_477 = arith.addi %mul3A_365, %add3A_476 : i32
      %dma_wait3A_478 = arith.constant 5 : i32
      %dma_wait3A_479 = arith.constant 0 : i32
      %dma_wait3A_480 = tpu.memref_slice %arg5[%add3A_477, %dma_wait3A_479] : memref<80x128xi32, #tpu.memory_space<vmem>> -> memref<1x128xi32, #tpu.memory_space<vmem>>
      %dma_wait3A_481 = tpu.memref_squeeze %dma_wait3A_480 : memref<1x128xi32, #tpu.memory_space<vmem>> -> memref<128xi32, #tpu.memory_space<vmem>>
      %dma_wait3A_482 = arith.constant 0 : i32
      %dma_wait3A_483 = arith.constant 0 : i32
      %dma_wait3A_484 = tpu.memref_slice %arg3[%dma_wait3A_482, %dma_wait3A_483] : memref<10000x32xf32, #tpu.memory_space<hbm>> -> memref<10000x32xf32, #tpu.memory_space<hbm>>
      %dma_wait3A_485 = tpu.memref_slice %arg16[%dma_wait3A_478] : memref<8x!tpu.dma_semaphore, #tpu.memory_space<semaphore_mem>> -> memref<1x!tpu.dma_semaphore, #tpu.memory_space<semaphore_mem>>
      %dma_wait3A_486 = tpu.memref_squeeze %dma_wait3A_485 : memref<1x!tpu.dma_semaphore, #tpu.memory_space<semaphore_mem>> -> memref<!tpu.dma_semaphore, #tpu.memory_space<semaphore_mem>>
      tpu.wait_indirect_dma semaphore(%dma_wait3A_486 : memref<!tpu.dma_semaphore, #tpu.memory_space<semaphore_mem>>) src(%dma_wait3A_484 : memref<10000x32xf32, #tpu.memory_space<hbm>>) dst(%arg12 : memref<128x32xf32, #tpu.memory_space<vmem>>)
      %add3A_487 = arith.constant 5 : i32
      %add3A_488 = arith.addi %mul3A_365, %add3A_487 : i32
      %dma_start3A_489 = arith.constant 5 : i32
      %dma_start3A_490 = arith.constant 0 : i32
      %dma_start3A_491 = tpu.memref_slice %arg6[%add3A_488, %dma_start3A_490] : memref<80x128xi32, #tpu.memory_space<vmem>> -> memref<1x128xi32, #tpu.memory_space<vmem>>
      %dma_start3A_492 = tpu.memref_squeeze %dma_start3A_491 : memref<1x128xi32, #tpu.memory_space<vmem>> -> memref<128xi32, #tpu.memory_space<vmem>>
      %dma_start3A_493 = arith.constant 0 : i32
      %dma_start3A_494 = arith.constant 0 : i32
      %dma_start3A_495 = tpu.memref_slice %arg15[%dma_start3A_493, %dma_start3A_494] : memref<10240x32xf32, #tpu.memory_space<vmem_shared>> -> memref<10240x32xf32, #tpu.memory_space<vmem_shared>>
      %dma_start3A_496 = tpu.memref_slice %arg17[%dma_start3A_489] : memref<8x!tpu.dma_semaphore, #tpu.memory_space<semaphore_mem>> -> memref<1x!tpu.dma_semaphore, #tpu.memory_space<semaphore_mem>>
      %dma_start3A_497 = tpu.memref_squeeze %dma_start3A_496 : memref<1x!tpu.dma_semaphore, #tpu.memory_space<semaphore_mem>> -> memref<!tpu.dma_semaphore, #tpu.memory_space<semaphore_mem>>
      tpu.enqueue_indirect_dma source(%arg12 : memref<128x32xf32, #tpu.memory_space<vmem>>) target(%dma_start3A_495 : memref<10240x32xf32, #tpu.memory_space<vmem_shared>>) offsets(%dma_start3A_492 : memref<128xi32, #tpu.memory_space<vmem>>) semaphore(%dma_start3A_497 : memref<!tpu.dma_semaphore, #tpu.memory_space<semaphore_mem>>) {add = true}
      %add3A_498 = arith.constant 6 : i32
      %add3A_499 = arith.addi %mul3A_365, %add3A_498 : i32
      %dma_wait3A_500 = arith.constant 6 : i32
      %dma_wait3A_501 = arith.constant 0 : i32
      %dma_wait3A_502 = tpu.memref_slice %arg5[%add3A_499, %dma_wait3A_501] : memref<80x128xi32, #tpu.memory_space<vmem>> -> memref<1x128xi32, #tpu.memory_space<vmem>>
      %dma_wait3A_503 = tpu.memref_squeeze %dma_wait3A_502 : memref<1x128xi32, #tpu.memory_space<vmem>> -> memref<128xi32, #tpu.memory_space<vmem>>
      %dma_wait3A_504 = arith.constant 0 : i32
      %dma_wait3A_505 = arith.constant 0 : i32
      %dma_wait3A_506 = tpu.memref_slice %arg3[%dma_wait3A_504, %dma_wait3A_505] : memref<10000x32xf32, #tpu.memory_space<hbm>> -> memref<10000x32xf32, #tpu.memory_space<hbm>>
      %dma_wait3A_507 = tpu.memref_slice %arg16[%dma_wait3A_500] : memref<8x!tpu.dma_semaphore, #tpu.memory_space<semaphore_mem>> -> memref<1x!tpu.dma_semaphore, #tpu.memory_space<semaphore_mem>>
      %dma_wait3A_508 = tpu.memref_squeeze %dma_wait3A_507 : memref<1x!tpu.dma_semaphore, #tpu.memory_space<semaphore_mem>> -> memref<!tpu.dma_semaphore, #tpu.memory_space<semaphore_mem>>
      tpu.wait_indirect_dma semaphore(%dma_wait3A_508 : memref<!tpu.dma_semaphore, #tpu.memory_space<semaphore_mem>>) src(%dma_wait3A_506 : memref<10000x32xf32, #tpu.memory_space<hbm>>) dst(%arg13 : memref<128x32xf32, #tpu.memory_space<vmem>>)
      %add3A_509 = arith.constant 6 : i32
      %add3A_510 = arith.addi %mul3A_365, %add3A_509 : i32
      %dma_start3A_511 = arith.constant 6 : i32
      %dma_start3A_512 = arith.constant 0 : i32
      %dma_start3A_513 = tpu.memref_slice %arg6[%add3A_510, %dma_start3A_512] : memref<80x128xi32, #tpu.memory_space<vmem>> -> memref<1x128xi32, #tpu.memory_space<vmem>>
      %dma_start3A_514 = tpu.memref_squeeze %dma_start3A_513 : memref<1x128xi32, #tpu.memory_space<vmem>> -> memref<128xi32, #tpu.memory_space<vmem>>
      %dma_start3A_515 = arith.constant 0 : i32
      %dma_start3A_516 = arith.constant 0 : i32
      %dma_start3A_517 = tpu.memref_slice %arg15[%dma_start3A_515, %dma_start3A_516] : memref<10240x32xf32, #tpu.memory_space<vmem_shared>> -> memref<10240x32xf32, #tpu.memory_space<vmem_shared>>
      %dma_start3A_518 = tpu.memref_slice %arg17[%dma_start3A_511] : memref<8x!tpu.dma_semaphore, #tpu.memory_space<semaphore_mem>> -> memref<1x!tpu.dma_semaphore, #tpu.memory_space<semaphore_mem>>
      %dma_start3A_519 = tpu.memref_squeeze %dma_start3A_518 : memref<1x!tpu.dma_semaphore, #tpu.memory_space<semaphore_mem>> -> memref<!tpu.dma_semaphore, #tpu.memory_space<semaphore_mem>>
      tpu.enqueue_indirect_dma source(%arg13 : memref<128x32xf32, #tpu.memory_space<vmem>>) target(%dma_start3A_517 : memref<10240x32xf32, #tpu.memory_space<vmem_shared>>) offsets(%dma_start3A_514 : memref<128xi32, #tpu.memory_space<vmem>>) semaphore(%dma_start3A_519 : memref<!tpu.dma_semaphore, #tpu.memory_space<semaphore_mem>>) {add = true}
      %add3A_520 = arith.constant 7 : i32
      %add3A_521 = arith.addi %mul3A_365, %add3A_520 : i32
      %dma_wait3A_522 = arith.constant 7 : i32
      %dma_wait3A_523 = arith.constant 0 : i32
      %dma_wait3A_524 = tpu.memref_slice %arg5[%add3A_521, %dma_wait3A_523] : memref<80x128xi32, #tpu.memory_space<vmem>> -> memref<1x128xi32, #tpu.memory_space<vmem>>
      %dma_wait3A_525 = tpu.memref_squeeze %dma_wait3A_524 : memref<1x128xi32, #tpu.memory_space<vmem>> -> memref<128xi32, #tpu.memory_space<vmem>>
      %dma_wait3A_526 = arith.constant 0 : i32
      %dma_wait3A_527 = arith.constant 0 : i32
      %dma_wait3A_528 = tpu.memref_slice %arg3[%dma_wait3A_526, %dma_wait3A_527] : memref<10000x32xf32, #tpu.memory_space<hbm>> -> memref<10000x32xf32, #tpu.memory_space<hbm>>
      %dma_wait3A_529 = tpu.memref_slice %arg16[%dma_wait3A_522] : memref<8x!tpu.dma_semaphore, #tpu.memory_space<semaphore_mem>> -> memref<1x!tpu.dma_semaphore, #tpu.memory_space<semaphore_mem>>
      %dma_wait3A_530 = tpu.memref_squeeze %dma_wait3A_529 : memref<1x!tpu.dma_semaphore, #tpu.memory_space<semaphore_mem>> -> memref<!tpu.dma_semaphore, #tpu.memory_space<semaphore_mem>>
      tpu.wait_indirect_dma semaphore(%dma_wait3A_530 : memref<!tpu.dma_semaphore, #tpu.memory_space<semaphore_mem>>) src(%dma_wait3A_528 : memref<10000x32xf32, #tpu.memory_space<hbm>>) dst(%arg14 : memref<128x32xf32, #tpu.memory_space<vmem>>)
      %add3A_531 = arith.constant 7 : i32
      %add3A_532 = arith.addi %mul3A_365, %add3A_531 : i32
      %dma_start3A_533 = arith.constant 7 : i32
      %dma_start3A_534 = arith.constant 0 : i32
      %dma_start3A_535 = tpu.memref_slice %arg6[%add3A_532, %dma_start3A_534] : memref<80x128xi32, #tpu.memory_space<vmem>> -> memref<1x128xi32, #tpu.memory_space<vmem>>
      %dma_start3A_536 = tpu.memref_squeeze %dma_start3A_535 : memref<1x128xi32, #tpu.memory_space<vmem>> -> memref<128xi32, #tpu.memory_space<vmem>>
      %dma_start3A_537 = arith.constant 0 : i32
      %dma_start3A_538 = arith.constant 0 : i32
      %dma_start3A_539 = tpu.memref_slice %arg15[%dma_start3A_537, %dma_start3A_538] : memref<10240x32xf32, #tpu.memory_space<vmem_shared>> -> memref<10240x32xf32, #tpu.memory_space<vmem_shared>>
      %dma_start3A_540 = tpu.memref_slice %arg17[%dma_start3A_533] : memref<8x!tpu.dma_semaphore, #tpu.memory_space<semaphore_mem>> -> memref<1x!tpu.dma_semaphore, #tpu.memory_space<semaphore_mem>>
      %dma_start3A_541 = tpu.memref_squeeze %dma_start3A_540 : memref<1x!tpu.dma_semaphore, #tpu.memory_space<semaphore_mem>> -> memref<!tpu.dma_semaphore, #tpu.memory_space<semaphore_mem>>
      tpu.enqueue_indirect_dma source(%arg14 : memref<128x32xf32, #tpu.memory_space<vmem>>) target(%dma_start3A_539 : memref<10240x32xf32, #tpu.memory_space<vmem_shared>>) offsets(%dma_start3A_536 : memref<128xi32, #tpu.memory_space<vmem>>) semaphore(%dma_start3A_541 : memref<!tpu.dma_semaphore, #tpu.memory_space<semaphore_mem>>) {add = true}
      %add3A_542 = arith.constant 0 : i32
      %add3A_543 = arith.addi %mul3A_365, %add3A_542 : i32
      %dma_wait3A_544 = arith.constant 0 : i32
      %dma_wait3A_545 = arith.constant 0 : i32
      %dma_wait3A_546 = tpu.memref_slice %arg6[%add3A_543, %dma_wait3A_545] : memref<80x128xi32, #tpu.memory_space<vmem>> -> memref<1x128xi32, #tpu.memory_space<vmem>>
      %dma_wait3A_547 = tpu.memref_squeeze %dma_wait3A_546 : memref<1x128xi32, #tpu.memory_space<vmem>> -> memref<128xi32, #tpu.memory_space<vmem>>
      %dma_wait3A_548 = arith.constant 0 : i32
      %dma_wait3A_549 = arith.constant 0 : i32
      %dma_wait3A_550 = tpu.memref_slice %arg15[%dma_wait3A_548, %dma_wait3A_549] : memref<10240x32xf32, #tpu.memory_space<vmem_shared>> -> memref<10240x32xf32, #tpu.memory_space<vmem_shared>>
      %dma_wait3A_551 = tpu.memref_slice %arg17[%dma_wait3A_544] : memref<8x!tpu.dma_semaphore, #tpu.memory_space<semaphore_mem>> -> memref<1x!tpu.dma_semaphore, #tpu.memory_space<semaphore_mem>>
      %dma_wait3A_552 = tpu.memref_squeeze %dma_wait3A_551 : memref<1x!tpu.dma_semaphore, #tpu.memory_space<semaphore_mem>> -> memref<!tpu.dma_semaphore, #tpu.memory_space<semaphore_mem>>
      tpu.wait_indirect_dma semaphore(%dma_wait3A_552 : memref<!tpu.dma_semaphore, #tpu.memory_space<semaphore_mem>>) src(%arg7 : memref<128x32xf32, #tpu.memory_space<vmem>>) dst(%dma_wait3A_550 : memref<10240x32xf32, #tpu.memory_space<vmem_shared>>)
      %add3A_553 = arith.constant 8 : i32
      %add3A_554 = arith.addi %mul3A_365, %add3A_553 : i32
      %add3A_555 = arith.constant 0 : i32
      %add3A_556 = arith.addi %add3A_554, %add3A_555 : i32
      %dma_start3A_557 = arith.constant 0 : i32
      %dma_start3A_558 = arith.constant 0 : i32
      %dma_start3A_559 = tpu.memref_slice %arg5[%add3A_556, %dma_start3A_558] : memref<80x128xi32, #tpu.memory_space<vmem>> -> memref<1x128xi32, #tpu.memory_space<vmem>>
      %dma_start3A_560 = tpu.memref_squeeze %dma_start3A_559 : memref<1x128xi32, #tpu.memory_space<vmem>> -> memref<128xi32, #tpu.memory_space<vmem>>
      %dma_start3A_561 = arith.constant 0 : i32
      %dma_start3A_562 = arith.constant 0 : i32
      %dma_start3A_563 = tpu.memref_slice %arg3[%dma_start3A_561, %dma_start3A_562] : memref<10000x32xf32, #tpu.memory_space<hbm>> -> memref<10000x32xf32, #tpu.memory_space<hbm>>
      %dma_start3A_564 = tpu.memref_slice %arg16[%dma_start3A_557] : memref<8x!tpu.dma_semaphore, #tpu.memory_space<semaphore_mem>> -> memref<1x!tpu.dma_semaphore, #tpu.memory_space<semaphore_mem>>
      %dma_start3A_565 = tpu.memref_squeeze %dma_start3A_564 : memref<1x!tpu.dma_semaphore, #tpu.memory_space<semaphore_mem>> -> memref<!tpu.dma_semaphore, #tpu.memory_space<semaphore_mem>>
      tpu.enqueue_indirect_dma source(%dma_start3A_563 : memref<10000x32xf32, #tpu.memory_space<hbm>>) target(%arg7 : memref<128x32xf32, #tpu.memory_space<vmem>>) offsets(%dma_start3A_560 : memref<128xi32, #tpu.memory_space<vmem>>) semaphore(%dma_start3A_565 : memref<!tpu.dma_semaphore, #tpu.memory_space<semaphore_mem>>)
      %add3A_566 = arith.constant 1 : i32
      %add3A_567 = arith.addi %mul3A_365, %add3A_566 : i32
      %dma_wait3A_568 = arith.constant 1 : i32
      %dma_wait3A_569 = arith.constant 0 : i32
      %dma_wait3A_570 = tpu.memref_slice %arg6[%add3A_567, %dma_wait3A_569] : memref<80x128xi32, #tpu.memory_space<vmem>> -> memref<1x128xi32, #tpu.memory_space<vmem>>
      %dma_wait3A_571 = tpu.memref_squeeze %dma_wait3A_570 : memref<1x128xi32, #tpu.memory_space<vmem>> -> memref<128xi32, #tpu.memory_space<vmem>>
      %dma_wait3A_572 = arith.constant 0 : i32
      %dma_wait3A_573 = arith.constant 0 : i32
      %dma_wait3A_574 = tpu.memref_slice %arg15[%dma_wait3A_572, %dma_wait3A_573] : memref<10240x32xf32, #tpu.memory_space<vmem_shared>> -> memref<10240x32xf32, #tpu.memory_space<vmem_shared>>
      %dma_wait3A_575 = tpu.memref_slice %arg17[%dma_wait3A_568] : memref<8x!tpu.dma_semaphore, #tpu.memory_space<semaphore_mem>> -> memref<1x!tpu.dma_semaphore, #tpu.memory_space<semaphore_mem>>
      %dma_wait3A_576 = tpu.memref_squeeze %dma_wait3A_575 : memref<1x!tpu.dma_semaphore, #tpu.memory_space<semaphore_mem>> -> memref<!tpu.dma_semaphore, #tpu.memory_space<semaphore_mem>>
      tpu.wait_indirect_dma semaphore(%dma_wait3A_576 : memref<!tpu.dma_semaphore, #tpu.memory_space<semaphore_mem>>) src(%arg8 : memref<128x32xf32, #tpu.memory_space<vmem>>) dst(%dma_wait3A_574 : memref<10240x32xf32, #tpu.memory_space<vmem_shared>>)
      %add3A_577 = arith.constant 8 : i32
      %add3A_578 = arith.addi %mul3A_365, %add3A_577 : i32
      %add3A_579 = arith.constant 1 : i32
      %add3A_580 = arith.addi %add3A_578, %add3A_579 : i32
      %dma_start3A_581 = arith.constant 1 : i32
      %dma_start3A_582 = arith.constant 0 : i32
      %dma_start3A_583 = tpu.memref_slice %arg5[%add3A_580, %dma_start3A_582] : memref<80x128xi32, #tpu.memory_space<vmem>> -> memref<1x128xi32, #tpu.memory_space<vmem>>
      %dma_start3A_584 = tpu.memref_squeeze %dma_start3A_583 : memref<1x128xi32, #tpu.memory_space<vmem>> -> memref<128xi32, #tpu.memory_space<vmem>>
      %dma_start3A_585 = arith.constant 0 : i32
      %dma_start3A_586 = arith.constant 0 : i32
      %dma_start3A_587 = tpu.memref_slice %arg3[%dma_start3A_585, %dma_start3A_586] : memref<10000x32xf32, #tpu.memory_space<hbm>> -> memref<10000x32xf32, #tpu.memory_space<hbm>>
      %dma_start3A_588 = tpu.memref_slice %arg16[%dma_start3A_581] : memref<8x!tpu.dma_semaphore, #tpu.memory_space<semaphore_mem>> -> memref<1x!tpu.dma_semaphore, #tpu.memory_space<semaphore_mem>>
      %dma_start3A_589 = tpu.memref_squeeze %dma_start3A_588 : memref<1x!tpu.dma_semaphore, #tpu.memory_space<semaphore_mem>> -> memref<!tpu.dma_semaphore, #tpu.memory_space<semaphore_mem>>
      tpu.enqueue_indirect_dma source(%dma_start3A_587 : memref<10000x32xf32, #tpu.memory_space<hbm>>) target(%arg8 : memref<128x32xf32, #tpu.memory_space<vmem>>) offsets(%dma_start3A_584 : memref<128xi32, #tpu.memory_space<vmem>>) semaphore(%dma_start3A_589 : memref<!tpu.dma_semaphore, #tpu.memory_space<semaphore_mem>>)
      %add3A_590 = arith.constant 2 : i32
      %add3A_591 = arith.addi %mul3A_365, %add3A_590 : i32
      %dma_wait3A_592 = arith.constant 2 : i32
      %dma_wait3A_593 = arith.constant 0 : i32
      %dma_wait3A_594 = tpu.memref_slice %arg6[%add3A_591, %dma_wait3A_593] : memref<80x128xi32, #tpu.memory_space<vmem>> -> memref<1x128xi32, #tpu.memory_space<vmem>>
      %dma_wait3A_595 = tpu.memref_squeeze %dma_wait3A_594 : memref<1x128xi32, #tpu.memory_space<vmem>> -> memref<128xi32, #tpu.memory_space<vmem>>
      %dma_wait3A_596 = arith.constant 0 : i32
      %dma_wait3A_597 = arith.constant 0 : i32
      %dma_wait3A_598 = tpu.memref_slice %arg15[%dma_wait3A_596, %dma_wait3A_597] : memref<10240x32xf32, #tpu.memory_space<vmem_shared>> -> memref<10240x32xf32, #tpu.memory_space<vmem_shared>>
      %dma_wait3A_599 = tpu.memref_slice %arg17[%dma_wait3A_592] : memref<8x!tpu.dma_semaphore, #tpu.memory_space<semaphore_mem>> -> memref<1x!tpu.dma_semaphore, #tpu.memory_space<semaphore_mem>>
      %dma_wait3A_600 = tpu.memref_squeeze %dma_wait3A_599 : memref<1x!tpu.dma_semaphore, #tpu.memory_space<semaphore_mem>> -> memref<!tpu.dma_semaphore, #tpu.memory_space<semaphore_mem>>
      tpu.wait_indirect_dma semaphore(%dma_wait3A_600 : memref<!tpu.dma_semaphore, #tpu.memory_space<semaphore_mem>>) src(%arg9 : memref<128x32xf32, #tpu.memory_space<vmem>>) dst(%dma_wait3A_598 : memref<10240x32xf32, #tpu.memory_space<vmem_shared>>)
      %add3A_601 = arith.constant 8 : i32
      %add3A_602 = arith.addi %mul3A_365, %add3A_601 : i32
      %add3A_603 = arith.constant 2 : i32
      %add3A_604 = arith.addi %add3A_602, %add3A_603 : i32
      %dma_start3A_605 = arith.constant 2 : i32
      %dma_start3A_606 = arith.constant 0 : i32
      %dma_start3A_607 = tpu.memref_slice %arg5[%add3A_604, %dma_start3A_606] : memref<80x128xi32, #tpu.memory_space<vmem>> -> memref<1x128xi32, #tpu.memory_space<vmem>>
      %dma_start3A_608 = tpu.memref_squeeze %dma_start3A_607 : memref<1x128xi32, #tpu.memory_space<vmem>> -> memref<128xi32, #tpu.memory_space<vmem>>
      %dma_start3A_609 = arith.constant 0 : i32
      %dma_start3A_610 = arith.constant 0 : i32
      %dma_start3A_611 = tpu.memref_slice %arg3[%dma_start3A_609, %dma_start3A_610] : memref<10000x32xf32, #tpu.memory_space<hbm>> -> memref<10000x32xf32, #tpu.memory_space<hbm>>
      %dma_start3A_612 = tpu.memref_slice %arg16[%dma_start3A_605] : memref<8x!tpu.dma_semaphore, #tpu.memory_space<semaphore_mem>> -> memref<1x!tpu.dma_semaphore, #tpu.memory_space<semaphore_mem>>
      %dma_start3A_613 = tpu.memref_squeeze %dma_start3A_612 : memref<1x!tpu.dma_semaphore, #tpu.memory_space<semaphore_mem>> -> memref<!tpu.dma_semaphore, #tpu.memory_space<semaphore_mem>>
      tpu.enqueue_indirect_dma source(%dma_start3A_611 : memref<10000x32xf32, #tpu.memory_space<hbm>>) target(%arg9 : memref<128x32xf32, #tpu.memory_space<vmem>>) offsets(%dma_start3A_608 : memref<128xi32, #tpu.memory_space<vmem>>) semaphore(%dma_start3A_613 : memref<!tpu.dma_semaphore, #tpu.memory_space<semaphore_mem>>)
      %add3A_614 = arith.constant 3 : i32
      %add3A_615 = arith.addi %mul3A_365, %add3A_614 : i32
      %dma_wait3A_616 = arith.constant 3 : i32
      %dma_wait3A_617 = arith.constant 0 : i32
      %dma_wait3A_618 = tpu.memref_slice %arg6[%add3A_615, %dma_wait3A_617] : memref<80x128xi32, #tpu.memory_space<vmem>> -> memref<1x128xi32, #tpu.memory_space<vmem>>
      %dma_wait3A_619 = tpu.memref_squeeze %dma_wait3A_618 : memref<1x128xi32, #tpu.memory_space<vmem>> -> memref<128xi32, #tpu.memory_space<vmem>>
      %dma_wait3A_620 = arith.constant 0 : i32
      %dma_wait3A_621 = arith.constant 0 : i32
      %dma_wait3A_622 = tpu.memref_slice %arg15[%dma_wait3A_620, %dma_wait3A_621] : memref<10240x32xf32, #tpu.memory_space<vmem_shared>> -> memref<10240x32xf32, #tpu.memory_space<vmem_shared>>
      %dma_wait3A_623 = tpu.memref_slice %arg17[%dma_wait3A_616] : memref<8x!tpu.dma_semaphore, #tpu.memory_space<semaphore_mem>> -> memref<1x!tpu.dma_semaphore, #tpu.memory_space<semaphore_mem>>
      %dma_wait3A_624 = tpu.memref_squeeze %dma_wait3A_623 : memref<1x!tpu.dma_semaphore, #tpu.memory_space<semaphore_mem>> -> memref<!tpu.dma_semaphore, #tpu.memory_space<semaphore_mem>>
      tpu.wait_indirect_dma semaphore(%dma_wait3A_624 : memref<!tpu.dma_semaphore, #tpu.memory_space<semaphore_mem>>) src(%arg10 : memref<128x32xf32, #tpu.memory_space<vmem>>) dst(%dma_wait3A_622 : memref<10240x32xf32, #tpu.memory_space<vmem_shared>>)
      %add3A_625 = arith.constant 8 : i32
      %add3A_626 = arith.addi %mul3A_365, %add3A_625 : i32
      %add3A_627 = arith.constant 3 : i32
      %add3A_628 = arith.addi %add3A_626, %add3A_627 : i32
      %dma_start3A_629 = arith.constant 3 : i32
      %dma_start3A_630 = arith.constant 0 : i32
      %dma_start3A_631 = tpu.memref_slice %arg5[%add3A_628, %dma_start3A_630] : memref<80x128xi32, #tpu.memory_space<vmem>> -> memref<1x128xi32, #tpu.memory_space<vmem>>
      %dma_start3A_632 = tpu.memref_squeeze %dma_start3A_631 : memref<1x128xi32, #tpu.memory_space<vmem>> -> memref<128xi32, #tpu.memory_space<vmem>>
      %dma_start3A_633 = arith.constant 0 : i32
      %dma_start3A_634 = arith.constant 0 : i32
      %dma_start3A_635 = tpu.memref_slice %arg3[%dma_start3A_633, %dma_start3A_634] : memref<10000x32xf32, #tpu.memory_space<hbm>> -> memref<10000x32xf32, #tpu.memory_space<hbm>>
      %dma_start3A_636 = tpu.memref_slice %arg16[%dma_start3A_629] : memref<8x!tpu.dma_semaphore, #tpu.memory_space<semaphore_mem>> -> memref<1x!tpu.dma_semaphore, #tpu.memory_space<semaphore_mem>>
      %dma_start3A_637 = tpu.memref_squeeze %dma_start3A_636 : memref<1x!tpu.dma_semaphore, #tpu.memory_space<semaphore_mem>> -> memref<!tpu.dma_semaphore, #tpu.memory_space<semaphore_mem>>
      tpu.enqueue_indirect_dma source(%dma_start3A_635 : memref<10000x32xf32, #tpu.memory_space<hbm>>) target(%arg10 : memref<128x32xf32, #tpu.memory_space<vmem>>) offsets(%dma_start3A_632 : memref<128xi32, #tpu.memory_space<vmem>>) semaphore(%dma_start3A_637 : memref<!tpu.dma_semaphore, #tpu.memory_space<semaphore_mem>>)
      %add3A_638 = arith.constant 4 : i32
      %add3A_639 = arith.addi %mul3A_365, %add3A_638 : i32
      %dma_wait3A_640 = arith.constant 4 : i32
      %dma_wait3A_641 = arith.constant 0 : i32
      %dma_wait3A_642 = tpu.memref_slice %arg6[%add3A_639, %dma_wait3A_641] : memref<80x128xi32, #tpu.memory_space<vmem>> -> memref<1x128xi32, #tpu.memory_space<vmem>>
      %dma_wait3A_643 = tpu.memref_squeeze %dma_wait3A_642 : memref<1x128xi32, #tpu.memory_space<vmem>> -> memref<128xi32, #tpu.memory_space<vmem>>
      %dma_wait3A_644 = arith.constant 0 : i32
      %dma_wait3A_645 = arith.constant 0 : i32
      %dma_wait3A_646 = tpu.memref_slice %arg15[%dma_wait3A_644, %dma_wait3A_645] : memref<10240x32xf32, #tpu.memory_space<vmem_shared>> -> memref<10240x32xf32, #tpu.memory_space<vmem_shared>>
      %dma_wait3A_647 = tpu.memref_slice %arg17[%dma_wait3A_640] : memref<8x!tpu.dma_semaphore, #tpu.memory_space<semaphore_mem>> -> memref<1x!tpu.dma_semaphore, #tpu.memory_space<semaphore_mem>>
      %dma_wait3A_648 = tpu.memref_squeeze %dma_wait3A_647 : memref<1x!tpu.dma_semaphore, #tpu.memory_space<semaphore_mem>> -> memref<!tpu.dma_semaphore, #tpu.memory_space<semaphore_mem>>
      tpu.wait_indirect_dma semaphore(%dma_wait3A_648 : memref<!tpu.dma_semaphore, #tpu.memory_space<semaphore_mem>>) src(%arg11 : memref<128x32xf32, #tpu.memory_space<vmem>>) dst(%dma_wait3A_646 : memref<10240x32xf32, #tpu.memory_space<vmem_shared>>)
      %add3A_649 = arith.constant 8 : i32
      %add3A_650 = arith.addi %mul3A_365, %add3A_649 : i32
      %add3A_651 = arith.constant 4 : i32
      %add3A_652 = arith.addi %add3A_650, %add3A_651 : i32
      %dma_start3A_653 = arith.constant 4 : i32
      %dma_start3A_654 = arith.constant 0 : i32
      %dma_start3A_655 = tpu.memref_slice %arg5[%add3A_652, %dma_start3A_654] : memref<80x128xi32, #tpu.memory_space<vmem>> -> memref<1x128xi32, #tpu.memory_space<vmem>>
      %dma_start3A_656 = tpu.memref_squeeze %dma_start3A_655 : memref<1x128xi32, #tpu.memory_space<vmem>> -> memref<128xi32, #tpu.memory_space<vmem>>
      %dma_start3A_657 = arith.constant 0 : i32
      %dma_start3A_658 = arith.constant 0 : i32
      %dma_start3A_659 = tpu.memref_slice %arg3[%dma_start3A_657, %dma_start3A_658] : memref<10000x32xf32, #tpu.memory_space<hbm>> -> memref<10000x32xf32, #tpu.memory_space<hbm>>
      %dma_start3A_660 = tpu.memref_slice %arg16[%dma_start3A_653] : memref<8x!tpu.dma_semaphore, #tpu.memory_space<semaphore_mem>> -> memref<1x!tpu.dma_semaphore, #tpu.memory_space<semaphore_mem>>
      %dma_start3A_661 = tpu.memref_squeeze %dma_start3A_660 : memref<1x!tpu.dma_semaphore, #tpu.memory_space<semaphore_mem>> -> memref<!tpu.dma_semaphore, #tpu.memory_space<semaphore_mem>>
      tpu.enqueue_indirect_dma source(%dma_start3A_659 : memref<10000x32xf32, #tpu.memory_space<hbm>>) target(%arg11 : memref<128x32xf32, #tpu.memory_space<vmem>>) offsets(%dma_start3A_656 : memref<128xi32, #tpu.memory_space<vmem>>) semaphore(%dma_start3A_661 : memref<!tpu.dma_semaphore, #tpu.memory_space<semaphore_mem>>)
      %add3A_662 = arith.constant 5 : i32
      %add3A_663 = arith.addi %mul3A_365, %add3A_662 : i32
      %dma_wait3A_664 = arith.constant 5 : i32
      %dma_wait3A_665 = arith.constant 0 : i32
      %dma_wait3A_666 = tpu.memref_slice %arg6[%add3A_663, %dma_wait3A_665] : memref<80x128xi32, #tpu.memory_space<vmem>> -> memref<1x128xi32, #tpu.memory_space<vmem>>
      %dma_wait3A_667 = tpu.memref_squeeze %dma_wait3A_666 : memref<1x128xi32, #tpu.memory_space<vmem>> -> memref<128xi32, #tpu.memory_space<vmem>>
      %dma_wait3A_668 = arith.constant 0 : i32
      %dma_wait3A_669 = arith.constant 0 : i32
      %dma_wait3A_670 = tpu.memref_slice %arg15[%dma_wait3A_668, %dma_wait3A_669] : memref<10240x32xf32, #tpu.memory_space<vmem_shared>> -> memref<10240x32xf32, #tpu.memory_space<vmem_shared>>
      %dma_wait3A_671 = tpu.memref_slice %arg17[%dma_wait3A_664] : memref<8x!tpu.dma_semaphore, #tpu.memory_space<semaphore_mem>> -> memref<1x!tpu.dma_semaphore, #tpu.memory_space<semaphore_mem>>
      %dma_wait3A_672 = tpu.memref_squeeze %dma_wait3A_671 : memref<1x!tpu.dma_semaphore, #tpu.memory_space<semaphore_mem>> -> memref<!tpu.dma_semaphore, #tpu.memory_space<semaphore_mem>>
      tpu.wait_indirect_dma semaphore(%dma_wait3A_672 : memref<!tpu.dma_semaphore, #tpu.memory_space<semaphore_mem>>) src(%arg12 : memref<128x32xf32, #tpu.memory_space<vmem>>) dst(%dma_wait3A_670 : memref<10240x32xf32, #tpu.memory_space<vmem_shared>>)
      %add3A_673 = arith.constant 8 : i32
      %add3A_674 = arith.addi %mul3A_365, %add3A_673 : i32
      %add3A_675 = arith.constant 5 : i32
      %add3A_676 = arith.addi %add3A_674, %add3A_675 : i32
      %dma_start3A_677 = arith.constant 5 : i32
      %dma_start3A_678 = arith.constant 0 : i32
      %dma_start3A_679 = tpu.memref_slice %arg5[%add3A_676, %dma_start3A_678] : memref<80x128xi32, #tpu.memory_space<vmem>> -> memref<1x128xi32, #tpu.memory_space<vmem>>
      %dma_start3A_680 = tpu.memref_squeeze %dma_start3A_679 : memref<1x128xi32, #tpu.memory_space<vmem>> -> memref<128xi32, #tpu.memory_space<vmem>>
      %dma_start3A_681 = arith.constant 0 : i32
      %dma_start3A_682 = arith.constant 0 : i32
      %dma_start3A_683 = tpu.memref_slice %arg3[%dma_start3A_681, %dma_start3A_682] : memref<10000x32xf32, #tpu.memory_space<hbm>> -> memref<10000x32xf32, #tpu.memory_space<hbm>>
      %dma_start3A_684 = tpu.memref_slice %arg16[%dma_start3A_677] : memref<8x!tpu.dma_semaphore, #tpu.memory_space<semaphore_mem>> -> memref<1x!tpu.dma_semaphore, #tpu.memory_space<semaphore_mem>>
      %dma_start3A_685 = tpu.memref_squeeze %dma_start3A_684 : memref<1x!tpu.dma_semaphore, #tpu.memory_space<semaphore_mem>> -> memref<!tpu.dma_semaphore, #tpu.memory_space<semaphore_mem>>
      tpu.enqueue_indirect_dma source(%dma_start3A_683 : memref<10000x32xf32, #tpu.memory_space<hbm>>) target(%arg12 : memref<128x32xf32, #tpu.memory_space<vmem>>) offsets(%dma_start3A_680 : memref<128xi32, #tpu.memory_space<vmem>>) semaphore(%dma_start3A_685 : memref<!tpu.dma_semaphore, #tpu.memory_space<semaphore_mem>>)
      %add3A_686 = arith.constant 6 : i32
      %add3A_687 = arith.addi %mul3A_365, %add3A_686 : i32
      %dma_wait3A_688 = arith.constant 6 : i32
      %dma_wait3A_689 = arith.constant 0 : i32
      %dma_wait3A_690 = tpu.memref_slice %arg6[%add3A_687, %dma_wait3A_689] : memref<80x128xi32, #tpu.memory_space<vmem>> -> memref<1x128xi32, #tpu.memory_space<vmem>>
      %dma_wait3A_691 = tpu.memref_squeeze %dma_wait3A_690 : memref<1x128xi32, #tpu.memory_space<vmem>> -> memref<128xi32, #tpu.memory_space<vmem>>
      %dma_wait3A_692 = arith.constant 0 : i32
      %dma_wait3A_693 = arith.constant 0 : i32
      %dma_wait3A_694 = tpu.memref_slice %arg15[%dma_wait3A_692, %dma_wait3A_693] : memref<10240x32xf32, #tpu.memory_space<vmem_shared>> -> memref<10240x32xf32, #tpu.memory_space<vmem_shared>>
      %dma_wait3A_695 = tpu.memref_slice %arg17[%dma_wait3A_688] : memref<8x!tpu.dma_semaphore, #tpu.memory_space<semaphore_mem>> -> memref<1x!tpu.dma_semaphore, #tpu.memory_space<semaphore_mem>>
      %dma_wait3A_696 = tpu.memref_squeeze %dma_wait3A_695 : memref<1x!tpu.dma_semaphore, #tpu.memory_space<semaphore_mem>> -> memref<!tpu.dma_semaphore, #tpu.memory_space<semaphore_mem>>
      tpu.wait_indirect_dma semaphore(%dma_wait3A_696 : memref<!tpu.dma_semaphore, #tpu.memory_space<semaphore_mem>>) src(%arg13 : memref<128x32xf32, #tpu.memory_space<vmem>>) dst(%dma_wait3A_694 : memref<10240x32xf32, #tpu.memory_space<vmem_shared>>)
      %add3A_697 = arith.constant 8 : i32
      %add3A_698 = arith.addi %mul3A_365, %add3A_697 : i32
      %add3A_699 = arith.constant 6 : i32
      %add3A_700 = arith.addi %add3A_698, %add3A_699 : i32
      %dma_start3A_701 = arith.constant 6 : i32
      %dma_start3A_702 = arith.constant 0 : i32
      %dma_start3A_703 = tpu.memref_slice %arg5[%add3A_700, %dma_start3A_702] : memref<80x128xi32, #tpu.memory_space<vmem>> -> memref<1x128xi32, #tpu.memory_space<vmem>>
      %dma_start3A_704 = tpu.memref_squeeze %dma_start3A_703 : memref<1x128xi32, #tpu.memory_space<vmem>> -> memref<128xi32, #tpu.memory_space<vmem>>
      %dma_start3A_705 = arith.constant 0 : i32
      %dma_start3A_706 = arith.constant 0 : i32
      %dma_start3A_707 = tpu.memref_slice %arg3[%dma_start3A_705, %dma_start3A_706] : memref<10000x32xf32, #tpu.memory_space<hbm>> -> memref<10000x32xf32, #tpu.memory_space<hbm>>
      %dma_start3A_708 = tpu.memref_slice %arg16[%dma_start3A_701] : memref<8x!tpu.dma_semaphore, #tpu.memory_space<semaphore_mem>> -> memref<1x!tpu.dma_semaphore, #tpu.memory_space<semaphore_mem>>
      %dma_start3A_709 = tpu.memref_squeeze %dma_start3A_708 : memref<1x!tpu.dma_semaphore, #tpu.memory_space<semaphore_mem>> -> memref<!tpu.dma_semaphore, #tpu.memory_space<semaphore_mem>>
      tpu.enqueue_indirect_dma source(%dma_start3A_707 : memref<10000x32xf32, #tpu.memory_space<hbm>>) target(%arg13 : memref<128x32xf32, #tpu.memory_space<vmem>>) offsets(%dma_start3A_704 : memref<128xi32, #tpu.memory_space<vmem>>) semaphore(%dma_start3A_709 : memref<!tpu.dma_semaphore, #tpu.memory_space<semaphore_mem>>)
      %add3A_710 = arith.constant 7 : i32
      %add3A_711 = arith.addi %mul3A_365, %add3A_710 : i32
      %dma_wait3A_712 = arith.constant 7 : i32
      %dma_wait3A_713 = arith.constant 0 : i32
      %dma_wait3A_714 = tpu.memref_slice %arg6[%add3A_711, %dma_wait3A_713] : memref<80x128xi32, #tpu.memory_space<vmem>> -> memref<1x128xi32, #tpu.memory_space<vmem>>
      %dma_wait3A_715 = tpu.memref_squeeze %dma_wait3A_714 : memref<1x128xi32, #tpu.memory_space<vmem>> -> memref<128xi32, #tpu.memory_space<vmem>>
      %dma_wait3A_716 = arith.constant 0 : i32
      %dma_wait3A_717 = arith.constant 0 : i32
      %dma_wait3A_718 = tpu.memref_slice %arg15[%dma_wait3A_716, %dma_wait3A_717] : memref<10240x32xf32, #tpu.memory_space<vmem_shared>> -> memref<10240x32xf32, #tpu.memory_space<vmem_shared>>
      %dma_wait3A_719 = tpu.memref_slice %arg17[%dma_wait3A_712] : memref<8x!tpu.dma_semaphore, #tpu.memory_space<semaphore_mem>> -> memref<1x!tpu.dma_semaphore, #tpu.memory_space<semaphore_mem>>
      %dma_wait3A_720 = tpu.memref_squeeze %dma_wait3A_719 : memref<1x!tpu.dma_semaphore, #tpu.memory_space<semaphore_mem>> -> memref<!tpu.dma_semaphore, #tpu.memory_space<semaphore_mem>>
      tpu.wait_indirect_dma semaphore(%dma_wait3A_720 : memref<!tpu.dma_semaphore, #tpu.memory_space<semaphore_mem>>) src(%arg14 : memref<128x32xf32, #tpu.memory_space<vmem>>) dst(%dma_wait3A_718 : memref<10240x32xf32, #tpu.memory_space<vmem_shared>>)
      %add3A_721 = arith.constant 8 : i32
      %add3A_722 = arith.addi %mul3A_365, %add3A_721 : i32
      %add3A_723 = arith.constant 7 : i32
      %add3A_724 = arith.addi %add3A_722, %add3A_723 : i32
      %dma_start3A_725 = arith.constant 7 : i32
      %dma_start3A_726 = arith.constant 0 : i32
      %dma_start3A_727 = tpu.memref_slice %arg5[%add3A_724, %dma_start3A_726] : memref<80x128xi32, #tpu.memory_space<vmem>> -> memref<1x128xi32, #tpu.memory_space<vmem>>
      %dma_start3A_728 = tpu.memref_squeeze %dma_start3A_727 : memref<1x128xi32, #tpu.memory_space<vmem>> -> memref<128xi32, #tpu.memory_space<vmem>>
      %dma_start3A_729 = arith.constant 0 : i32
      %dma_start3A_730 = arith.constant 0 : i32
      %dma_start3A_731 = tpu.memref_slice %arg3[%dma_start3A_729, %dma_start3A_730] : memref<10000x32xf32, #tpu.memory_space<hbm>> -> memref<10000x32xf32, #tpu.memory_space<hbm>>
      %dma_start3A_732 = tpu.memref_slice %arg16[%dma_start3A_725] : memref<8x!tpu.dma_semaphore, #tpu.memory_space<semaphore_mem>> -> memref<1x!tpu.dma_semaphore, #tpu.memory_space<semaphore_mem>>
      %dma_start3A_733 = tpu.memref_squeeze %dma_start3A_732 : memref<1x!tpu.dma_semaphore, #tpu.memory_space<semaphore_mem>> -> memref<!tpu.dma_semaphore, #tpu.memory_space<semaphore_mem>>
      tpu.enqueue_indirect_dma source(%dma_start3A_731 : memref<10000x32xf32, #tpu.memory_space<hbm>>) target(%arg14 : memref<128x32xf32, #tpu.memory_space<vmem>>) offsets(%dma_start3A_728 : memref<128xi32, #tpu.memory_space<vmem>>) semaphore(%dma_start3A_733 : memref<!tpu.dma_semaphore, #tpu.memory_space<semaphore_mem>>)
      %scan3A_734 = arith.constant 0 : i32
      scf.yield %scan3A_734 : i32
    }
    %scan3A_117 = arith.constant 9 : i32
    %dma_wait3A = arith.constant 72 : i32
    %dma_wait3A_118 = arith.constant 0 : i32
    %dma_wait3A_119 = arith.constant 0 : i32
    %dma_wait3A_120 = tpu.memref_slice %arg5[%dma_wait3A, %dma_wait3A_119] : memref<80x128xi32, #tpu.memory_space<vmem>> -> memref<1x128xi32, #tpu.memory_space<vmem>>
    %dma_wait3A_121 = tpu.memref_squeeze %dma_wait3A_120 : memref<1x128xi32, #tpu.memory_space<vmem>> -> memref<128xi32, #tpu.memory_space<vmem>>
    %dma_wait3A_122 = arith.constant 0 : i32
    %dma_wait3A_123 = arith.constant 0 : i32
    %dma_wait3A_124 = tpu.memref_slice %arg3[%dma_wait3A_122, %dma_wait3A_123] : memref<10000x32xf32, #tpu.memory_space<hbm>> -> memref<10000x32xf32, #tpu.memory_space<hbm>>
    %dma_wait3A_125 = tpu.memref_slice %arg16[%dma_wait3A_118] : memref<8x!tpu.dma_semaphore, #tpu.memory_space<semaphore_mem>> -> memref<1x!tpu.dma_semaphore, #tpu.memory_space<semaphore_mem>>
    %dma_wait3A_126 = tpu.memref_squeeze %dma_wait3A_125 : memref<1x!tpu.dma_semaphore, #tpu.memory_space<semaphore_mem>> -> memref<!tpu.dma_semaphore, #tpu.memory_space<semaphore_mem>>
    tpu.wait_indirect_dma semaphore(%dma_wait3A_126 : memref<!tpu.dma_semaphore, #tpu.memory_space<semaphore_mem>>) src(%dma_wait3A_124 : memref<10000x32xf32, #tpu.memory_space<hbm>>) dst(%arg7 : memref<128x32xf32, #tpu.memory_space<vmem>>)
    %dma_start3A_127 = arith.constant 72 : i32
    %dma_start3A_128 = arith.constant 0 : i32
    %dma_start3A_129 = arith.constant 0 : i32
    %dma_start3A_130 = tpu.memref_slice %arg6[%dma_start3A_127, %dma_start3A_129] : memref<80x128xi32, #tpu.memory_space<vmem>> -> memref<1x128xi32, #tpu.memory_space<vmem>>
    %dma_start3A_131 = tpu.memref_squeeze %dma_start3A_130 : memref<1x128xi32, #tpu.memory_space<vmem>> -> memref<128xi32, #tpu.memory_space<vmem>>
    %dma_start3A_132 = arith.constant 0 : i32
    %dma_start3A_133 = arith.constant 0 : i32
    %dma_start3A_134 = tpu.memref_slice %arg15[%dma_start3A_132, %dma_start3A_133] : memref<10240x32xf32, #tpu.memory_space<vmem_shared>> -> memref<10240x32xf32, #tpu.memory_space<vmem_shared>>
    %dma_start3A_135 = tpu.memref_slice %arg17[%dma_start3A_128] : memref<8x!tpu.dma_semaphore, #tpu.memory_space<semaphore_mem>> -> memref<1x!tpu.dma_semaphore, #tpu.memory_space<semaphore_mem>>
    %dma_start3A_136 = tpu.memref_squeeze %dma_start3A_135 : memref<1x!tpu.dma_semaphore, #tpu.memory_space<semaphore_mem>> -> memref<!tpu.dma_semaphore, #tpu.memory_space<semaphore_mem>>
    tpu.enqueue_indirect_dma source(%arg7 : memref<128x32xf32, #tpu.memory_space<vmem>>) target(%dma_start3A_134 : memref<10240x32xf32, #tpu.memory_space<vmem_shared>>) offsets(%dma_start3A_131 : memref<128xi32, #tpu.memory_space<vmem>>) semaphore(%dma_start3A_136 : memref<!tpu.dma_semaphore, #tpu.memory_space<semaphore_mem>>) {add = true}
    %dma_wait3A_137 = arith.constant 73 : i32
    %dma_wait3A_138 = arith.constant 1 : i32
    %dma_wait3A_139 = arith.constant 0 : i32
    %dma_wait3A_140 = tpu.memref_slice %arg5[%dma_wait3A_137, %dma_wait3A_139] : memref<80x128xi32, #tpu.memory_space<vmem>> -> memref<1x128xi32, #tpu.memory_space<vmem>>
    %dma_wait3A_141 = tpu.memref_squeeze %dma_wait3A_140 : memref<1x128xi32, #tpu.memory_space<vmem>> -> memref<128xi32, #tpu.memory_space<vmem>>
    %dma_wait3A_142 = arith.constant 0 : i32
    %dma_wait3A_143 = arith.constant 0 : i32
    %dma_wait3A_144 = tpu.memref_slice %arg3[%dma_wait3A_142, %dma_wait3A_143] : memref<10000x32xf32, #tpu.memory_space<hbm>> -> memref<10000x32xf32, #tpu.memory_space<hbm>>
    %dma_wait3A_145 = tpu.memref_slice %arg16[%dma_wait3A_138] : memref<8x!tpu.dma_semaphore, #tpu.memory_space<semaphore_mem>> -> memref<1x!tpu.dma_semaphore, #tpu.memory_space<semaphore_mem>>
    %dma_wait3A_146 = tpu.memref_squeeze %dma_wait3A_145 : memref<1x!tpu.dma_semaphore, #tpu.memory_space<semaphore_mem>> -> memref<!tpu.dma_semaphore, #tpu.memory_space<semaphore_mem>>
    tpu.wait_indirect_dma semaphore(%dma_wait3A_146 : memref<!tpu.dma_semaphore, #tpu.memory_space<semaphore_mem>>) src(%dma_wait3A_144 : memref<10000x32xf32, #tpu.memory_space<hbm>>) dst(%arg8 : memref<128x32xf32, #tpu.memory_space<vmem>>)
    %dma_start3A_147 = arith.constant 73 : i32
    %dma_start3A_148 = arith.constant 1 : i32
    %dma_start3A_149 = arith.constant 0 : i32
    %dma_start3A_150 = tpu.memref_slice %arg6[%dma_start3A_147, %dma_start3A_149] : memref<80x128xi32, #tpu.memory_space<vmem>> -> memref<1x128xi32, #tpu.memory_space<vmem>>
    %dma_start3A_151 = tpu.memref_squeeze %dma_start3A_150 : memref<1x128xi32, #tpu.memory_space<vmem>> -> memref<128xi32, #tpu.memory_space<vmem>>
    %dma_start3A_152 = arith.constant 0 : i32
    %dma_start3A_153 = arith.constant 0 : i32
    %dma_start3A_154 = tpu.memref_slice %arg15[%dma_start3A_152, %dma_start3A_153] : memref<10240x32xf32, #tpu.memory_space<vmem_shared>> -> memref<10240x32xf32, #tpu.memory_space<vmem_shared>>
    %dma_start3A_155 = tpu.memref_slice %arg17[%dma_start3A_148] : memref<8x!tpu.dma_semaphore, #tpu.memory_space<semaphore_mem>> -> memref<1x!tpu.dma_semaphore, #tpu.memory_space<semaphore_mem>>
    %dma_start3A_156 = tpu.memref_squeeze %dma_start3A_155 : memref<1x!tpu.dma_semaphore, #tpu.memory_space<semaphore_mem>> -> memref<!tpu.dma_semaphore, #tpu.memory_space<semaphore_mem>>
    tpu.enqueue_indirect_dma source(%arg8 : memref<128x32xf32, #tpu.memory_space<vmem>>) target(%dma_start3A_154 : memref<10240x32xf32, #tpu.memory_space<vmem_shared>>) offsets(%dma_start3A_151 : memref<128xi32, #tpu.memory_space<vmem>>) semaphore(%dma_start3A_156 : memref<!tpu.dma_semaphore, #tpu.memory_space<semaphore_mem>>) {add = true}
    %dma_wait3A_157 = arith.constant 74 : i32
    %dma_wait3A_158 = arith.constant 2 : i32
    %dma_wait3A_159 = arith.constant 0 : i32
    %dma_wait3A_160 = tpu.memref_slice %arg5[%dma_wait3A_157, %dma_wait3A_159] : memref<80x128xi32, #tpu.memory_space<vmem>> -> memref<1x128xi32, #tpu.memory_space<vmem>>
    %dma_wait3A_161 = tpu.memref_squeeze %dma_wait3A_160 : memref<1x128xi32, #tpu.memory_space<vmem>> -> memref<128xi32, #tpu.memory_space<vmem>>
    %dma_wait3A_162 = arith.constant 0 : i32
    %dma_wait3A_163 = arith.constant 0 : i32
    %dma_wait3A_164 = tpu.memref_slice %arg3[%dma_wait3A_162, %dma_wait3A_163] : memref<10000x32xf32, #tpu.memory_space<hbm>> -> memref<10000x32xf32, #tpu.memory_space<hbm>>
    %dma_wait3A_165 = tpu.memref_slice %arg16[%dma_wait3A_158] : memref<8x!tpu.dma_semaphore, #tpu.memory_space<semaphore_mem>> -> memref<1x!tpu.dma_semaphore, #tpu.memory_space<semaphore_mem>>
    %dma_wait3A_166 = tpu.memref_squeeze %dma_wait3A_165 : memref<1x!tpu.dma_semaphore, #tpu.memory_space<semaphore_mem>> -> memref<!tpu.dma_semaphore, #tpu.memory_space<semaphore_mem>>
    tpu.wait_indirect_dma semaphore(%dma_wait3A_166 : memref<!tpu.dma_semaphore, #tpu.memory_space<semaphore_mem>>) src(%dma_wait3A_164 : memref<10000x32xf32, #tpu.memory_space<hbm>>) dst(%arg9 : memref<128x32xf32, #tpu.memory_space<vmem>>)
    %dma_start3A_167 = arith.constant 74 : i32
    %dma_start3A_168 = arith.constant 2 : i32
    %dma_start3A_169 = arith.constant 0 : i32
    %dma_start3A_170 = tpu.memref_slice %arg6[%dma_start3A_167, %dma_start3A_169] : memref<80x128xi32, #tpu.memory_space<vmem>> -> memref<1x128xi32, #tpu.memory_space<vmem>>
    %dma_start3A_171 = tpu.memref_squeeze %dma_start3A_170 : memref<1x128xi32, #tpu.memory_space<vmem>> -> memref<128xi32, #tpu.memory_space<vmem>>
    %dma_start3A_172 = arith.constant 0 : i32
    %dma_start3A_173 = arith.constant 0 : i32
    %dma_start3A_174 = tpu.memref_slice %arg15[%dma_start3A_172, %dma_start3A_173] : memref<10240x32xf32, #tpu.memory_space<vmem_shared>> -> memref<10240x32xf32, #tpu.memory_space<vmem_shared>>
    %dma_start3A_175 = tpu.memref_slice %arg17[%dma_start3A_168] : memref<8x!tpu.dma_semaphore, #tpu.memory_space<semaphore_mem>> -> memref<1x!tpu.dma_semaphore, #tpu.memory_space<semaphore_mem>>
    %dma_start3A_176 = tpu.memref_squeeze %dma_start3A_175 : memref<1x!tpu.dma_semaphore, #tpu.memory_space<semaphore_mem>> -> memref<!tpu.dma_semaphore, #tpu.memory_space<semaphore_mem>>
    tpu.enqueue_indirect_dma source(%arg9 : memref<128x32xf32, #tpu.memory_space<vmem>>) target(%dma_start3A_174 : memref<10240x32xf32, #tpu.memory_space<vmem_shared>>) offsets(%dma_start3A_171 : memref<128xi32, #tpu.memory_space<vmem>>) semaphore(%dma_start3A_176 : memref<!tpu.dma_semaphore, #tpu.memory_space<semaphore_mem>>) {add = true}
    %dma_wait3A_177 = arith.constant 75 : i32
    %dma_wait3A_178 = arith.constant 3 : i32
    %dma_wait3A_179 = arith.constant 0 : i32
    %dma_wait3A_180 = tpu.memref_slice %arg5[%dma_wait3A_177, %dma_wait3A_179] : memref<80x128xi32, #tpu.memory_space<vmem>> -> memref<1x128xi32, #tpu.memory_space<vmem>>
    %dma_wait3A_181 = tpu.memref_squeeze %dma_wait3A_180 : memref<1x128xi32, #tpu.memory_space<vmem>> -> memref<128xi32, #tpu.memory_space<vmem>>
    %dma_wait3A_182 = arith.constant 0 : i32
    %dma_wait3A_183 = arith.constant 0 : i32
    %dma_wait3A_184 = tpu.memref_slice %arg3[%dma_wait3A_182, %dma_wait3A_183] : memref<10000x32xf32, #tpu.memory_space<hbm>> -> memref<10000x32xf32, #tpu.memory_space<hbm>>
    %dma_wait3A_185 = tpu.memref_slice %arg16[%dma_wait3A_178] : memref<8x!tpu.dma_semaphore, #tpu.memory_space<semaphore_mem>> -> memref<1x!tpu.dma_semaphore, #tpu.memory_space<semaphore_mem>>
    %dma_wait3A_186 = tpu.memref_squeeze %dma_wait3A_185 : memref<1x!tpu.dma_semaphore, #tpu.memory_space<semaphore_mem>> -> memref<!tpu.dma_semaphore, #tpu.memory_space<semaphore_mem>>
    tpu.wait_indirect_dma semaphore(%dma_wait3A_186 : memref<!tpu.dma_semaphore, #tpu.memory_space<semaphore_mem>>) src(%dma_wait3A_184 : memref<10000x32xf32, #tpu.memory_space<hbm>>) dst(%arg10 : memref<128x32xf32, #tpu.memory_space<vmem>>)
    %dma_start3A_187 = arith.constant 75 : i32
    %dma_start3A_188 = arith.constant 3 : i32
    %dma_start3A_189 = arith.constant 0 : i32
    %dma_start3A_190 = tpu.memref_slice %arg6[%dma_start3A_187, %dma_start3A_189] : memref<80x128xi32, #tpu.memory_space<vmem>> -> memref<1x128xi32, #tpu.memory_space<vmem>>
    %dma_start3A_191 = tpu.memref_squeeze %dma_start3A_190 : memref<1x128xi32, #tpu.memory_space<vmem>> -> memref<128xi32, #tpu.memory_space<vmem>>
    %dma_start3A_192 = arith.constant 0 : i32
    %dma_start3A_193 = arith.constant 0 : i32
    %dma_start3A_194 = tpu.memref_slice %arg15[%dma_start3A_192, %dma_start3A_193] : memref<10240x32xf32, #tpu.memory_space<vmem_shared>> -> memref<10240x32xf32, #tpu.memory_space<vmem_shared>>
    %dma_start3A_195 = tpu.memref_slice %arg17[%dma_start3A_188] : memref<8x!tpu.dma_semaphore, #tpu.memory_space<semaphore_mem>> -> memref<1x!tpu.dma_semaphore, #tpu.memory_space<semaphore_mem>>
    %dma_start3A_196 = tpu.memref_squeeze %dma_start3A_195 : memref<1x!tpu.dma_semaphore, #tpu.memory_space<semaphore_mem>> -> memref<!tpu.dma_semaphore, #tpu.memory_space<semaphore_mem>>
    tpu.enqueue_indirect_dma source(%arg10 : memref<128x32xf32, #tpu.memory_space<vmem>>) target(%dma_start3A_194 : memref<10240x32xf32, #tpu.memory_space<vmem_shared>>) offsets(%dma_start3A_191 : memref<128xi32, #tpu.memory_space<vmem>>) semaphore(%dma_start3A_196 : memref<!tpu.dma_semaphore, #tpu.memory_space<semaphore_mem>>) {add = true}
    %dma_wait3A_197 = arith.constant 76 : i32
    %dma_wait3A_198 = arith.constant 4 : i32
    %dma_wait3A_199 = arith.constant 0 : i32
    %dma_wait3A_200 = tpu.memref_slice %arg5[%dma_wait3A_197, %dma_wait3A_199] : memref<80x128xi32, #tpu.memory_space<vmem>> -> memref<1x128xi32, #tpu.memory_space<vmem>>
    %dma_wait3A_201 = tpu.memref_squeeze %dma_wait3A_200 : memref<1x128xi32, #tpu.memory_space<vmem>> -> memref<128xi32, #tpu.memory_space<vmem>>
    %dma_wait3A_202 = arith.constant 0 : i32
    %dma_wait3A_203 = arith.constant 0 : i32
    %dma_wait3A_204 = tpu.memref_slice %arg3[%dma_wait3A_202, %dma_wait3A_203] : memref<10000x32xf32, #tpu.memory_space<hbm>> -> memref<10000x32xf32, #tpu.memory_space<hbm>>
    %dma_wait3A_205 = tpu.memref_slice %arg16[%dma_wait3A_198] : memref<8x!tpu.dma_semaphore, #tpu.memory_space<semaphore_mem>> -> memref<1x!tpu.dma_semaphore, #tpu.memory_space<semaphore_mem>>
    %dma_wait3A_206 = tpu.memref_squeeze %dma_wait3A_205 : memref<1x!tpu.dma_semaphore, #tpu.memory_space<semaphore_mem>> -> memref<!tpu.dma_semaphore, #tpu.memory_space<semaphore_mem>>
    tpu.wait_indirect_dma semaphore(%dma_wait3A_206 : memref<!tpu.dma_semaphore, #tpu.memory_space<semaphore_mem>>) src(%dma_wait3A_204 : memref<10000x32xf32, #tpu.memory_space<hbm>>) dst(%arg11 : memref<128x32xf32, #tpu.memory_space<vmem>>)
    %dma_start3A_207 = arith.constant 76 : i32
    %dma_start3A_208 = arith.constant 4 : i32
    %dma_start3A_209 = arith.constant 0 : i32
    %dma_start3A_210 = tpu.memref_slice %arg6[%dma_start3A_207, %dma_start3A_209] : memref<80x128xi32, #tpu.memory_space<vmem>> -> memref<1x128xi32, #tpu.memory_space<vmem>>
    %dma_start3A_211 = tpu.memref_squeeze %dma_start3A_210 : memref<1x128xi32, #tpu.memory_space<vmem>> -> memref<128xi32, #tpu.memory_space<vmem>>
    %dma_start3A_212 = arith.constant 0 : i32
    %dma_start3A_213 = arith.constant 0 : i32
    %dma_start3A_214 = tpu.memref_slice %arg15[%dma_start3A_212, %dma_start3A_213] : memref<10240x32xf32, #tpu.memory_space<vmem_shared>> -> memref<10240x32xf32, #tpu.memory_space<vmem_shared>>
    %dma_start3A_215 = tpu.memref_slice %arg17[%dma_start3A_208] : memref<8x!tpu.dma_semaphore, #tpu.memory_space<semaphore_mem>> -> memref<1x!tpu.dma_semaphore, #tpu.memory_space<semaphore_mem>>
    %dma_start3A_216 = tpu.memref_squeeze %dma_start3A_215 : memref<1x!tpu.dma_semaphore, #tpu.memory_space<semaphore_mem>> -> memref<!tpu.dma_semaphore, #tpu.memory_space<semaphore_mem>>
    tpu.enqueue_indirect_dma source(%arg11 : memref<128x32xf32, #tpu.memory_space<vmem>>) target(%dma_start3A_214 : memref<10240x32xf32, #tpu.memory_space<vmem_shared>>) offsets(%dma_start3A_211 : memref<128xi32, #tpu.memory_space<vmem>>) semaphore(%dma_start3A_216 : memref<!tpu.dma_semaphore, #tpu.memory_space<semaphore_mem>>) {add = true}
    %dma_wait3A_217 = arith.constant 77 : i32
    %dma_wait3A_218 = arith.constant 5 : i32
    %dma_wait3A_219 = arith.constant 0 : i32
    %dma_wait3A_220 = tpu.memref_slice %arg5[%dma_wait3A_217, %dma_wait3A_219] : memref<80x128xi32, #tpu.memory_space<vmem>> -> memref<1x128xi32, #tpu.memory_space<vmem>>
    %dma_wait3A_221 = tpu.memref_squeeze %dma_wait3A_220 : memref<1x128xi32, #tpu.memory_space<vmem>> -> memref<128xi32, #tpu.memory_space<vmem>>
    %dma_wait3A_222 = arith.constant 0 : i32
    %dma_wait3A_223 = arith.constant 0 : i32
    %dma_wait3A_224 = tpu.memref_slice %arg3[%dma_wait3A_222, %dma_wait3A_223] : memref<10000x32xf32, #tpu.memory_space<hbm>> -> memref<10000x32xf32, #tpu.memory_space<hbm>>
    %dma_wait3A_225 = tpu.memref_slice %arg16[%dma_wait3A_218] : memref<8x!tpu.dma_semaphore, #tpu.memory_space<semaphore_mem>> -> memref<1x!tpu.dma_semaphore, #tpu.memory_space<semaphore_mem>>
    %dma_wait3A_226 = tpu.memref_squeeze %dma_wait3A_225 : memref<1x!tpu.dma_semaphore, #tpu.memory_space<semaphore_mem>> -> memref<!tpu.dma_semaphore, #tpu.memory_space<semaphore_mem>>
    tpu.wait_indirect_dma semaphore(%dma_wait3A_226 : memref<!tpu.dma_semaphore, #tpu.memory_space<semaphore_mem>>) src(%dma_wait3A_224 : memref<10000x32xf32, #tpu.memory_space<hbm>>) dst(%arg12 : memref<128x32xf32, #tpu.memory_space<vmem>>)
    %dma_start3A_227 = arith.constant 77 : i32
    %dma_start3A_228 = arith.constant 5 : i32
    %dma_start3A_229 = arith.constant 0 : i32
    %dma_start3A_230 = tpu.memref_slice %arg6[%dma_start3A_227, %dma_start3A_229] : memref<80x128xi32, #tpu.memory_space<vmem>> -> memref<1x128xi32, #tpu.memory_space<vmem>>
    %dma_start3A_231 = tpu.memref_squeeze %dma_start3A_230 : memref<1x128xi32, #tpu.memory_space<vmem>> -> memref<128xi32, #tpu.memory_space<vmem>>
    %dma_start3A_232 = arith.constant 0 : i32
    %dma_start3A_233 = arith.constant 0 : i32
    %dma_start3A_234 = tpu.memref_slice %arg15[%dma_start3A_232, %dma_start3A_233] : memref<10240x32xf32, #tpu.memory_space<vmem_shared>> -> memref<10240x32xf32, #tpu.memory_space<vmem_shared>>
    %dma_start3A_235 = tpu.memref_slice %arg17[%dma_start3A_228] : memref<8x!tpu.dma_semaphore, #tpu.memory_space<semaphore_mem>> -> memref<1x!tpu.dma_semaphore, #tpu.memory_space<semaphore_mem>>
    %dma_start3A_236 = tpu.memref_squeeze %dma_start3A_235 : memref<1x!tpu.dma_semaphore, #tpu.memory_space<semaphore_mem>> -> memref<!tpu.dma_semaphore, #tpu.memory_space<semaphore_mem>>
    tpu.enqueue_indirect_dma source(%arg12 : memref<128x32xf32, #tpu.memory_space<vmem>>) target(%dma_start3A_234 : memref<10240x32xf32, #tpu.memory_space<vmem_shared>>) offsets(%dma_start3A_231 : memref<128xi32, #tpu.memory_space<vmem>>) semaphore(%dma_start3A_236 : memref<!tpu.dma_semaphore, #tpu.memory_space<semaphore_mem>>) {add = true}
    %dma_wait3A_237 = arith.constant 78 : i32
    %dma_wait3A_238 = arith.constant 6 : i32
    %dma_wait3A_239 = arith.constant 0 : i32
    %dma_wait3A_240 = tpu.memref_slice %arg5[%dma_wait3A_237, %dma_wait3A_239] : memref<80x128xi32, #tpu.memory_space<vmem>> -> memref<1x128xi32, #tpu.memory_space<vmem>>
    %dma_wait3A_241 = tpu.memref_squeeze %dma_wait3A_240 : memref<1x128xi32, #tpu.memory_space<vmem>> -> memref<128xi32, #tpu.memory_space<vmem>>
    %dma_wait3A_242 = arith.constant 0 : i32
    %dma_wait3A_243 = arith.constant 0 : i32
    %dma_wait3A_244 = tpu.memref_slice %arg3[%dma_wait3A_242, %dma_wait3A_243] : memref<10000x32xf32, #tpu.memory_space<hbm>> -> memref<10000x32xf32, #tpu.memory_space<hbm>>
    %dma_wait3A_245 = tpu.memref_slice %arg16[%dma_wait3A_238] : memref<8x!tpu.dma_semaphore, #tpu.memory_space<semaphore_mem>> -> memref<1x!tpu.dma_semaphore, #tpu.memory_space<semaphore_mem>>
    %dma_wait3A_246 = tpu.memref_squeeze %dma_wait3A_245 : memref<1x!tpu.dma_semaphore, #tpu.memory_space<semaphore_mem>> -> memref<!tpu.dma_semaphore, #tpu.memory_space<semaphore_mem>>
    tpu.wait_indirect_dma semaphore(%dma_wait3A_246 : memref<!tpu.dma_semaphore, #tpu.memory_space<semaphore_mem>>) src(%dma_wait3A_244 : memref<10000x32xf32, #tpu.memory_space<hbm>>) dst(%arg13 : memref<128x32xf32, #tpu.memory_space<vmem>>)
    %dma_start3A_247 = arith.constant 78 : i32
    %dma_start3A_248 = arith.constant 6 : i32
    %dma_start3A_249 = arith.constant 0 : i32
    %dma_start3A_250 = tpu.memref_slice %arg6[%dma_start3A_247, %dma_start3A_249] : memref<80x128xi32, #tpu.memory_space<vmem>> -> memref<1x128xi32, #tpu.memory_space<vmem>>
    %dma_start3A_251 = tpu.memref_squeeze %dma_start3A_250 : memref<1x128xi32, #tpu.memory_space<vmem>> -> memref<128xi32, #tpu.memory_space<vmem>>
    %dma_start3A_252 = arith.constant 0 : i32
    %dma_start3A_253 = arith.constant 0 : i32
    %dma_start3A_254 = tpu.memref_slice %arg15[%dma_start3A_252, %dma_start3A_253] : memref<10240x32xf32, #tpu.memory_space<vmem_shared>> -> memref<10240x32xf32, #tpu.memory_space<vmem_shared>>
    %dma_start3A_255 = tpu.memref_slice %arg17[%dma_start3A_248] : memref<8x!tpu.dma_semaphore, #tpu.memory_space<semaphore_mem>> -> memref<1x!tpu.dma_semaphore, #tpu.memory_space<semaphore_mem>>
    %dma_start3A_256 = tpu.memref_squeeze %dma_start3A_255 : memref<1x!tpu.dma_semaphore, #tpu.memory_space<semaphore_mem>> -> memref<!tpu.dma_semaphore, #tpu.memory_space<semaphore_mem>>
    tpu.enqueue_indirect_dma source(%arg13 : memref<128x32xf32, #tpu.memory_space<vmem>>) target(%dma_start3A_254 : memref<10240x32xf32, #tpu.memory_space<vmem_shared>>) offsets(%dma_start3A_251 : memref<128xi32, #tpu.memory_space<vmem>>) semaphore(%dma_start3A_256 : memref<!tpu.dma_semaphore, #tpu.memory_space<semaphore_mem>>) {add = true}
    %dma_wait3A_257 = arith.constant 79 : i32
    %dma_wait3A_258 = arith.constant 7 : i32
    %dma_wait3A_259 = arith.constant 0 : i32
    %dma_wait3A_260 = tpu.memref_slice %arg5[%dma_wait3A_257, %dma_wait3A_259] : memref<80x128xi32, #tpu.memory_space<vmem>> -> memref<1x128xi32, #tpu.memory_space<vmem>>
    %dma_wait3A_261 = tpu.memref_squeeze %dma_wait3A_260 : memref<1x128xi32, #tpu.memory_space<vmem>> -> memref<128xi32, #tpu.memory_space<vmem>>
    %dma_wait3A_262 = arith.constant 0 : i32
    %dma_wait3A_263 = arith.constant 0 : i32
    %dma_wait3A_264 = tpu.memref_slice %arg3[%dma_wait3A_262, %dma_wait3A_263] : memref<10000x32xf32, #tpu.memory_space<hbm>> -> memref<10000x32xf32, #tpu.memory_space<hbm>>
    %dma_wait3A_265 = tpu.memref_slice %arg16[%dma_wait3A_258] : memref<8x!tpu.dma_semaphore, #tpu.memory_space<semaphore_mem>> -> memref<1x!tpu.dma_semaphore, #tpu.memory_space<semaphore_mem>>
    %dma_wait3A_266 = tpu.memref_squeeze %dma_wait3A_265 : memref<1x!tpu.dma_semaphore, #tpu.memory_space<semaphore_mem>> -> memref<!tpu.dma_semaphore, #tpu.memory_space<semaphore_mem>>
    tpu.wait_indirect_dma semaphore(%dma_wait3A_266 : memref<!tpu.dma_semaphore, #tpu.memory_space<semaphore_mem>>) src(%dma_wait3A_264 : memref<10000x32xf32, #tpu.memory_space<hbm>>) dst(%arg14 : memref<128x32xf32, #tpu.memory_space<vmem>>)
    %dma_start3A_267 = arith.constant 79 : i32
    %dma_start3A_268 = arith.constant 7 : i32
    %dma_start3A_269 = arith.constant 0 : i32
    %dma_start3A_270 = tpu.memref_slice %arg6[%dma_start3A_267, %dma_start3A_269] : memref<80x128xi32, #tpu.memory_space<vmem>> -> memref<1x128xi32, #tpu.memory_space<vmem>>
    %dma_start3A_271 = tpu.memref_squeeze %dma_start3A_270 : memref<1x128xi32, #tpu.memory_space<vmem>> -> memref<128xi32, #tpu.memory_space<vmem>>
    %dma_start3A_272 = arith.constant 0 : i32
    %dma_start3A_273 = arith.constant 0 : i32
    %dma_start3A_274 = tpu.memref_slice %arg15[%dma_start3A_272, %dma_start3A_273] : memref<10240x32xf32, #tpu.memory_space<vmem_shared>> -> memref<10240x32xf32, #tpu.memory_space<vmem_shared>>
    %dma_start3A_275 = tpu.memref_slice %arg17[%dma_start3A_268] : memref<8x!tpu.dma_semaphore, #tpu.memory_space<semaphore_mem>> -> memref<1x!tpu.dma_semaphore, #tpu.memory_space<semaphore_mem>>
    %dma_start3A_276 = tpu.memref_squeeze %dma_start3A_275 : memref<1x!tpu.dma_semaphore, #tpu.memory_space<semaphore_mem>> -> memref<!tpu.dma_semaphore, #tpu.memory_space<semaphore_mem>>
    tpu.enqueue_indirect_dma source(%arg14 : memref<128x32xf32, #tpu.memory_space<vmem>>) target(%dma_start3A_274 : memref<10240x32xf32, #tpu.memory_space<vmem_shared>>) offsets(%dma_start3A_271 : memref<128xi32, #tpu.memory_space<vmem>>) semaphore(%dma_start3A_276 : memref<!tpu.dma_semaphore, #tpu.memory_space<semaphore_mem>>) {add = true}
    %dma_wait3A_277 = arith.constant 72 : i32
    %dma_wait3A_278 = arith.constant 0 : i32
    %dma_wait3A_279 = arith.constant 0 : i32
    %dma_wait3A_280 = tpu.memref_slice %arg6[%dma_wait3A_277, %dma_wait3A_279] : memref<80x128xi32, #tpu.memory_space<vmem>> -> memref<1x128xi32, #tpu.memory_space<vmem>>
    %dma_wait3A_281 = tpu.memref_squeeze %dma_wait3A_280 : memref<1x128xi32, #tpu.memory_space<vmem>> -> memref<128xi32, #tpu.memory_space<vmem>>
    %dma_wait3A_282 = arith.constant 0 : i32
    %dma_wait3A_283 = arith.constant 0 : i32
    %dma_wait3A_284 = tpu.memref_slice %arg15[%dma_wait3A_282, %dma_wait3A_283] : memref<10240x32xf32, #tpu.memory_space<vmem_shared>> -> memref<10240x32xf32, #tpu.memory_space<vmem_shared>>
    %dma_wait3A_285 = tpu.memref_slice %arg17[%dma_wait3A_278] : memref<8x!tpu.dma_semaphore, #tpu.memory_space<semaphore_mem>> -> memref<1x!tpu.dma_semaphore, #tpu.memory_space<semaphore_mem>>
    %dma_wait3A_286 = tpu.memref_squeeze %dma_wait3A_285 : memref<1x!tpu.dma_semaphore, #tpu.memory_space<semaphore_mem>> -> memref<!tpu.dma_semaphore, #tpu.memory_space<semaphore_mem>>
    tpu.wait_indirect_dma semaphore(%dma_wait3A_286 : memref<!tpu.dma_semaphore, #tpu.memory_space<semaphore_mem>>) src(%arg7 : memref<128x32xf32, #tpu.memory_space<vmem>>) dst(%dma_wait3A_284 : memref<10240x32xf32, #tpu.memory_space<vmem_shared>>)
    %dma_wait3A_287 = arith.constant 73 : i32
    %dma_wait3A_288 = arith.constant 1 : i32
    %dma_wait3A_289 = arith.constant 0 : i32
    %dma_wait3A_290 = tpu.memref_slice %arg6[%dma_wait3A_287, %dma_wait3A_289] : memref<80x128xi32, #tpu.memory_space<vmem>> -> memref<1x128xi32, #tpu.memory_space<vmem>>
    %dma_wait3A_291 = tpu.memref_squeeze %dma_wait3A_290 : memref<1x128xi32, #tpu.memory_space<vmem>> -> memref<128xi32, #tpu.memory_space<vmem>>
    %dma_wait3A_292 = arith.constant 0 : i32
    %dma_wait3A_293 = arith.constant 0 : i32
    %dma_wait3A_294 = tpu.memref_slice %arg15[%dma_wait3A_292, %dma_wait3A_293] : memref<10240x32xf32, #tpu.memory_space<vmem_shared>> -> memref<10240x32xf32, #tpu.memory_space<vmem_shared>>
    %dma_wait3A_295 = tpu.memref_slice %arg17[%dma_wait3A_288] : memref<8x!tpu.dma_semaphore, #tpu.memory_space<semaphore_mem>> -> memref<1x!tpu.dma_semaphore, #tpu.memory_space<semaphore_mem>>
    %dma_wait3A_296 = tpu.memref_squeeze %dma_wait3A_295 : memref<1x!tpu.dma_semaphore, #tpu.memory_space<semaphore_mem>> -> memref<!tpu.dma_semaphore, #tpu.memory_space<semaphore_mem>>
    tpu.wait_indirect_dma semaphore(%dma_wait3A_296 : memref<!tpu.dma_semaphore, #tpu.memory_space<semaphore_mem>>) src(%arg8 : memref<128x32xf32, #tpu.memory_space<vmem>>) dst(%dma_wait3A_294 : memref<10240x32xf32, #tpu.memory_space<vmem_shared>>)
    %dma_wait3A_297 = arith.constant 74 : i32
    %dma_wait3A_298 = arith.constant 2 : i32
    %dma_wait3A_299 = arith.constant 0 : i32
    %dma_wait3A_300 = tpu.memref_slice %arg6[%dma_wait3A_297, %dma_wait3A_299] : memref<80x128xi32, #tpu.memory_space<vmem>> -> memref<1x128xi32, #tpu.memory_space<vmem>>
    %dma_wait3A_301 = tpu.memref_squeeze %dma_wait3A_300 : memref<1x128xi32, #tpu.memory_space<vmem>> -> memref<128xi32, #tpu.memory_space<vmem>>
    %dma_wait3A_302 = arith.constant 0 : i32
    %dma_wait3A_303 = arith.constant 0 : i32
    %dma_wait3A_304 = tpu.memref_slice %arg15[%dma_wait3A_302, %dma_wait3A_303] : memref<10240x32xf32, #tpu.memory_space<vmem_shared>> -> memref<10240x32xf32, #tpu.memory_space<vmem_shared>>
    %dma_wait3A_305 = tpu.memref_slice %arg17[%dma_wait3A_298] : memref<8x!tpu.dma_semaphore, #tpu.memory_space<semaphore_mem>> -> memref<1x!tpu.dma_semaphore, #tpu.memory_space<semaphore_mem>>
    %dma_wait3A_306 = tpu.memref_squeeze %dma_wait3A_305 : memref<1x!tpu.dma_semaphore, #tpu.memory_space<semaphore_mem>> -> memref<!tpu.dma_semaphore, #tpu.memory_space<semaphore_mem>>
    tpu.wait_indirect_dma semaphore(%dma_wait3A_306 : memref<!tpu.dma_semaphore, #tpu.memory_space<semaphore_mem>>) src(%arg9 : memref<128x32xf32, #tpu.memory_space<vmem>>) dst(%dma_wait3A_304 : memref<10240x32xf32, #tpu.memory_space<vmem_shared>>)
    %dma_wait3A_307 = arith.constant 75 : i32
    %dma_wait3A_308 = arith.constant 3 : i32
    %dma_wait3A_309 = arith.constant 0 : i32
    %dma_wait3A_310 = tpu.memref_slice %arg6[%dma_wait3A_307, %dma_wait3A_309] : memref<80x128xi32, #tpu.memory_space<vmem>> -> memref<1x128xi32, #tpu.memory_space<vmem>>
    %dma_wait3A_311 = tpu.memref_squeeze %dma_wait3A_310 : memref<1x128xi32, #tpu.memory_space<vmem>> -> memref<128xi32, #tpu.memory_space<vmem>>
    %dma_wait3A_312 = arith.constant 0 : i32
    %dma_wait3A_313 = arith.constant 0 : i32
    %dma_wait3A_314 = tpu.memref_slice %arg15[%dma_wait3A_312, %dma_wait3A_313] : memref<10240x32xf32, #tpu.memory_space<vmem_shared>> -> memref<10240x32xf32, #tpu.memory_space<vmem_shared>>
    %dma_wait3A_315 = tpu.memref_slice %arg17[%dma_wait3A_308] : memref<8x!tpu.dma_semaphore, #tpu.memory_space<semaphore_mem>> -> memref<1x!tpu.dma_semaphore, #tpu.memory_space<semaphore_mem>>
    %dma_wait3A_316 = tpu.memref_squeeze %dma_wait3A_315 : memref<1x!tpu.dma_semaphore, #tpu.memory_space<semaphore_mem>> -> memref<!tpu.dma_semaphore, #tpu.memory_space<semaphore_mem>>
    tpu.wait_indirect_dma semaphore(%dma_wait3A_316 : memref<!tpu.dma_semaphore, #tpu.memory_space<semaphore_mem>>) src(%arg10 : memref<128x32xf32, #tpu.memory_space<vmem>>) dst(%dma_wait3A_314 : memref<10240x32xf32, #tpu.memory_space<vmem_shared>>)
    %dma_wait3A_317 = arith.constant 76 : i32
    %dma_wait3A_318 = arith.constant 4 : i32
    %dma_wait3A_319 = arith.constant 0 : i32
    %dma_wait3A_320 = tpu.memref_slice %arg6[%dma_wait3A_317, %dma_wait3A_319] : memref<80x128xi32, #tpu.memory_space<vmem>> -> memref<1x128xi32, #tpu.memory_space<vmem>>
    %dma_wait3A_321 = tpu.memref_squeeze %dma_wait3A_320 : memref<1x128xi32, #tpu.memory_space<vmem>> -> memref<128xi32, #tpu.memory_space<vmem>>
    %dma_wait3A_322 = arith.constant 0 : i32
    %dma_wait3A_323 = arith.constant 0 : i32
    %dma_wait3A_324 = tpu.memref_slice %arg15[%dma_wait3A_322, %dma_wait3A_323] : memref<10240x32xf32, #tpu.memory_space<vmem_shared>> -> memref<10240x32xf32, #tpu.memory_space<vmem_shared>>
    %dma_wait3A_325 = tpu.memref_slice %arg17[%dma_wait3A_318] : memref<8x!tpu.dma_semaphore, #tpu.memory_space<semaphore_mem>> -> memref<1x!tpu.dma_semaphore, #tpu.memory_space<semaphore_mem>>
    %dma_wait3A_326 = tpu.memref_squeeze %dma_wait3A_325 : memref<1x!tpu.dma_semaphore, #tpu.memory_space<semaphore_mem>> -> memref<!tpu.dma_semaphore, #tpu.memory_space<semaphore_mem>>
    tpu.wait_indirect_dma semaphore(%dma_wait3A_326 : memref<!tpu.dma_semaphore, #tpu.memory_space<semaphore_mem>>) src(%arg11 : memref<128x32xf32, #tpu.memory_space<vmem>>) dst(%dma_wait3A_324 : memref<10240x32xf32, #tpu.memory_space<vmem_shared>>)
    %dma_wait3A_327 = arith.constant 77 : i32
    %dma_wait3A_328 = arith.constant 5 : i32
    %dma_wait3A_329 = arith.constant 0 : i32
    %dma_wait3A_330 = tpu.memref_slice %arg6[%dma_wait3A_327, %dma_wait3A_329] : memref<80x128xi32, #tpu.memory_space<vmem>> -> memref<1x128xi32, #tpu.memory_space<vmem>>
    %dma_wait3A_331 = tpu.memref_squeeze %dma_wait3A_330 : memref<1x128xi32, #tpu.memory_space<vmem>> -> memref<128xi32, #tpu.memory_space<vmem>>
    %dma_wait3A_332 = arith.constant 0 : i32
    %dma_wait3A_333 = arith.constant 0 : i32
    %dma_wait3A_334 = tpu.memref_slice %arg15[%dma_wait3A_332, %dma_wait3A_333] : memref<10240x32xf32, #tpu.memory_space<vmem_shared>> -> memref<10240x32xf32, #tpu.memory_space<vmem_shared>>
    %dma_wait3A_335 = tpu.memref_slice %arg17[%dma_wait3A_328] : memref<8x!tpu.dma_semaphore, #tpu.memory_space<semaphore_mem>> -> memref<1x!tpu.dma_semaphore, #tpu.memory_space<semaphore_mem>>
    %dma_wait3A_336 = tpu.memref_squeeze %dma_wait3A_335 : memref<1x!tpu.dma_semaphore, #tpu.memory_space<semaphore_mem>> -> memref<!tpu.dma_semaphore, #tpu.memory_space<semaphore_mem>>
    tpu.wait_indirect_dma semaphore(%dma_wait3A_336 : memref<!tpu.dma_semaphore, #tpu.memory_space<semaphore_mem>>) src(%arg12 : memref<128x32xf32, #tpu.memory_space<vmem>>) dst(%dma_wait3A_334 : memref<10240x32xf32, #tpu.memory_space<vmem_shared>>)
    %dma_wait3A_337 = arith.constant 78 : i32
    %dma_wait3A_338 = arith.constant 6 : i32
    %dma_wait3A_339 = arith.constant 0 : i32
    %dma_wait3A_340 = tpu.memref_slice %arg6[%dma_wait3A_337, %dma_wait3A_339] : memref<80x128xi32, #tpu.memory_space<vmem>> -> memref<1x128xi32, #tpu.memory_space<vmem>>
    %dma_wait3A_341 = tpu.memref_squeeze %dma_wait3A_340 : memref<1x128xi32, #tpu.memory_space<vmem>> -> memref<128xi32, #tpu.memory_space<vmem>>
    %dma_wait3A_342 = arith.constant 0 : i32
    %dma_wait3A_343 = arith.constant 0 : i32
    %dma_wait3A_344 = tpu.memref_slice %arg15[%dma_wait3A_342, %dma_wait3A_343] : memref<10240x32xf32, #tpu.memory_space<vmem_shared>> -> memref<10240x32xf32, #tpu.memory_space<vmem_shared>>
    %dma_wait3A_345 = tpu.memref_slice %arg17[%dma_wait3A_338] : memref<8x!tpu.dma_semaphore, #tpu.memory_space<semaphore_mem>> -> memref<1x!tpu.dma_semaphore, #tpu.memory_space<semaphore_mem>>
    %dma_wait3A_346 = tpu.memref_squeeze %dma_wait3A_345 : memref<1x!tpu.dma_semaphore, #tpu.memory_space<semaphore_mem>> -> memref<!tpu.dma_semaphore, #tpu.memory_space<semaphore_mem>>
    tpu.wait_indirect_dma semaphore(%dma_wait3A_346 : memref<!tpu.dma_semaphore, #tpu.memory_space<semaphore_mem>>) src(%arg13 : memref<128x32xf32, #tpu.memory_space<vmem>>) dst(%dma_wait3A_344 : memref<10240x32xf32, #tpu.memory_space<vmem_shared>>)
    %dma_wait3A_347 = arith.constant 79 : i32
    %dma_wait3A_348 = arith.constant 7 : i32
    %dma_wait3A_349 = arith.constant 0 : i32
    %dma_wait3A_350 = tpu.memref_slice %arg6[%dma_wait3A_347, %dma_wait3A_349] : memref<80x128xi32, #tpu.memory_space<vmem>> -> memref<1x128xi32, #tpu.memory_space<vmem>>
    %dma_wait3A_351 = tpu.memref_squeeze %dma_wait3A_350 : memref<1x128xi32, #tpu.memory_space<vmem>> -> memref<128xi32, #tpu.memory_space<vmem>>
    %dma_wait3A_352 = arith.constant 0 : i32
    %dma_wait3A_353 = arith.constant 0 : i32
    %dma_wait3A_354 = tpu.memref_slice %arg15[%dma_wait3A_352, %dma_wait3A_353] : memref<10240x32xf32, #tpu.memory_space<vmem_shared>> -> memref<10240x32xf32, #tpu.memory_space<vmem_shared>>
    %dma_wait3A_355 = tpu.memref_slice %arg17[%dma_wait3A_348] : memref<8x!tpu.dma_semaphore, #tpu.memory_space<semaphore_mem>> -> memref<1x!tpu.dma_semaphore, #tpu.memory_space<semaphore_mem>>
    %dma_wait3A_356 = tpu.memref_squeeze %dma_wait3A_355 : memref<1x!tpu.dma_semaphore, #tpu.memory_space<semaphore_mem>> -> memref<!tpu.dma_semaphore, #tpu.memory_space<semaphore_mem>>
    tpu.wait_indirect_dma semaphore(%dma_wait3A_356 : memref<!tpu.dma_semaphore, #tpu.memory_space<semaphore_mem>>) src(%arg14 : memref<128x32xf32, #tpu.memory_space<vmem>>) dst(%dma_wait3A_354 : memref<10240x32xf32, #tpu.memory_space<vmem_shared>>)
    %barrier3A_357 = arith.constant 0 : index
    tpu.barrier barrier_id(%barrier3A_357)
    %mul3A_358 = arith.constant 640 : i32
    %mul3A_359 = arith.muli %arg1, %mul3A_358 : i32
    %mul3A_360 = arith.constant 640 : i32
    %mul3A_361 = arith.muli %arg1, %mul3A_360 : i32
    "tpu.region"() ({
      %run_scoped3A_362 = tpu.sem_alloc : memref<!tpu.dma_semaphore, #tpu.memory_space<semaphore_mem>>
      %dma_start3A_363 = arith.constant 0 : i32
      %dma_start3A_364 = tpu.memref_slice %arg4[%arg0, %mul3A_361, %dma_start3A_363] : memref<2x10240x128xf32, #tpu.memory_space<hbm>> -> memref<1x640x32xf32, #tpu.memory_space<hbm>>
      %dma_start3A_365 = tpu.memref_squeeze %dma_start3A_364 : memref<1x640x32xf32, #tpu.memory_space<hbm>> -> memref<640x32xf32, #tpu.memory_space<hbm>>
      %dma_start3A_366 = arith.constant 0 : i32
      %dma_start3A_367 = tpu.memref_slice %arg15[%mul3A_359, %dma_start3A_366] : memref<10240x32xf32, #tpu.memory_space<vmem_shared>> -> memref<640x32xf32, #tpu.memory_space<vmem_shared>>
      tpu.enqueue_dma source(%dma_start3A_367 : memref<640x32xf32, #tpu.memory_space<vmem_shared>>) target(%dma_start3A_365 : memref<640x32xf32, #tpu.memory_space<hbm>>) target_semaphore(%run_scoped3A_362 : memref<!tpu.dma_semaphore, #tpu.memory_space<semaphore_mem>>)
      %dma_wait3A_368 = arith.constant 0 : i32
      %dma_wait3A_369 = tpu.memref_slice %arg4[%arg0, %mul3A_361, %dma_wait3A_368] : memref<2x10240x128xf32, #tpu.memory_space<hbm>> -> memref<1x640x32xf32, #tpu.memory_space<hbm>>
      %dma_wait3A_370 = tpu.memref_squeeze %dma_wait3A_369 : memref<1x640x32xf32, #tpu.memory_space<hbm>> -> memref<640x32xf32, #tpu.memory_space<hbm>>
      %dma_wait3A_371 = arith.constant 0 : i32
      %dma_wait3A_372 = tpu.memref_slice %arg15[%mul3A_359, %dma_wait3A_371] : memref<10240x32xf32, #tpu.memory_space<vmem_shared>> -> memref<640x32xf32, #tpu.memory_space<vmem_shared>>
      tpu.wait_dma2 semaphore(%run_scoped3A_362 : memref<!tpu.dma_semaphore, #tpu.memory_space<semaphore_mem>>) src(%dma_wait3A_372 : memref<640x32xf32, #tpu.memory_space<vmem_shared>>) dst(%dma_wait3A_370 : memref<640x32xf32, #tpu.memory_space<hbm>>)
      tpu.yield
    }) : () -> ()
    return
  }
}

module attributes {stable_mosaic.version = 14 : i64} {
  func.func @_tc1_body(%arg0: i32, %arg1: memref<1024x128xf32, #tpu.memory_space<vmem>>, %arg2: memref<128x256xf32, #tpu.memory_space<vmem>>, %arg3: memref<1x256xf32, #tpu.memory_space<vmem>>, %arg4: memref<256x128xf32, #tpu.memory_space<vmem>>, %arg5: memref<1x128xf32, #tpu.memory_space<vmem>>, %arg6: memref<128x64xf32, #tpu.memory_space<vmem>>, %arg7: memref<1x1024x16xf32, #tpu.memory_space<vmem>>, %arg8: memref<1x1024x16xf32, #tpu.memory_space<vmem>>, %arg9: memref<512x128xf32, #tpu.memory_space<vmem>>) attributes {dimension_semantics = [#tpu.dimension_semantics<arbitrary>], iteration_bounds = array<i64: 10>, scalar_prefetch = 0 : i64, scratch_operands = 0 : i64, tpu.core_type = #tpu.core_type<tc>, window_params = [{transform_indices = @transform_0, window_bounds = array<i64: 1024, 128>}, {pipeline_mode = #tpu.pipeline_mode<synchronous>, transform_indices = @transform_1, window_bounds = array<i64: 128, 256>}, {pipeline_mode = #tpu.pipeline_mode<synchronous>, transform_indices = @transform_2, window_bounds = array<i64: 1, 256>}, {pipeline_mode = #tpu.pipeline_mode<synchronous>, transform_indices = @transform_3, window_bounds = array<i64: 256, 128>}, {pipeline_mode = #tpu.pipeline_mode<synchronous>, transform_indices = @transform_4, window_bounds = array<i64: 1, 128>}, {pipeline_mode = #tpu.pipeline_mode<synchronous>, transform_indices = @transform_5, window_bounds = array<i64: 128, 64>}, {transform_indices = @transform_6, window_bounds = array<i64: 1, 1024, 16>}, {transform_indices = @transform_7, window_bounds = array<i64: 1, 1024, 16>}, {transform_indices = @transform_8, window_bounds = array<i64: 512, 128>}]} {
    %get3A = arith.constant 0 : index
    %get3A_0 = arith.constant 0 : index
    %get3A_1 = arith.constant 0 : index
    %get3A_2 = vector.load %arg7[%get3A, %get3A_0, %get3A_1] : memref<1x1024x16xf32, #tpu.memory_space<vmem>>, vector<1x1024x16xf32>
    %get3A_3 = arith.constant 0 : index
    %get3A_4 = arith.constant 0 : index
    %get3A_5 = arith.constant 0 : index
    %get3A_6 = vector.load %arg8[%get3A_3, %get3A_4, %get3A_5] : memref<1x1024x16xf32, #tpu.memory_space<vmem>>, vector<1x1024x16xf32>
    %slice3A = vector.extract_strided_slice %get3A_2 {offsets = [0, 0, 0], sizes = [1, 1024, 1], strides = [1, 1, 1]} : vector<1x1024x16xf32> to vector<1x1024x1xf32>
    %squeeze3A = vector.shape_cast %slice3A : vector<1x1024x1xf32> to vector<1024x1xf32>
    %slice3A_7 = vector.extract_strided_slice %get3A_6 {offsets = [0, 0, 0], sizes = [1, 1024, 1], strides = [1, 1, 1]} : vector<1x1024x16xf32> to vector<1x1024x1xf32>
    %squeeze3A_8 = vector.shape_cast %slice3A_7 : vector<1x1024x1xf32> to vector<1024x1xf32>
    %add3A = arith.addf %squeeze3A, %squeeze3A_8 : vector<1024x1xf32>
    %add3A_9 = arith.constant 1.000000e+00 : f32
    %add3A_10 = vector.broadcast %add3A_9 : f32 to vector<1024x1xf32>
    %add3A_11 = arith.addf %add3A, %add3A_10 : vector<1024x1xf32>
    %rsqrt3A = math.rsqrt %add3A_11 : vector<1024x1xf32>
    %get3A_12 = arith.constant 0 : index
    %get3A_13 = arith.constant 0 : index
    %get3A_14 = vector.load %arg1[%get3A_12, %get3A_13] : memref<1024x128xf32, #tpu.memory_space<vmem>>, vector<1024x128xf32>
    %get3A_15 = arith.constant 0 : index
    %get3A_16 = arith.constant 0 : index
    %get3A_17 = vector.load %arg2[%get3A_15, %get3A_16] : memref<128x256xf32, #tpu.memory_space<vmem>>, vector<128x256xf32>
    %dot_general3A = arith.constant dense<0.000000e+00> : vector<1024x256xf32>
    %dot_general3A_18 = tpu.matmul %get3A_14, %get3A_17, %dot_general3A {dimension_numbers = #tpu.dot_dimension_numbers<[1], [0], [0], [1], [0, 0, 1, 1], [], []>, transpose_lhs_hint = false} : vector<1024x128xf32>, vector<128x256xf32>, vector<1024x256xf32> -> vector<1024x256xf32>
    %get3A_19 = arith.constant 0 : index
    %get3A_20 = arith.constant 0 : index
    %get3A_21 = vector.load %arg3[%get3A_19, %get3A_20] : memref<1x256xf32, #tpu.memory_space<vmem>>, vector<1x256xf32>
    %add3A_22 = vector.broadcast %get3A_21 : vector<1x256xf32> to vector<1024x256xf32>
    %add3A_23 = arith.addf %dot_general3A_18, %add3A_22 : vector<1024x256xf32>
    %jit3A = arith.constant 0.00999999977 : f32
    %ge3A = arith.constant 0.000000e+00 : f32
    %ge3A_24 = vector.broadcast %ge3A : f32 to vector<1024x256xf32>
    %ge3A_25 = arith.cmpf oge, %add3A_23, %ge3A_24 : vector<1024x256xf32>
    %mul3A = vector.broadcast %jit3A : f32 to vector<1024x256xf32>
    %mul3A_26 = arith.mulf %mul3A, %add3A_23 : vector<1024x256xf32>
    %select_n3A = arith.select %ge3A_25, %add3A_23, %mul3A_26 : vector<1024x256xi1>, vector<1024x256xf32>
    %get3A_27 = arith.constant 0 : index
    %get3A_28 = arith.constant 0 : index
    %get3A_29 = vector.load %arg4[%get3A_27, %get3A_28] : memref<256x128xf32, #tpu.memory_space<vmem>>, vector<256x128xf32>
    %dot_general3A_30 = arith.constant dense<0.000000e+00> : vector<1024x128xf32>
    %dot_general3A_31 = tpu.matmul %select_n3A, %get3A_29, %dot_general3A_30 {dimension_numbers = #tpu.dot_dimension_numbers<[1], [0], [0], [1], [0, 0, 1, 1], [], []>, transpose_lhs_hint = false} : vector<1024x256xf32>, vector<256x128xf32>, vector<1024x128xf32> -> vector<1024x128xf32>
    %get3A_32 = arith.constant 0 : index
    %get3A_33 = arith.constant 0 : index
    %get3A_34 = vector.load %arg5[%get3A_32, %get3A_33] : memref<1x128xf32, #tpu.memory_space<vmem>>, vector<1x128xf32>
    %add3A_35 = vector.broadcast %get3A_34 : vector<1x128xf32> to vector<1024x128xf32>
    %add3A_36 = arith.addf %dot_general3A_31, %add3A_35 : vector<1024x128xf32>
    %jit3A_37 = arith.constant 0.00999999977 : f32
    %ge3A_38 = arith.constant 0.000000e+00 : f32
    %ge3A_39 = vector.broadcast %ge3A_38 : f32 to vector<1024x128xf32>
    %ge3A_40 = arith.cmpf oge, %add3A_36, %ge3A_39 : vector<1024x128xf32>
    %mul3A_41 = vector.broadcast %jit3A_37 : f32 to vector<1024x128xf32>
    %mul3A_42 = arith.mulf %mul3A_41, %add3A_36 : vector<1024x128xf32>
    %select_n3A_43 = arith.select %ge3A_40, %add3A_36, %mul3A_42 : vector<1024x128xi1>, vector<1024x128xf32>
    %get3A_44 = arith.constant 0 : index
    %get3A_45 = arith.constant 0 : index
    %get3A_46 = vector.load %arg6[%get3A_44, %get3A_45] : memref<128x64xf32, #tpu.memory_space<vmem>>, vector<128x64xf32>
    %dot_general3A_47 = arith.constant dense<0.000000e+00> : vector<1024x64xf32>
    %dot_general3A_48 = tpu.matmul %select_n3A_43, %get3A_46, %dot_general3A_47 {dimension_numbers = #tpu.dot_dimension_numbers<[1], [0], [0], [1], [0, 0, 1, 1], [], []>, transpose_lhs_hint = false} : vector<1024x128xf32>, vector<128x64xf32>, vector<1024x64xf32> -> vector<1024x64xf32>
    %mul3A_49 = vector.broadcast %rsqrt3A : vector<1024x1xf32> to vector<1024x64xf32>
    %mul3A_50 = arith.mulf %dot_general3A_48, %mul3A_49 : vector<1024x64xf32>
    %reshape3A = vector.shape_cast %mul3A_50 : vector<1024x64xf32> to vector<512x2x64xf32>
    %slice3A_51 = vector.extract_strided_slice %reshape3A {offsets = [0, 0, 0], sizes = [512, 1, 64], strides = [1, 1, 1]} : vector<512x2x64xf32> to vector<512x1x64xf32>
    %squeeze3A_52 = vector.shape_cast %slice3A_51 : vector<512x1x64xf32> to vector<512x64xf32>
    %slice3A_53 = vector.extract_strided_slice %reshape3A {offsets = [0, 1, 0], sizes = [512, 1, 64], strides = [1, 1, 1]} : vector<512x2x64xf32> to vector<512x1x64xf32>
    %squeeze3A_54 = vector.shape_cast %slice3A_53 : vector<512x1x64xf32> to vector<512x64xf32>
    %concatenate3A = tpu.concatenate %squeeze3A_52, %squeeze3A_54 in 1 : vector<512x64xf32>, vector<512x64xf32> -> vector<512x128xf32>
    %swap3A = arith.constant 0 : index
    %swap3A_55 = arith.constant 0 : index
    %swap3A_56 = vector.load %arg9[%swap3A, %swap3A_55] : memref<512x128xf32, #tpu.memory_space<vmem>>, vector<512x128xf32>
    tpu.vector_store %arg9[%swap3A, %swap3A_55], %concatenate3A {strides = array<i32>} : memref<512x128xf32, #tpu.memory_space<vmem>>, vector<512x128xf32>,
    return
  }
  func.func @transform_0(%arg0: i32) -> (i32, i32) {
    %c0_i32 = arith.constant 0 : i32
    %c0_i32_0 = arith.constant 0 : i32
    return %arg0, %c0_i32 : i32, i32
  }
  func.func @transform_1(%arg0: i32) -> (i32, i32) {
    %c0_i32 = arith.constant 0 : i32
    %c0_i32_0 = arith.constant 0 : i32
    %c0_i32_1 = arith.constant 0 : i32
    return %c0_i32, %c0_i32_0 : i32, i32
  }
  func.func @transform_2(%arg0: i32) -> (i32, i32) {
    %c0_i32 = arith.constant 0 : i32
    %c0_i32_0 = arith.constant 0 : i32
    %c0_i32_1 = arith.constant 0 : i32
    return %c0_i32, %c0_i32_0 : i32, i32
  }
  func.func @transform_3(%arg0: i32) -> (i32, i32) {
    %c0_i32 = arith.constant 0 : i32
    %c0_i32_0 = arith.constant 0 : i32
    %c0_i32_1 = arith.constant 0 : i32
    return %c0_i32, %c0_i32_0 : i32, i32
  }
  func.func @transform_4(%arg0: i32) -> (i32, i32) {
    %c0_i32 = arith.constant 0 : i32
    %c0_i32_0 = arith.constant 0 : i32
    %c0_i32_1 = arith.constant 0 : i32
    return %c0_i32, %c0_i32_0 : i32, i32
  }
  func.func @transform_5(%arg0: i32) -> (i32, i32) {
    %c0_i32 = arith.constant 0 : i32
    %c0_i32_0 = arith.constant 0 : i32
    %c0_i32_1 = arith.constant 0 : i32
    return %c0_i32, %c0_i32_0 : i32, i32
  }
  func.func @transform_6(%arg0: i32) -> (i32, i32, i32) {
    %c0_i32 = arith.constant 0 : i32
    %c0_i32_0 = arith.constant 0 : i32
    %c0_i32_1 = arith.constant 0 : i32
    return %c0_i32, %arg0, %c0_i32_0 : i32, i32, i32
  }
  func.func @transform_7(%arg0: i32) -> (i32, i32, i32) {
    %c1_i32 = arith.constant 1 : i32
    %c0_i32 = arith.constant 0 : i32
    %c0_i32_0 = arith.constant 0 : i32
    return %c1_i32, %arg0, %c0_i32 : i32, i32, i32
  }
  func.func @transform_8(%arg0: i32) -> (i32, i32) {
    %c0_i32 = arith.constant 0 : i32
    %c0_i32_0 = arith.constant 0 : i32
    return %arg0, %c0_i32 : i32, i32
  }
}

module attributes {stable_mosaic.version = 14 : i64} {
  func.func @_tc2_body(%arg0: i32, %arg1: memref<1x1024x128xf32, #tpu.memory_space<vmem>>, %arg2: memref<1x1024x128xf32, #tpu.memory_space<vmem>>, %arg3: memref<512x128xf32, #tpu.memory_space<vmem>>, %arg4: memref<1x1024x16xf32, #tpu.memory_space<vmem>>, %arg5: memref<1x1024x16xf32, #tpu.memory_space<vmem>>, %arg6: memref<64x1024xf32, #tpu.memory_space<vmem>>, %arg7: memref<1x64xf32, #tpu.memory_space<vmem>>, %arg8: memref<128x256xf32, #tpu.memory_space<vmem>>, %arg9: memref<1x256xf32, #tpu.memory_space<vmem>>, %arg10: memref<64x32xf32, #tpu.memory_space<vmem>>, %arg11: memref<64x1024xf32, #tpu.memory_space<vmem>>, %arg12: memref<256x128xf32, #tpu.memory_space<vmem>>) attributes {dimension_semantics = [#tpu.dimension_semantics<arbitrary>], iteration_bounds = array<i64: 10>, scalar_prefetch = 0 : i64, scratch_operands = 0 : i64, tpu.core_type = #tpu.core_type<tc>, window_params = [{transform_indices = @transform_0, window_bounds = array<i64: 1, 1024, 128>}, {transform_indices = @transform_1, window_bounds = array<i64: 1, 1024, 128>}, {transform_indices = @transform_2, window_bounds = array<i64: 512, 128>}, {transform_indices = @transform_3, window_bounds = array<i64: 1, 1024, 16>}, {transform_indices = @transform_4, window_bounds = array<i64: 1, 1024, 16>}, {transform_indices = @transform_5, window_bounds = array<i64: 64, 1024>}, {pipeline_mode = #tpu.pipeline_mode<synchronous>, transform_indices = @transform_6, window_bounds = array<i64: 1, 64>}, {pipeline_mode = #tpu.pipeline_mode<synchronous>, transform_indices = @transform_7, window_bounds = array<i64: 128, 256>}, {pipeline_mode = #tpu.pipeline_mode<synchronous>, transform_indices = @transform_8, window_bounds = array<i64: 1, 256>}, {pipeline_mode = #tpu.pipeline_mode<synchronous>, transform_indices = @transform_9, window_bounds = array<i64: 64, 32>}, {transform_indices = @transform_10, window_bounds = array<i64: 64, 1024>}, {transform_indices = @transform_11, window_bounds = array<i64: 256, 128>}]} {
    %get3A = arith.constant 0 : index
    %get3A_0 = arith.constant 0 : index
    %get3A_1 = arith.constant 0 : index
    %get3A_2 = vector.load %arg4[%get3A, %get3A_0, %get3A_1] : memref<1x1024x16xf32, #tpu.memory_space<vmem>>, vector<1x1024x16xf32>
    %get3A_3 = arith.constant 0 : index
    %get3A_4 = arith.constant 0 : index
    %get3A_5 = arith.constant 0 : index
    %get3A_6 = vector.load %arg5[%get3A_3, %get3A_4, %get3A_5] : memref<1x1024x16xf32, #tpu.memory_space<vmem>>, vector<1x1024x16xf32>
    %slice3A = vector.extract_strided_slice %get3A_2 {offsets = [0, 0, 0], sizes = [1, 1024, 1], strides = [1, 1, 1]} : vector<1x1024x16xf32> to vector<1x1024x1xf32>
    %squeeze3A = vector.shape_cast %slice3A : vector<1x1024x1xf32> to vector<1024x1xf32>
    %slice3A_7 = vector.extract_strided_slice %get3A_6 {offsets = [0, 0, 0], sizes = [1, 1024, 1], strides = [1, 1, 1]} : vector<1x1024x16xf32> to vector<1x1024x1xf32>
    %squeeze3A_8 = vector.shape_cast %slice3A_7 : vector<1x1024x1xf32> to vector<1024x1xf32>
    %add3A = arith.addf %squeeze3A, %squeeze3A_8 : vector<1024x1xf32>
    %add3A_9 = arith.constant 1.000000e+00 : f32
    %add3A_10 = vector.broadcast %add3A_9 : f32 to vector<1024x1xf32>
    %add3A_11 = arith.addf %add3A, %add3A_10 : vector<1024x1xf32>
    %rsqrt3A = math.rsqrt %add3A_11 : vector<1024x1xf32>
    %get3A_12 = arith.constant 0 : index
    %get3A_13 = arith.constant 0 : index
    %get3A_14 = arith.constant 0 : index
    %get3A_15 = vector.load %arg1[%get3A_12, %get3A_13, %get3A_14] : memref<1x1024x128xf32, #tpu.memory_space<vmem>>, vector<1x1024x128xf32>
    %get3A_16 = vector.shape_cast %get3A_15 : vector<1x1024x128xf32> to vector<1024x128xf32>
    %slice3A_17 = vector.extract_strided_slice %get3A_16 {offsets = [0, 0], sizes = [1024, 64], strides = [1, 1]} : vector<1024x128xf32> to vector<1024x64xf32>
    %get3A_18 = arith.constant 0 : index
    %get3A_19 = arith.constant 0 : index
    %get3A_20 = arith.constant 0 : index
    %get3A_21 = vector.load %arg2[%get3A_18, %get3A_19, %get3A_20] : memref<1x1024x128xf32, #tpu.memory_space<vmem>>, vector<1x1024x128xf32>
    %get3A_22 = vector.shape_cast %get3A_21 : vector<1x1024x128xf32> to vector<1024x128xf32>
    %slice3A_23 = vector.extract_strided_slice %get3A_22 {offsets = [0, 0], sizes = [1024, 64], strides = [1, 1]} : vector<1024x128xf32> to vector<1024x64xf32>
    %add3A_24 = arith.addf %slice3A_17, %slice3A_23 : vector<1024x64xf32>
    %get3A_25 = arith.constant 0 : index
    %get3A_26 = arith.constant 0 : index
    %get3A_27 = vector.load %arg3[%get3A_25, %get3A_26] : memref<512x128xf32, #tpu.memory_space<vmem>>, vector<512x128xf32>
    %slice3A_28 = vector.extract_strided_slice %get3A_27 {offsets = [0, 0], sizes = [512, 64], strides = [1, 1]} : vector<512x128xf32> to vector<512x64xf32>
    %slice3A_29 = vector.extract_strided_slice %get3A_27 {offsets = [0, 64], sizes = [512, 64], strides = [1, 1]} : vector<512x128xf32> to vector<512x64xf32>
    %stack3A = vector.shape_cast %slice3A_28 : vector<512x64xf32> to vector<512x1x64xf32>
    %stack3A_30 = vector.shape_cast %slice3A_29 : vector<512x64xf32> to vector<512x1x64xf32>
    %stack3A_31 = tpu.concatenate %stack3A, %stack3A_30 in 1 : vector<512x1x64xf32>, vector<512x1x64xf32> -> vector<512x2x64xf32>
    %reshape3A = vector.shape_cast %stack3A_31 : vector<512x2x64xf32> to vector<1024x64xf32>
    %add3A_32 = arith.addf %add3A_24, %reshape3A : vector<1024x64xf32>
    %mul3A = vector.broadcast %rsqrt3A : vector<1024x1xf32> to vector<1024x64xf32>
    %mul3A_33 = arith.mulf %mul3A, %add3A_32 : vector<1024x64xf32>
    %get3A_34 = arith.constant 0 : index
    %get3A_35 = arith.constant 0 : index
    %get3A_36 = vector.load %arg7[%get3A_34, %get3A_35] : memref<1x64xf32, #tpu.memory_space<vmem>>, vector<1x64xf32>
    %add3A_37 = vector.broadcast %get3A_36 : vector<1x64xf32> to vector<1024x64xf32>
    %add3A_38 = arith.addf %mul3A_33, %add3A_37 : vector<1024x64xf32>
    %jit3A = arith.constant 0.00999999977 : f32
    %ge3A = arith.constant 0.000000e+00 : f32
    %ge3A_39 = vector.broadcast %ge3A : f32 to vector<1024x64xf32>
    %ge3A_40 = arith.cmpf oge, %add3A_38, %ge3A_39 : vector<1024x64xf32>
    %mul3A_41 = vector.broadcast %jit3A : f32 to vector<1024x64xf32>
    %mul3A_42 = arith.mulf %mul3A_41, %add3A_38 : vector<1024x64xf32>
    %select_n3A = arith.select %ge3A_40, %add3A_38, %mul3A_42 : vector<1024x64xi1>, vector<1024x64xf32>
    %get3A_43 = arith.constant 0 : index
    %get3A_44 = arith.constant 0 : index
    %get3A_45 = vector.load %arg6[%get3A_43, %get3A_44] : memref<64x1024xf32, #tpu.memory_space<vmem>>, vector<64x1024xf32>
    %transpose3A = tpu.transpose %get3A_45, [1, 0] : vector<64x1024xf32> -> vector<1024x64xf32>
    %get3A_46 = arith.constant 0 : index
    %get3A_47 = arith.constant 0 : index
    %get3A_48 = vector.load %arg8[%get3A_46, %get3A_47] : memref<128x256xf32, #tpu.memory_space<vmem>>, vector<128x256xf32>
    %get3A_49 = arith.constant 0 : index
    %get3A_50 = arith.constant 0 : index
    %get3A_51 = vector.load %arg9[%get3A_49, %get3A_50] : memref<1x256xf32, #tpu.memory_space<vmem>>, vector<1x256xf32>
    %concatenate3A = tpu.concatenate %select_n3A, %transpose3A in 1 : vector<1024x64xf32>, vector<1024x64xf32> -> vector<1024x128xf32>
    %dot_general3A = arith.constant dense<0.000000e+00> : vector<1024x256xf32>
    %dot_general3A_52 = tpu.matmul %concatenate3A, %get3A_48, %dot_general3A {dimension_numbers = #tpu.dot_dimension_numbers<[1], [0], [0], [1], [0, 0, 1, 1], [], []>, transpose_lhs_hint = false} : vector<1024x128xf32>, vector<128x256xf32>, vector<1024x256xf32> -> vector<1024x256xf32>
    %add3A_53 = vector.broadcast %get3A_51 : vector<1x256xf32> to vector<1024x256xf32>
    %add3A_54 = arith.addf %dot_general3A_52, %add3A_53 : vector<1024x256xf32>
    %slice3A_55 = vector.extract_strided_slice %add3A_54 {offsets = [0, 0], sizes = [1024, 64], strides = [1, 1]} : vector<1024x256xf32> to vector<1024x64xf32>
    %logistic3A = arith.negf %slice3A_55 : vector<1024x64xf32>
    %logistic3A_56 = math.exp %logistic3A : vector<1024x64xf32>
    %logistic3A_57 = arith.constant 1.000000e+00 : f32
    %logistic3A_58 = vector.broadcast %logistic3A_57 : f32 to vector<1024x64xf32>
    %logistic3A_59 = arith.addf %logistic3A_58, %logistic3A_56 : vector<1024x64xf32>
    %logistic3A_60 = arith.divf %logistic3A_58, %logistic3A_59 : vector<1024x64xf32>
    %slice3A_61 = vector.extract_strided_slice %add3A_54 {offsets = [0, 64], sizes = [1024, 64], strides = [1, 1]} : vector<1024x256xf32> to vector<1024x64xf32>
    %logistic3A_62 = arith.negf %slice3A_61 : vector<1024x64xf32>
    %logistic3A_63 = math.exp %logistic3A_62 : vector<1024x64xf32>
    %logistic3A_64 = arith.constant 1.000000e+00 : f32
    %logistic3A_65 = vector.broadcast %logistic3A_64 : f32 to vector<1024x64xf32>
    %logistic3A_66 = arith.addf %logistic3A_65, %logistic3A_63 : vector<1024x64xf32>
    %logistic3A_67 = arith.divf %logistic3A_65, %logistic3A_66 : vector<1024x64xf32>
    %slice3A_68 = vector.extract_strided_slice %add3A_54 {offsets = [0, 128], sizes = [1024, 64], strides = [1, 1]} : vector<1024x256xf32> to vector<1024x64xf32>
    %slice3A_69 = vector.extract_strided_slice %add3A_54 {offsets = [0, 192], sizes = [1024, 64], strides = [1, 1]} : vector<1024x256xf32> to vector<1024x64xf32>
    %mul3A_70 = arith.mulf %logistic3A_60, %slice3A_69 : vector<1024x64xf32>
    %add3A_71 = arith.addf %slice3A_68, %mul3A_70 : vector<1024x64xf32>
    %tanh3A = math.tanh %add3A_71 : vector<1024x64xf32>
    %sub3A = arith.constant 1.000000e+00 : f32
    %sub3A_72 = vector.broadcast %sub3A : f32 to vector<1024x64xf32>
    %sub3A_73 = arith.subf %sub3A_72, %logistic3A_67 : vector<1024x64xf32>
    %mul3A_74 = arith.mulf %sub3A_73, %tanh3A : vector<1024x64xf32>
    %mul3A_75 = arith.mulf %logistic3A_67, %transpose3A : vector<1024x64xf32>
    %add3A_76 = arith.addf %mul3A_74, %mul3A_75 : vector<1024x64xf32>
    %transpose3A_77 = tpu.transpose %add3A_76, [1, 0] : vector<1024x64xf32> -> vector<64x1024xf32>
    %swap3A = arith.constant 0 : index
    %swap3A_78 = arith.constant 0 : index
    %swap3A_79 = vector.load %arg11[%swap3A, %swap3A_78] : memref<64x1024xf32, #tpu.memory_space<vmem>>, vector<64x1024xf32>
    tpu.vector_store %arg11[%swap3A, %swap3A_78], %transpose3A_77 {strides = array<i32>} : memref<64x1024xf32, #tpu.memory_space<vmem>>, vector<64x1024xf32>,
    %get3A_80 = arith.constant 0 : index
    %get3A_81 = arith.constant 0 : index
    %get3A_82 = vector.load %arg10[%get3A_80, %get3A_81] : memref<64x32xf32, #tpu.memory_space<vmem>>, vector<64x32xf32>
    %dot_general3A_83 = arith.constant dense<0.000000e+00> : vector<1024x32xf32>
    %dot_general3A_84 = tpu.matmul %add3A_76, %get3A_82, %dot_general3A_83 {dimension_numbers = #tpu.dot_dimension_numbers<[1], [0], [0], [1], [0, 0, 1, 1], [], []>, transpose_lhs_hint = false} : vector<1024x64xf32>, vector<64x32xf32>, vector<1024x32xf32> -> vector<1024x32xf32>
    %mul3A_85 = vector.broadcast %rsqrt3A : vector<1024x1xf32> to vector<1024x32xf32>
    %mul3A_86 = arith.mulf %dot_general3A_84, %mul3A_85 : vector<1024x32xf32>
    %reshape3A_87 = vector.shape_cast %mul3A_86 : vector<1024x32xf32> to vector<256x4x32xf32>
    %slice3A_88 = vector.extract_strided_slice %reshape3A_87 {offsets = [0, 0, 0], sizes = [256, 1, 32], strides = [1, 1, 1]} : vector<256x4x32xf32> to vector<256x1x32xf32>
    %squeeze3A_89 = vector.shape_cast %slice3A_88 : vector<256x1x32xf32> to vector<256x32xf32>
    %slice3A_90 = vector.extract_strided_slice %reshape3A_87 {offsets = [0, 1, 0], sizes = [256, 1, 32], strides = [1, 1, 1]} : vector<256x4x32xf32> to vector<256x1x32xf32>
    %squeeze3A_91 = vector.shape_cast %slice3A_90 : vector<256x1x32xf32> to vector<256x32xf32>
    %slice3A_92 = vector.extract_strided_slice %reshape3A_87 {offsets = [0, 2, 0], sizes = [256, 1, 32], strides = [1, 1, 1]} : vector<256x4x32xf32> to vector<256x1x32xf32>
    %squeeze3A_93 = vector.shape_cast %slice3A_92 : vector<256x1x32xf32> to vector<256x32xf32>
    %slice3A_94 = vector.extract_strided_slice %reshape3A_87 {offsets = [0, 3, 0], sizes = [256, 1, 32], strides = [1, 1, 1]} : vector<256x4x32xf32> to vector<256x1x32xf32>
    %squeeze3A_95 = vector.shape_cast %slice3A_94 : vector<256x1x32xf32> to vector<256x32xf32>
    %concatenate3A_96 = tpu.concatenate %squeeze3A_89, %squeeze3A_91, %squeeze3A_93, %squeeze3A_95 in 1 : vector<256x32xf32>, vector<256x32xf32>, vector<256x32xf32>, vector<256x32xf32> -> vector<256x128xf32>
    %swap3A_97 = arith.constant 0 : index
    %swap3A_98 = arith.constant 0 : index
    %swap3A_99 = vector.load %arg12[%swap3A_97, %swap3A_98] : memref<256x128xf32, #tpu.memory_space<vmem>>, vector<256x128xf32>
    tpu.vector_store %arg12[%swap3A_97, %swap3A_98], %concatenate3A_96 {strides = array<i32>} : memref<256x128xf32, #tpu.memory_space<vmem>>, vector<256x128xf32>,
    return
  }
  func.func @transform_0(%arg0: i32) -> (i32, i32, i32) {
    %c0_i32 = arith.constant 0 : i32
    %c0_i32_0 = arith.constant 0 : i32
    %c0_i32_1 = arith.constant 0 : i32
    return %c0_i32, %arg0, %c0_i32_0 : i32, i32, i32
  }
  func.func @transform_1(%arg0: i32) -> (i32, i32, i32) {
    %c1_i32 = arith.constant 1 : i32
    %c0_i32 = arith.constant 0 : i32
    %c0_i32_0 = arith.constant 0 : i32
    return %c1_i32, %arg0, %c0_i32 : i32, i32, i32
  }
  func.func @transform_2(%arg0: i32) -> (i32, i32) {
    %c0_i32 = arith.constant 0 : i32
    %c0_i32_0 = arith.constant 0 : i32
    return %arg0, %c0_i32 : i32, i32
  }
  func.func @transform_3(%arg0: i32) -> (i32, i32, i32) {
    %c0_i32 = arith.constant 0 : i32
    %c0_i32_0 = arith.constant 0 : i32
    %c0_i32_1 = arith.constant 0 : i32
    return %c0_i32, %arg0, %c0_i32_0 : i32, i32, i32
  }
  func.func @transform_4(%arg0: i32) -> (i32, i32, i32) {
    %c1_i32 = arith.constant 1 : i32
    %c0_i32 = arith.constant 0 : i32
    %c0_i32_0 = arith.constant 0 : i32
    return %c1_i32, %arg0, %c0_i32 : i32, i32, i32
  }
  func.func @transform_5(%arg0: i32) -> (i32, i32) {
    %c0_i32 = arith.constant 0 : i32
    %c0_i32_0 = arith.constant 0 : i32
    return %c0_i32, %arg0 : i32, i32
  }
  func.func @transform_6(%arg0: i32) -> (i32, i32) {
    %c0_i32 = arith.constant 0 : i32
    %c0_i32_0 = arith.constant 0 : i32
    %c0_i32_1 = arith.constant 0 : i32
    return %c0_i32, %c0_i32_0 : i32, i32
  }
  func.func @transform_7(%arg0: i32) -> (i32, i32) {
    %c0_i32 = arith.constant 0 : i32
    %c0_i32_0 = arith.constant 0 : i32
    %c0_i32_1 = arith.constant 0 : i32
    return %c0_i32, %c0_i32_0 : i32, i32
  }
  func.func @transform_8(%arg0: i32) -> (i32, i32) {
    %c0_i32 = arith.constant 0 : i32
    %c0_i32_0 = arith.constant 0 : i32
    %c0_i32_1 = arith.constant 0 : i32
    return %c0_i32, %c0_i32_0 : i32, i32
  }
  func.func @transform_9(%arg0: i32) -> (i32, i32) {
    %c0_i32 = arith.constant 0 : i32
    %c0_i32_0 = arith.constant 0 : i32
    %c0_i32_1 = arith.constant 0 : i32
    return %c0_i32, %c0_i32_0 : i32, i32
  }
  func.func @transform_10(%arg0: i32) -> (i32, i32) {
    %c0_i32 = arith.constant 0 : i32
    %c0_i32_0 = arith.constant 0 : i32
    return %c0_i32, %arg0 : i32, i32
  }
  func.func @transform_11(%arg0: i32) -> (i32, i32) {
    %c0_i32 = arith.constant 0 : i32
    %c0_i32_0 = arith.constant 0 : i32
    return %arg0, %c0_i32 : i32, i32
  }
}

module attributes {stable_mosaic.version = 14 : i64} {
  func.func @_tc3_body(%arg0: i32, %arg1: memref<1x1024x128xf32, #tpu.memory_space<vmem>>, %arg2: memref<1x1024x128xf32, #tpu.memory_space<vmem>>, %arg3: memref<256x128xf32, #tpu.memory_space<vmem>>, %arg4: memref<1x1024x16xf32, #tpu.memory_space<vmem>>, %arg5: memref<1x1024x16xf32, #tpu.memory_space<vmem>>, %arg6: memref<32x1024xf32, #tpu.memory_space<vmem>>, %arg7: memref<1x32xf32, #tpu.memory_space<vmem>>, %arg8: memref<64x128xf32, #tpu.memory_space<vmem>>, %arg9: memref<1x128xf32, #tpu.memory_space<vmem>>, %arg10: memref<32x2xf32, #tpu.memory_space<vmem>>, %arg11: memref<1x2xf32, #tpu.memory_space<vmem>>, %arg12: memref<32x1024xf32, #tpu.memory_space<vmem>>, %arg13: memref<1024xf32, #tpu.memory_space<vmem>>) attributes {dimension_semantics = [#tpu.dimension_semantics<arbitrary>], iteration_bounds = array<i64: 10>, scalar_prefetch = 0 : i64, scratch_operands = 0 : i64, tpu.core_type = #tpu.core_type<tc>, window_params = [{transform_indices = @transform_0, window_bounds = array<i64: 1, 1024, 128>}, {transform_indices = @transform_1, window_bounds = array<i64: 1, 1024, 128>}, {transform_indices = @transform_2, window_bounds = array<i64: 256, 128>}, {transform_indices = @transform_3, window_bounds = array<i64: 1, 1024, 16>}, {transform_indices = @transform_4, window_bounds = array<i64: 1, 1024, 16>}, {transform_indices = @transform_5, window_bounds = array<i64: 32, 1024>}, {pipeline_mode = #tpu.pipeline_mode<synchronous>, transform_indices = @transform_6, window_bounds = array<i64: 1, 32>}, {pipeline_mode = #tpu.pipeline_mode<synchronous>, transform_indices = @transform_7, window_bounds = array<i64: 64, 128>}, {pipeline_mode = #tpu.pipeline_mode<synchronous>, transform_indices = @transform_8, window_bounds = array<i64: 1, 128>}, {pipeline_mode = #tpu.pipeline_mode<synchronous>, transform_indices = @transform_9, window_bounds = array<i64: 32, 2>}, {pipeline_mode = #tpu.pipeline_mode<synchronous>, transform_indices = @transform_10, window_bounds = array<i64: 1, 2>}, {transform_indices = @transform_11, window_bounds = array<i64: 32, 1024>}, {transform_indices = @transform_12, window_bounds = array<i64: 1024>}]} {
    %get3A = arith.constant 0 : index
    %get3A_0 = arith.constant 0 : index
    %get3A_1 = arith.constant 0 : index
    %get3A_2 = vector.load %arg4[%get3A, %get3A_0, %get3A_1] : memref<1x1024x16xf32, #tpu.memory_space<vmem>>, vector<1x1024x16xf32>
    %get3A_3 = arith.constant 0 : index
    %get3A_4 = arith.constant 0 : index
    %get3A_5 = arith.constant 0 : index
    %get3A_6 = vector.load %arg5[%get3A_3, %get3A_4, %get3A_5] : memref<1x1024x16xf32, #tpu.memory_space<vmem>>, vector<1x1024x16xf32>
    %slice3A = vector.extract_strided_slice %get3A_2 {offsets = [0, 0, 0], sizes = [1, 1024, 1], strides = [1, 1, 1]} : vector<1x1024x16xf32> to vector<1x1024x1xf32>
    %squeeze3A = vector.shape_cast %slice3A : vector<1x1024x1xf32> to vector<1024x1xf32>
    %slice3A_7 = vector.extract_strided_slice %get3A_6 {offsets = [0, 0, 0], sizes = [1, 1024, 1], strides = [1, 1, 1]} : vector<1x1024x16xf32> to vector<1x1024x1xf32>
    %squeeze3A_8 = vector.shape_cast %slice3A_7 : vector<1x1024x1xf32> to vector<1024x1xf32>
    %add3A = arith.addf %squeeze3A, %squeeze3A_8 : vector<1024x1xf32>
    %add3A_9 = arith.constant 1.000000e+00 : f32
    %add3A_10 = vector.broadcast %add3A_9 : f32 to vector<1024x1xf32>
    %add3A_11 = arith.addf %add3A, %add3A_10 : vector<1024x1xf32>
    %rsqrt3A = math.rsqrt %add3A_11 : vector<1024x1xf32>
    %get3A_12 = arith.constant 0 : index
    %get3A_13 = arith.constant 0 : index
    %get3A_14 = arith.constant 0 : index
    %get3A_15 = vector.load %arg1[%get3A_12, %get3A_13, %get3A_14] : memref<1x1024x128xf32, #tpu.memory_space<vmem>>, vector<1x1024x128xf32>
    %get3A_16 = vector.shape_cast %get3A_15 : vector<1x1024x128xf32> to vector<1024x128xf32>
    %slice3A_17 = vector.extract_strided_slice %get3A_16 {offsets = [0, 0], sizes = [1024, 32], strides = [1, 1]} : vector<1024x128xf32> to vector<1024x32xf32>
    %get3A_18 = arith.constant 0 : index
    %get3A_19 = arith.constant 0 : index
    %get3A_20 = arith.constant 0 : index
    %get3A_21 = vector.load %arg2[%get3A_18, %get3A_19, %get3A_20] : memref<1x1024x128xf32, #tpu.memory_space<vmem>>, vector<1x1024x128xf32>
    %get3A_22 = vector.shape_cast %get3A_21 : vector<1x1024x128xf32> to vector<1024x128xf32>
    %slice3A_23 = vector.extract_strided_slice %get3A_22 {offsets = [0, 0], sizes = [1024, 32], strides = [1, 1]} : vector<1024x128xf32> to vector<1024x32xf32>
    %add3A_24 = arith.addf %slice3A_17, %slice3A_23 : vector<1024x32xf32>
    %get3A_25 = arith.constant 0 : index
    %get3A_26 = arith.constant 0 : index
    %get3A_27 = vector.load %arg3[%get3A_25, %get3A_26] : memref<256x128xf32, #tpu.memory_space<vmem>>, vector<256x128xf32>
    %slice3A_28 = vector.extract_strided_slice %get3A_27 {offsets = [0, 0], sizes = [256, 32], strides = [1, 1]} : vector<256x128xf32> to vector<256x32xf32>
    %slice3A_29 = vector.extract_strided_slice %get3A_27 {offsets = [0, 32], sizes = [256, 32], strides = [1, 1]} : vector<256x128xf32> to vector<256x32xf32>
    %slice3A_30 = vector.extract_strided_slice %get3A_27 {offsets = [0, 64], sizes = [256, 32], strides = [1, 1]} : vector<256x128xf32> to vector<256x32xf32>
    %slice3A_31 = vector.extract_strided_slice %get3A_27 {offsets = [0, 96], sizes = [256, 32], strides = [1, 1]} : vector<256x128xf32> to vector<256x32xf32>
    %stack3A = vector.shape_cast %slice3A_28 : vector<256x32xf32> to vector<256x1x32xf32>
    %stack3A_32 = vector.shape_cast %slice3A_29 : vector<256x32xf32> to vector<256x1x32xf32>
    %stack3A_33 = vector.shape_cast %slice3A_30 : vector<256x32xf32> to vector<256x1x32xf32>
    %stack3A_34 = vector.shape_cast %slice3A_31 : vector<256x32xf32> to vector<256x1x32xf32>
    %stack3A_35 = tpu.concatenate %stack3A, %stack3A_32, %stack3A_33, %stack3A_34 in 1 : vector<256x1x32xf32>, vector<256x1x32xf32>, vector<256x1x32xf32>, vector<256x1x32xf32> -> vector<256x4x32xf32>
    %reshape3A = vector.shape_cast %stack3A_35 : vector<256x4x32xf32> to vector<1024x32xf32>
    %add3A_36 = arith.addf %add3A_24, %reshape3A : vector<1024x32xf32>
    %mul3A = vector.broadcast %rsqrt3A : vector<1024x1xf32> to vector<1024x32xf32>
    %mul3A_37 = arith.mulf %mul3A, %add3A_36 : vector<1024x32xf32>
    %get3A_38 = arith.constant 0 : index
    %get3A_39 = arith.constant 0 : index
    %get3A_40 = vector.load %arg7[%get3A_38, %get3A_39] : memref<1x32xf32, #tpu.memory_space<vmem>>, vector<1x32xf32>
    %add3A_41 = vector.broadcast %get3A_40 : vector<1x32xf32> to vector<1024x32xf32>
    %add3A_42 = arith.addf %mul3A_37, %add3A_41 : vector<1024x32xf32>
    %jit3A = arith.constant 0.00999999977 : f32
    %ge3A = arith.constant 0.000000e+00 : f32
    %ge3A_43 = vector.broadcast %ge3A : f32 to vector<1024x32xf32>
    %ge3A_44 = arith.cmpf oge, %add3A_42, %ge3A_43 : vector<1024x32xf32>
    %mul3A_45 = vector.broadcast %jit3A : f32 to vector<1024x32xf32>
    %mul3A_46 = arith.mulf %mul3A_45, %add3A_42 : vector<1024x32xf32>
    %select_n3A = arith.select %ge3A_44, %add3A_42, %mul3A_46 : vector<1024x32xi1>, vector<1024x32xf32>
    %get3A_47 = arith.constant 0 : index
    %get3A_48 = arith.constant 0 : index
    %get3A_49 = vector.load %arg6[%get3A_47, %get3A_48] : memref<32x1024xf32, #tpu.memory_space<vmem>>, vector<32x1024xf32>
    %transpose3A = tpu.transpose %get3A_49, [1, 0] : vector<32x1024xf32> -> vector<1024x32xf32>
    %get3A_50 = arith.constant 0 : index
    %get3A_51 = arith.constant 0 : index
    %get3A_52 = vector.load %arg8[%get3A_50, %get3A_51] : memref<64x128xf32, #tpu.memory_space<vmem>>, vector<64x128xf32>
    %get3A_53 = arith.constant 0 : index
    %get3A_54 = arith.constant 0 : index
    %get3A_55 = vector.load %arg9[%get3A_53, %get3A_54] : memref<1x128xf32, #tpu.memory_space<vmem>>, vector<1x128xf32>
    %concatenate3A = tpu.concatenate %select_n3A, %transpose3A in 1 : vector<1024x32xf32>, vector<1024x32xf32> -> vector<1024x64xf32>
    %dot_general3A = arith.constant dense<0.000000e+00> : vector<1024x128xf32>
    %dot_general3A_56 = tpu.matmul %concatenate3A, %get3A_52, %dot_general3A {dimension_numbers = #tpu.dot_dimension_numbers<[1], [0], [0], [1], [0, 0, 1, 1], [], []>, transpose_lhs_hint = false} : vector<1024x64xf32>, vector<64x128xf32>, vector<1024x128xf32> -> vector<1024x128xf32>
    %add3A_57 = vector.broadcast %get3A_55 : vector<1x128xf32> to vector<1024x128xf32>
    %add3A_58 = arith.addf %dot_general3A_56, %add3A_57 : vector<1024x128xf32>
    %slice3A_59 = vector.extract_strided_slice %add3A_58 {offsets = [0, 0], sizes = [1024, 32], strides = [1, 1]} : vector<1024x128xf32> to vector<1024x32xf32>
    %logistic3A = arith.negf %slice3A_59 : vector<1024x32xf32>
    %logistic3A_60 = math.exp %logistic3A : vector<1024x32xf32>
    %logistic3A_61 = arith.constant 1.000000e+00 : f32
    %logistic3A_62 = vector.broadcast %logistic3A_61 : f32 to vector<1024x32xf32>
    %logistic3A_63 = arith.addf %logistic3A_62, %logistic3A_60 : vector<1024x32xf32>
    %logistic3A_64 = arith.divf %logistic3A_62, %logistic3A_63 : vector<1024x32xf32>
    %slice3A_65 = vector.extract_strided_slice %add3A_58 {offsets = [0, 32], sizes = [1024, 32], strides = [1, 1]} : vector<1024x128xf32> to vector<1024x32xf32>
    %logistic3A_66 = arith.negf %slice3A_65 : vector<1024x32xf32>
    %logistic3A_67 = math.exp %logistic3A_66 : vector<1024x32xf32>
    %logistic3A_68 = arith.constant 1.000000e+00 : f32
    %logistic3A_69 = vector.broadcast %logistic3A_68 : f32 to vector<1024x32xf32>
    %logistic3A_70 = arith.addf %logistic3A_69, %logistic3A_67 : vector<1024x32xf32>
    %logistic3A_71 = arith.divf %logistic3A_69, %logistic3A_70 : vector<1024x32xf32>
    %slice3A_72 = vector.extract_strided_slice %add3A_58 {offsets = [0, 64], sizes = [1024, 32], strides = [1, 1]} : vector<1024x128xf32> to vector<1024x32xf32>
    %slice3A_73 = vector.extract_strided_slice %add3A_58 {offsets = [0, 96], sizes = [1024, 32], strides = [1, 1]} : vector<1024x128xf32> to vector<1024x32xf32>
    %mul3A_74 = arith.mulf %logistic3A_64, %slice3A_73 : vector<1024x32xf32>
    %add3A_75 = arith.addf %slice3A_72, %mul3A_74 : vector<1024x32xf32>
    %tanh3A = math.tanh %add3A_75 : vector<1024x32xf32>
    %sub3A = arith.constant 1.000000e+00 : f32
    %sub3A_76 = vector.broadcast %sub3A : f32 to vector<1024x32xf32>
    %sub3A_77 = arith.subf %sub3A_76, %logistic3A_71 : vector<1024x32xf32>
    %mul3A_78 = arith.mulf %sub3A_77, %tanh3A : vector<1024x32xf32>
    %mul3A_79 = arith.mulf %logistic3A_71, %transpose3A : vector<1024x32xf32>
    %add3A_80 = arith.addf %mul3A_78, %mul3A_79 : vector<1024x32xf32>
    %transpose3A_81 = tpu.transpose %add3A_80, [1, 0] : vector<1024x32xf32> -> vector<32x1024xf32>
    %swap3A = arith.constant 0 : index
    %swap3A_82 = arith.constant 0 : index
    %swap3A_83 = vector.load %arg12[%swap3A, %swap3A_82] : memref<32x1024xf32, #tpu.memory_space<vmem>>, vector<32x1024xf32>
    tpu.vector_store %arg12[%swap3A, %swap3A_82], %transpose3A_81 {strides = array<i32>} : memref<32x1024xf32, #tpu.memory_space<vmem>>, vector<32x1024xf32>,
    %get3A_84 = arith.constant 0 : index
    %get3A_85 = arith.constant 0 : index
    %get3A_86 = vector.load %arg10[%get3A_84, %get3A_85] : memref<32x2xf32, #tpu.memory_space<vmem>>, vector<32x2xf32>
    %dot_general3A_87 = arith.constant dense<0.000000e+00> : vector<1024x2xf32>
    %dot_general3A_88 = tpu.matmul %add3A_80, %get3A_86, %dot_general3A_87 {dimension_numbers = #tpu.dot_dimension_numbers<[1], [0], [0], [1], [0, 0, 1, 1], [], []>, transpose_lhs_hint = false} : vector<1024x32xf32>, vector<32x2xf32>, vector<1024x2xf32> -> vector<1024x2xf32>
    %get3A_89 = arith.constant 0 : index
    %get3A_90 = arith.constant 0 : index
    %get3A_91 = vector.load %arg11[%get3A_89, %get3A_90] : memref<1x2xf32, #tpu.memory_space<vmem>>, vector<1x2xf32>
    %add3A_92 = vector.broadcast %get3A_91 : vector<1x2xf32> to vector<1024x2xf32>
    %add3A_93 = arith.addf %dot_general3A_88, %add3A_92 : vector<1024x2xf32>
    %reduce_sum3A = arith.constant dense<0.000000e+00> : vector<1024xf32>
    %reduce_sum3A_94 = vector.multi_reduction <add>, %add3A_93, %reduce_sum3A [1] : vector<1024x2xf32> to vector<1024xf32>
    %swap3A_95 = arith.constant 0 : index
    %swap3A_96 = vector.load %arg13[%swap3A_95] : memref<1024xf32, #tpu.memory_space<vmem>>, vector<1024xf32>
    tpu.vector_store %arg13[%swap3A_95], %reduce_sum3A_94 {strides = array<i32>} : memref<1024xf32, #tpu.memory_space<vmem>>, vector<1024xf32>,
    return
  }
  func.func @transform_0(%arg0: i32) -> (i32, i32, i32) {
    %c0_i32 = arith.constant 0 : i32
    %c0_i32_0 = arith.constant 0 : i32
    %c0_i32_1 = arith.constant 0 : i32
    return %c0_i32, %arg0, %c0_i32_0 : i32, i32, i32
  }
  func.func @transform_1(%arg0: i32) -> (i32, i32, i32) {
    %c1_i32 = arith.constant 1 : i32
    %c0_i32 = arith.constant 0 : i32
    %c0_i32_0 = arith.constant 0 : i32
    return %c1_i32, %arg0, %c0_i32 : i32, i32, i32
  }
  func.func @transform_2(%arg0: i32) -> (i32, i32) {
    %c0_i32 = arith.constant 0 : i32
    %c0_i32_0 = arith.constant 0 : i32
    return %arg0, %c0_i32 : i32, i32
  }
  func.func @transform_3(%arg0: i32) -> (i32, i32, i32) {
    %c0_i32 = arith.constant 0 : i32
    %c0_i32_0 = arith.constant 0 : i32
    %c0_i32_1 = arith.constant 0 : i32
    return %c0_i32, %arg0, %c0_i32_0 : i32, i32, i32
  }
  func.func @transform_4(%arg0: i32) -> (i32, i32, i32) {
    %c1_i32 = arith.constant 1 : i32
    %c0_i32 = arith.constant 0 : i32
    %c0_i32_0 = arith.constant 0 : i32
    return %c1_i32, %arg0, %c0_i32 : i32, i32, i32
  }
  func.func @transform_5(%arg0: i32) -> (i32, i32) {
    %c0_i32 = arith.constant 0 : i32
    %c0_i32_0 = arith.constant 0 : i32
    return %c0_i32, %arg0 : i32, i32
  }
  func.func @transform_6(%arg0: i32) -> (i32, i32) {
    %c0_i32 = arith.constant 0 : i32
    %c0_i32_0 = arith.constant 0 : i32
    %c0_i32_1 = arith.constant 0 : i32
    return %c0_i32, %c0_i32_0 : i32, i32
  }
  func.func @transform_7(%arg0: i32) -> (i32, i32) {
    %c0_i32 = arith.constant 0 : i32
    %c0_i32_0 = arith.constant 0 : i32
    %c0_i32_1 = arith.constant 0 : i32
    return %c0_i32, %c0_i32_0 : i32, i32
  }
  func.func @transform_8(%arg0: i32) -> (i32, i32) {
    %c0_i32 = arith.constant 0 : i32
    %c0_i32_0 = arith.constant 0 : i32
    %c0_i32_1 = arith.constant 0 : i32
    return %c0_i32, %c0_i32_0 : i32, i32
  }
  func.func @transform_9(%arg0: i32) -> (i32, i32) {
    %c0_i32 = arith.constant 0 : i32
    %c0_i32_0 = arith.constant 0 : i32
    %c0_i32_1 = arith.constant 0 : i32
    return %c0_i32, %c0_i32_0 : i32, i32
  }
  func.func @transform_10(%arg0: i32) -> (i32, i32) {
    %c0_i32 = arith.constant 0 : i32
    %c0_i32_0 = arith.constant 0 : i32
    %c0_i32_1 = arith.constant 0 : i32
    return %c0_i32, %c0_i32_0 : i32, i32
  }
  func.func @transform_11(%arg0: i32) -> (i32, i32) {
    %c0_i32 = arith.constant 0 : i32
    %c0_i32_0 = arith.constant 0 : i32
    return %c0_i32, %arg0 : i32, i32
  }
  func.func @transform_12(%arg0: i32) -> i32 {
    %c0_i32 = arith.constant 0 : i32
    return %arg0 : i32
  }
}

</mosaic_0001>

<sc_bundles>
// kernel: kernel.11.cloned.1.call-start
scs
__scs_entry_jumppad:
0x0: {  	(pc) =	sbr.rel $0x88, $3  }
0x1: {  	(tag) =	ssettag $0x0;
	lr =	simm.s32 $0x1  }
0x2: {  	[smem:$0x3F8B] =	sst lr;
	_ =	strace $0xD0000000  }
0x3: {  	_ = 	snop  }
0x4: {  	_ = 	snop  }
0x5: {  	_ = 	snop  }
0x6: {  	_ = 	snop  }
0x7: {  	_ = 	snop  }
__scs_overlays_trampoline_lowered:
0x8: {  	[smem:$0x3F9A] =	sst s0  }
0x9: {  	[smem:$0x3F9B] =	sst s1  }
0xa: {  	[smem:$0x3F9C] =	sst s2  }
0xb: {  	[smem:$0x3F9D] =	sst s3  }
0xc: {  	[smem:$0x3F9E] =	sst s4  }
0xd: {  	[smem:$0x3F9F] =	sst s5  }
0xe: {  	[smem:$0x3FA0] =	sst s6  }
0xf: {  	[smem:$0x3FA1] =	sst s7  }
0x10: {  	[smem:$0x3FA2] =	sst s8  }
0x11: {  	[smem:$0x3FA3] =	sst s9;
	s0 =	simm.s32 @!p0 $0x0  }
0x12: {  	s1 =	sld [smem:$0x3F89];
	s0 =	simm.s32 @p0 $0x1  }
0x13: {  	[smem:$0x3FA4] =	sst s0;
	s0 =	simm.s32 @!p1 $0x0  }
0x14: {  	s2 =	sld [smem:$0x3F88];
	s0 =	simm.s32 @p1 $0x1  }
0x15: {  	[smem:$0x3FA5] =	sst s0;
	s0 =	simm.s32 @!p2 $0x0  }
0x16: {  	s3 =	sld [smem:$0x3FDB];
	s0 =	simm.s32 @p2 $0x1  }
0x17: {  	s4 =	simm.s32 $0x1BF5;
	[smem:$0x3FA7] =	sst s0  }
0x18: {  	s0 =	sld [smem:$0x3F8A];
	_ =	swait.ge [sflag:s4], $0x0  }
0x19: {  	s7 =	sld [smem:$0x3F8B]  }
0x1a: {  	s8 =	sadd.s32 $0xFFFFE003, lr  }
0x1b: {  	s9 =	sadd.s32 $0xFFFFFEF7, lr;
	s5 =	simm.s32 $0xFFFFFFFF;
	p2 =	slt.u32 s8, $0xFFFFF086  }
0x1c: {  	p1 =	slt.u32 s9, $0xF7A;
	s5 =	simm.s32 @!p2 $0x0  }
0x1d: {  	s5 =	simm.s32 @p1 $0x1;
	p0 =	seq.s32 s7, s2  }
0x1e: {  	s7 =	smul.u32 @!p0 $0xF7A, s2;
	p2 =	seq.s32 @!p0 s5, $0x0  }
0x1f: {  	s9 =	smul.u32 $0xF7A, s1;
	s8 =	simm.s32 @!p0 $0x1BF5;
	p2 =	por !p2, p0  }
0x20: {  	[sflag:s8] =	ssyncset.s32 @!p0 $0xFFFFF086;
	s6 =	sadd.s32 @!p0 s3, s7;
	s7 =	simm.s32 @!p0 $0x108  }
0x21: {  	s3 =	sadd.s32 s3, s9;
	s6 =	sadd.s32 @!p0 $0x88, s6;
	s7 =	simm.s32 @p2 $0x1082  }
0x22: {  	[simem:s7], [sflag:s8] =	dma.local @!p0 [hbm:s6], $0xF7A  }
0x23: {  	s9 =	sor.u32 $0xD0000000, s2;
	s6 =	simm.s32 $0x108;
	_ =	swait.ge @!p0 [sflag:s8], $0x0  }
0x24: {  	s3 =	sadd.s32 $0x88, s3;
	s6 =	simm.s32 @!p1 $0x1082;
	[sflag:s4] =	ssyncset.s32 $0xFFFFF086  }
0x25: {  	[simem:s6], [sflag:s4] =	dma.local [hbm:s3], $0xF7A  }
0x26: {  	[smem:$0x3F8B] =	sst s1;
	(tag) =	ssettag s2;
	_ =	strace s9  }
0x27: {  	s1 =	sld [smem:$0x3F9B]  }
0x28: {  	s2 =	sld [smem:$0x3F9C]  }
0x29: {  	s4 =	sld [smem:$0x3F9E]  }
0x2a: {  	p0 =	seq.s32 s5, $0x0;
	s5 =	sld [smem:$0x3F9F]  }
0x2b: {  	s6 =	sld [smem:$0x3FA0]  }
0x2c: {  	s7 =	sld [smem:$0x3FA1]  }
0x2d: {  	s3 =	simm.s32 $0x108;
	s8 =	sld [smem:$0x3FA2]  }
0x2e: {  	s3 =	simm.s32 @!p0 $0x1082;
	s9 =	sld [smem:$0x3FA3]  }
0x2f: {  	lr =	sadd.s32 s0, s3;
	s0 =	sld [smem:$0x3F9A]  }
0x30: {  	s3 =	sld [smem:$0x3F9D]  }
0x31: {  	[smem:$0x3FA6] =	sst s10  }
0x32: {  	s10 =	sld [smem:$0x3FA4];
	_ =	sdelay $0x3  }
0x33: {  	p0 =	seq.s32 s10, $0x1;
	s10 =	sld [smem:$0x3FA6];
	_ =	sdelay $0x3  }
0x34: {  	[smem:$0x3FA6] =	sst s10  }
0x35: {  	s10 =	sld [smem:$0x3FA5];
	_ =	sdelay $0x3  }
0x36: {  	p1 =	seq.s32 s10, $0x1;
	s10 =	sld [smem:$0x3FA6];
	_ =	sdelay $0x3  }
0x37: {  	[smem:$0x3FA6] =	sst s10  }
0x38: {  	s10 =	sld [smem:$0x3FA7]  }
0x39: {  	_ = 	snop;
	(pc) =	sbr.ind lr, $3  }
0x3a: {  	_ = 	snop  }
0x3b: {  	_ = 	snop  }
0x3c: {  	p2 =	seq.s32 s10, $0x1;
	s10 =	sld [smem:$0x3FA6]  }
0x3d: {  	_ =	shalt  }
0x3e: {  	_ =	shalt  }
0x3f: {  	_ =	shalt  }
0x40: {  	_ =	shalt  }
0x41: {  	_ =	shalt  }
0x42: {  	_ =	shalt  }
0x43: {  	_ =	shalt  }
0x44: {  	_ =	shalt  }
0x45: {  	_ =	shalt  }
0x46: {  	_ =	shalt  }
0x47: {  	_ =	shalt  }
0x48: {  	_ =	shalt  }
0x49: {  	_ =	shalt  }
0x4a: {  	_ =	shalt  }
0x4b: {  	_ =	shalt  }
0x4c: {  	_ =	shalt  }
0x4d: {  	_ =	shalt  }
0x4e: {  	_ =	shalt  }
0x4f: {  	_ =	shalt  }
0x50: {  	_ =	shalt  }
0x51: {  	_ =	shalt  }
0x52: {  	_ =	shalt  }
0x53: {  	_ =	shalt  }
0x54: {  	_ =	shalt  }
0x55: {  	_ =	shalt  }
0x56: {  	_ =	shalt  }
0x57: {  	_ =	shalt  }
0x58: {  	_ =	shalt  }
0x59: {  	_ =	shalt  }
0x5a: {  	_ =	shalt  }
0x5b: {  	_ =	shalt  }
0x5c: {  	_ =	shalt  }
0x5d: {  	_ =	shalt  }
0x5e: {  	_ =	shalt  }
0x5f: {  	_ =	shalt  }
0x60: {  	_ =	shalt  }
0x61: {  	_ =	shalt  }
0x62: {  	_ =	shalt  }
0x63: {  	_ =	shalt  }
0x64: {  	_ =	shalt  }
0x65: {  	_ =	shalt  }
0x66: {  	_ =	shalt  }
0x67: {  	_ =	shalt  }
0x68: {  	_ =	shalt  }
0x69: {  	_ =	shalt  }
0x6a: {  	_ =	shalt  }
0x6b: {  	_ =	shalt  }
0x6c: {  	_ =	shalt  }
0x6d: {  	_ =	shalt  }
0x6e: {  	_ =	shalt  }
0x6f: {  	_ =	shalt  }
0x70: {  	_ =	shalt  }
0x71: {  	_ =	shalt  }
0x72: {  	_ =	shalt  }
0x73: {  	_ =	shalt  }
0x74: {  	_ =	shalt  }
0x75: {  	_ =	shalt  }
0x76: {  	_ =	shalt  }
0x77: {  	_ =	shalt  }
0x78: {  	_ =	shalt  }
0x79: {  	_ =	shalt  }
0x7a: {  	_ =	shalt  }
0x7b: {  	_ =	shalt  }
0x7c: {  	_ =	shalt  }
0x7d: {  	_ =	shalt  }
0x7e: {  	_ =	shalt  }
0x7f: {  	_ =	shalt  }
0x80: {  	_ =	shalt  }
0x81: {  	_ =	shalt  }
0x82: {  	_ =	shalt  }
0x83: {  	_ =	shalt  }
0x84: {  	_ =	shalt  }
0x85: {  	_ =	shalt  }
0x86: {  	_ =	shalt  }
0x87: {  	_ =	shalt  }
.Lfunc_end0:
.L_simem_size_0:
called_computation.1_lowered:
.L_overlay_start_0:
0x88: {  	s2 =	sld [smem:$0x3FD9]  }
0x89: {  	s3 =	sld [smem:$0x3FFE];
	_ =	sdelay $0x1  }
0x8a: {  	s1 =	srdreg.scid  }
0x8b: {  	s0 =	sand.u32 $0x1, s1  }
0x8c: {  	s14 =	sshll.u32 s0, $0xA;
	s2 =	sadd.s32 s3, s2  }
0x8d: {  	s2 =	sadd.s32 s2, s14  }
0x8e: {  	[smem:$0x3FB2] =	sst s2  }
0x8f: {  	_ = 	snop  }
0x90: {  	s2 =	sld [smem:$0x3FD0];
	_ =	sdelay $0x2  }
0x91: {  	s15 =	simm.s32 $0xA;
	s4 =	simm.s32 $0x10  }
0x92: {  	[smem:s4], [sflag:s15] =	dma.local [hbm:s2], $0x1  }
0x93: {  	_ =	swait.eq [sflag:s15], $0x1  }
0x94: {  	[sflag:s15] =	ssyncset.done $0x0  }
0x95: {  	[sflag:s15] =	ssyncadd.s32 $0xFFFFFFFF  }
0x96: {  	s16 =	sld [smem:$0x11];
	(tm) =	ssettm $0x1  }
0x97: {  	s17 =	sld [smem:$0x3FFB];
	_ =	sdelay $0x3  }
0x98: {  	_ =	strace s17  }
0x99: {  	s3 =	sld [smem:$0x3FFC];
	_ =	sdelay $0x3  }
0x9a: {  	_ =	strace s3  }
0x9b: {  	s3 =	sld [smem:$0x3FFD];
	_ =	sdelay $0x3  }
0x9c: {  	_ =	strace s3  }
0x9d: {  	_ =	strace $0x8FFFFFFF  }
0x9e: {  	s18 =	sld [smem:$0x3FDB];
	_ =	sdelay $0x1  }
0x9f: {  	s19 =	simm.s32 $_scs_section_size  }
0xa0: {  	s5 =	simm.s32 $_size__tile_overlayer_lowered;
	s6 =	simm.s32 $_tile_overlayer_lowered  }
0xa1: {  	s22 =	simm.s32 $0x1BFF;
	s21 =	sshll.u32 s6, $0x1;
	s3 =	sadd.s32 s19, s18  }
0xa2: {  	s7 =	simm.s32 $0x0;
	s20 =	sshll.u32 s5, $0x1;
	s5 =	sadd.s32 s21, s3  }
0xa3: {  	[timem:s7], [sflag:s22] =	dma.local [hbm:s5], s20  }
0xa4: {  	_ =	swait.ge [sflag:s22], s20  }
0xa5: {  	s4 =	ssub.s32 $0x0, s20;
	[sflag:s22] =	ssyncset.done $0x0  }
0xa6: {  	[sflag:s22] =	ssyncadd.s32 s4;
	_ =	sdelay $0x1  }
0xa7: {  	s23 =	simm.s32 $0x1B8B  }
0xa8: {  	_ =	swait.ge [sflag:s23], $0x1  }
0xa9: {  	[sflag:s23] =	ssyncset.done $0x0  }
0xaa: {  	s25 =	simm.s32 $0x1B8E;
	s24 =	sld [smem:$0x3FFE];
	[sflag:s23] =	ssyncadd.s32 $0xFFFFFFFF  }
0xab: {  	s26 =	simm.s32 $execute0_lowered;
	[smem:$0x3FD2] =	sst s25  }
0xac: {  	s5 =	sshll.u32 s26, $0x1;
	_ =	strace $0x80000049;
	[dreg:$0x1] =	wrdreg $0xFFFFFFFF  }
0xad: {  	s28 =	simm.s32 $_size_execute0_lowered;
	s3 =	sadd.s32 s3, s5;
	[dreg:$0x0] =	wrdreg $0x0  }
0xae: {  	s5 =	sshll.u32 s28, $0x1;
	[dreg:$0x2] =	wrdreg s3  }
0xaf: {  	[dreg:$0x3] =	wrdreg s5  }
0xb0: {  	[dreg:$0x4] =	wrdreg $0xC0  }
0xb1: {  	_ =	task [dreg:s7], $0x5FFFF  }
0xb2: {  	[dreg:$0x1] =	wrdreg $0xFFFFFFFF  }
0xb3: {  	[dreg:$0x0] =	wrdreg $0x60  }
0xb4: {  	[dreg:$0x2] =	wrdreg s24  }
0xb5: {  	[dreg:$0x3] =	wrdreg s16  }
0xb6: {  	[dreg:$0x4] =	wrdreg $0x150000  }
0xb7: {  	[dreg:$0x5] =	wrdreg $0x9  }
0xb8: {  	_ =	task.clear_ibuf [dreg:s7], $0x6FFFF;
	_ =	strace $0x90000049  }
0xb9: {  	s29 =	simm.s32 $0x9;
	_ =	strace $0x8000004B  }
0xba: {  	_ =	swait.ge [sflag:s29], $0x1  }
0xbb: {  	[sflag:s29] =	ssyncadd.s32 $0xFFFFFFFF  }
0xbc: {  	_ =	strace $0x9000004B  }
0xbd: {  	_ =	sfence  }
0xbe: {  	s30 =	sld [smem:$0x0];
	_ =	sdelay $0x2  }
0xbf: {  	s31 =	sshll.u32 s1, $0xD;
	s1 =	sshrl.u32 s1, $0x2  }
0xc0: {  	s3 =	sand.u32 $0x4000, s31;
	s1 =	sadd.s32 s1, s30  }
0xc1: {  	s0 =	sor.u32 s3, s0;
	s1 =	sshll.u32 s1, $0x11  }
0xc2: {  	s0 =	sor.u32 s1, s0  }
0xc3: {  	s0 =	sadd.s32 $0x8F2B, s0  }
0xc4: {  	[sflag:s0] =	ssyncadd.remote.s32 $0x1  }
0xc5: {  	_ =	sfence.sel $0xFFFF  }
0xc6: {  	[dreg:$0x0] =	wrdreg $0xFFFFFFFF;
	(pc) =	sbr.abs _section_cstart, $3  }
0xc7: {  	[dreg:$0x1] =	wrdreg $0xFFFFFFFF  }
0xc8: {  	_ =	task.clear_ibuf [dreg:s7], $0x2FFFF;
	_ =	strace $0x9FFFFFFF  }
0xc9: {  	(tm) =	ssettm $0x7FFFFFFF  }
tec
execute0_lowered:
.L_overlay_start_1:
0x0: {  	(tag) =	ssettag $0x1  }
0x1: {  	s5 =	rddreg [dreg:$0x0]  }
0x2: {  	s0 =	srdreg.scid;
	s2 =	rddreg [dreg:$0x1]  }
0x3: {  	s4 =	stileid.u32;
	s3 =	rddreg [dreg:$0x2]  }
0x4: {  	s13 =	simm.s32 $0x0;
	s14 =	simm.s32 $0x5000;
	s15 =	simm.s32 $0x11  }
0x5: {  	s17 =	simm.s32 $0x80;
	s18 =	simm.s32 $0x7000;
	s29 =	simm.s32 $0x11000  }
0x6: {  	s31 =	simm.s32 $0x13000;
	s16 =	simm.s32 $0x2;
	s28 =	simm.s32 $0x7  }
0x7: {  	s30 =	simm.s32 $0x9;
	s9 =	simm.s32 $0xD;
	s10 =	simm.s32 $0xE  }
0x8: {  	s11 =	simm.s32 $0xF;
	s12 =	simm.s32 $0x10;
	s7 =	smul.u32 $0x14000, s4  }
0x9: {  	s0 =	sand.u32 $0x1, s0;
	[smem:$0x7FF] =	sst s13;
	s8 =	smul.u32 $0x28000, s4  }
0xa: {  	s1 =	sshll.u32 s0, $0x4;
	s6 =	smul.u32 $0x140000, s0;
	_ =	strace $0x8000004A  }
0xb: {  	s0 =	ssub.s32 $0x2, s0;
	s1 =	sor.u32 s4, s1;
	s19 =	sshrl.u32 s8, $0x2  }
0xc: {  	s20 =	sshrl.u32 s0, $0x1;
	s8 =	simm.s32 $0xC;
	s1 =	smul.u32 $0x2800, s1  }
0xd: {  	s6 =	sadd.s32 s7, s6;
	s21 =	sadd.s32 s19, s3;
	s0 =	ssub.s32 s0, s20  }
0xe: {  	s20 =	simm.s32 $0x9000;
	s22 =	sadd.s32 $0x2000, s21;
	[dreg:$0x5] =	wrdreg s21  }
0xf: {  	s19 =	simm.s32 $0x3;
	s23 =	sadd.s32 $0x4000, s21;
	[dreg:$0x6] =	wrdreg s22  }
0x10: {  	s7 =	simm.s32 $0xB;
	s24 =	sadd.s32 $0x6000, s21;
	[dreg:$0x7] =	wrdreg s23  }
0x11: {  	s6 =	sshrl.u32 s6, $0x3;
	s4 =	sadd.s32 $0x8000, s21;
	[dreg:$0x8] =	wrdreg s24  }
0x12: {  	s0 =	smax.u32 s0, $0x1;
	s1 =	sshrl.u32 s1, $0x3;
	[dreg:$0x9] =	wrdreg s4  }
0x13: {  	s21 =	simm.s32 $0x4;
	[dreg:$0xd] =	wrdreg s0;
	s1 =	sadd.s32 s1, s5  }
0x14: {  	s22 =	simm.s32 $0xB000;
	s24 =	simm.s32 $0xD000;
	s25 =	sadd.s32 $0x5000, s1  }
0x15: {  	s5 =	sadd.s32 s6, s5;
	s1 =	sadd.s32 $0xF000, s1;
	[dreg:$0xa] =	wrdreg s25  }
0x16: {  	s23 =	simm.s32 $0x5;
	s26 =	sadd.s32 $0x69000, s5;
	[dreg:$0xb] =	wrdreg s1  }
0x17: {  	s0 =	simm.s32 $0x8;
	s6 =	simm.s32 $0xA;
	[dreg:$0xc] =	wrdreg s26  }
0x18: {  	v0 =	vimm.f32 $0.0e+00;
	s26 =	simm.s32 $0xF000;
	s1 =	simm.s32 $0x1;
	s25 =	simm.s32 $0x6  }
.LBB2_1:
0x19: {  	[dreg:$0x4] =	wrdreg s13;
	s13 =	simm.s32 $0x100;
	s5 =	simm.s32 $0x0  }
.LBB2_2:
0x1a: {  	p0 =	sne.s32 s13, $0x7F00;
	[tilespmem:s5+$0x5030] =	vst v0;
	s4 =	smov.u32 s13;
	s13 =	sadd.s32 $0x100, s13  }
.Ltmp0:
0x1b: {  	[tilespmem:s5+$0x5020] =	vst v0;
	(pc) =	sbr.rel @p0 .LBB2_2-.Ltmp0, $3  }
0x1c: {  	[tilespmem:s5+$0x5000] =	vst v0  }
0x1d: {  	[tilespmem:s5+$0x5010] =	vst v0;
	_ =	sdelay $0x1  }
0x1e: {  	s5 =	sshra.s32 s4, $0x2  }
0x1f: {  	[tilespmem:s5+$0x5030] =	vst v0  }
0x20: {  	[tilespmem:s5+$0x5020] =	vst v0  }
0x21: {  	[tilespmem:s5+$0x5000] =	vst v0  }
0x22: {  	[tilespmem:s5+$0x5010] =	vst v0;
	s4 =	rddreg [dreg:$0x5]  }
0x23: {  	[spmem:s4] =	stream.linear.scatter [tilespmem:s14], [sflag:$0x11], $0x2000, $0x38;
	[tilespmem:$0x1F000] =	vst v63  }
0x24: {  	_ =	swait.ge [sflag:s15], $0x2000  }
0x25: {  	[sflag:s15] =	ssyncset.done $0x0  }
0x26: {  	s13 =	rddreg [dreg:$0x6];
	[sflag:s15] =	ssyncadd.s32 $0xFFFFE000  }
0x27: {  	[spmem:s13] =	stream.linear.scatter [tilespmem:s14], [sflag:$0x11], $0x2000, $0x38;
	[tilespmem:$0x1F000] =	vst v63  }
0x28: {  	_ =	swait.ge [sflag:s15], $0x2000  }
0x29: {  	[sflag:s15] =	ssyncset.done $0x0  }
0x2a: {  	s5 =	rddreg [dreg:$0x7];
	[sflag:s15] =	ssyncadd.s32 $0xFFFFE000  }
0x2b: {  	[spmem:s5] =	stream.linear.scatter [tilespmem:s14], [sflag:$0x11], $0x2000, $0x38;
	[tilespmem:$0x1F000] =	vst v63  }
0x2c: {  	_ =	swait.ge [sflag:s15], $0x2000  }
0x2d: {  	[sflag:s15] =	ssyncset.done $0x0  }
0x2e: {  	s13 =	rddreg [dreg:$0x8];
	[sflag:s15] =	ssyncadd.s32 $0xFFFFE000  }
0x2f: {  	[spmem:s13] =	stream.linear.scatter [tilespmem:s14], [sflag:$0x11], $0x2000, $0x38;
	[tilespmem:$0x1F000] =	vst v63  }
0x30: {  	_ =	swait.ge [sflag:s15], $0x2000  }
0x31: {  	[sflag:s15] =	ssyncset.done $0x0  }
0x32: {  	s5 =	rddreg [dreg:$0x9];
	[sflag:s15] =	ssyncadd.s32 $0xFFFFE000  }
0x33: {  	[spmem:s5] =	stream.linear.scatter [tilespmem:s14], [sflag:$0x11], $0x2000, $0x38;
	[tilespmem:$0x1F000] =	vst v63  }
0x34: {  	_ =	swait.ge [sflag:s15], $0x2000  }
0x35: {  	[sflag:s15] =	ssyncset.done $0x0  }
0x36: {  	s4 =	simm.s32 $0x0;
	s13 =	rddreg [dreg:$0xa];
	[sflag:s15] =	ssyncadd.s32 $0xFFFFE000  }
0x37: {  	[tilespmem:s4], [sflag:$0x11] =	stream.linear.gather [hbm4b:s13+s4], $0x2800, $0x38;
	[tilespmem:$0x1F000] =	vst v63  }
0x38: {  	_ =	swait.ge [sflag:s15], $0x2800  }
0x39: {  	[sflag:s15] =	ssyncset.done $0x0  }
0x3a: {  	s13 =	simm.s32 $0x2800;
	s5 =	rddreg [dreg:$0xb];
	[sflag:s15] =	ssyncadd.s32 $0xFFFFD800  }
0x3b: {  	[tilespmem:s13], [sflag:$0x11] =	stream.linear.gather [hbm4b:s5+s4], $0x2800, $0x38;
	[tilespmem:$0x1F000] =	vst v63  }
0x3c: {  	_ =	swait.ge [sflag:s15], $0x2800  }
0x3d: {  	[sflag:s15] =	ssyncset.done $0x0  }
0x3e: {  	[sflag:s15] =	ssyncadd.s32 $0xFFFFD800  }
0x3f: {  	[bflag:$0x0] =	sbarrier.arrive $0xFFFF  }
0x40: {  	[tilespmem:s14], [sflag:$0x1] =	stream.indirect.gather [hbm4b:s2+s17], $0x40, s4, s17, $0xb8;
	[tilespmem:$0x1F000] =	vst v63  }
0x41: {  	_ = 	snop  }
0x42: {  	[tilespmem:s18], [sflag:$0x2] =	stream.indirect.gather [hbm4b:s2+s17], $0x40, s17, s17, $0xb8;
	[tilespmem:$0x1F000] =	vst v63  }
0x43: {  	s13 =	simm.s32 $0x100  }
0x44: {  	[tilespmem:s20], [sflag:$0x3] =	stream.indirect.gather [hbm4b:s2+s17], $0x40, s13, s17, $0xb8;
	[tilespmem:$0x1F000] =	vst v63  }
0x45: {  	s5 =	simm.s32 $0x180  }
0x46: {  	[tilespmem:s22], [sflag:$0x4] =	stream.indirect.gather [hbm4b:s2+s17], $0x40, s5, s17, $0xb8;
	[tilespmem:$0x1F000] =	vst v63  }
0x47: {  	s13 =	simm.s32 $0x200  }
0x48: {  	[tilespmem:s24], [sflag:$0x5] =	stream.indirect.gather [hbm4b:s2+s17], $0x40, s13, s17, $0xb8;
	[tilespmem:$0x1F000] =	vst v63  }
0x49: {  	s5 =	simm.s32 $0x280  }
0x4a: {  	[tilespmem:s26], [sflag:$0x6] =	stream.indirect.gather [hbm4b:s2+s17], $0x40, s5, s17, $0xb8;
	[tilespmem:$0x1F000] =	vst v63  }
0x4b: {  	s13 =	simm.s32 $0x300  }
0x4c: {  	[tilespmem:s29], [sflag:$0x7] =	stream.indirect.gather [hbm4b:s2+s17], $0x40, s13, s17, $0xb8;
	[tilespmem:$0x1F000] =	vst v63  }
0x4d: {  	s5 =	simm.s32 $0x380  }
0x4e: {  	[tilespmem:s31], [sflag:$0x8] =	stream.indirect.gather [hbm4b:s2+s17], $0x40, s5, s17, $0xb8;
	[tilespmem:$0x1F000] =	vst v63  }
0x4f: {  	_ =	swait.ge [sflag:s1], $0x2000  }
0x50: {  	[sflag:s1] =	ssyncset.done $0x0  }
0x51: {  	s13 =	simm.s32 $0x2800;
	[sflag:s1] =	ssyncadd.s32 $0xFFFFE000  }
0x52: {  	[spmem:s3] =	stream.indirect.scatter.add.f32 [tilespmem:s14], [sflag:$0x9], $0x40, s13, s17, $0xb8;
	[tilespmem:$0x1F000] =	vst v63  }
0x53: {  	_ =	swait.ge [sflag:s16], $0x2000  }
0x54: {  	[sflag:s16] =	ssyncset.done $0x0  }
0x55: {  	s5 =	simm.s32 $0x2880;
	[sflag:s16] =	ssyncadd.s32 $0xFFFFE000  }
0x56: {  	[spmem:s3] =	stream.indirect.scatter.add.f32 [tilespmem:s18], [sflag:$0xA], $0x40, s5, s17, $0xb8;
	[tilespmem:$0x1F000] =	vst v63  }
0x57: {  	_ =	swait.ge [sflag:s19], $0x2000  }
0x58: {  	[sflag:s19] =	ssyncset.done $0x0  }
0x59: {  	s13 =	simm.s32 $0x2900;
	[sflag:s19] =	ssyncadd.s32 $0xFFFFE000  }
0x5a: {  	[spmem:s3] =	stream.indirect.scatter.add.f32 [tilespmem:s20], [sflag:$0xB], $0x40, s13, s17, $0xb8;
	[tilespmem:$0x1F000] =	vst v63  }
0x5b: {  	_ =	swait.ge [sflag:s21], $0x2000  }
0x5c: {  	[sflag:s21] =	ssyncset.done $0x0  }
0x5d: {  	s5 =	simm.s32 $0x2980;
	[sflag:s21] =	ssyncadd.s32 $0xFFFFE000  }
0x5e: {  	[spmem:s3] =	stream.indirect.scatter.add.f32 [tilespmem:s22], [sflag:$0xC], $0x40, s5, s17, $0xb8;
	[tilespmem:$0x1F000] =	vst v63  }
0x5f: {  	_ =	swait.ge [sflag:s23], $0x2000  }
0x60: {  	[sflag:s23] =	ssyncset.done $0x0  }
0x61: {  	s13 =	simm.s32 $0x2A00;
	[sflag:s23] =	ssyncadd.s32 $0xFFFFE000  }
0x62: {  	[spmem:s3] =	stream.indirect.scatter.add.f32 [tilespmem:s24], [sflag:$0xD], $0x40, s13, s17, $0xb8;
	[tilespmem:$0x1F000] =	vst v63  }
0x63: {  	_ =	swait.ge [sflag:s25], $0x2000  }
0x64: {  	[sflag:s25] =	ssyncset.done $0x0  }
0x65: {  	s5 =	simm.s32 $0x2A80;
	[sflag:s25] =	ssyncadd.s32 $0xFFFFE000  }
0x66: {  	[spmem:s3] =	stream.indirect.scatter.add.f32 [tilespmem:s26], [sflag:$0xE], $0x40, s5, s17, $0xb8;
	[tilespmem:$0x1F000] =	vst v63  }
0x67: {  	_ =	swait.ge [sflag:s28], $0x2000  }
0x68: {  	[sflag:s28] =	ssyncset.done $0x0  }
0x69: {  	s13 =	simm.s32 $0x2B00;
	[sflag:s28] =	ssyncadd.s32 $0xFFFFE000  }
0x6a: {  	[spmem:s3] =	stream.indirect.scatter.add.f32 [tilespmem:s29], [sflag:$0xF], $0x40, s13, s17, $0xb8;
	[tilespmem:$0x1F000] =	vst v63  }
0x6b: {  	_ =	swait.ge [sflag:s0], $0x2000  }
0x6c: {  	[sflag:s0] =	ssyncset.done $0x0  }
0x6d: {  	s5 =	simm.s32 $0x2B80;
	[sflag:s0] =	ssyncadd.s32 $0xFFFFE000  }
0x6e: {  	[spmem:s3] =	stream.indirect.scatter.add.f32 [tilespmem:s31], [sflag:$0x10], $0x40, s5, s17, $0xb8;
	[tilespmem:$0x1F000] =	vst v63  }
0x6f: {  	_ =	swait.ge [sflag:s30], $0x2000  }
0x70: {  	[sflag:s30] =	ssyncset.done $0x0  }
0x71: {  	s13 =	simm.s32 $0x400;
	[sflag:s30] =	ssyncadd.s32 $0xFFFFE000  }
0x72: {  	[tilespmem:s14], [sflag:$0x1] =	stream.indirect.gather [hbm4b:s2+s17], $0x40, s13, s17, $0xb8;
	[tilespmem:$0x1F000] =	vst v63  }
0x73: {  	_ =	swait.ge [sflag:s6], $0x2000  }
0x74: {  	[sflag:s6] =	ssyncset.done $0x0  }
0x75: {  	s5 =	simm.s32 $0x480;
	[sflag:s6] =	ssyncadd.s32 $0xFFFFE000  }
0x76: {  	[tilespmem:s18], [sflag:$0x2] =	stream.indirect.gather [hbm4b:s2+s17], $0x40, s5, s17, $0xb8;
	[tilespmem:$0x1F000] =	vst v63  }
0x77: {  	_ =	swait.ge [sflag:s7], $0x2000  }
0x78: {  	[sflag:s7] =	ssyncset.done $0x0  }
0x79: {  	s13 =	simm.s32 $0x500;
	[sflag:s7] =	ssyncadd.s32 $0xFFFFE000  }
0x7a: {  	[tilespmem:s20], [sflag:$0x3] =	stream.indirect.gather [hbm4b:s2+s17], $0x40, s13, s17, $0xb8;
	[tilespmem:$0x1F000] =	vst v63  }
0x7b: {  	_ =	swait.ge [sflag:s8], $0x2000  }
0x7c: {  	[sflag:s8] =	ssyncset.done $0x0  }
0x7d: {  	s5 =	simm.s32 $0x580;
	[sflag:s8] =	ssyncadd.s32 $0xFFFFE000  }
0x7e: {  	[tilespmem:s22], [sflag:$0x4] =	stream.indirect.gather [hbm4b:s2+s17], $0x40, s5, s17, $0xb8;
	[tilespmem:$0x1F000] =	vst v63  }
0x7f: {  	_ =	swait.ge [sflag:s9], $0x2000  }
0x80: {  	[sflag:s9] =	ssyncset.done $0x0  }
0x81: {  	s13 =	simm.s32 $0x600;
	[sflag:s9] =	ssyncadd.s32 $0xFFFFE000  }
0x82: {  	[tilespmem:s24], [sflag:$0x5] =	stream.indirect.gather [hbm4b:s2+s17], $0x40, s13, s17, $0xb8;
	[tilespmem:$0x1F000] =	vst v63  }
0x83: {  	_ =	swait.ge [sflag:s10], $0x2000  }
0x84: {  	[sflag:s10] =	ssyncset.done $0x0  }
0x85: {  	s5 =	simm.s32 $0x680;
	[sflag:s10] =	ssyncadd.s32 $0xFFFFE000  }
0x86: {  	[tilespmem:s26], [sflag:$0x6] =	stream.indirect.gather [hbm4b:s2+s17], $0x40, s5, s17, $0xb8;
	[tilespmem:$0x1F000] =	vst v63  }
0x87: {  	_ =	swait.ge [sflag:s11], $0x2000  }
0x88: {  	[sflag:s11] =	ssyncset.done $0x0  }
0x89: {  	s13 =	simm.s32 $0x700;
	[sflag:s11] =	ssyncadd.s32 $0xFFFFE000  }
0x8a: {  	[tilespmem:s29], [sflag:$0x7] =	stream.indirect.gather [hbm4b:s2+s17], $0x40, s13, s17, $0xb8;
	[tilespmem:$0x1F000] =	vst v63  }
0x8b: {  	_ =	swait.ge [sflag:s12], $0x2000  }
0x8c: {  	[sflag:s12] =	ssyncset.done $0x0  }
0x8d: {  	s5 =	simm.s32 $0x780;
	s13 =	simm.s32 $0x1000;
	[sflag:s12] =	ssyncadd.s32 $0xFFFFE000  }
.LBB2_4:
0x8e: {  	[tilespmem:s31], [sflag:$0x8] =	stream.indirect.gather [hbm4b:s2+s17], $0x40, s5, s17, $0xb8;
	[tilespmem:$0x1F000] =	vst v63  }
0x8f: {  	s4 =	smov.u32 s13  }
0x90: {  	p0 =	sne.s32 s13, $0x8000;
	s13 =	sadd.s32 $0x1000, s13;
	_ =	swait.ge [sflag:s1], $0x2000  }
0x91: {  	s5 =	sshra.s32 s4, $0x2;
	[sflag:s1] =	ssyncset.done $0x0  }
0x92: {  	s4 =	sadd.s32 $0x2800, s5;
	[sflag:s1] =	ssyncadd.s32 $0xFFFFE000  }
0x93: {  	[spmem:s3] =	stream.indirect.scatter.add.f32 [tilespmem:s14], [sflag:$0x9], $0x40, s4, s17, $0xb8;
	[tilespmem:$0x1F000] =	vst v63  }
0x94: {  	_ =	swait.ge [sflag:s16], $0x2000  }
0x95: {  	[sflag:s16] =	ssyncset.done $0x0  }
0x96: {  	s4 =	sadd.s32 $0x2880, s5;
	[sflag:s16] =	ssyncadd.s32 $0xFFFFE000  }
0x97: {  	[spmem:s3] =	stream.indirect.scatter.add.f32 [tilespmem:s18], [sflag:$0xA], $0x40, s4, s17, $0xb8;
	[tilespmem:$0x1F000] =	vst v63  }
0x98: {  	_ =	swait.ge [sflag:s19], $0x2000  }
0x99: {  	[sflag:s19] =	ssyncset.done $0x0  }
0x9a: {  	s4 =	sadd.s32 $0x2900, s5;
	[sflag:s19] =	ssyncadd.s32 $0xFFFFE000  }
0x9b: {  	[spmem:s3] =	stream.indirect.scatter.add.f32 [tilespmem:s20], [sflag:$0xB], $0x40, s4, s17, $0xb8;
	[tilespmem:$0x1F000] =	vst v63  }
0x9c: {  	_ =	swait.ge [sflag:s21], $0x2000  }
0x9d: {  	[sflag:s21] =	ssyncset.done $0x0  }
0x9e: {  	s4 =	sadd.s32 $0x2980, s5;
	[sflag:s21] =	ssyncadd.s32 $0xFFFFE000  }
0x9f: {  	[spmem:s3] =	stream.indirect.scatter.add.f32 [tilespmem:s22], [sflag:$0xC], $0x40, s4, s17, $0xb8;
	[tilespmem:$0x1F000] =	vst v63  }
0xa0: {  	_ =	swait.ge [sflag:s23], $0x2000  }
0xa1: {  	[sflag:s23] =	ssyncset.done $0x0  }
0xa2: {  	s4 =	sadd.s32 $0x2A00, s5;
	[sflag:s23] =	ssyncadd.s32 $0xFFFFE000  }
0xa3: {  	[spmem:s3] =	stream.indirect.scatter.add.f32 [tilespmem:s24], [sflag:$0xD], $0x40, s4, s17, $0xb8;
	[tilespmem:$0x1F000] =	vst v63  }
0xa4: {  	_ =	swait.ge [sflag:s25], $0x2000  }
0xa5: {  	[sflag:s25] =	ssyncset.done $0x0  }
0xa6: {  	s4 =	sadd.s32 $0x2A80, s5;
	[sflag:s25] =	ssyncadd.s32 $0xFFFFE000  }
0xa7: {  	[spmem:s3] =	stream.indirect.scatter.add.f32 [tilespmem:s26], [sflag:$0xE], $0x40, s4, s17, $0xb8;
	[tilespmem:$0x1F000] =	vst v63  }
0xa8: {  	_ =	swait.ge [sflag:s28], $0x2000  }
0xa9: {  	[sflag:s28] =	ssyncset.done $0x0  }
0xaa: {  	s4 =	sadd.s32 $0x2B00, s5;
	[sflag:s28] =	ssyncadd.s32 $0xFFFFE000  }
0xab: {  	[spmem:s3] =	stream.indirect.scatter.add.f32 [tilespmem:s29], [sflag:$0xF], $0x40, s4, s17, $0xb8;
	[tilespmem:$0x1F000] =	vst v63  }
0xac: {  	_ =	swait.ge [sflag:s0], $0x2000  }
0xad: {  	[sflag:s0] =	ssyncset.done $0x0  }
0xae: {  	s4 =	sadd.s32 $0x2B80, s5;
	[sflag:s0] =	ssyncadd.s32 $0xFFFFE000  }
0xaf: {  	[spmem:s3] =	stream.indirect.scatter.add.f32 [tilespmem:s31], [sflag:$0x10], $0x40, s4, s17, $0xb8;
	[tilespmem:$0x1F000] =	vst v63  }
0xb0: {  	_ =	swait.ge [sflag:s30], $0x2000  }
0xb1: {  	[sflag:s30] =	ssyncset.done $0x0  }
0xb2: {  	s4 =	sadd.s32 $0x400, s5;
	[sflag:s30] =	ssyncadd.s32 $0xFFFFE000  }
0xb3: {  	[tilespmem:s14], [sflag:$0x1] =	stream.indirect.gather [hbm4b:s2+s17], $0x40, s4, s17, $0xb8;
	[tilespmem:$0x1F000] =	vst v63  }
0xb4: {  	_ =	swait.ge [sflag:s6], $0x2000  }
0xb5: {  	[sflag:s6] =	ssyncset.done $0x0  }
0xb6: {  	s4 =	sadd.s32 $0x480, s5;
	[sflag:s6] =	ssyncadd.s32 $0xFFFFE000  }
0xb7: {  	[tilespmem:s18], [sflag:$0x2] =	stream.indirect.gather [hbm4b:s2+s17], $0x40, s4, s17, $0xb8;
	[tilespmem:$0x1F000] =	vst v63  }
0xb8: {  	_ =	swait.ge [sflag:s7], $0x2000  }
0xb9: {  	[sflag:s7] =	ssyncset.done $0x0  }
0xba: {  	s4 =	sadd.s32 $0x500, s5;
	[sflag:s7] =	ssyncadd.s32 $0xFFFFE000  }
0xbb: {  	[tilespmem:s20], [sflag:$0x3] =	stream.indirect.gather [hbm4b:s2+s17], $0x40, s4, s17, $0xb8;
	[tilespmem:$0x1F000] =	vst v63  }
0xbc: {  	_ =	swait.ge [sflag:s8], $0x2000  }
0xbd: {  	[sflag:s8] =	ssyncset.done $0x0  }
0xbe: {  	s4 =	sadd.s32 $0x580, s5;
	[sflag:s8] =	ssyncadd.s32 $0xFFFFE000  }
0xbf: {  	[tilespmem:s22], [sflag:$0x4] =	stream.indirect.gather [hbm4b:s2+s17], $0x40, s4, s17, $0xb8;
	[tilespmem:$0x1F000] =	vst v63  }
0xc0: {  	_ =	swait.ge [sflag:s9], $0x2000  }
0xc1: {  	[sflag:s9] =	ssyncset.done $0x0  }
0xc2: {  	s4 =	sadd.s32 $0x600, s5;
	[sflag:s9] =	ssyncadd.s32 $0xFFFFE000  }
0xc3: {  	[tilespmem:s24], [sflag:$0x5] =	stream.indirect.gather [hbm4b:s2+s17], $0x40, s4, s17, $0xb8;
	[tilespmem:$0x1F000] =	vst v63  }
0xc4: {  	_ =	swait.ge [sflag:s10], $0x2000  }
0xc5: {  	[sflag:s10] =	ssyncset.done $0x0  }
0xc6: {  	s4 =	sadd.s32 $0x680, s5;
	[sflag:s10] =	ssyncadd.s32 $0xFFFFE000  }
0xc7: {  	[tilespmem:s26], [sflag:$0x6] =	stream.indirect.gather [hbm4b:s2+s17], $0x40, s4, s17, $0xb8;
	[tilespmem:$0x1F000] =	vst v63  }
0xc8: {  	_ =	swait.ge [sflag:s11], $0x2000  }
0xc9: {  	[sflag:s11] =	ssyncset.done $0x0  }
.Ltmp1:
0xca: {  	s4 =	sadd.s32 $0x700, s5;
	[sflag:s11] =	ssyncadd.s32 $0xFFFFE000;
	(pc) =	sbr.rel @p0 .LBB2_4-.Ltmp1, $4  }
0xcb: {  	[tilespmem:s29], [sflag:$0x7] =	stream.indirect.gather [hbm4b:s2+s17], $0x40, s4, s17, $0xb8;
	[tilespmem:$0x1F000] =	vst v63  }
0xcc: {  	_ =	swait.ge [sflag:s12], $0x2000  }
0xcd: {  	[sflag:s12] =	ssyncset.done $0x0  }
0xce: {  	s5 =	sadd.s32 $0x780, s5;
	[sflag:s12] =	ssyncadd.s32 $0xFFFFE000  }
0xcf: {  	[tilespmem:s31], [sflag:$0x8] =	stream.indirect.gather [hbm4b:s2+s17], $0x40, s5, s17, $0xb8;
	[tilespmem:$0x1F000] =	vst v63  }
0xd0: {  	_ =	swait.ge [sflag:s1], $0x2000  }
0xd1: {  	[sflag:s1] =	ssyncset.done $0x0  }
0xd2: {  	s4 =	simm.s32 $0x4C00;
	[sflag:s1] =	ssyncadd.s32 $0xFFFFE000  }
0xd3: {  	[spmem:s3] =	stream.indirect.scatter.add.f32 [tilespmem:s14], [sflag:$0x9], $0x40, s4, s17, $0xb8;
	[tilespmem:$0x1F000] =	vst v63  }
0xd4: {  	_ =	swait.ge [sflag:s16], $0x2000  }
0xd5: {  	[sflag:s16] =	ssyncset.done $0x0  }
0xd6: {  	s13 =	simm.s32 $0x4C80;
	[sflag:s16] =	ssyncadd.s32 $0xFFFFE000  }
0xd7: {  	[spmem:s3] =	stream.indirect.scatter.add.f32 [tilespmem:s18], [sflag:$0xA], $0x40, s13, s17, $0xb8;
	[tilespmem:$0x1F000] =	vst v63  }
0xd8: {  	_ =	swait.ge [sflag:s19], $0x2000  }
0xd9: {  	[sflag:s19] =	ssyncset.done $0x0  }
0xda: {  	s5 =	simm.s32 $0x4D00;
	[sflag:s19] =	ssyncadd.s32 $0xFFFFE000  }
0xdb: {  	[spmem:s3] =	stream.indirect.scatter.add.f32 [tilespmem:s20], [sflag:$0xB], $0x40, s5, s17, $0xb8;
	[tilespmem:$0x1F000] =	vst v63  }
0xdc: {  	_ =	swait.ge [sflag:s21], $0x2000  }
0xdd: {  	[sflag:s21] =	ssyncset.done $0x0  }
0xde: {  	s13 =	simm.s32 $0x4D80;
	[sflag:s21] =	ssyncadd.s32 $0xFFFFE000  }
0xdf: {  	[spmem:s3] =	stream.indirect.scatter.add.f32 [tilespmem:s22], [sflag:$0xC], $0x40, s13, s17, $0xb8;
	[tilespmem:$0x1F000] =	vst v63  }
0xe0: {  	_ =	swait.ge [sflag:s23], $0x2000  }
0xe1: {  	[sflag:s23] =	ssyncset.done $0x0  }
0xe2: {  	s5 =	simm.s32 $0x4E00;
	[sflag:s23] =	ssyncadd.s32 $0xFFFFE000  }
0xe3: {  	[spmem:s3] =	stream.indirect.scatter.add.f32 [tilespmem:s24], [sflag:$0xD], $0x40, s5, s17, $0xb8;
	[tilespmem:$0x1F000] =	vst v63  }
0xe4: {  	_ =	swait.ge [sflag:s25], $0x2000  }
0xe5: {  	[sflag:s25] =	ssyncset.done $0x0  }
0xe6: {  	s13 =	simm.s32 $0x4E80;
	[sflag:s25] =	ssyncadd.s32 $0xFFFFE000  }
0xe7: {  	[spmem:s3] =	stream.indirect.scatter.add.f32 [tilespmem:s26], [sflag:$0xE], $0x40, s13, s17, $0xb8;
	[tilespmem:$0x1F000] =	vst v63  }
0xe8: {  	_ =	swait.ge [sflag:s28], $0x2000  }
0xe9: {  	[sflag:s28] =	ssyncset.done $0x0  }
0xea: {  	s5 =	simm.s32 $0x4F00;
	[sflag:s28] =	ssyncadd.s32 $0xFFFFE000  }
0xeb: {  	[spmem:s3] =	stream.indirect.scatter.add.f32 [tilespmem:s29], [sflag:$0xF], $0x40, s5, s17, $0xb8;
	[tilespmem:$0x1F000] =	vst v63  }
0xec: {  	_ =	swait.ge [sflag:s0], $0x2000  }
0xed: {  	[sflag:s0] =	ssyncset.done $0x0  }
0xee: {  	s13 =	simm.s32 $0x4F80;
	[sflag:s0] =	ssyncadd.s32 $0xFFFFE000  }
0xef: {  	[spmem:s3] =	stream.indirect.scatter.add.f32 [tilespmem:s31], [sflag:$0x10], $0x40, s13, s17, $0xb8;
	[tilespmem:$0x1F000] =	vst v63  }
0xf0: {  	_ =	swait.ge [sflag:s30], $0x2000  }
0xf1: {  	[sflag:s30] =	ssyncset.done $0x0  }
0xf2: {  	[sflag:s30] =	ssyncadd.s32 $0xFFFFE000  }
0xf3: {  	_ =	swait.ge [sflag:s6], $0x2000  }
0xf4: {  	[sflag:s6] =	ssyncset.done $0x0  }
0xf5: {  	[sflag:s6] =	ssyncadd.s32 $0xFFFFE000  }
0xf6: {  	_ =	swait.ge [sflag:s7], $0x2000  }
0xf7: {  	[sflag:s7] =	ssyncset.done $0x0  }
0xf8: {  	[sflag:s7] =	ssyncadd.s32 $0xFFFFE000  }
0xf9: {  	_ =	swait.ge [sflag:s8], $0x2000  }
0xfa: {  	[sflag:s8] =	ssyncset.done $0x0  }
0xfb: {  	[sflag:s8] =	ssyncadd.s32 $0xFFFFE000  }
0xfc: {  	_ =	swait.ge [sflag:s9], $0x2000  }
0xfd: {  	[sflag:s9] =	ssyncset.done $0x0  }
0xfe: {  	[sflag:s9] =	ssyncadd.s32 $0xFFFFE000  }
0xff: {  	_ =	swait.ge [sflag:s10], $0x2000  }
0x100: {  	[sflag:s10] =	ssyncset.done $0x0  }
0x101: {  	[sflag:s10] =	ssyncadd.s32 $0xFFFFE000  }
0x102: {  	_ =	swait.ge [sflag:s11], $0x2000  }
0x103: {  	[sflag:s11] =	ssyncset.done $0x0  }
0x104: {  	[sflag:s11] =	ssyncadd.s32 $0xFFFFE000  }
0x105: {  	_ =	swait.ge [sflag:s12], $0x2000  }
0x106: {  	[sflag:s12] =	ssyncset.done $0x0  }
0x107: {  	[sflag:s12] =	ssyncadd.s32 $0xFFFFE000  }
0x108: {  	s5 =	stileid.u32;
	[bflag:$0x0] =	sbarrier.arrive $0xFFFF  }
0x109: {  	s4 =	sshll.u32 s5, $0x6;
	s13 =	rddreg [dreg:$0x5]  }
0x10a: {  	s4 =	sor.u32 $0x1C11, s4;
	s5 =	sshrl.u32 s13, $0x3;
	s13 =	rddreg [dreg:$0xc]  }
0x10b: {  	[hbm:s13@s12], [sflag:s4] =	dma.strided [spmem:s5@s0], $0x1400, s1, $0x8   }
0x10c: {  	_ =	swait.ge [sflag:s15], $0x1400  }
0x10d: {  	s4 =	rddreg [dreg:$0x4]  }
0x10e: {  	s5 =	rddreg [dreg:$0xd];
	s13 =	sadd.s32 $0x1, s4  }
0x10f: {  	p0 =	sne.s32 s13, s5  }
.Ltmp2:
0x110: {  	_ = 	snop;
	(pc) =	sbr.rel @p0 .LBB2_1-.Ltmp2, $3  }
0x111: {  	_ =	sdelay $0x1  }
0x112: {  	[sflag:s15] =	ssyncset.done $0x0  }
0x113: {  	[sflag:s15] =	ssyncadd.s32 $0xFFFFEC00  }
0x114: {  	_ =	sfence.sel $0x180000  }
0x115: {  	[bflag:$0x0] =	sbarrier.arrive $0xFFFF  }
0x116: {  	_ =	strace $0x9000004A  }
0x117: {  	s0 =	stileid.u32;
	[bflag:$0x2] =	sbarrier.arrive $0xFFFF  }
0x118: {  	p0 =	sne.s32 s0, $0x0;
	s0 =	rddreg [dreg:$0x3]  }
0x119: {  	s0 =	sadd.s32 @!p0 $0x100000, s0  }
0x11a: {  	[sflag:s0] =	ssyncadd.tile.s32 @!p0 $0x1;
	_ =	shalt  }
.Lfunc_end2:
_tile_overlayer_lowered:
.L_overlay_start_2:
0x11b: {  	(tag) =	ssettag $0x2  }
0x11c: {  	s0 =	rddreg [dreg:$0x0];
	s2 =	stileid.u32  }
0x11d: {  	s1 =	rddreg [dreg:$0x1];
	p0 =	sne.s32 s2, $0x0  }
0x11e: {  	s3 =	rddreg [dreg:$0x2];
	[bflag:$0x3] =	sbarrier.arrive $0xFFFF;
	s2 =	simm.s32 @!p0 $0x1C11  }
0x11f: {  	[timem:s3], [sflag:s2] =	dma.local @!p0 [hbm:s0], s1  }
0x120: {  	s0 =	simm.s32 @!p0 $0x11  }
0x121: {  	_ =	swait.ge @!p0 [sflag:s0], s1  }
0x122: {  	s1 =	ssub.s32 @!p0 $0x0, s1;
	[sflag:s0] =	ssyncset.done @!p0 $0x0  }
0x123: {  	[sflag:s0] =	ssyncadd.s32 @!p0 s1  }
0x124: {  	[bflag:$0x3] =	sbarrier.arrive $0xFFFF  }
0x125: {  	_ =	shalt  }

// kernel: kernel.14.cloned.1.call-start
scs
__scs_entry_jumppad:
0x0: {  	(pc) =	sbr.rel $0x88, $3  }
0x1: {  	(tag) =	ssettag $0x0;
	lr =	simm.s32 $0x1  }
0x2: {  	[smem:$0x3F8B] =	sst lr;
	_ =	strace $0xD0000000  }
0x3: {  	_ = 	snop  }
0x4: {  	_ = 	snop  }
0x5: {  	_ = 	snop  }
0x6: {  	_ = 	snop  }
0x7: {  	_ = 	snop  }
__scs_overlays_trampoline_lowered:
0x8: {  	[smem:$0x3F9A] =	sst s0  }
0x9: {  	[smem:$0x3F9B] =	sst s1  }
0xa: {  	[smem:$0x3F9C] =	sst s2  }
0xb: {  	[smem:$0x3F9D] =	sst s3  }
0xc: {  	[smem:$0x3F9E] =	sst s4  }
0xd: {  	[smem:$0x3F9F] =	sst s5  }
0xe: {  	[smem:$0x3FA0] =	sst s6  }
0xf: {  	[smem:$0x3FA1] =	sst s7  }
0x10: {  	[smem:$0x3FA2] =	sst s8  }
0x11: {  	[smem:$0x3FA3] =	sst s9;
	s0 =	simm.s32 @!p0 $0x0  }
0x12: {  	s1 =	sld [smem:$0x3F89];
	s0 =	simm.s32 @p0 $0x1  }
0x13: {  	[smem:$0x3FA4] =	sst s0;
	s0 =	simm.s32 @!p1 $0x0  }
0x14: {  	s2 =	sld [smem:$0x3F88];
	s0 =	simm.s32 @p1 $0x1  }
0x15: {  	[smem:$0x3FA5] =	sst s0;
	s0 =	simm.s32 @!p2 $0x0  }
0x16: {  	s3 =	sld [smem:$0x3FDB];
	s0 =	simm.s32 @p2 $0x1  }
0x17: {  	s4 =	simm.s32 $0x1BF5;
	[smem:$0x3FA7] =	sst s0  }
0x18: {  	s0 =	sld [smem:$0x3F8A];
	_ =	swait.ge [sflag:s4], $0x0  }
0x19: {  	s7 =	sld [smem:$0x3F8B]  }
0x1a: {  	s8 =	sadd.s32 $0xFFFFE003, lr  }
0x1b: {  	s9 =	sadd.s32 $0xFFFFFEF7, lr;
	s5 =	simm.s32 $0xFFFFFFFF;
	p2 =	slt.u32 s8, $0xFFFFF086  }
0x1c: {  	p1 =	slt.u32 s9, $0xF7A;
	s5 =	simm.s32 @!p2 $0x0  }
0x1d: {  	s5 =	simm.s32 @p1 $0x1;
	p0 =	seq.s32 s7, s2  }
0x1e: {  	s7 =	smul.u32 @!p0 $0xF7A, s2;
	p2 =	seq.s32 @!p0 s5, $0x0  }
0x1f: {  	s9 =	smul.u32 $0xF7A, s1;
	s8 =	simm.s32 @!p0 $0x1BF5;
	p2 =	por !p2, p0  }
0x20: {  	[sflag:s8] =	ssyncset.s32 @!p0 $0xFFFFF086;
	s6 =	sadd.s32 @!p0 s3, s7;
	s7 =	simm.s32 @!p0 $0x108  }
0x21: {  	s3 =	sadd.s32 s3, s9;
	s6 =	sadd.s32 @!p0 $0x88, s6;
	s7 =	simm.s32 @p2 $0x1082  }
0x22: {  	[simem:s7], [sflag:s8] =	dma.local @!p0 [hbm:s6], $0xF7A  }
0x23: {  	s9 =	sor.u32 $0xD0000000, s2;
	s6 =	simm.s32 $0x108;
	_ =	swait.ge @!p0 [sflag:s8], $0x0  }
0x24: {  	s3 =	sadd.s32 $0x88, s3;
	s6 =	simm.s32 @!p1 $0x1082;
	[sflag:s4] =	ssyncset.s32 $0xFFFFF086  }
0x25: {  	[simem:s6], [sflag:s4] =	dma.local [hbm:s3], $0xF7A  }
0x26: {  	[smem:$0x3F8B] =	sst s1;
	(tag) =	ssettag s2;
	_ =	strace s9  }
0x27: {  	s1 =	sld [smem:$0x3F9B]  }
0x28: {  	s2 =	sld [smem:$0x3F9C]  }
0x29: {  	s4 =	sld [smem:$0x3F9E]  }
0x2a: {  	p0 =	seq.s32 s5, $0x0;
	s5 =	sld [smem:$0x3F9F]  }
0x2b: {  	s6 =	sld [smem:$0x3FA0]  }
0x2c: {  	s7 =	sld [smem:$0x3FA1]  }
0x2d: {  	s3 =	simm.s32 $0x108;
	s8 =	sld [smem:$0x3FA2]  }
0x2e: {  	s3 =	simm.s32 @!p0 $0x1082;
	s9 =	sld [smem:$0x3FA3]  }
0x2f: {  	lr =	sadd.s32 s0, s3;
	s0 =	sld [smem:$0x3F9A]  }
0x30: {  	s3 =	sld [smem:$0x3F9D]  }
0x31: {  	[smem:$0x3FA6] =	sst s10  }
0x32: {  	s10 =	sld [smem:$0x3FA4];
	_ =	sdelay $0x3  }
0x33: {  	p0 =	seq.s32 s10, $0x1;
	s10 =	sld [smem:$0x3FA6];
	_ =	sdelay $0x3  }
0x34: {  	[smem:$0x3FA6] =	sst s10  }
0x35: {  	s10 =	sld [smem:$0x3FA5];
	_ =	sdelay $0x3  }
0x36: {  	p1 =	seq.s32 s10, $0x1;
	s10 =	sld [smem:$0x3FA6];
	_ =	sdelay $0x3  }
0x37: {  	[smem:$0x3FA6] =	sst s10  }
0x38: {  	s10 =	sld [smem:$0x3FA7]  }
0x39: {  	_ = 	snop;
	(pc) =	sbr.ind lr, $3  }
0x3a: {  	_ = 	snop  }
0x3b: {  	_ = 	snop  }
0x3c: {  	p2 =	seq.s32 s10, $0x1;
	s10 =	sld [smem:$0x3FA6]  }
0x3d: {  	_ =	shalt  }
0x3e: {  	_ =	shalt  }
0x3f: {  	_ =	shalt  }
0x40: {  	_ =	shalt  }
0x41: {  	_ =	shalt  }
0x42: {  	_ =	shalt  }
0x43: {  	_ =	shalt  }
0x44: {  	_ =	shalt  }
0x45: {  	_ =	shalt  }
0x46: {  	_ =	shalt  }
0x47: {  	_ =	shalt  }
0x48: {  	_ =	shalt  }
0x49: {  	_ =	shalt  }
0x4a: {  	_ =	shalt  }
0x4b: {  	_ =	shalt  }
0x4c: {  	_ =	shalt  }
0x4d: {  	_ =	shalt  }
0x4e: {  	_ =	shalt  }
0x4f: {  	_ =	shalt  }
0x50: {  	_ =	shalt  }
0x51: {  	_ =	shalt  }
0x52: {  	_ =	shalt  }
0x53: {  	_ =	shalt  }
0x54: {  	_ =	shalt  }
0x55: {  	_ =	shalt  }
0x56: {  	_ =	shalt  }
0x57: {  	_ =	shalt  }
0x58: {  	_ =	shalt  }
0x59: {  	_ =	shalt  }
0x5a: {  	_ =	shalt  }
0x5b: {  	_ =	shalt  }
0x5c: {  	_ =	shalt  }
0x5d: {  	_ =	shalt  }
0x5e: {  	_ =	shalt  }
0x5f: {  	_ =	shalt  }
0x60: {  	_ =	shalt  }
0x61: {  	_ =	shalt  }
0x62: {  	_ =	shalt  }
0x63: {  	_ =	shalt  }
0x64: {  	_ =	shalt  }
0x65: {  	_ =	shalt  }
0x66: {  	_ =	shalt  }
0x67: {  	_ =	shalt  }
0x68: {  	_ =	shalt  }
0x69: {  	_ =	shalt  }
0x6a: {  	_ =	shalt  }
0x6b: {  	_ =	shalt  }
0x6c: {  	_ =	shalt  }
0x6d: {  	_ =	shalt  }
0x6e: {  	_ =	shalt  }
0x6f: {  	_ =	shalt  }
0x70: {  	_ =	shalt  }
0x71: {  	_ =	shalt  }
0x72: {  	_ =	shalt  }
0x73: {  	_ =	shalt  }
0x74: {  	_ =	shalt  }
0x75: {  	_ =	shalt  }
0x76: {  	_ =	shalt  }
0x77: {  	_ =	shalt  }
0x78: {  	_ =	shalt  }
0x79: {  	_ =	shalt  }
0x7a: {  	_ =	shalt  }
0x7b: {  	_ =	shalt  }
0x7c: {  	_ =	shalt  }
0x7d: {  	_ =	shalt  }
0x7e: {  	_ =	shalt  }
0x7f: {  	_ =	shalt  }
0x80: {  	_ =	shalt  }
0x81: {  	_ =	shalt  }
0x82: {  	_ =	shalt  }
0x83: {  	_ =	shalt  }
0x84: {  	_ =	shalt  }
0x85: {  	_ =	shalt  }
0x86: {  	_ =	shalt  }
0x87: {  	_ =	shalt  }
.Lfunc_end0:
.L_simem_size_0:
called_computation.2_lowered:
.L_overlay_start_0:
0x88: {  	s2 =	sld [smem:$0x3FD9]  }
0x89: {  	s3 =	sld [smem:$0x3FFE];
	_ =	sdelay $0x1  }
0x8a: {  	s1 =	srdreg.scid  }
0x8b: {  	s0 =	sand.u32 $0x1, s1  }
0x8c: {  	s14 =	sshll.u32 s0, $0xA;
	s2 =	sadd.s32 s3, s2  }
0x8d: {  	s2 =	sadd.s32 s2, s14  }
0x8e: {  	[smem:$0x3FB2] =	sst s2  }
0x8f: {  	_ = 	snop  }
0x90: {  	s2 =	sld [smem:$0x3FD0];
	_ =	sdelay $0x2  }
0x91: {  	s15 =	simm.s32 $0xA;
	s4 =	simm.s32 $0x10  }
0x92: {  	[smem:s4], [sflag:s15] =	dma.local [hbm:s2], $0x1  }
0x93: {  	_ =	swait.eq [sflag:s15], $0x1  }
0x94: {  	[sflag:s15] =	ssyncset.done $0x0  }
0x95: {  	[sflag:s15] =	ssyncadd.s32 $0xFFFFFFFF  }
0x96: {  	s16 =	sld [smem:$0x12];
	(tm) =	ssettm $0x1  }
0x97: {  	s17 =	sld [smem:$0x3FFB];
	_ =	sdelay $0x3  }
0x98: {  	_ =	strace s17  }
0x99: {  	s3 =	sld [smem:$0x3FFC];
	_ =	sdelay $0x3  }
0x9a: {  	_ =	strace s3  }
0x9b: {  	s3 =	sld [smem:$0x3FFD];
	_ =	sdelay $0x3  }
0x9c: {  	_ =	strace s3  }
0x9d: {  	_ =	strace $0x8FFFFFFF  }
0x9e: {  	s18 =	sld [smem:$0x3FDB];
	_ =	sdelay $0x1  }
0x9f: {  	s19 =	simm.s32 $_scs_section_size  }
0xa0: {  	s5 =	simm.s32 $_size__tile_overlayer_lowered;
	s6 =	simm.s32 $_tile_overlayer_lowered  }
0xa1: {  	s22 =	simm.s32 $0x1BFF;
	s21 =	sshll.u32 s6, $0x1;
	s3 =	sadd.s32 s19, s18  }
0xa2: {  	s7 =	simm.s32 $0x0;
	s20 =	sshll.u32 s5, $0x1;
	s5 =	sadd.s32 s21, s3  }
0xa3: {  	[timem:s7], [sflag:s22] =	dma.local [hbm:s5], s20  }
0xa4: {  	_ =	swait.ge [sflag:s22], s20  }
0xa5: {  	s4 =	ssub.s32 $0x0, s20;
	[sflag:s22] =	ssyncset.done $0x0  }
0xa6: {  	[sflag:s22] =	ssyncadd.s32 s4;
	_ =	sdelay $0x1  }
0xa7: {  	s23 =	simm.s32 $0x1B8B  }
0xa8: {  	_ =	swait.ge [sflag:s23], $0x1  }
0xa9: {  	[sflag:s23] =	ssyncset.done $0x0  }
0xaa: {  	s25 =	simm.s32 $0x1B8E;
	s24 =	sld [smem:$0x3FFE];
	[sflag:s23] =	ssyncadd.s32 $0xFFFFFFFF  }
0xab: {  	s26 =	simm.s32 $execute0_lowered;
	[smem:$0x3FD2] =	sst s25  }
0xac: {  	s5 =	sshll.u32 s26, $0x1;
	_ =	strace $0x8000004C;
	[dreg:$0x1] =	wrdreg $0xFFFFFFFF  }
0xad: {  	s28 =	simm.s32 $_size_execute0_lowered;
	s3 =	sadd.s32 s3, s5;
	[dreg:$0x0] =	wrdreg $0x0  }
0xae: {  	s5 =	sshll.u32 s28, $0x1;
	[dreg:$0x2] =	wrdreg s3  }
0xaf: {  	[dreg:$0x3] =	wrdreg s5  }
0xb0: {  	[dreg:$0x4] =	wrdreg $0xC0  }
0xb1: {  	_ =	task [dreg:s7], $0x5FFFF  }
0xb2: {  	[dreg:$0x1] =	wrdreg $0xFFFFFFFF  }
0xb3: {  	[dreg:$0x0] =	wrdreg $0x60  }
0xb4: {  	[dreg:$0x2] =	wrdreg s24  }
0xb5: {  	[dreg:$0x3] =	wrdreg s16  }
0xb6: {  	[dreg:$0x4] =	wrdreg $0xD0000  }
0xb7: {  	[dreg:$0x5] =	wrdreg $0x9  }
0xb8: {  	_ =	task.clear_ibuf [dreg:s7], $0x6FFFF;
	_ =	strace $0x9000004C  }
0xb9: {  	s29 =	simm.s32 $0x9;
	_ =	strace $0x8000004E  }
0xba: {  	_ =	swait.ge [sflag:s29], $0x1  }
0xbb: {  	[sflag:s29] =	ssyncadd.s32 $0xFFFFFFFF  }
0xbc: {  	_ =	strace $0x9000004E  }
0xbd: {  	_ =	sfence  }
0xbe: {  	s30 =	sld [smem:$0x0];
	_ =	sdelay $0x2  }
0xbf: {  	s31 =	sshll.u32 s1, $0xD;
	s1 =	sshrl.u32 s1, $0x2  }
0xc0: {  	s3 =	sand.u32 $0x4000, s31;
	s1 =	sadd.s32 s1, s30  }
0xc1: {  	s0 =	sor.u32 s3, s0;
	s1 =	sshll.u32 s1, $0x11  }
0xc2: {  	s0 =	sor.u32 s1, s0  }
0xc3: {  	s0 =	sadd.s32 $0x8F2B, s0  }
0xc4: {  	[sflag:s0] =	ssyncadd.remote.s32 $0x1  }
0xc5: {  	_ =	sfence.sel $0xFFFF  }
0xc6: {  	[dreg:$0x0] =	wrdreg $0xFFFFFFFF;
	(pc) =	sbr.abs _section_cstart, $3  }
0xc7: {  	[dreg:$0x1] =	wrdreg $0xFFFFFFFF  }
0xc8: {  	_ =	task.clear_ibuf [dreg:s7], $0x2FFFF;
	_ =	strace $0x9FFFFFFF  }
0xc9: {  	(tm) =	ssettm $0x7FFFFFFF  }
tec
execute0_lowered:
.L_overlay_start_1:
0x0: {  	(tag) =	ssettag $0x1  }
0x1: {  	s0 =	srdreg.scid;
	s1 =	rddreg [dreg:$0x0]  }
0x2: {  	s6 =	stileid.u32;
	s2 =	rddreg [dreg:$0x1]  }
0x3: {  	s14 =	simm.s32 $0x5000;
	s15 =	simm.s32 $0x11;
	s17 =	simm.s32 $0x80  }
0x4: {  	s18 =	simm.s32 $0x6000;
	s20 =	simm.s32 $0x7000;
	s22 =	simm.s32 $0x8000  }
0x5: {  	s29 =	simm.s32 $0xB000;
	s31 =	simm.s32 $0xC000;
	s16 =	simm.s32 $0x2  }
0x6: {  	s19 =	simm.s32 $0x4;
	s21 =	simm.s32 $0x5;
	s28 =	simm.s32 $0x8  }
0x7: {  	s30 =	simm.s32 $0x9;
	s9 =	simm.s32 $0xD;
	s10 =	simm.s32 $0xE  }
0x8: {  	s11 =	simm.s32 $0xF;
	s12 =	simm.s32 $0x10;
	s0 =	sand.u32 $0x1, s0  }
0x9: {  	s3 =	sshll.u32 s0, $0x4;
	s7 =	smul.u32 $0x140000, s0;
	s0 =	ssub.s32 $0x2, s0  }
0xa: {  	s4 =	sor.u32 s6, s3;
	s3 =	rddreg [dreg:$0x2];
	s6 =	smul.u32 $0x14000, s6  }
0xb: {  	s8 =	sshrl.u32 s0, $0x1;
	s5 =	smul.u32 $0x2800, s4;
	s4 =	simm.s32 $0x0  }
0xc: {  	s0 =	ssub.s32 s0, s8;
	s8 =	simm.s32 $0xC;
	[smem:$0x7FF] =	sst s4  }
0xd: {  	s7 =	sadd.s32 s6, s7;
	s6 =	sshrl.u32 s6, $0x2;
	s0 =	smax.u32 s0, $0x1  }
0xe: {  	_ =	strace $0x8000004D;
	s6 =	sadd.s32 s6, s3;
	[dreg:$0xd] =	wrdreg s0  }
0xf: {  	s5 =	sshrl.u32 s5, $0x3;
	s23 =	sadd.s32 $0x1000, s6;
	[dreg:$0x5] =	wrdreg s6  }
0x10: {  	s7 =	sshrl.u32 s7, $0x3;
	s24 =	sadd.s32 $0x2000, s6;
	[dreg:$0x6] =	wrdreg s23  }
0x11: {  	s0 =	simm.s32 $0x3;
	s25 =	sadd.s32 $0x3000, s6;
	[dreg:$0x7] =	wrdreg s24  }
0x12: {  	s5 =	sadd.s32 s5, s1;
	s6 =	sadd.s32 $0x4000, s6;
	[dreg:$0x8] =	wrdreg s25  }
0x13: {  	s1 =	sadd.s32 s7, s1;
	s7 =	simm.s32 $0xB;
	[dreg:$0x9] =	wrdreg s6  }
0x14: {  	s26 =	sadd.s32 $0x5000, s5;
	s5 =	sadd.s32 $0xF000, s5;
	s1 =	sadd.s32 $0x69000, s1  }
0x15: {  	s24 =	simm.s32 $0x9000;
	s23 =	simm.s32 $0x6;
	[dreg:$0xa] =	wrdreg s26  }
0x16: {  	s25 =	simm.s32 $0x7;
	s6 =	simm.s32 $0xA;
	[dreg:$0xb] =	wrdreg s5  }
0x17: {  	v0 =	vimm.f32 $0.0e+00;
	[dreg:$0xc] =	wrdreg s1;
	s26 =	simm.s32 $0xA000;
	s1 =	simm.s32 $0x1  }
.LBB2_1:
0x18: {  	[dreg:$0x4] =	wrdreg s4;
	s5 =	simm.s32 $0x80;
	s13 =	simm.s32 $0x0  }
.LBB2_2:
0x19: {  	p0 =	sne.s32 s5, $0x3F80;
	[tilespmem:s13+$0x5000] =	vst v0;
	s4 =	smov.u32 s5;
	s5 =	sadd.s32 $0x80, s5  }
.Ltmp0:
0x1a: {  	[tilespmem:s13+$0x5010] =	vst v0;
	(pc) =	sbr.rel @p0 .LBB2_2-.Ltmp0, $2  }
0x1b: {  	_ =	sdelay $0x2  }
0x1c: {  	s13 =	sshra.s32 s4, $0x2  }
0x1d: {  	[tilespmem:s13+$0x5000] =	vst v0  }
0x1e: {  	[tilespmem:s13+$0x5010] =	vst v0;
	s4 =	rddreg [dreg:$0x5]  }
0x1f: {  	[spmem:s4] =	stream.linear.scatter [tilespmem:s14], [sflag:$0x11], $0x1000, $0x38;
	[tilespmem:$0x12000] =	vst v63  }
0x20: {  	_ =	swait.ge [sflag:s15], $0x1000  }
0x21: {  	[sflag:s15] =	ssyncset.done $0x0  }
0x22: {  	s13 =	rddreg [dreg:$0x6];
	[sflag:s15] =	ssyncadd.s32 $0xFFFFF000  }
0x23: {  	[spmem:s13] =	stream.linear.scatter [tilespmem:s14], [sflag:$0x11], $0x1000, $0x38;
	[tilespmem:$0x12000] =	vst v63  }
0x24: {  	_ =	swait.ge [sflag:s15], $0x1000  }
0x25: {  	[sflag:s15] =	ssyncset.done $0x0  }
0x26: {  	s5 =	rddreg [dreg:$0x7];
	[sflag:s15] =	ssyncadd.s32 $0xFFFFF000  }
0x27: {  	[spmem:s5] =	stream.linear.scatter [tilespmem:s14], [sflag:$0x11], $0x1000, $0x38;
	[tilespmem:$0x12000] =	vst v63  }
0x28: {  	_ =	swait.ge [sflag:s15], $0x1000  }
0x29: {  	[sflag:s15] =	ssyncset.done $0x0  }
0x2a: {  	s13 =	rddreg [dreg:$0x8];
	[sflag:s15] =	ssyncadd.s32 $0xFFFFF000  }
0x2b: {  	[spmem:s13] =	stream.linear.scatter [tilespmem:s14], [sflag:$0x11], $0x1000, $0x38;
	[tilespmem:$0x12000] =	vst v63  }
0x2c: {  	_ =	swait.ge [sflag:s15], $0x1000  }
0x2d: {  	[sflag:s15] =	ssyncset.done $0x0  }
0x2e: {  	s5 =	rddreg [dreg:$0x9];
	[sflag:s15] =	ssyncadd.s32 $0xFFFFF000  }
0x2f: {  	[spmem:s5] =	stream.linear.scatter [tilespmem:s14], [sflag:$0x11], $0x1000, $0x38;
	[tilespmem:$0x12000] =	vst v63  }
0x30: {  	_ =	swait.ge [sflag:s15], $0x1000  }
0x31: {  	[sflag:s15] =	ssyncset.done $0x0  }
0x32: {  	s4 =	simm.s32 $0x0;
	s5 =	rddreg [dreg:$0xa];
	[sflag:s15] =	ssyncadd.s32 $0xFFFFF000  }
0x33: {  	[tilespmem:s4], [sflag:$0x11] =	stream.linear.gather [hbm4b:s5+s4], $0x2800, $0x38;
	[tilespmem:$0x12000] =	vst v63  }
0x34: {  	_ =	swait.ge [sflag:s15], $0x2800  }
0x35: {  	[sflag:s15] =	ssyncset.done $0x0  }
0x36: {  	s13 =	simm.s32 $0x2800;
	s5 =	rddreg [dreg:$0xb];
	[sflag:s15] =	ssyncadd.s32 $0xFFFFD800  }
0x37: {  	[tilespmem:s13], [sflag:$0x11] =	stream.linear.gather [hbm4b:s5+s4], $0x2800, $0x38;
	[tilespmem:$0x12000] =	vst v63  }
0x38: {  	_ =	swait.ge [sflag:s15], $0x2800  }
0x39: {  	[sflag:s15] =	ssyncset.done $0x0  }
0x3a: {  	[sflag:s15] =	ssyncadd.s32 $0xFFFFD800  }
0x3b: {  	[bflag:$0x0] =	sbarrier.arrive $0xFFFF  }
0x3c: {  	[tilespmem:s14], [sflag:$0x1] =	stream.indirect.gather [hbm4b:s2+s17], $0x20, s4, s17, $0xb8;
	[tilespmem:$0x12000] =	vst v63  }
0x3d: {  	_ = 	snop  }
0x3e: {  	[tilespmem:s18], [sflag:$0x2] =	stream.indirect.gather [hbm4b:s2+s17], $0x20, s17, s17, $0xb8;
	[tilespmem:$0x12000] =	vst v63  }
0x3f: {  	s13 =	simm.s32 $0x100  }
0x40: {  	[tilespmem:s20], [sflag:$0x3] =	stream.indirect.gather [hbm4b:s2+s17], $0x20, s13, s17, $0xb8;
	[tilespmem:$0x12000] =	vst v63  }
0x41: {  	s5 =	simm.s32 $0x180  }
0x42: {  	[tilespmem:s22], [sflag:$0x4] =	stream.indirect.gather [hbm4b:s2+s17], $0x20, s5, s17, $0xb8;
	[tilespmem:$0x12000] =	vst v63  }
0x43: {  	s13 =	simm.s32 $0x200  }
0x44: {  	[tilespmem:s24], [sflag:$0x5] =	stream.indirect.gather [hbm4b:s2+s17], $0x20, s13, s17, $0xb8;
	[tilespmem:$0x12000] =	vst v63  }
0x45: {  	s5 =	simm.s32 $0x280  }
0x46: {  	[tilespmem:s26], [sflag:$0x6] =	stream.indirect.gather [hbm4b:s2+s17], $0x20, s5, s17, $0xb8;
	[tilespmem:$0x12000] =	vst v63  }
0x47: {  	s13 =	simm.s32 $0x300  }
0x48: {  	[tilespmem:s29], [sflag:$0x7] =	stream.indirect.gather [hbm4b:s2+s17], $0x20, s13, s17, $0xb8;
	[tilespmem:$0x12000] =	vst v63  }
0x49: {  	s5 =	simm.s32 $0x380  }
0x4a: {  	[tilespmem:s31], [sflag:$0x8] =	stream.indirect.gather [hbm4b:s2+s17], $0x20, s5, s17, $0xb8;
	[tilespmem:$0x12000] =	vst v63  }
0x4b: {  	_ =	swait.ge [sflag:s1], $0x1000  }
0x4c: {  	[sflag:s1] =	ssyncset.done $0x0  }
0x4d: {  	s13 =	simm.s32 $0x2800;
	[sflag:s1] =	ssyncadd.s32 $0xFFFFF000  }
0x4e: {  	[spmem:s3] =	stream.indirect.scatter.add.f32 [tilespmem:s14], [sflag:$0x9], $0x20, s13, s17, $0xb8;
	[tilespmem:$0x12000] =	vst v63  }
0x4f: {  	_ =	swait.ge [sflag:s16], $0x1000  }
0x50: {  	[sflag:s16] =	ssyncset.done $0x0  }
0x51: {  	s5 =	simm.s32 $0x2880;
	[sflag:s16] =	ssyncadd.s32 $0xFFFFF000  }
0x52: {  	[spmem:s3] =	stream.indirect.scatter.add.f32 [tilespmem:s18], [sflag:$0xA], $0x20, s5, s17, $0xb8;
	[tilespmem:$0x12000] =	vst v63  }
0x53: {  	_ =	swait.ge [sflag:s0], $0x1000  }
0x54: {  	[sflag:s0] =	ssyncset.done $0x0  }
0x55: {  	s13 =	simm.s32 $0x2900;
	[sflag:s0] =	ssyncadd.s32 $0xFFFFF000  }
0x56: {  	[spmem:s3] =	stream.indirect.scatter.add.f32 [tilespmem:s20], [sflag:$0xB], $0x20, s13, s17, $0xb8;
	[tilespmem:$0x12000] =	vst v63  }
0x57: {  	_ =	swait.ge [sflag:s19], $0x1000  }
0x58: {  	[sflag:s19] =	ssyncset.done $0x0  }
0x59: {  	s5 =	simm.s32 $0x2980;
	[sflag:s19] =	ssyncadd.s32 $0xFFFFF000  }
0x5a: {  	[spmem:s3] =	stream.indirect.scatter.add.f32 [tilespmem:s22], [sflag:$0xC], $0x20, s5, s17, $0xb8;
	[tilespmem:$0x12000] =	vst v63  }
0x5b: {  	_ =	swait.ge [sflag:s21], $0x1000  }
0x5c: {  	[sflag:s21] =	ssyncset.done $0x0  }
0x5d: {  	s13 =	simm.s32 $0x2A00;
	[sflag:s21] =	ssyncadd.s32 $0xFFFFF000  }
0x5e: {  	[spmem:s3] =	stream.indirect.scatter.add.f32 [tilespmem:s24], [sflag:$0xD], $0x20, s13, s17, $0xb8;
	[tilespmem:$0x12000] =	vst v63  }
0x5f: {  	_ =	swait.ge [sflag:s23], $0x1000  }
0x60: {  	[sflag:s23] =	ssyncset.done $0x0  }
0x61: {  	s5 =	simm.s32 $0x2A80;
	[sflag:s23] =	ssyncadd.s32 $0xFFFFF000  }
0x62: {  	[spmem:s3] =	stream.indirect.scatter.add.f32 [tilespmem:s26], [sflag:$0xE], $0x20, s5, s17, $0xb8;
	[tilespmem:$0x12000] =	vst v63  }
0x63: {  	_ =	swait.ge [sflag:s25], $0x1000  }
0x64: {  	[sflag:s25] =	ssyncset.done $0x0  }
0x65: {  	s13 =	simm.s32 $0x2B00;
	[sflag:s25] =	ssyncadd.s32 $0xFFFFF000  }
0x66: {  	[spmem:s3] =	stream.indirect.scatter.add.f32 [tilespmem:s29], [sflag:$0xF], $0x20, s13, s17, $0xb8;
	[tilespmem:$0x12000] =	vst v63  }
0x67: {  	_ =	swait.ge [sflag:s28], $0x1000  }
0x68: {  	[sflag:s28] =	ssyncset.done $0x0  }
0x69: {  	s5 =	simm.s32 $0x2B80;
	[sflag:s28] =	ssyncadd.s32 $0xFFFFF000  }
0x6a: {  	[spmem:s3] =	stream.indirect.scatter.add.f32 [tilespmem:s31], [sflag:$0x10], $0x20, s5, s17, $0xb8;
	[tilespmem:$0x12000] =	vst v63  }
0x6b: {  	_ =	swait.ge [sflag:s30], $0x1000  }
0x6c: {  	[sflag:s30] =	ssyncset.done $0x0  }
0x6d: {  	s13 =	simm.s32 $0x400;
	[sflag:s30] =	ssyncadd.s32 $0xFFFFF000  }
0x6e: {  	[tilespmem:s14], [sflag:$0x1] =	stream.indirect.gather [hbm4b:s2+s17], $0x20, s13, s17, $0xb8;
	[tilespmem:$0x12000] =	vst v63  }
0x6f: {  	_ =	swait.ge [sflag:s6], $0x1000  }
0x70: {  	[sflag:s6] =	ssyncset.done $0x0  }
0x71: {  	s5 =	simm.s32 $0x480;
	[sflag:s6] =	ssyncadd.s32 $0xFFFFF000  }
0x72: {  	[tilespmem:s18], [sflag:$0x2] =	stream.indirect.gather [hbm4b:s2+s17], $0x20, s5, s17, $0xb8;
	[tilespmem:$0x12000] =	vst v63  }
0x73: {  	_ =	swait.ge [sflag:s7], $0x1000  }
0x74: {  	[sflag:s7] =	ssyncset.done $0x0  }
0x75: {  	s13 =	simm.s32 $0x500;
	[sflag:s7] =	ssyncadd.s32 $0xFFFFF000  }
0x76: {  	[tilespmem:s20], [sflag:$0x3] =	stream.indirect.gather [hbm4b:s2+s17], $0x20, s13, s17, $0xb8;
	[tilespmem:$0x12000] =	vst v63  }
0x77: {  	_ =	swait.ge [sflag:s8], $0x1000  }
0x78: {  	[sflag:s8] =	ssyncset.done $0x0  }
0x79: {  	s5 =	simm.s32 $0x580;
	[sflag:s8] =	ssyncadd.s32 $0xFFFFF000  }
0x7a: {  	[tilespmem:s22], [sflag:$0x4] =	stream.indirect.gather [hbm4b:s2+s17], $0x20, s5, s17, $0xb8;
	[tilespmem:$0x12000] =	vst v63  }
0x7b: {  	_ =	swait.ge [sflag:s9], $0x1000  }
0x7c: {  	[sflag:s9] =	ssyncset.done $0x0  }
0x7d: {  	s13 =	simm.s32 $0x600;
	[sflag:s9] =	ssyncadd.s32 $0xFFFFF000  }
0x7e: {  	[tilespmem:s24], [sflag:$0x5] =	stream.indirect.gather [hbm4b:s2+s17], $0x20, s13, s17, $0xb8;
	[tilespmem:$0x12000] =	vst v63  }
0x7f: {  	_ =	swait.ge [sflag:s10], $0x1000  }
0x80: {  	[sflag:s10] =	ssyncset.done $0x0  }
0x81: {  	s5 =	simm.s32 $0x680;
	[sflag:s10] =	ssyncadd.s32 $0xFFFFF000  }
0x82: {  	[tilespmem:s26], [sflag:$0x6] =	stream.indirect.gather [hbm4b:s2+s17], $0x20, s5, s17, $0xb8;
	[tilespmem:$0x12000] =	vst v63  }
0x83: {  	_ =	swait.ge [sflag:s11], $0x1000  }
0x84: {  	[sflag:s11] =	ssyncset.done $0x0  }
0x85: {  	s13 =	simm.s32 $0x700;
	[sflag:s11] =	ssyncadd.s32 $0xFFFFF000  }
0x86: {  	[tilespmem:s29], [sflag:$0x7] =	stream.indirect.gather [hbm4b:s2+s17], $0x20, s13, s17, $0xb8;
	[tilespmem:$0x12000] =	vst v63  }
0x87: {  	_ =	swait.ge [sflag:s12], $0x1000  }
0x88: {  	[sflag:s12] =	ssyncset.done $0x0  }
0x89: {  	s5 =	simm.s32 $0x780;
	s13 =	simm.s32 $0x1000;
	[sflag:s12] =	ssyncadd.s32 $0xFFFFF000  }
.LBB2_4:
0x8a: {  	[tilespmem:s31], [sflag:$0x8] =	stream.indirect.gather [hbm4b:s2+s17], $0x20, s5, s17, $0xb8;
	[tilespmem:$0x12000] =	vst v63  }
0x8b: {  	s4 =	smov.u32 s13  }
0x8c: {  	p0 =	sne.s32 s13, $0x8000;
	s13 =	sadd.s32 $0x1000, s13;
	_ =	swait.ge [sflag:s1], $0x1000  }
0x8d: {  	s5 =	sshra.s32 s4, $0x2;
	[sflag:s1] =	ssyncset.done $0x0  }
0x8e: {  	s4 =	sadd.s32 $0x2800, s5;
	[sflag:s1] =	ssyncadd.s32 $0xFFFFF000  }
0x8f: {  	[spmem:s3] =	stream.indirect.scatter.add.f32 [tilespmem:s14], [sflag:$0x9], $0x20, s4, s17, $0xb8;
	[tilespmem:$0x12000] =	vst v63  }
0x90: {  	_ =	swait.ge [sflag:s16], $0x1000  }
0x91: {  	[sflag:s16] =	ssyncset.done $0x0  }
0x92: {  	s4 =	sadd.s32 $0x2880, s5;
	[sflag:s16] =	ssyncadd.s32 $0xFFFFF000  }
0x93: {  	[spmem:s3] =	stream.indirect.scatter.add.f32 [tilespmem:s18], [sflag:$0xA], $0x20, s4, s17, $0xb8;
	[tilespmem:$0x12000] =	vst v63  }
0x94: {  	_ =	swait.ge [sflag:s0], $0x1000  }
0x95: {  	[sflag:s0] =	ssyncset.done $0x0  }
0x96: {  	s4 =	sadd.s32 $0x2900, s5;
	[sflag:s0] =	ssyncadd.s32 $0xFFFFF000  }
0x97: {  	[spmem:s3] =	stream.indirect.scatter.add.f32 [tilespmem:s20], [sflag:$0xB], $0x20, s4, s17, $0xb8;
	[tilespmem:$0x12000] =	vst v63  }
0x98: {  	_ =	swait.ge [sflag:s19], $0x1000  }
0x99: {  	[sflag:s19] =	ssyncset.done $0x0  }
0x9a: {  	s4 =	sadd.s32 $0x2980, s5;
	[sflag:s19] =	ssyncadd.s32 $0xFFFFF000  }
0x9b: {  	[spmem:s3] =	stream.indirect.scatter.add.f32 [tilespmem:s22], [sflag:$0xC], $0x20, s4, s17, $0xb8;
	[tilespmem:$0x12000] =	vst v63  }
0x9c: {  	_ =	swait.ge [sflag:s21], $0x1000  }
0x9d: {  	[sflag:s21] =	ssyncset.done $0x0  }
0x9e: {  	s4 =	sadd.s32 $0x2A00, s5;
	[sflag:s21] =	ssyncadd.s32 $0xFFFFF000  }
0x9f: {  	[spmem:s3] =	stream.indirect.scatter.add.f32 [tilespmem:s24], [sflag:$0xD], $0x20, s4, s17, $0xb8;
	[tilespmem:$0x12000] =	vst v63  }
0xa0: {  	_ =	swait.ge [sflag:s23], $0x1000  }
0xa1: {  	[sflag:s23] =	ssyncset.done $0x0  }
0xa2: {  	s4 =	sadd.s32 $0x2A80, s5;
	[sflag:s23] =	ssyncadd.s32 $0xFFFFF000  }
0xa3: {  	[spmem:s3] =	stream.indirect.scatter.add.f32 [tilespmem:s26], [sflag:$0xE], $0x20, s4, s17, $0xb8;
	[tilespmem:$0x12000] =	vst v63  }
0xa4: {  	_ =	swait.ge [sflag:s25], $0x1000  }
0xa5: {  	[sflag:s25] =	ssyncset.done $0x0  }
0xa6: {  	s4 =	sadd.s32 $0x2B00, s5;
	[sflag:s25] =	ssyncadd.s32 $0xFFFFF000  }
0xa7: {  	[spmem:s3] =	stream.indirect.scatter.add.f32 [tilespmem:s29], [sflag:$0xF], $0x20, s4, s17, $0xb8;
	[tilespmem:$0x12000] =	vst v63  }
0xa8: {  	_ =	swait.ge [sflag:s28], $0x1000  }
0xa9: {  	[sflag:s28] =	ssyncset.done $0x0  }
0xaa: {  	s4 =	sadd.s32 $0x2B80, s5;
	[sflag:s28] =	ssyncadd.s32 $0xFFFFF000  }
0xab: {  	[spmem:s3] =	stream.indirect.scatter.add.f32 [tilespmem:s31], [sflag:$0x10], $0x20, s4, s17, $0xb8;
	[tilespmem:$0x12000] =	vst v63  }
0xac: {  	_ =	swait.ge [sflag:s30], $0x1000  }
0xad: {  	[sflag:s30] =	ssyncset.done $0x0  }
0xae: {  	s4 =	sadd.s32 $0x400, s5;
	[sflag:s30] =	ssyncadd.s32 $0xFFFFF000  }
0xaf: {  	[tilespmem:s14], [sflag:$0x1] =	stream.indirect.gather [hbm4b:s2+s17], $0x20, s4, s17, $0xb8;
	[tilespmem:$0x12000] =	vst v63  }
0xb0: {  	_ =	swait.ge [sflag:s6], $0x1000  }
0xb1: {  	[sflag:s6] =	ssyncset.done $0x0  }
0xb2: {  	s4 =	sadd.s32 $0x480, s5;
	[sflag:s6] =	ssyncadd.s32 $0xFFFFF000  }
0xb3: {  	[tilespmem:s18], [sflag:$0x2] =	stream.indirect.gather [hbm4b:s2+s17], $0x20, s4, s17, $0xb8;
	[tilespmem:$0x12000] =	vst v63  }
0xb4: {  	_ =	swait.ge [sflag:s7], $0x1000  }
0xb5: {  	[sflag:s7] =	ssyncset.done $0x0  }
0xb6: {  	s4 =	sadd.s32 $0x500, s5;
	[sflag:s7] =	ssyncadd.s32 $0xFFFFF000  }
0xb7: {  	[tilespmem:s20], [sflag:$0x3] =	stream.indirect.gather [hbm4b:s2+s17], $0x20, s4, s17, $0xb8;
	[tilespmem:$0x12000] =	vst v63  }
0xb8: {  	_ =	swait.ge [sflag:s8], $0x1000  }
0xb9: {  	[sflag:s8] =	ssyncset.done $0x0  }
0xba: {  	s4 =	sadd.s32 $0x580, s5;
	[sflag:s8] =	ssyncadd.s32 $0xFFFFF000  }
0xbb: {  	[tilespmem:s22], [sflag:$0x4] =	stream.indirect.gather [hbm4b:s2+s17], $0x20, s4, s17, $0xb8;
	[tilespmem:$0x12000] =	vst v63  }
0xbc: {  	_ =	swait.ge [sflag:s9], $0x1000  }
0xbd: {  	[sflag:s9] =	ssyncset.done $0x0  }
0xbe: {  	s4 =	sadd.s32 $0x600, s5;
	[sflag:s9] =	ssyncadd.s32 $0xFFFFF000  }
0xbf: {  	[tilespmem:s24], [sflag:$0x5] =	stream.indirect.gather [hbm4b:s2+s17], $0x20, s4, s17, $0xb8;
	[tilespmem:$0x12000] =	vst v63  }
0xc0: {  	_ =	swait.ge [sflag:s10], $0x1000  }
0xc1: {  	[sflag:s10] =	ssyncset.done $0x0  }
0xc2: {  	s4 =	sadd.s32 $0x680, s5;
	[sflag:s10] =	ssyncadd.s32 $0xFFFFF000  }
0xc3: {  	[tilespmem:s26], [sflag:$0x6] =	stream.indirect.gather [hbm4b:s2+s17], $0x20, s4, s17, $0xb8;
	[tilespmem:$0x12000] =	vst v63  }
0xc4: {  	_ =	swait.ge [sflag:s11], $0x1000  }
0xc5: {  	[sflag:s11] =	ssyncset.done $0x0  }
.Ltmp1:
0xc6: {  	s4 =	sadd.s32 $0x700, s5;
	[sflag:s11] =	ssyncadd.s32 $0xFFFFF000;
	(pc) =	sbr.rel @p0 .LBB2_4-.Ltmp1, $4  }
0xc7: {  	[tilespmem:s29], [sflag:$0x7] =	stream.indirect.gather [hbm4b:s2+s17], $0x20, s4, s17, $0xb8;
	[tilespmem:$0x12000] =	vst v63  }
0xc8: {  	_ =	swait.ge [sflag:s12], $0x1000  }
0xc9: {  	[sflag:s12] =	ssyncset.done $0x0  }
0xca: {  	s5 =	sadd.s32 $0x780, s5;
	[sflag:s12] =	ssyncadd.s32 $0xFFFFF000  }
0xcb: {  	[tilespmem:s31], [sflag:$0x8] =	stream.indirect.gather [hbm4b:s2+s17], $0x20, s5, s17, $0xb8;
	[tilespmem:$0x12000] =	vst v63  }
0xcc: {  	_ =	swait.ge [sflag:s1], $0x1000  }
0xcd: {  	[sflag:s1] =	ssyncset.done $0x0  }
0xce: {  	s4 =	simm.s32 $0x4C00;
	[sflag:s1] =	ssyncadd.s32 $0xFFFFF000  }
0xcf: {  	[spmem:s3] =	stream.indirect.scatter.add.f32 [tilespmem:s14], [sflag:$0x9], $0x20, s4, s17, $0xb8;
	[tilespmem:$0x12000] =	vst v63  }
0xd0: {  	_ =	swait.ge [sflag:s16], $0x1000  }
0xd1: {  	[sflag:s16] =	ssyncset.done $0x0  }
0xd2: {  	s13 =	simm.s32 $0x4C80;
	[sflag:s16] =	ssyncadd.s32 $0xFFFFF000  }
0xd3: {  	[spmem:s3] =	stream.indirect.scatter.add.f32 [tilespmem:s18], [sflag:$0xA], $0x20, s13, s17, $0xb8;
	[tilespmem:$0x12000] =	vst v63  }
0xd4: {  	_ =	swait.ge [sflag:s0], $0x1000  }
0xd5: {  	[sflag:s0] =	ssyncset.done $0x0  }
0xd6: {  	s5 =	simm.s32 $0x4D00;
	[sflag:s0] =	ssyncadd.s32 $0xFFFFF000  }
0xd7: {  	[spmem:s3] =	stream.indirect.scatter.add.f32 [tilespmem:s20], [sflag:$0xB], $0x20, s5, s17, $0xb8;
	[tilespmem:$0x12000] =	vst v63  }
0xd8: {  	_ =	swait.ge [sflag:s19], $0x1000  }
0xd9: {  	[sflag:s19] =	ssyncset.done $0x0  }
0xda: {  	s13 =	simm.s32 $0x4D80;
	[sflag:s19] =	ssyncadd.s32 $0xFFFFF000  }
0xdb: {  	[spmem:s3] =	stream.indirect.scatter.add.f32 [tilespmem:s22], [sflag:$0xC], $0x20, s13, s17, $0xb8;
	[tilespmem:$0x12000] =	vst v63  }
0xdc: {  	_ =	swait.ge [sflag:s21], $0x1000  }
0xdd: {  	[sflag:s21] =	ssyncset.done $0x0  }
0xde: {  	s5 =	simm.s32 $0x4E00;
	[sflag:s21] =	ssyncadd.s32 $0xFFFFF000  }
0xdf: {  	[spmem:s3] =	stream.indirect.scatter.add.f32 [tilespmem:s24], [sflag:$0xD], $0x20, s5, s17, $0xb8;
	[tilespmem:$0x12000] =	vst v63  }
0xe0: {  	_ =	swait.ge [sflag:s23], $0x1000  }
0xe1: {  	[sflag:s23] =	ssyncset.done $0x0  }
0xe2: {  	s13 =	simm.s32 $0x4E80;
	[sflag:s23] =	ssyncadd.s32 $0xFFFFF000  }
0xe3: {  	[spmem:s3] =	stream.indirect.scatter.add.f32 [tilespmem:s26], [sflag:$0xE], $0x20, s13, s17, $0xb8;
	[tilespmem:$0x12000] =	vst v63  }
0xe4: {  	_ =	swait.ge [sflag:s25], $0x1000  }
0xe5: {  	[sflag:s25] =	ssyncset.done $0x0  }
0xe6: {  	s5 =	simm.s32 $0x4F00;
	[sflag:s25] =	ssyncadd.s32 $0xFFFFF000  }
0xe7: {  	[spmem:s3] =	stream.indirect.scatter.add.f32 [tilespmem:s29], [sflag:$0xF], $0x20, s5, s17, $0xb8;
	[tilespmem:$0x12000] =	vst v63  }
0xe8: {  	_ =	swait.ge [sflag:s28], $0x1000  }
0xe9: {  	[sflag:s28] =	ssyncset.done $0x0  }
0xea: {  	s13 =	simm.s32 $0x4F80;
	[sflag:s28] =	ssyncadd.s32 $0xFFFFF000  }
0xeb: {  	[spmem:s3] =	stream.indirect.scatter.add.f32 [tilespmem:s31], [sflag:$0x10], $0x20, s13, s17, $0xb8;
	[tilespmem:$0x12000] =	vst v63  }
0xec: {  	_ =	swait.ge [sflag:s30], $0x1000  }
0xed: {  	[sflag:s30] =	ssyncset.done $0x0  }
0xee: {  	[sflag:s30] =	ssyncadd.s32 $0xFFFFF000  }
0xef: {  	_ =	swait.ge [sflag:s6], $0x1000  }
0xf0: {  	[sflag:s6] =	ssyncset.done $0x0  }
0xf1: {  	[sflag:s6] =	ssyncadd.s32 $0xFFFFF000  }
0xf2: {  	_ =	swait.ge [sflag:s7], $0x1000  }
0xf3: {  	[sflag:s7] =	ssyncset.done $0x0  }
0xf4: {  	[sflag:s7] =	ssyncadd.s32 $0xFFFFF000  }
0xf5: {  	_ =	swait.ge [sflag:s8], $0x1000  }
0xf6: {  	[sflag:s8] =	ssyncset.done $0x0  }
0xf7: {  	[sflag:s8] =	ssyncadd.s32 $0xFFFFF000  }
0xf8: {  	_ =	swait.ge [sflag:s9], $0x1000  }
0xf9: {  	[sflag:s9] =	ssyncset.done $0x0  }
0xfa: {  	[sflag:s9] =	ssyncadd.s32 $0xFFFFF000  }
0xfb: {  	_ =	swait.ge [sflag:s10], $0x1000  }
0xfc: {  	[sflag:s10] =	ssyncset.done $0x0  }
0xfd: {  	[sflag:s10] =	ssyncadd.s32 $0xFFFFF000  }
0xfe: {  	_ =	swait.ge [sflag:s11], $0x1000  }
0xff: {  	[sflag:s11] =	ssyncset.done $0x0  }
0x100: {  	[sflag:s11] =	ssyncadd.s32 $0xFFFFF000  }
0x101: {  	_ =	swait.ge [sflag:s12], $0x1000  }
0x102: {  	[sflag:s12] =	ssyncset.done $0x0  }
0x103: {  	[sflag:s12] =	ssyncadd.s32 $0xFFFFF000  }
0x104: {  	s5 =	stileid.u32;
	[bflag:$0x0] =	sbarrier.arrive $0xFFFF  }
0x105: {  	s4 =	sshll.u32 s5, $0x6;
	s13 =	rddreg [dreg:$0x5]  }
0x106: {  	s4 =	sor.u32 $0x1C11, s4;
	s5 =	sshrl.u32 s13, $0x3;
	s13 =	rddreg [dreg:$0xc]  }
0x107: {  	[hbm:s13@s12], [sflag:s4] =	dma.strided [spmem:s5@s19], $0xA00, s1, $0x4   }
0x108: {  	_ =	swait.ge [sflag:s15], $0xA00  }
0x109: {  	s5 =	rddreg [dreg:$0x4]  }
0x10a: {  	s13 =	rddreg [dreg:$0xd];
	s4 =	sadd.s32 $0x1, s5  }
0x10b: {  	p0 =	sne.s32 s4, s13  }
.Ltmp2:
0x10c: {  	_ = 	snop;
	(pc) =	sbr.rel @p0 .LBB2_1-.Ltmp2, $3  }
0x10d: {  	_ =	sdelay $0x1  }
0x10e: {  	[sflag:s15] =	ssyncset.done $0x0  }
0x10f: {  	[sflag:s15] =	ssyncadd.s32 $0xFFFFF600  }
0x110: {  	_ =	sfence.sel $0x180000  }
0x111: {  	[bflag:$0x0] =	sbarrier.arrive $0xFFFF  }
0x112: {  	_ =	strace $0x9000004D  }
0x113: {  	s0 =	stileid.u32;
	[bflag:$0x2] =	sbarrier.arrive $0xFFFF  }
0x114: {  	p0 =	sne.s32 s0, $0x0;
	s0 =	rddreg [dreg:$0x3]  }
0x115: {  	s0 =	sadd.s32 @!p0 $0x100000, s0  }
0x116: {  	[sflag:s0] =	ssyncadd.tile.s32 @!p0 $0x1;
	_ =	shalt  }
.Lfunc_end2:
_tile_overlayer_lowered:
.L_overlay_start_2:
0x117: {  	(tag) =	ssettag $0x2  }
0x118: {  	s0 =	rddreg [dreg:$0x0];
	s2 =	stileid.u32  }
0x119: {  	s1 =	rddreg [dreg:$0x1];
	p0 =	sne.s32 s2, $0x0  }
0x11a: {  	s3 =	rddreg [dreg:$0x2];
	[bflag:$0x3] =	sbarrier.arrive $0xFFFF;
	s2 =	simm.s32 @!p0 $0x1C11  }
0x11b: {  	[timem:s3], [sflag:s2] =	dma.local @!p0 [hbm:s0], s1  }
0x11c: {  	s0 =	simm.s32 @!p0 $0x11  }
0x11d: {  	_ =	swait.ge @!p0 [sflag:s0], s1  }
0x11e: {  	s1 =	ssub.s32 @!p0 $0x0, s1;
	[sflag:s0] =	ssyncset.done @!p0 $0x0  }
0x11f: {  	[sflag:s0] =	ssyncadd.s32 @!p0 s1  }
0x120: {  	[bflag:$0x3] =	sbarrier.arrive $0xFFFF  }
0x121: {  	_ =	shalt  }

// kernel: kernel.8.cloned.1.call-start
scs
__scs_entry_jumppad:
0x0: {  	(pc) =	sbr.rel $0x88, $3  }
0x1: {  	(tag) =	ssettag $0x0;
	lr =	simm.s32 $0x1  }
0x2: {  	[smem:$0x3F8B] =	sst lr;
	_ =	strace $0xD0000000  }
0x3: {  	_ = 	snop  }
0x4: {  	_ = 	snop  }
0x5: {  	_ = 	snop  }
0x6: {  	_ = 	snop  }
0x7: {  	_ = 	snop  }
__scs_overlays_trampoline_lowered:
0x8: {  	[smem:$0x3F9A] =	sst s0  }
0x9: {  	[smem:$0x3F9B] =	sst s1  }
0xa: {  	[smem:$0x3F9C] =	sst s2  }
0xb: {  	[smem:$0x3F9D] =	sst s3  }
0xc: {  	[smem:$0x3F9E] =	sst s4  }
0xd: {  	[smem:$0x3F9F] =	sst s5  }
0xe: {  	[smem:$0x3FA0] =	sst s6  }
0xf: {  	[smem:$0x3FA1] =	sst s7  }
0x10: {  	[smem:$0x3FA2] =	sst s8  }
0x11: {  	[smem:$0x3FA3] =	sst s9;
	s0 =	simm.s32 @!p0 $0x0  }
0x12: {  	s1 =	sld [smem:$0x3F89];
	s0 =	simm.s32 @p0 $0x1  }
0x13: {  	[smem:$0x3FA4] =	sst s0;
	s0 =	simm.s32 @!p1 $0x0  }
0x14: {  	s2 =	sld [smem:$0x3F88];
	s0 =	simm.s32 @p1 $0x1  }
0x15: {  	[smem:$0x3FA5] =	sst s0;
	s0 =	simm.s32 @!p2 $0x0  }
0x16: {  	s3 =	sld [smem:$0x3FDB];
	s0 =	simm.s32 @p2 $0x1  }
0x17: {  	s4 =	simm.s32 $0x1BF5;
	[smem:$0x3FA7] =	sst s0  }
0x18: {  	s0 =	sld [smem:$0x3F8A];
	_ =	swait.ge [sflag:s4], $0x0  }
0x19: {  	s7 =	sld [smem:$0x3F8B]  }
0x1a: {  	s8 =	sadd.s32 $0xFFFFE003, lr  }
0x1b: {  	s9 =	sadd.s32 $0xFFFFFEF7, lr;
	s5 =	simm.s32 $0xFFFFFFFF;
	p2 =	slt.u32 s8, $0xFFFFF086  }
0x1c: {  	p1 =	slt.u32 s9, $0xF7A;
	s5 =	simm.s32 @!p2 $0x0  }
0x1d: {  	s5 =	simm.s32 @p1 $0x1;
	p0 =	seq.s32 s7, s2  }
0x1e: {  	s7 =	smul.u32 @!p0 $0xF7A, s2;
	p2 =	seq.s32 @!p0 s5, $0x0  }
0x1f: {  	s9 =	smul.u32 $0xF7A, s1;
	s8 =	simm.s32 @!p0 $0x1BF5;
	p2 =	por !p2, p0  }
0x20: {  	[sflag:s8] =	ssyncset.s32 @!p0 $0xFFFFF086;
	s6 =	sadd.s32 @!p0 s3, s7;
	s7 =	simm.s32 @!p0 $0x108  }
0x21: {  	s3 =	sadd.s32 s3, s9;
	s6 =	sadd.s32 @!p0 $0x88, s6;
	s7 =	simm.s32 @p2 $0x1082  }
0x22: {  	[simem:s7], [sflag:s8] =	dma.local @!p0 [hbm:s6], $0xF7A  }
0x23: {  	s9 =	sor.u32 $0xD0000000, s2;
	s6 =	simm.s32 $0x108;
	_ =	swait.ge @!p0 [sflag:s8], $0x0  }
0x24: {  	s3 =	sadd.s32 $0x88, s3;
	s6 =	simm.s32 @!p1 $0x1082;
	[sflag:s4] =	ssyncset.s32 $0xFFFFF086  }
0x25: {  	[simem:s6], [sflag:s4] =	dma.local [hbm:s3], $0xF7A  }
0x26: {  	[smem:$0x3F8B] =	sst s1;
	(tag) =	ssettag s2;
	_ =	strace s9  }
0x27: {  	s1 =	sld [smem:$0x3F9B]  }
0x28: {  	s2 =	sld [smem:$0x3F9C]  }
0x29: {  	s4 =	sld [smem:$0x3F9E]  }
0x2a: {  	p0 =	seq.s32 s5, $0x0;
	s5 =	sld [smem:$0x3F9F]  }
0x2b: {  	s6 =	sld [smem:$0x3FA0]  }
0x2c: {  	s7 =	sld [smem:$0x3FA1]  }
0x2d: {  	s3 =	simm.s32 $0x108;
	s8 =	sld [smem:$0x3FA2]  }
0x2e: {  	s3 =	simm.s32 @!p0 $0x1082;
	s9 =	sld [smem:$0x3FA3]  }
0x2f: {  	lr =	sadd.s32 s0, s3;
	s0 =	sld [smem:$0x3F9A]  }
0x30: {  	s3 =	sld [smem:$0x3F9D]  }
0x31: {  	[smem:$0x3FA6] =	sst s10  }
0x32: {  	s10 =	sld [smem:$0x3FA4];
	_ =	sdelay $0x3  }
0x33: {  	p0 =	seq.s32 s10, $0x1;
	s10 =	sld [smem:$0x3FA6];
	_ =	sdelay $0x3  }
0x34: {  	[smem:$0x3FA6] =	sst s10  }
0x35: {  	s10 =	sld [smem:$0x3FA5];
	_ =	sdelay $0x3  }
0x36: {  	p1 =	seq.s32 s10, $0x1;
	s10 =	sld [smem:$0x3FA6];
	_ =	sdelay $0x3  }
0x37: {  	[smem:$0x3FA6] =	sst s10  }
0x38: {  	s10 =	sld [smem:$0x3FA7]  }
0x39: {  	_ = 	snop;
	(pc) =	sbr.ind lr, $3  }
0x3a: {  	_ = 	snop  }
0x3b: {  	_ = 	snop  }
0x3c: {  	p2 =	seq.s32 s10, $0x1;
	s10 =	sld [smem:$0x3FA6]  }
0x3d: {  	_ =	shalt  }
0x3e: {  	_ =	shalt  }
0x3f: {  	_ =	shalt  }
0x40: {  	_ =	shalt  }
0x41: {  	_ =	shalt  }
0x42: {  	_ =	shalt  }
0x43: {  	_ =	shalt  }
0x44: {  	_ =	shalt  }
0x45: {  	_ =	shalt  }
0x46: {  	_ =	shalt  }
0x47: {  	_ =	shalt  }
0x48: {  	_ =	shalt  }
0x49: {  	_ =	shalt  }
0x4a: {  	_ =	shalt  }
0x4b: {  	_ =	shalt  }
0x4c: {  	_ =	shalt  }
0x4d: {  	_ =	shalt  }
0x4e: {  	_ =	shalt  }
0x4f: {  	_ =	shalt  }
0x50: {  	_ =	shalt  }
0x51: {  	_ =	shalt  }
0x52: {  	_ =	shalt  }
0x53: {  	_ =	shalt  }
0x54: {  	_ =	shalt  }
0x55: {  	_ =	shalt  }
0x56: {  	_ =	shalt  }
0x57: {  	_ =	shalt  }
0x58: {  	_ =	shalt  }
0x59: {  	_ =	shalt  }
0x5a: {  	_ =	shalt  }
0x5b: {  	_ =	shalt  }
0x5c: {  	_ =	shalt  }
0x5d: {  	_ =	shalt  }
0x5e: {  	_ =	shalt  }
0x5f: {  	_ =	shalt  }
0x60: {  	_ =	shalt  }
0x61: {  	_ =	shalt  }
0x62: {  	_ =	shalt  }
0x63: {  	_ =	shalt  }
0x64: {  	_ =	shalt  }
0x65: {  	_ =	shalt  }
0x66: {  	_ =	shalt  }
0x67: {  	_ =	shalt  }
0x68: {  	_ =	shalt  }
0x69: {  	_ =	shalt  }
0x6a: {  	_ =	shalt  }
0x6b: {  	_ =	shalt  }
0x6c: {  	_ =	shalt  }
0x6d: {  	_ =	shalt  }
0x6e: {  	_ =	shalt  }
0x6f: {  	_ =	shalt  }
0x70: {  	_ =	shalt  }
0x71: {  	_ =	shalt  }
0x72: {  	_ =	shalt  }
0x73: {  	_ =	shalt  }
0x74: {  	_ =	shalt  }
0x75: {  	_ =	shalt  }
0x76: {  	_ =	shalt  }
0x77: {  	_ =	shalt  }
0x78: {  	_ =	shalt  }
0x79: {  	_ =	shalt  }
0x7a: {  	_ =	shalt  }
0x7b: {  	_ =	shalt  }
0x7c: {  	_ =	shalt  }
0x7d: {  	_ =	shalt  }
0x7e: {  	_ =	shalt  }
0x7f: {  	_ =	shalt  }
0x80: {  	_ =	shalt  }
0x81: {  	_ =	shalt  }
0x82: {  	_ =	shalt  }
0x83: {  	_ =	shalt  }
0x84: {  	_ =	shalt  }
0x85: {  	_ =	shalt  }
0x86: {  	_ =	shalt  }
0x87: {  	_ =	shalt  }
.Lfunc_end0:
.L_simem_size_0:
called_computation_lowered:
.L_overlay_start_0:
0x88: {  	s2 =	sld [smem:$0x3FD9]  }
0x89: {  	s3 =	sld [smem:$0x3FFE];
	_ =	sdelay $0x1  }
0x8a: {  	s1 =	srdreg.scid  }
0x8b: {  	s0 =	sand.u32 $0x1, s1  }
0x8c: {  	s14 =	sshll.u32 s0, $0xA;
	s2 =	sadd.s32 s3, s2  }
0x8d: {  	s2 =	sadd.s32 s2, s14  }
0x8e: {  	[smem:$0x3FB2] =	sst s2  }
0x8f: {  	_ = 	snop  }
0x90: {  	s2 =	sld [smem:$0x3FD0];
	_ =	sdelay $0x2  }
0x91: {  	s15 =	simm.s32 $0xA;
	s4 =	simm.s32 $0x10  }
0x92: {  	[smem:s4], [sflag:s15] =	dma.local [hbm:s2], $0x1  }
0x93: {  	_ =	swait.eq [sflag:s15], $0x1  }
0x94: {  	[sflag:s15] =	ssyncset.done $0x0  }
0x95: {  	[sflag:s15] =	ssyncadd.s32 $0xFFFFFFFF  }
0x96: {  	s16 =	sld [smem:$0x11];
	(tm) =	ssettm $0x1  }
0x97: {  	s17 =	sld [smem:$0x3FFB];
	_ =	sdelay $0x3  }
0x98: {  	_ =	strace s17  }
0x99: {  	s3 =	sld [smem:$0x3FFC];
	_ =	sdelay $0x3  }
0x9a: {  	_ =	strace s3  }
0x9b: {  	s3 =	sld [smem:$0x3FFD];
	_ =	sdelay $0x3  }
0x9c: {  	_ =	strace s3  }
0x9d: {  	_ =	strace $0x8FFFFFFF  }
0x9e: {  	s18 =	sld [smem:$0x3FDB];
	_ =	sdelay $0x1  }
0x9f: {  	s19 =	simm.s32 $_scs_section_size  }
0xa0: {  	s5 =	simm.s32 $_size__tile_overlayer_lowered;
	s6 =	simm.s32 $_tile_overlayer_lowered  }
0xa1: {  	s22 =	simm.s32 $0x1BFF;
	s21 =	sshll.u32 s6, $0x1;
	s3 =	sadd.s32 s19, s18  }
0xa2: {  	s7 =	simm.s32 $0x0;
	s20 =	sshll.u32 s5, $0x1;
	s5 =	sadd.s32 s21, s3  }
0xa3: {  	[timem:s7], [sflag:s22] =	dma.local [hbm:s5], s20  }
0xa4: {  	_ =	swait.ge [sflag:s22], s20  }
0xa5: {  	s4 =	ssub.s32 $0x0, s20;
	[sflag:s22] =	ssyncset.done $0x0  }
0xa6: {  	[sflag:s22] =	ssyncadd.s32 s4;
	_ =	sdelay $0x1  }
0xa7: {  	s23 =	simm.s32 $0x1B8B  }
0xa8: {  	_ =	swait.ge [sflag:s23], $0x1  }
0xa9: {  	[sflag:s23] =	ssyncset.done $0x0  }
0xaa: {  	s25 =	simm.s32 $0x1B8E;
	s24 =	sld [smem:$0x3FFE];
	[sflag:s23] =	ssyncadd.s32 $0xFFFFFFFF  }
0xab: {  	s26 =	simm.s32 $execute0_lowered;
	[smem:$0x3FD2] =	sst s25  }
0xac: {  	s5 =	sshll.u32 s26, $0x1;
	_ =	strace $0x80000046;
	[dreg:$0x1] =	wrdreg $0xFFFFFFFF  }
0xad: {  	s28 =	simm.s32 $_size_execute0_lowered;
	s3 =	sadd.s32 s3, s5;
	[dreg:$0x0] =	wrdreg $0x0  }
0xae: {  	s5 =	sshll.u32 s28, $0x1;
	[dreg:$0x2] =	wrdreg s3  }
0xaf: {  	[dreg:$0x3] =	wrdreg s5  }
0xb0: {  	[dreg:$0x4] =	wrdreg $0xC0  }
0xb1: {  	_ =	task [dreg:s7], $0x5FFFF  }
0xb2: {  	[dreg:$0x1] =	wrdreg $0xFFFFFFFF  }
0xb3: {  	[dreg:$0x0] =	wrdreg $0x60  }
0xb4: {  	[dreg:$0x2] =	wrdreg s24  }
0xb5: {  	[dreg:$0x3] =	wrdreg s16  }
0xb6: {  	[dreg:$0x4] =	wrdreg $0x30000  }
0xb7: {  	[dreg:$0x5] =	wrdreg $0x9  }
0xb8: {  	_ =	task.clear_ibuf [dreg:s7], $0x6FFFF;
	_ =	strace $0x90000046  }
0xb9: {  	s29 =	simm.s32 $0x9;
	_ =	strace $0x80000048  }
0xba: {  	_ =	swait.ge [sflag:s29], $0x1  }
0xbb: {  	[sflag:s29] =	ssyncadd.s32 $0xFFFFFFFF  }
0xbc: {  	_ =	strace $0x90000048  }
0xbd: {  	_ =	sfence  }
0xbe: {  	s30 =	sld [smem:$0x0];
	_ =	sdelay $0x2  }
0xbf: {  	s31 =	sshll.u32 s1, $0xD;
	s1 =	sshrl.u32 s1, $0x2  }
0xc0: {  	s3 =	sand.u32 $0x4000, s31;
	s1 =	sadd.s32 s1, s30  }
0xc1: {  	s0 =	sor.u32 s3, s0;
	s1 =	sshll.u32 s1, $0x11  }
0xc2: {  	s0 =	sor.u32 s1, s0  }
0xc3: {  	s0 =	sadd.s32 $0x8F2B, s0  }
0xc4: {  	[sflag:s0] =	ssyncadd.remote.s32 $0x1  }
0xc5: {  	_ =	sfence.sel $0xFFFF  }
0xc6: {  	[dreg:$0x0] =	wrdreg $0xFFFFFFFF;
	(pc) =	sbr.abs _section_cstart, $3  }
0xc7: {  	[dreg:$0x1] =	wrdreg $0xFFFFFFFF  }
0xc8: {  	_ =	task.clear_ibuf [dreg:s7], $0x2FFFF;
	_ =	strace $0x9FFFFFFF  }
0xc9: {  	(tm) =	ssettm $0x7FFFFFFF  }
tec
execute0_lowered:
.L_overlay_start_1:
0x0: {  	(tag) =	ssettag $0x1  }
0x1: {  	s0 =	rddreg [dreg:$0x0]  }
0x2: {  	s10 =	rddreg [dreg:$0x1]  }
0x3: {  	s1 =	rddreg [dreg:$0x2];
	s3 =	simm.s32 $0x0;
	s4 =	srdreg.scid  }
0x4: {  	s2 =	stileid.u32;
	s14 =	simm.s32 $0x80;
	s16 =	simm.s32 $0x900  }
0x5: {  	s17 =	simm.s32 $0x980;
	s18 =	simm.s32 $0xA00;
	s19 =	simm.s32 $0xA80  }
0x6: {  	s20 =	simm.s32 $0xB00;
	s21 =	simm.s32 $0xB80;
	s22 =	simm.s32 $0x1  }
0x7: {  	s23 =	simm.s32 $0x2;
	s24 =	simm.s32 $0x3;
	s28 =	simm.s32 $0x6  }
0x8: {  	s29 =	simm.s32 $0x7;
	s30 =	simm.s32 $0x8;
	s31 =	simm.s32 $0x0  }
0x9: {  	[smem:$0x7FF] =	sst s3;
	s5 =	sand.u32 $0x1, s4;
	s7 =	smul.u32 $0xA000, s2  }
0xa: {  	s9 =	smul.u32 $0x2800, s2;
	_ =	strace $0x80000047;
	s4 =	ssub.s32 $0x2, s5  }
0xb: {  	s6 =	sshll.u32 s5, $0x4;
	s13 =	smul.u32 $0x28000, s5;
	s8 =	sshrl.u32 s4, $0x1  }
0xc: {  	s6 =	sor.u32 s2, s6;
	s7 =	sshrl.u32 s7, $0x2;
	s11 =	ssub.s32 s4, s8  }
0xd: {  	s25 =	smul.u32 $0x2800, s6;
	s4 =	sadd.s32 s9, s1;
	s12 =	sadd.s32 s7, s1  }
0xe: {  	s13 =	sadd.s32 s9, s13;
	s5 =	sadd.s32 $0x800, s12;
	s6 =	sadd.s32 $0x1000, s12  }
0xf: {  	s7 =	sadd.s32 $0x1800, s12;
	s26 =	sshrl.u32 s13, $0x3;
	s11 =	smax.u32 s11, $0x1  }
0x10: {  	s13 =	simm.s32 $0x800;
	s8 =	sshrl.u32 s25, $0x3;
	s10 =	sadd.s32 s10, s26  }
0x11: {  	s25 =	simm.s32 $0x4;
	s26 =	simm.s32 $0x5;
	s0 =	sadd.s32 s0, s8  }
0x12: {  	v0 =	vimm.f32 $0.0e+00;
	v1 =	vimm.f32 $1.000000000e+00;
	s8 =	sadd.s32 $0x2000, s12;
	s12 =	simm.s32 $0x9;
	s9 =	sadd.s32 $0xF000, s0  }
.LBB2_1:
0x13: {  	s0 =	simm.s32 $0x40;
	s15 =	simm.s32 $0x0  }
.LBB2_2:
0x14: {  	p0 =	sne.s32 s0, $0x1FC0;
	[tilespmem:s15+$0x0] =	vst v0;
	s15 =	smov.u32 s0;
	s0 =	sadd.s32 $0x40, s0  }
.Ltmp0:
0x15: {  	(pc) =	sbr.rel @p0 .LBB2_2-.Ltmp0, $2  }
0x16: {  	_ =	sdelay $0x2  }
0x17: {  	s15 =	sshra.s32 s15, $0x2  }
0x18: {  	[tilespmem:s15+$0x0] =	vst v0;
	s0 =	simm.s32 $0x0  }
0x19: {  	[spmem:s4] =	stream.linear.scatter [tilespmem:s0], [sflag:$0x9], $0x800, $0x38;
	[tilespmem:$0x5800] =	vst v63  }
0x1a: {  	_ =	swait.ge [sflag:s12], $0x800  }
0x1b: {  	[sflag:s12] =	ssyncset.done $0x0  }
0x1c: {  	[sflag:s12] =	ssyncadd.s32 $0xFFFFF800  }
0x1d: {  	[spmem:s5] =	stream.linear.scatter [tilespmem:s0], [sflag:$0x9], $0x800, $0x38;
	[tilespmem:$0x5800] =	vst v63  }
0x1e: {  	_ =	swait.ge [sflag:s12], $0x800  }
0x1f: {  	[sflag:s12] =	ssyncset.done $0x0  }
0x20: {  	[sflag:s12] =	ssyncadd.s32 $0xFFFFF800  }
0x21: {  	[spmem:s6] =	stream.linear.scatter [tilespmem:s0], [sflag:$0x9], $0x800, $0x38;
	[tilespmem:$0x5800] =	vst v63  }
0x22: {  	_ =	swait.ge [sflag:s12], $0x800  }
0x23: {  	[sflag:s12] =	ssyncset.done $0x0  }
0x24: {  	[sflag:s12] =	ssyncadd.s32 $0xFFFFF800  }
0x25: {  	[spmem:s7] =	stream.linear.scatter [tilespmem:s0], [sflag:$0x9], $0x800, $0x38;
	[tilespmem:$0x5800] =	vst v63  }
0x26: {  	_ =	swait.ge [sflag:s12], $0x800  }
0x27: {  	[sflag:s12] =	ssyncset.done $0x0  }
0x28: {  	[sflag:s12] =	ssyncadd.s32 $0xFFFFF800  }
0x29: {  	[spmem:s8] =	stream.linear.scatter [tilespmem:s0], [sflag:$0x9], $0x800, $0x38;
	[tilespmem:$0x5800] =	vst v63  }
0x2a: {  	_ =	swait.ge [sflag:s12], $0x800  }
0x2b: {  	[sflag:s12] =	ssyncset.done $0x0  }
0x2c: {  	s15 =	simm.s32 $0x0;
	s0 =	simm.s32 $0x40;
	[sflag:s12] =	ssyncadd.s32 $0xFFFFF800  }
.LBB2_4:
0x2d: {  	p0 =	sne.s32 s0, $0x1FC0;
	[tilespmem:s15+$0x0] =	vst v1;
	s15 =	smov.u32 s0;
	s0 =	sadd.s32 $0x40, s0  }
.Ltmp1:
0x2e: {  	(pc) =	sbr.rel @p0 .LBB2_4-.Ltmp1, $2  }
0x2f: {  	_ =	sdelay $0x2  }
0x30: {  	s15 =	sshra.s32 s15, $0x2  }
0x31: {  	[tilespmem:s15+$0x0] =	vst v1;
	s0 =	simm.s32 $0x0  }
0x32: {  	[tilespmem:s13], [sflag:$0x9] =	stream.linear.gather [hbm4b:s9+s0], $0x2800, $0x38;
	[tilespmem:$0x5800] =	vst v63  }
0x33: {  	_ =	swait.ge [sflag:s12], $0x2800  }
0x34: {  	[sflag:s12] =	ssyncset.done $0x0  }
0x35: {  	[sflag:s12] =	ssyncadd.s32 $0xFFFFD800  }
0x36: {  	[bflag:$0x0] =	sbarrier.arrive $0xFFFF  }
0x37: {  	[spmem:s1] =	stream.indirect.scatter.add.f32 [tilespmem:s0], [sflag:$0x1], $0x10, s13, s14, $0xb8;
	[tilespmem:$0x5800] =	vst v63  }
0x38: {  	s2 =	simm.s32 $0x880  }
0x39: {  	[spmem:s1] =	stream.indirect.scatter.add.f32 [tilespmem:s0], [sflag:$0x2], $0x10, s2, s14, $0xb8;
	[tilespmem:$0x5800] =	vst v63  }
0x3a: {  	_ = 	snop  }
0x3b: {  	[spmem:s1] =	stream.indirect.scatter.add.f32 [tilespmem:s0], [sflag:$0x3], $0x10, s16, s14, $0xb8;
	[tilespmem:$0x5800] =	vst v63  }
0x3c: {  	_ = 	snop  }
0x3d: {  	[spmem:s1] =	stream.indirect.scatter.add.f32 [tilespmem:s0], [sflag:$0x4], $0x10, s17, s14, $0xb8;
	[tilespmem:$0x5800] =	vst v63  }
0x3e: {  	_ = 	snop  }
0x3f: {  	[spmem:s1] =	stream.indirect.scatter.add.f32 [tilespmem:s0], [sflag:$0x5], $0x10, s18, s14, $0xb8;
	[tilespmem:$0x5800] =	vst v63  }
0x40: {  	_ = 	snop  }
0x41: {  	[spmem:s1] =	stream.indirect.scatter.add.f32 [tilespmem:s0], [sflag:$0x6], $0x10, s19, s14, $0xb8;
	[tilespmem:$0x5800] =	vst v63  }
0x42: {  	_ = 	snop  }
0x43: {  	[spmem:s1] =	stream.indirect.scatter.add.f32 [tilespmem:s0], [sflag:$0x7], $0x10, s20, s14, $0xb8;
	[tilespmem:$0x5800] =	vst v63  }
0x44: {  	_ = 	snop  }
0x45: {  	[spmem:s1] =	stream.indirect.scatter.add.f32 [tilespmem:s0], [sflag:$0x8], $0x10, s21, s14, $0xb8;
	[tilespmem:$0x5800] =	vst v63  }
0x46: {  	_ =	swait.ge [sflag:s22], $0x800  }
0x47: {  	[sflag:s22] =	ssyncset.done $0x0  }
0x48: {  	s15 =	simm.s32 $0xC00;
	[sflag:s22] =	ssyncadd.s32 $0xFFFFF800  }
0x49: {  	[spmem:s1] =	stream.indirect.scatter.add.f32 [tilespmem:s3], [sflag:$0x1], $0x10, s15, s14, $0xb8;
	[tilespmem:$0x5800] =	vst v63  }
0x4a: {  	_ =	swait.ge [sflag:s23], $0x800  }
0x4b: {  	[sflag:s23] =	ssyncset.done $0x0  }
0x4c: {  	s2 =	simm.s32 $0xC80;
	[sflag:s23] =	ssyncadd.s32 $0xFFFFF800  }
0x4d: {  	[spmem:s1] =	stream.indirect.scatter.add.f32 [tilespmem:s3], [sflag:$0x2], $0x10, s2, s14, $0xb8;
	[tilespmem:$0x5800] =	vst v63  }
0x4e: {  	_ =	swait.ge [sflag:s24], $0x800  }
0x4f: {  	[sflag:s24] =	ssyncset.done $0x0  }
0x50: {  	s15 =	simm.s32 $0xD00;
	[sflag:s24] =	ssyncadd.s32 $0xFFFFF800  }
0x51: {  	[spmem:s1] =	stream.indirect.scatter.add.f32 [tilespmem:s3], [sflag:$0x3], $0x10, s15, s14, $0xb8;
	[tilespmem:$0x5800] =	vst v63  }
0x52: {  	_ =	swait.ge [sflag:s25], $0x800  }
0x53: {  	[sflag:s25] =	ssyncset.done $0x0  }
0x54: {  	s2 =	simm.s32 $0xD80;
	[sflag:s25] =	ssyncadd.s32 $0xFFFFF800  }
0x55: {  	[spmem:s1] =	stream.indirect.scatter.add.f32 [tilespmem:s3], [sflag:$0x4], $0x10, s2, s14, $0xb8;
	[tilespmem:$0x5800] =	vst v63  }
0x56: {  	_ =	swait.ge [sflag:s26], $0x800  }
0x57: {  	[sflag:s26] =	ssyncset.done $0x0  }
0x58: {  	s15 =	simm.s32 $0xE00;
	[sflag:s26] =	ssyncadd.s32 $0xFFFFF800  }
0x59: {  	[spmem:s1] =	stream.indirect.scatter.add.f32 [tilespmem:s3], [sflag:$0x5], $0x10, s15, s14, $0xb8;
	[tilespmem:$0x5800] =	vst v63  }
0x5a: {  	_ =	swait.ge [sflag:s28], $0x800  }
0x5b: {  	[sflag:s28] =	ssyncset.done $0x0  }
0x5c: {  	s2 =	simm.s32 $0xE80;
	[sflag:s28] =	ssyncadd.s32 $0xFFFFF800  }
0x5d: {  	[spmem:s1] =	stream.indirect.scatter.add.f32 [tilespmem:s3], [sflag:$0x6], $0x10, s2, s14, $0xb8;
	[tilespmem:$0x5800] =	vst v63  }
0x5e: {  	_ =	swait.ge [sflag:s29], $0x800  }
0x5f: {  	[sflag:s29] =	ssyncset.done $0x0  }
0x60: {  	s15 =	simm.s32 $0xF00;
	[sflag:s29] =	ssyncadd.s32 $0xFFFFF800  }
0x61: {  	[spmem:s1] =	stream.indirect.scatter.add.f32 [tilespmem:s3], [sflag:$0x7], $0x10, s15, s14, $0xb8;
	[tilespmem:$0x5800] =	vst v63  }
0x62: {  	_ =	swait.ge [sflag:s30], $0x800  }
0x63: {  	[sflag:s30] =	ssyncset.done $0x0  }
0x64: {  	s0 =	simm.s32 $0x1000;
	s15 =	simm.s32 $0xF80;
	[sflag:s30] =	ssyncadd.s32 $0xFFFFF800  }
.LBB2_6:
0x65: {  	[spmem:s1] =	stream.indirect.scatter.add.f32 [tilespmem:s3], [sflag:$0x8], $0x10, s15, s14, $0xb8;
	[tilespmem:$0x5800] =	vst v63  }
0x66: {  	s15 =	smov.u32 s0  }
0x67: {  	p0 =	sne.s32 s0, $0x8000;
	s0 =	sadd.s32 $0x1000, s0;
	_ =	swait.ge [sflag:s22], $0x800  }
0x68: {  	s15 =	sshra.s32 s15, $0x2;
	[sflag:s22] =	ssyncset.done $0x0  }
0x69: {  	s2 =	sadd.s32 $0xC00, s15;
	[sflag:s22] =	ssyncadd.s32 $0xFFFFF800  }
0x6a: {  	[spmem:s1] =	stream.indirect.scatter.add.f32 [tilespmem:s3], [sflag:$0x1], $0x10, s2, s14, $0xb8;
	[tilespmem:$0x5800] =	vst v63  }
0x6b: {  	_ =	swait.ge [sflag:s23], $0x800  }
0x6c: {  	[sflag:s23] =	ssyncset.done $0x0  }
0x6d: {  	s2 =	sadd.s32 $0xC80, s15;
	[sflag:s23] =	ssyncadd.s32 $0xFFFFF800  }
0x6e: {  	[spmem:s1] =	stream.indirect.scatter.add.f32 [tilespmem:s3], [sflag:$0x2], $0x10, s2, s14, $0xb8;
	[tilespmem:$0x5800] =	vst v63  }
0x6f: {  	_ =	swait.ge [sflag:s24], $0x800  }
0x70: {  	[sflag:s24] =	ssyncset.done $0x0  }
0x71: {  	s2 =	sadd.s32 $0xD00, s15;
	[sflag:s24] =	ssyncadd.s32 $0xFFFFF800  }
0x72: {  	[spmem:s1] =	stream.indirect.scatter.add.f32 [tilespmem:s3], [sflag:$0x3], $0x10, s2, s14, $0xb8;
	[tilespmem:$0x5800] =	vst v63  }
0x73: {  	_ =	swait.ge [sflag:s25], $0x800  }
0x74: {  	[sflag:s25] =	ssyncset.done $0x0  }
0x75: {  	s2 =	sadd.s32 $0xD80, s15;
	[sflag:s25] =	ssyncadd.s32 $0xFFFFF800  }
0x76: {  	[spmem:s1] =	stream.indirect.scatter.add.f32 [tilespmem:s3], [sflag:$0x4], $0x10, s2, s14, $0xb8;
	[tilespmem:$0x5800] =	vst v63  }
0x77: {  	_ =	swait.ge [sflag:s26], $0x800  }
0x78: {  	[sflag:s26] =	ssyncset.done $0x0  }
0x79: {  	s2 =	sadd.s32 $0xE00, s15;
	[sflag:s26] =	ssyncadd.s32 $0xFFFFF800  }
0x7a: {  	[spmem:s1] =	stream.indirect.scatter.add.f32 [tilespmem:s3], [sflag:$0x5], $0x10, s2, s14, $0xb8;
	[tilespmem:$0x5800] =	vst v63  }
0x7b: {  	_ =	swait.ge [sflag:s28], $0x800  }
0x7c: {  	[sflag:s28] =	ssyncset.done $0x0  }
0x7d: {  	s2 =	sadd.s32 $0xE80, s15;
	[sflag:s28] =	ssyncadd.s32 $0xFFFFF800  }
0x7e: {  	[spmem:s1] =	stream.indirect.scatter.add.f32 [tilespmem:s3], [sflag:$0x6], $0x10, s2, s14, $0xb8;
	[tilespmem:$0x5800] =	vst v63  }
0x7f: {  	_ =	swait.ge [sflag:s29], $0x800  }
0x80: {  	[sflag:s29] =	ssyncset.done $0x0  }
.Ltmp2:
0x81: {  	s2 =	sadd.s32 $0xF00, s15;
	[sflag:s29] =	ssyncadd.s32 $0xFFFFF800;
	(pc) =	sbr.rel @p0 .LBB2_6-.Ltmp2, $4  }
0x82: {  	[spmem:s1] =	stream.indirect.scatter.add.f32 [tilespmem:s3], [sflag:$0x7], $0x10, s2, s14, $0xb8;
	[tilespmem:$0x5800] =	vst v63  }
0x83: {  	_ =	swait.ge [sflag:s30], $0x800  }
0x84: {  	[sflag:s30] =	ssyncset.done $0x0  }
0x85: {  	s15 =	sadd.s32 $0xF80, s15;
	[sflag:s30] =	ssyncadd.s32 $0xFFFFF800  }
0x86: {  	[spmem:s1] =	stream.indirect.scatter.add.f32 [tilespmem:s3], [sflag:$0x8], $0x10, s15, s14, $0xb8;
	[tilespmem:$0x5800] =	vst v63  }
0x87: {  	_ =	swait.ge [sflag:s22], $0x800  }
0x88: {  	[sflag:s22] =	ssyncset.done $0x0  }
0x89: {  	[sflag:s22] =	ssyncadd.s32 $0xFFFFF800  }
0x8a: {  	_ =	swait.ge [sflag:s23], $0x800  }
0x8b: {  	[sflag:s23] =	ssyncset.done $0x0  }
0x8c: {  	[sflag:s23] =	ssyncadd.s32 $0xFFFFF800  }
0x8d: {  	_ =	swait.ge [sflag:s24], $0x800  }
0x8e: {  	[sflag:s24] =	ssyncset.done $0x0  }
0x8f: {  	[sflag:s24] =	ssyncadd.s32 $0xFFFFF800  }
0x90: {  	_ =	swait.ge [sflag:s25], $0x800  }
0x91: {  	[sflag:s25] =	ssyncset.done $0x0  }
0x92: {  	[sflag:s25] =	ssyncadd.s32 $0xFFFFF800  }
0x93: {  	_ =	swait.ge [sflag:s26], $0x800  }
0x94: {  	[sflag:s26] =	ssyncset.done $0x0  }
0x95: {  	[sflag:s26] =	ssyncadd.s32 $0xFFFFF800  }
0x96: {  	_ =	swait.ge [sflag:s28], $0x800  }
0x97: {  	[sflag:s28] =	ssyncset.done $0x0  }
0x98: {  	[sflag:s28] =	ssyncadd.s32 $0xFFFFF800  }
0x99: {  	_ =	swait.ge [sflag:s29], $0x800  }
0x9a: {  	[sflag:s29] =	ssyncset.done $0x0  }
0x9b: {  	[sflag:s29] =	ssyncadd.s32 $0xFFFFF800  }
0x9c: {  	s0 =	stileid.u32;
	_ =	swait.ge [sflag:s30], $0x800  }
0x9d: {  	s2 =	sshrl.u32 s4, $0x3;
	s31 =	sadd.s32 $0x1, s31;
	[sflag:s30] =	ssyncset.done $0x0  }
0x9e: {  	s0 =	sshll.u32 s0, $0x6;
	p0 =	sne.s32 s31, s11;
	[sflag:s30] =	ssyncadd.s32 $0xFFFFF800  }
.Ltmp3:
0x9f: {  	s0 =	sor.u32 $0x1C09, s0;
	[bflag:$0x0] =	sbarrier.arrive $0xFFFF;
	(pc) =	sbr.rel @p0 .LBB2_1-.Ltmp3, $4  }
0xa0: {  	[hbm:s10], [sflag:s0] =	dma.local [spmem:s2], $0x500  }
0xa1: {  	_ =	swait.ge [sflag:s12], $0x500  }
0xa2: {  	[sflag:s12] =	ssyncset.done $0x0  }
0xa3: {  	[sflag:s12] =	ssyncadd.s32 $0xFFFFFB00  }
0xa4: {  	_ =	sfence.sel $0x180000  }
0xa5: {  	[bflag:$0x0] =	sbarrier.arrive $0xFFFF  }
0xa6: {  	_ =	strace $0x90000047  }
0xa7: {  	s0 =	stileid.u32;
	[bflag:$0x2] =	sbarrier.arrive $0xFFFF  }
0xa8: {  	p0 =	sne.s32 s0, $0x0;
	s0 =	rddreg [dreg:$0x3]  }
0xa9: {  	s0 =	sadd.s32 @!p0 $0x100000, s0  }
0xaa: {  	[sflag:s0] =	ssyncadd.tile.s32 @!p0 $0x1;
	_ =	shalt  }
.Lfunc_end2:
_tile_overlayer_lowered:
.L_overlay_start_2:
0xab: {  	(tag) =	ssettag $0x2  }
0xac: {  	s0 =	rddreg [dreg:$0x0];
	s2 =	stileid.u32  }
0xad: {  	s1 =	rddreg [dreg:$0x1];
	p0 =	sne.s32 s2, $0x0  }
0xae: {  	s3 =	rddreg [dreg:$0x2];
	[bflag:$0x3] =	sbarrier.arrive $0xFFFF;
	s2 =	simm.s32 @!p0 $0x1C09  }
0xaf: {  	[timem:s3], [sflag:s2] =	dma.local @!p0 [hbm:s0], s1  }
0xb0: {  	s0 =	simm.s32 @!p0 $0x9  }
0xb1: {  	_ =	swait.ge @!p0 [sflag:s0], s1  }
0xb2: {  	s1 =	ssub.s32 @!p0 $0x0, s1;
	[sflag:s0] =	ssyncset.done @!p0 $0x0  }
0xb3: {  	[sflag:s0] =	ssyncadd.s32 @!p0 s1  }
0xb4: {  	[bflag:$0x3] =	sbarrier.arrive $0xFFFF  }
0xb5: {  	_ =	shalt  }

</sc_bundles>
